<compile_context>
chip_gen: v7x
topology: tpu7x:2x2x1
jax: 0.10.2.dev20260603
libtpu: 0.0.44.dev20260713+nightly
codegen_flags: <defaults>
</compile_context>

<pallas_src>
import functools

import jax
import jax.numpy as jnp
from jax import lax
from jax.experimental import pallas as pl
from jax.experimental.pallas import tpu as pltpu
from jax.experimental.pallas import tpu_sc as plsc

N = 10000
D = 128
E = 320000
NC = 2
NS = 16
NW = NC * NS
EPW = E // NW
CHUNK = 128
NFULL = EPW // CHUNK
TAIL = EPW - NFULL * CHUNK
RPT = N // NS
ZROWS = 25
WRows = 640
WLAST = N - 15 * WRows

_mesh = plsc.VectorSubcoreMesh(core_axis_name="c", subcore_axis_name="s")

_f32 = jnp.float32
_i32 = jnp.int32



@functools.partial(
    pl.kernel,
    mesh=_mesh,
    out_type=jax.ShapeDtypeStruct((NC * N, D), _f32),
    scratch_types=[
        pltpu.VMEM((CHUNK,), _i32),
        pltpu.VMEM((TAIL,), _i32),
        pltpu.VMEM((CHUNK, D), _f32),
        pltpu.VMEM((TAIL, D), _f32),
        pltpu.VMEM((ZROWS, D), _f32),
        pltpu.VMEM_SHARED((N, D), _f32),
    ],
)
def _deg_sc(row_hbm, out_hbm, rowv, rowt, onesb, onest, zbuf, acc):
    c = lax.axis_index("c")
    s = lax.axis_index("s")
    w = s * NC + c
    ones16 = jnp.ones((16,), _f32)
    zeros16 = jnp.zeros((16,), _f32)

    def fill(i, _):
        for j in range(D // 16):
            onesb[i, pl.ds(j * 16, 16)] = ones16
            zbuf[lax.rem(i, ZROWS), pl.ds(j * 16, 16)] = zeros16
        return 0
    lax.fori_loop(0, CHUNK, fill, 0)

    def fill_t(i, _):
        for j in range(D // 16):
            onest[i, pl.ds(j * 16, 16)] = ones16
        return 0
    lax.fori_loop(0, TAIL, fill_t, 0)

    def zero(i, _):
        pltpu.sync_copy(zbuf, acc.at[pl.ds(s * RPT + i * ZROWS, ZROWS)])
        return 0
    lax.fori_loop(0, RPT // ZROWS, zero, 0)
    plsc.subcore_barrier()

    base = w * EPW

    def step(j, _):
        pltpu.sync_copy(row_hbm.at[pl.ds(base + j * CHUNK, CHUNK)], rowv)
        pltpu.sync_copy(onesb, acc.at[rowv], add=True)
        return 0
    lax.fori_loop(0, NFULL, step, 0)
    pltpu.sync_copy(row_hbm.at[pl.ds(base + NFULL * CHUNK, TAIL)], rowt)
    pltpu.sync_copy(onest, acc.at[rowt], add=True)
    plsc.subcore_barrier()

    @pl.when(s < NS - 1)
    def _():
        pltpu.sync_copy(acc.at[pl.ds(s * WRows, WRows)],
                        out_hbm.at[pl.ds(c * N + s * WRows, WRows)])

    @pl.when(s == NS - 1)
    def _():
        pltpu.sync_copy(acc.at[pl.ds(15 * WRows, WLAST)],
                        out_hbm.at[pl.ds(c * N + 15 * WRows, WLAST)])


@functools.partial(
    pl.kernel,
    mesh=_mesh,
    out_type=jax.ShapeDtypeStruct((NC * N, D), _f32),
    scratch_types=[
        pltpu.VMEM((CHUNK,), _i32),
        pltpu.VMEM((CHUNK,), _i32),
        pltpu.VMEM((CHUNK,), _i32),
        pltpu.VMEM((CHUNK,), _i32),
        pltpu.VMEM((TAIL,), _i32),
        pltpu.VMEM((TAIL,), _i32),
        pltpu.VMEM((CHUNK, D), _f32),
        pltpu.VMEM((CHUNK, D), _f32),
        pltpu.VMEM((TAIL, D), _f32),
        pltpu.VMEM((ZROWS, D), _f32),
        pltpu.VMEM_SHARED((N, D), _f32),
        pltpu.SemaphoreType.DMA,
        pltpu.SemaphoreType.DMA,
        pltpu.SemaphoreType.DMA,
    ],
)
def _prop_sc(u_hbm, col_hbm, row_hbm, out_hbm,
             colv0, colv1, rowv0, rowv1, colt, rowt, b0, b1, buft, zbuf,
             acc, sem, ssem0, ssem1):
    c = lax.axis_index("c")
    s = lax.axis_index("s")
    w = s * NC + c
    zeros16 = jnp.zeros((16,), _f32)

    def zfill(i, _):
        for j in range(D // 16):
            zbuf[i, pl.ds(j * 16, 16)] = zeros16
        return 0
    lax.fori_loop(0, ZROWS, zfill, 0)

    def zero(i, _):
        pltpu.sync_copy(zbuf, acc.at[pl.ds(s * RPT + i * ZROWS, ZROWS)])
        return 0
    lax.fori_loop(0, RPT // ZROWS, zero, 0)
    plsc.subcore_barrier()

    base = w * EPW

    def _sdrain(ssem, buf):
        pltpu.make_async_copy(u_hbm.at[pl.ds(0, CHUNK)], buf, ssem).wait()

    def _gwait(buf):
        pltpu.make_async_copy(u_hbm.at[pl.ds(0, CHUNK)], buf, sem).wait()

    pltpu.sync_copy(col_hbm.at[pl.ds(base, CHUNK)], colv0)
    pltpu.sync_copy(row_hbm.at[pl.ds(base, CHUNK)], rowv0)
    pltpu.async_copy(u_hbm.at[colv0], b0, sem)

    def step(g, _):
        off = base + 2 * g * CHUNK
        pltpu.sync_copy(col_hbm.at[pl.ds(off + CHUNK, CHUNK)], colv1)
        pltpu.sync_copy(row_hbm.at[pl.ds(off + CHUNK, CHUNK)], rowv1)
        _gwait(b0)

        @pl.when(g > 0)
        def _():
            _sdrain(ssem1, b1)
        pltpu.async_copy(u_hbm.at[colv1], b1, sem)
        pltpu.async_copy(b0, acc.at[rowv0], ssem0, add=True)
        _gwait(b1)
        _sdrain(ssem0, b0)

        @pl.when(g < NFULL // 2 - 1)
        def _():
            offn = off + 2 * CHUNK
            pltpu.sync_copy(col_hbm.at[pl.ds(offn, CHUNK)], colv0)
            pltpu.sync_copy(row_hbm.at[pl.ds(offn, CHUNK)], rowv0)
            pltpu.async_copy(u_hbm.at[colv0], b0, sem)
        pltpu.async_copy(b1, acc.at[rowv1], ssem1, add=True)
        return 0
    lax.fori_loop(0, NFULL // 2, step, 0)
    _sdrain(ssem1, b1)

    offt = base + NFULL * CHUNK
    pltpu.sync_copy(col_hbm.at[pl.ds(offt, TAIL)], colt)
    pltpu.sync_copy(row_hbm.at[pl.ds(offt, TAIL)], rowt)
    pltpu.async_copy(u_hbm.at[colt], buft, sem).wait()
    pltpu.sync_copy(buft, acc.at[rowt], add=True)
    plsc.subcore_barrier()

    @pl.when(s < NS - 1)
    def _():
        pltpu.sync_copy(acc.at[pl.ds(s * WRows, WRows)],
                        out_hbm.at[pl.ds(c * N + s * WRows, WRows)])

    @pl.when(s == NS - 1)
    def _():
        pltpu.sync_copy(acc.at[pl.ds(15 * WRows, WLAST)],
                        out_hbm.at[pl.ds(c * N + 15 * WRows, WLAST)])



BM = 2000
GRID = N // BM

_sd = jax.ShapeDtypeStruct


def _dot(a, b):
    return jax.lax.dot_general(a, b, (((1,), (0,)), ((), ())),
                               precision=jax.lax.Precision.HIGHEST,
                               preferred_element_type=_f32)


def _stats_body(x_ref, m_ref, r_ref):
    x = x_ref[...]
    m = jnp.mean(x, axis=0, keepdims=True)
    m_ref[...] = m
    v = jnp.mean((x - m) * (x - m), axis=0, keepdims=True)
    r_ref[...] = jax.lax.rsqrt(v + 1e-5)


_bn_stats = pl.pallas_call(
    _stats_body,
    out_shape=(_sd((1, D), _f32), _sd((1, D), _f32)))


def _blk(shape):
    return pl.BlockSpec(shape, lambda i: (i, 0))


def _blk2(shape):
    return pl.BlockSpec(shape, lambda i: (i + GRID, 0))


def _full(shape):
    return pl.BlockSpec(shape, lambda i: (0, 0))


def _scale_body(x_ref, m_ref, r_ref, g_ref, be_ref, dga_ref, dgb_ref,
                xb_ref, dinv_ref, u1_ref):
    xb = ((x_ref[...] - m_ref[...]) * r_ref[...] * g_ref[...]
          + be_ref[...])
    xb_ref[...] = xb
    deg = dga_ref[:, 0:1] + dgb_ref[:, 0:1]
    dinv = jnp.where(deg > 0.0,
                     jax.lax.rsqrt(jnp.maximum(deg, 1.0)), 0.0)
    dinv_ref[...] = dinv
    u1_ref[...] = xb * dinv


_scale = pl.pallas_call(
    _scale_body,
    grid=(GRID,),
    in_specs=[_blk((BM, D)), _full((1, D)), _full((1, D)),
              _full((1, D)), _full((1, D)),
              _blk((BM, D)), _blk2((BM, D))],
    out_specs=(_blk((BM, D)), _blk((BM, 1)), _blk((BM, D))),
    out_shape=(_sd((N, D), _f32), _sd((N, 1), _f32), _sd((N, D), _f32)))


def _t3_body(sa_ref, sb_ref, dinv_ref, xb_ref, w0_ref, w1_ref, b_ref,
             g2_ref, acc1_ref):
    dinv = dinv_ref[...]
    tx1 = -dinv * (sa_ref[...] + sb_ref[...])
    g2_ref[...] = dinv * tx1
    acc1_ref[...] = (_dot(xb_ref[...], w0_ref[...])
                     + _dot(tx1, w1_ref[...]) + b_ref[...])


_t3 = pl.pallas_call(
    _t3_body,
    grid=(GRID,),
    in_specs=[_blk((BM, D)), _blk2((BM, D)), _blk((BM, 1)), _blk((BM, D)),
              _full((D, D)), _full((D, D)), _full((1, D))],
    out_specs=(_blk((BM, D)), _blk((BM, D))),
    out_shape=(_sd((N, D), _f32), _sd((N, D), _f32)))


def _t4a_body(sa_ref, sb_ref, dinv_ref, xb_ref, acc1_ref, w2_ref,
              h_ref):
    tx2 = (-2.0 * dinv_ref[...] * (sa_ref[...] + sb_ref[...])
           - xb_ref[...])
    h_ref[...] = jnp.maximum(acc1_ref[...] + _dot(tx2, w2_ref[...]), 0.0)


_t4a = pl.pallas_call(
    _t4a_body,
    grid=(GRID,),
    in_specs=[_blk((BM, D)), _blk2((BM, D)), _blk((BM, 1)), _blk((BM, D)),
              _blk((BM, D)), _full((D, D))],
    out_specs=_blk((BM, D)),
    out_shape=_sd((N, D), _f32))


def _t4b_body(h_ref, m_ref, r_ref, g_ref, be_ref, dinv_ref,
              hb_ref, g3_ref):
    hb = ((h_ref[...] - m_ref[...]) * r_ref[...] * g_ref[...]
          + be_ref[...])
    hb_ref[...] = hb
    g3_ref[...] = dinv_ref[...] * hb


_t4b = pl.pallas_call(
    _t4b_body,
    grid=(GRID,),
    in_specs=[_blk((BM, D)), _full((1, D)), _full((1, D)),
              _full((1, D)), _full((1, D)), _blk((BM, 1))],
    out_specs=(_blk((BM, D)), _blk((BM, D))),
    out_shape=(_sd((N, D), _f32), _sd((N, D), _f32)))


def _t5_body(sa_ref, sb_ref, dinv_ref, hb_ref, w0_ref, w1_ref, b_ref,
             acc2_ref, g4_ref):
    dinv = dinv_ref[...]
    ty1 = -dinv * (sa_ref[...] + sb_ref[...])
    g4_ref[...] = dinv * ty1
    acc2_ref[...] = (_dot(hb_ref[...], w0_ref[...])
                     + _dot(ty1, w1_ref[...]) + b_ref[...])


_t5 = pl.pallas_call(
    _t5_body,
    grid=(GRID,),
    in_specs=[_blk((BM, D)), _blk2((BM, D)), _blk((BM, 1)), _blk((BM, D)),
              _full((D, D)), _full((D, D)), _full((1, D))],
    out_specs=(_blk((BM, D)), _blk((BM, D))),
    out_shape=(_sd((N, D), _f32), _sd((N, D), _f32)))


def _t6_body(sa_ref, sb_ref, dinv_ref, hb_ref, acc2_ref, xb_ref, w2_ref,
             o_ref):
    ty2 = (-2.0 * dinv_ref[...] * (sa_ref[...] + sb_ref[...])
           - hb_ref[...])
    o_ref[...] = jnp.maximum(
        xb_ref[...] + acc2_ref[...] + _dot(ty2, w2_ref[...]), 0.0)


_t6 = pl.pallas_call(
    _t6_body,
    grid=(GRID,),
    in_specs=[_blk((BM, D)), _blk2((BM, D)), _blk((BM, 1)), _blk((BM, D)),
              _blk((BM, D)), _blk((BM, D)), _full((D, D))],
    out_specs=_blk((BM, D)),
    out_shape=_sd((N, D), _f32))


def kernel(x, edge_index, bn1_gamma, bn1_beta, W1, b1,
           bn2_gamma, bn2_beta, W2, b2):
    row = edge_index[0].astype(_i32)
    col = edge_index[1].astype(_i32)
    g1 = bn1_gamma.reshape(1, D)
    be1 = bn1_beta.reshape(1, D)
    g2r = bn2_gamma.reshape(1, D)
    be2 = bn2_beta.reshape(1, D)
    b1r = b1.reshape(1, D)
    b2r = b2.reshape(1, D)

    m1, r1 = _bn_stats(x)
    degp = _deg_sc(row)
    xb, dinv, u1 = _scale(x, m1, r1, g1, be1, degp, degp)
    s1 = _prop_sc(u1, col, row)
    g2, acc1 = _t3(s1, s1, dinv, xb, W1[0], W1[1], b1r)
    s2 = _prop_sc(g2, col, row)
    h = _t4a(s2, s2, dinv, xb, acc1, W1[2])
    m2, r2 = _bn_stats(h)
    hb, g3 = _t4b(h, m2, r2, g2r, be2, dinv)
    s3 = _prop_sc(g3, col, row)
    acc2, g4 = _t5(s3, s3, dinv, hb, W2[0], W2[1], b2r)
    s4 = _prop_sc(g4, col, row)
    return _t6(s4, s4, dinv, hb, acc2, xb, W2[2])

# --- scband reference (transcript-rebuilt; emitter-appended) ---
"""Pipeline reference for scband-residual-block-34952443855333 (READ-ONLY COPY).

The authoritative reference and input builder live on the scoring server;
editing this copy changes nothing except your own understanding.
"""

import jax, jax.numpy as jnp
import numpy as np

N_NODES = 10000
D_IN = 128
D_OUT = 128
R = 3
N_EDGES = 320000


def _batch_norm(x, gamma, beta, eps=1e-5):
    m = jnp.mean(x, axis=0)
    v = jnp.var(x, axis=0)
    return (x - m) / jnp.sqrt(v + eps) * gamma + beta


def _cheb_conv(x, edge_index, W, b):
    # ChebConv with lambda_max=2 assumption: L_tilde = -D^{-1/2} A D^{-1/2}
    row = edge_index[0]
    col = edge_index[1]
    n = x.shape[0]
    deg = jnp.zeros((n,), dtype=x.dtype).at[row].add(1.0)
    dinv = jnp.where(deg > 0, 1.0 / jnp.sqrt(jnp.maximum(deg, 1.0)), 0.0)
    norm = -(dinv[row] * dinv[col])

    def prop(t):
        msgs = norm[:, None] * t[col]
        return jnp.zeros_like(t).at[row].add(msgs)

    Tx0 = x
    out = Tx0 @ W[0]
    Tx1 = prop(Tx0)
    out = out + Tx1 @ W[1]
    for k in range(2, W.shape[0]):
        Tx2 = 2.0 * prop(Tx1) - Tx0
        out = out + Tx2 @ W[k]
        Tx0, Tx1 = Tx1, Tx2
    return out + b


def setup_inputs(seed: int = 0) -> dict:
    key = jax.random.key(seed)
    ks = jax.random.split(key, 8)
    x = jax.random.normal(ks[0], (N_NODES, D_IN), dtype=jnp.float32)
    edge_index = jax.random.randint(ks[1], (2, N_EDGES), 0, N_NODES, dtype=jnp.int64 if jax.config.jax_enable_x64 else jnp.int32)
    scale1 = 1.0 / np.sqrt(D_IN)
    scale2 = 1.0 / np.sqrt(D_OUT)
    return {
        "x": x,
        "edge_index": edge_index,
        "bn1_gamma": jnp.ones((D_IN,), jnp.float32),
        "bn1_beta": jnp.zeros((D_IN,), jnp.float32),
        "W1": jax.random.normal(ks[2], (R, D_IN, D_OUT), jnp.float32) * scale1,
        "b1": jnp.zeros((D_OUT,), jnp.float32),
        "bn2_gamma": jnp.ones((D_OUT,), jnp.float32),
        "bn2_beta": jnp.zeros((D_OUT,), jnp.float32),
        "W2": jax.random.normal(ks[3], (R, D_OUT, D_OUT), jnp.float32) * scale2,
        "b2": jnp.zeros((D_OUT,), jnp.float32),
    }


def reference(x, edge_index, bn1_gamma, bn1_beta, W1, b1, bn2_gamma, bn2_beta, W2, b2):
    # ResidualBlock.forward (equalInOut branch since in_channels == out_channels)
    x = _batch_norm(x, bn1_gamma, bn1_beta)
    out = jax.nn.relu(_cheb_conv(x, edge_index, W1, b1))
    out = _cheb_conv(_batch_norm(out, bn2_gamma, bn2_beta), edge_index, W2, b2)
    return jax.nn.relu(x + out)

if __name__ == "__main__":
    import jax
    _d = setup_inputs()
    print(jax.jit(kernel)(*tuple(_d.values())))

</pallas_src>

<mosaic_0001>
#map = affine_map<(d0, d1) -> (0)>
#map1 = affine_map<(d0, d1) -> (0, 0)>
module attributes {stable_mosaic.version = 14 : i64} {
  func.func @_deg_sc(%arg0: i32, %arg1: i32, %arg2: memref<320000xi32, #tpu.memory_space<hbm>>, %arg3: memref<20000x128xf32, #tpu.memory_space<hbm>>, %arg4: memref<128xi32, #tpu.memory_space<vmem>>, %arg5: memref<16xi32, #tpu.memory_space<vmem>>, %arg6: memref<128x128xf32, #tpu.memory_space<vmem>>, %arg7: memref<16x128xf32, #tpu.memory_space<vmem>>, %arg8: memref<25x128xf32, #tpu.memory_space<vmem>>, %arg9: memref<10000x128xf32, #tpu.memory_space<vmem_shared>>) attributes {dimension_semantics = [#tpu.dimension_semantics<core_parallel>, #tpu.dimension_semantics<subcore_parallel>], iteration_bounds = array<i64: 2, 16>, scalar_prefetch = 0 : i64, scratch_operands = 6 : i64, tpu.core_type = #tpu.core_type<sc_vector_subcore>, window_params = [{transform_indices = #map}, {transform_indices = #map1}]} {
    %mul3A = arith.constant 2 : i32
    %mul3A_0 = arith.muli %arg1, %mul3A : i32
    %add3A = arith.addi %mul3A_0, %arg0 : i32
    %broadcast_in_dim3A = arith.constant 1.000000e+00 : f32
    %broadcast_in_dim3A_1 = vector.broadcast %broadcast_in_dim3A : f32 to vector<16xf32>
    %broadcast_in_dim3A_2 = arith.constant 0.000000e+00 : f32
    %broadcast_in_dim3A_3 = vector.broadcast %broadcast_in_dim3A_2 : f32 to vector<16xf32>
    %scan3A = arith.constant 0 : i32
    %scan3A_4 = arith.constant 0 : i32
    %scan3A_5 = arith.constant 128 : i32
    %scan3A_6 = arith.addi %scan3A_4, %scan3A_5 : i32
    %scan3A_7 = arith.constant 1 : i32
    %scan3A_8 = scf.for %scan3A_42 = %scan3A_4 to %scan3A_6 step %scan3A_7 iter_args(%scan3A_43 = %scan3A) -> (i32)  : i32 {
      %swap3A = arith.index_cast %scan3A_42 : i32 to index
      %swap3A_44 = arith.constant 0 : index
      %swap3A_45 = tpu.vector_load %arg6[%swap3A, %swap3A_44] {strides = array<i32>} : memref<128x128xf32, #tpu.memory_space<vmem>>, vector<1x16xf32>,
      %swap3A_46 = vector.shape_cast %swap3A_45 : vector<1x16xf32> to vector<16xf32>
      %swap3A_47 = vector.shape_cast %broadcast_in_dim3A_1 : vector<16xf32> to vector<1x16xf32>
      tpu.vector_store %arg6[%swap3A, %swap3A_44], %swap3A_47 {strides = array<i32>} : memref<128x128xf32, #tpu.memory_space<vmem>>, vector<1x16xf32>,
      %rem3A = arith.constant 25 : i32
      %rem3A_48 = arith.remsi %scan3A_42, %rem3A : i32
      %swap3A_49 = arith.index_cast %rem3A_48 : i32 to index
      %swap3A_50 = arith.constant 0 : index
      %swap3A_51 = tpu.vector_load %arg8[%swap3A_49, %swap3A_50] {strides = array<i32>} : memref<25x128xf32, #tpu.memory_space<vmem>>, vector<1x16xf32>,
      %swap3A_52 = vector.shape_cast %swap3A_51 : vector<1x16xf32> to vector<16xf32>
      %swap3A_53 = vector.shape_cast %broadcast_in_dim3A_3 : vector<16xf32> to vector<1x16xf32>
      tpu.vector_store %arg8[%swap3A_49, %swap3A_50], %swap3A_53 {strides = array<i32>} : memref<25x128xf32, #tpu.memory_space<vmem>>, vector<1x16xf32>,
      %swap3A_54 = arith.index_cast %scan3A_42 : i32 to index
      %swap3A_55 = arith.constant 16 : index
      %swap3A_56 = tpu.vector_load %arg6[%swap3A_54, %swap3A_55] {strides = array<i32>} : memref<128x128xf32, #tpu.memory_space<vmem>>, vector<1x16xf32>,
      %swap3A_57 = vector.shape_cast %swap3A_56 : vector<1x16xf32> to vector<16xf32>
      %swap3A_58 = vector.shape_cast %broadcast_in_dim3A_1 : vector<16xf32> to vector<1x16xf32>
      tpu.vector_store %arg6[%swap3A_54, %swap3A_55], %swap3A_58 {strides = array<i32>} : memref<128x128xf32, #tpu.memory_space<vmem>>, vector<1x16xf32>,
      %rem3A_59 = arith.constant 25 : i32
      %rem3A_60 = arith.remsi %scan3A_42, %rem3A_59 : i32
      %swap3A_61 = arith.index_cast %rem3A_60 : i32 to index
      %swap3A_62 = arith.constant 16 : index
      %swap3A_63 = tpu.vector_load %arg8[%swap3A_61, %swap3A_62] {strides = array<i32>} : memref<25x128xf32, #tpu.memory_space<vmem>>, vector<1x16xf32>,
      %swap3A_64 = vector.shape_cast %swap3A_63 : vector<1x16xf32> to vector<16xf32>
      %swap3A_65 = vector.shape_cast %broadcast_in_dim3A_3 : vector<16xf32> to vector<1x16xf32>
      tpu.vector_store %arg8[%swap3A_61, %swap3A_62], %swap3A_65 {strides = array<i32>} : memref<25x128xf32, #tpu.memory_space<vmem>>, vector<1x16xf32>,
      %swap3A_66 = arith.index_cast %scan3A_42 : i32 to index
      %swap3A_67 = arith.constant 32 : index
      %swap3A_68 = tpu.vector_load %arg6[%swap3A_66, %swap3A_67] {strides = array<i32>} : memref<128x128xf32, #tpu.memory_space<vmem>>, vector<1x16xf32>,
      %swap3A_69 = vector.shape_cast %swap3A_68 : vector<1x16xf32> to vector<16xf32>
      %swap3A_70 = vector.shape_cast %broadcast_in_dim3A_1 : vector<16xf32> to vector<1x16xf32>
      tpu.vector_store %arg6[%swap3A_66, %swap3A_67], %swap3A_70 {strides = array<i32>} : memref<128x128xf32, #tpu.memory_space<vmem>>, vector<1x16xf32>,
      %rem3A_71 = arith.constant 25 : i32
      %rem3A_72 = arith.remsi %scan3A_42, %rem3A_71 : i32
      %swap3A_73 = arith.index_cast %rem3A_72 : i32 to index
      %swap3A_74 = arith.constant 32 : index
      %swap3A_75 = tpu.vector_load %arg8[%swap3A_73, %swap3A_74] {strides = array<i32>} : memref<25x128xf32, #tpu.memory_space<vmem>>, vector<1x16xf32>,
      %swap3A_76 = vector.shape_cast %swap3A_75 : vector<1x16xf32> to vector<16xf32>
      %swap3A_77 = vector.shape_cast %broadcast_in_dim3A_3 : vector<16xf32> to vector<1x16xf32>
      tpu.vector_store %arg8[%swap3A_73, %swap3A_74], %swap3A_77 {strides = array<i32>} : memref<25x128xf32, #tpu.memory_space<vmem>>, vector<1x16xf32>,
      %swap3A_78 = arith.index_cast %scan3A_42 : i32 to index
      %swap3A_79 = arith.constant 48 : index
      %swap3A_80 = tpu.vector_load %arg6[%swap3A_78, %swap3A_79] {strides = array<i32>} : memref<128x128xf32, #tpu.memory_space<vmem>>, vector<1x16xf32>,
      %swap3A_81 = vector.shape_cast %swap3A_80 : vector<1x16xf32> to vector<16xf32>
      %swap3A_82 = vector.shape_cast %broadcast_in_dim3A_1 : vector<16xf32> to vector<1x16xf32>
      tpu.vector_store %arg6[%swap3A_78, %swap3A_79], %swap3A_82 {strides = array<i32>} : memref<128x128xf32, #tpu.memory_space<vmem>>, vector<1x16xf32>,
      %rem3A_83 = arith.constant 25 : i32
      %rem3A_84 = arith.remsi %scan3A_42, %rem3A_83 : i32
      %swap3A_85 = arith.index_cast %rem3A_84 : i32 to index
      %swap3A_86 = arith.constant 48 : index
      %swap3A_87 = tpu.vector_load %arg8[%swap3A_85, %swap3A_86] {strides = array<i32>} : memref<25x128xf32, #tpu.memory_space<vmem>>, vector<1x16xf32>,
      %swap3A_88 = vector.shape_cast %swap3A_87 : vector<1x16xf32> to vector<16xf32>
      %swap3A_89 = vector.shape_cast %broadcast_in_dim3A_3 : vector<16xf32> to vector<1x16xf32>
      tpu.vector_store %arg8[%swap3A_85, %swap3A_86], %swap3A_89 {strides = array<i32>} : memref<25x128xf32, #tpu.memory_space<vmem>>, vector<1x16xf32>,
      %swap3A_90 = arith.index_cast %scan3A_42 : i32 to index
      %swap3A_91 = arith.constant 64 : index
      %swap3A_92 = tpu.vector_load %arg6[%swap3A_90, %swap3A_91] {strides = array<i32>} : memref<128x128xf32, #tpu.memory_space<vmem>>, vector<1x16xf32>,
      %swap3A_93 = vector.shape_cast %swap3A_92 : vector<1x16xf32> to vector<16xf32>
      %swap3A_94 = vector.shape_cast %broadcast_in_dim3A_1 : vector<16xf32> to vector<1x16xf32>
      tpu.vector_store %arg6[%swap3A_90, %swap3A_91], %swap3A_94 {strides = array<i32>} : memref<128x128xf32, #tpu.memory_space<vmem>>, vector<1x16xf32>,
      %rem3A_95 = arith.constant 25 : i32
      %rem3A_96 = arith.remsi %scan3A_42, %rem3A_95 : i32
      %swap3A_97 = arith.index_cast %rem3A_96 : i32 to index
      %swap3A_98 = arith.constant 64 : index
      %swap3A_99 = tpu.vector_load %arg8[%swap3A_97, %swap3A_98] {strides = array<i32>} : memref<25x128xf32, #tpu.memory_space<vmem>>, vector<1x16xf32>,
      %swap3A_100 = vector.shape_cast %swap3A_99 : vector<1x16xf32> to vector<16xf32>
      %swap3A_101 = vector.shape_cast %broadcast_in_dim3A_3 : vector<16xf32> to vector<1x16xf32>
      tpu.vector_store %arg8[%swap3A_97, %swap3A_98], %swap3A_101 {strides = array<i32>} : memref<25x128xf32, #tpu.memory_space<vmem>>, vector<1x16xf32>,
      %swap3A_102 = arith.index_cast %scan3A_42 : i32 to index
      %swap3A_103 = arith.constant 80 : index
      %swap3A_104 = tpu.vector_load %arg6[%swap3A_102, %swap3A_103] {strides = array<i32>} : memref<128x128xf32, #tpu.memory_space<vmem>>, vector<1x16xf32>,
      %swap3A_105 = vector.shape_cast %swap3A_104 : vector<1x16xf32> to vector<16xf32>
      %swap3A_106 = vector.shape_cast %broadcast_in_dim3A_1 : vector<16xf32> to vector<1x16xf32>
      tpu.vector_store %arg6[%swap3A_102, %swap3A_103], %swap3A_106 {strides = array<i32>} : memref<128x128xf32, #tpu.memory_space<vmem>>, vector<1x16xf32>,
      %rem3A_107 = arith.constant 25 : i32
      %rem3A_108 = arith.remsi %scan3A_42, %rem3A_107 : i32
      %swap3A_109 = arith.index_cast %rem3A_108 : i32 to index
      %swap3A_110 = arith.constant 80 : index
      %swap3A_111 = tpu.vector_load %arg8[%swap3A_109, %swap3A_110] {strides = array<i32>} : memref<25x128xf32, #tpu.memory_space<vmem>>, vector<1x16xf32>,
      %swap3A_112 = vector.shape_cast %swap3A_111 : vector<1x16xf32> to vector<16xf32>
      %swap3A_113 = vector.shape_cast %broadcast_in_dim3A_3 : vector<16xf32> to vector<1x16xf32>
      tpu.vector_store %arg8[%swap3A_109, %swap3A_110], %swap3A_113 {strides = array<i32>} : memref<25x128xf32, #tpu.memory_space<vmem>>, vector<1x16xf32>,
      %swap3A_114 = arith.index_cast %scan3A_42 : i32 to index
      %swap3A_115 = arith.constant 96 : index
      %swap3A_116 = tpu.vector_load %arg6[%swap3A_114, %swap3A_115] {strides = array<i32>} : memref<128x128xf32, #tpu.memory_space<vmem>>, vector<1x16xf32>,
      %swap3A_117 = vector.shape_cast %swap3A_116 : vector<1x16xf32> to vector<16xf32>
      %swap3A_118 = vector.shape_cast %broadcast_in_dim3A_1 : vector<16xf32> to vector<1x16xf32>
      tpu.vector_store %arg6[%swap3A_114, %swap3A_115], %swap3A_118 {strides = array<i32>} : memref<128x128xf32, #tpu.memory_space<vmem>>, vector<1x16xf32>,
      %rem3A_119 = arith.constant 25 : i32
      %rem3A_120 = arith.remsi %scan3A_42, %rem3A_119 : i32
      %swap3A_121 = arith.index_cast %rem3A_120 : i32 to index
      %swap3A_122 = arith.constant 96 : index
      %swap3A_123 = tpu.vector_load %arg8[%swap3A_121, %swap3A_122] {strides = array<i32>} : memref<25x128xf32, #tpu.memory_space<vmem>>, vector<1x16xf32>,
      %swap3A_124 = vector.shape_cast %swap3A_123 : vector<1x16xf32> to vector<16xf32>
      %swap3A_125 = vector.shape_cast %broadcast_in_dim3A_3 : vector<16xf32> to vector<1x16xf32>
      tpu.vector_store %arg8[%swap3A_121, %swap3A_122], %swap3A_125 {strides = array<i32>} : memref<25x128xf32, #tpu.memory_space<vmem>>, vector<1x16xf32>,
      %swap3A_126 = arith.index_cast %scan3A_42 : i32 to index
      %swap3A_127 = arith.constant 112 : index
      %swap3A_128 = tpu.vector_load %arg6[%swap3A_126, %swap3A_127] {strides = array<i32>} : memref<128x128xf32, #tpu.memory_space<vmem>>, vector<1x16xf32>,
      %swap3A_129 = vector.shape_cast %swap3A_128 : vector<1x16xf32> to vector<16xf32>
      %swap3A_130 = vector.shape_cast %broadcast_in_dim3A_1 : vector<16xf32> to vector<1x16xf32>
      tpu.vector_store %arg6[%swap3A_126, %swap3A_127], %swap3A_130 {strides = array<i32>} : memref<128x128xf32, #tpu.memory_space<vmem>>, vector<1x16xf32>,
      %rem3A_131 = arith.constant 25 : i32
      %rem3A_132 = arith.remsi %scan3A_42, %rem3A_131 : i32
      %swap3A_133 = arith.index_cast %rem3A_132 : i32 to index
      %swap3A_134 = arith.constant 112 : index
      %swap3A_135 = tpu.vector_load %arg8[%swap3A_133, %swap3A_134] {strides = array<i32>} : memref<25x128xf32, #tpu.memory_space<vmem>>, vector<1x16xf32>,
      %swap3A_136 = vector.shape_cast %swap3A_135 : vector<1x16xf32> to vector<16xf32>
      %swap3A_137 = vector.shape_cast %broadcast_in_dim3A_3 : vector<16xf32> to vector<1x16xf32>
      tpu.vector_store %arg8[%swap3A_133, %swap3A_134], %swap3A_137 {strides = array<i32>} : memref<25x128xf32, #tpu.memory_space<vmem>>, vector<1x16xf32>,
      %scan3A_138 = arith.constant 0 : i32
      scf.yield %scan3A_138 : i32
    }
    %scan3A_9 = arith.constant 128 : i32
    %scan3A_10 = arith.constant 0 : i32
    %scan3A_11 = arith.constant 0 : i32
    %scan3A_12 = arith.constant 16 : i32
    %scan3A_13 = arith.addi %scan3A_11, %scan3A_12 : i32
    %scan3A_14 = arith.constant 1 : i32
    %scan3A_15 = scf.for %scan3A_42 = %scan3A_11 to %scan3A_13 step %scan3A_14 iter_args(%scan3A_43 = %scan3A_10) -> (i32)  : i32 {
      %swap3A = arith.index_cast %scan3A_42 : i32 to index
      %swap3A_44 = arith.constant 0 : index
      %swap3A_45 = tpu.vector_load %arg7[%swap3A, %swap3A_44] {strides = array<i32>} : memref<16x128xf32, #tpu.memory_space<vmem>>, vector<1x16xf32>,
      %swap3A_46 = vector.shape_cast %swap3A_45 : vector<1x16xf32> to vector<16xf32>
      %swap3A_47 = vector.shape_cast %broadcast_in_dim3A_1 : vector<16xf32> to vector<1x16xf32>
      tpu.vector_store %arg7[%swap3A, %swap3A_44], %swap3A_47 {strides = array<i32>} : memref<16x128xf32, #tpu.memory_space<vmem>>, vector<1x16xf32>,
      %swap3A_48 = arith.index_cast %scan3A_42 : i32 to index
      %swap3A_49 = arith.constant 16 : index
      %swap3A_50 = tpu.vector_load %arg7[%swap3A_48, %swap3A_49] {strides = array<i32>} : memref<16x128xf32, #tpu.memory_space<vmem>>, vector<1x16xf32>,
      %swap3A_51 = vector.shape_cast %swap3A_50 : vector<1x16xf32> to vector<16xf32>
      %swap3A_52 = vector.shape_cast %broadcast_in_dim3A_1 : vector<16xf32> to vector<1x16xf32>
      tpu.vector_store %arg7[%swap3A_48, %swap3A_49], %swap3A_52 {strides = array<i32>} : memref<16x128xf32, #tpu.memory_space<vmem>>, vector<1x16xf32>,
      %swap3A_53 = arith.index_cast %scan3A_42 : i32 to index
      %swap3A_54 = arith.constant 32 : index
      %swap3A_55 = tpu.vector_load %arg7[%swap3A_53, %swap3A_54] {strides = array<i32>} : memref<16x128xf32, #tpu.memory_space<vmem>>, vector<1x16xf32>,
      %swap3A_56 = vector.shape_cast %swap3A_55 : vector<1x16xf32> to vector<16xf32>
      %swap3A_57 = vector.shape_cast %broadcast_in_dim3A_1 : vector<16xf32> to vector<1x16xf32>
      tpu.vector_store %arg7[%swap3A_53, %swap3A_54], %swap3A_57 {strides = array<i32>} : memref<16x128xf32, #tpu.memory_space<vmem>>, vector<1x16xf32>,
      %swap3A_58 = arith.index_cast %scan3A_42 : i32 to index
      %swap3A_59 = arith.constant 48 : index
      %swap3A_60 = tpu.vector_load %arg7[%swap3A_58, %swap3A_59] {strides = array<i32>} : memref<16x128xf32, #tpu.memory_space<vmem>>, vector<1x16xf32>,
      %swap3A_61 = vector.shape_cast %swap3A_60 : vector<1x16xf32> to vector<16xf32>
      %swap3A_62 = vector.shape_cast %broadcast_in_dim3A_1 : vector<16xf32> to vector<1x16xf32>
      tpu.vector_store %arg7[%swap3A_58, %swap3A_59], %swap3A_62 {strides = array<i32>} : memref<16x128xf32, #tpu.memory_space<vmem>>, vector<1x16xf32>,
      %swap3A_63 = arith.index_cast %scan3A_42 : i32 to index
      %swap3A_64 = arith.constant 64 : index
      %swap3A_65 = tpu.vector_load %arg7[%swap3A_63, %swap3A_64] {strides = array<i32>} : memref<16x128xf32, #tpu.memory_space<vmem>>, vector<1x16xf32>,
      %swap3A_66 = vector.shape_cast %swap3A_65 : vector<1x16xf32> to vector<16xf32>
      %swap3A_67 = vector.shape_cast %broadcast_in_dim3A_1 : vector<16xf32> to vector<1x16xf32>
      tpu.vector_store %arg7[%swap3A_63, %swap3A_64], %swap3A_67 {strides = array<i32>} : memref<16x128xf32, #tpu.memory_space<vmem>>, vector<1x16xf32>,
      %swap3A_68 = arith.index_cast %scan3A_42 : i32 to index
      %swap3A_69 = arith.constant 80 : index
      %swap3A_70 = tpu.vector_load %arg7[%swap3A_68, %swap3A_69] {strides = array<i32>} : memref<16x128xf32, #tpu.memory_space<vmem>>, vector<1x16xf32>,
      %swap3A_71 = vector.shape_cast %swap3A_70 : vector<1x16xf32> to vector<16xf32>
      %swap3A_72 = vector.shape_cast %broadcast_in_dim3A_1 : vector<16xf32> to vector<1x16xf32>
      tpu.vector_store %arg7[%swap3A_68, %swap3A_69], %swap3A_72 {strides = array<i32>} : memref<16x128xf32, #tpu.memory_space<vmem>>, vector<1x16xf32>,
      %swap3A_73 = arith.index_cast %scan3A_42 : i32 to index
      %swap3A_74 = arith.constant 96 : index
      %swap3A_75 = tpu.vector_load %arg7[%swap3A_73, %swap3A_74] {strides = array<i32>} : memref<16x128xf32, #tpu.memory_space<vmem>>, vector<1x16xf32>,
      %swap3A_76 = vector.shape_cast %swap3A_75 : vector<1x16xf32> to vector<16xf32>
      %swap3A_77 = vector.shape_cast %broadcast_in_dim3A_1 : vector<16xf32> to vector<1x16xf32>
      tpu.vector_store %arg7[%swap3A_73, %swap3A_74], %swap3A_77 {strides = array<i32>} : memref<16x128xf32, #tpu.memory_space<vmem>>, vector<1x16xf32>,
      %swap3A_78 = arith.index_cast %scan3A_42 : i32 to index
      %swap3A_79 = arith.constant 112 : index
      %swap3A_80 = tpu.vector_load %arg7[%swap3A_78, %swap3A_79] {strides = array<i32>} : memref<16x128xf32, #tpu.memory_space<vmem>>, vector<1x16xf32>,
      %swap3A_81 = vector.shape_cast %swap3A_80 : vector<1x16xf32> to vector<16xf32>
      %swap3A_82 = vector.shape_cast %broadcast_in_dim3A_1 : vector<16xf32> to vector<1x16xf32>
      tpu.vector_store %arg7[%swap3A_78, %swap3A_79], %swap3A_82 {strides = array<i32>} : memref<16x128xf32, #tpu.memory_space<vmem>>, vector<1x16xf32>,
      %scan3A_83 = arith.constant 0 : i32
      scf.yield %scan3A_83 : i32
    }
    %scan3A_16 = arith.constant 16 : i32
    %scan3A_17 = arith.constant 0 : i32
    %scan3A_18 = arith.constant 0 : i32
    %scan3A_19 = arith.constant 25 : i32
    %scan3A_20 = arith.addi %scan3A_18, %scan3A_19 : i32
    %scan3A_21 = arith.constant 1 : i32
    %scan3A_22 = scf.for %scan3A_42 = %scan3A_18 to %scan3A_20 step %scan3A_21 iter_args(%scan3A_43 = %scan3A_17) -> (i32)  : i32 {
      %mul3A_44 = arith.constant 625 : i32
      %mul3A_45 = arith.muli %arg1, %mul3A_44 : i32
      %mul3A_46 = arith.constant 25 : i32
      %mul3A_47 = arith.muli %scan3A_42, %mul3A_46 : i32
      %add3A_48 = arith.addi %mul3A_45, %mul3A_47 : i32
      "tpu.region"() ({
        %run_scoped3A = tpu.sem_alloc : memref<!tpu.dma_semaphore, #tpu.memory_space<semaphore_mem>>
        %dma_start3A = arith.constant 0 : i32
        %dma_start3A_50 = tpu.memref_slice %arg9[%add3A_48, %dma_start3A] : memref<10000x128xf32, #tpu.memory_space<vmem_shared>> -> memref<25x128xf32, #tpu.memory_space<vmem_shared>>
        %dma_start3A_51 = arith.constant 0 : i32
        %dma_start3A_52 = tpu.memref_slice %arg9[%add3A_48, %dma_start3A_51] : memref<10000x128xf32, #tpu.memory_space<vmem_shared>> -> memref<25x128xf32, #tpu.memory_space<vmem_shared>>
        tpu.enqueue_dma source(%arg8 : memref<25x128xf32, #tpu.memory_space<vmem>>) target(%dma_start3A_52 : memref<25x128xf32, #tpu.memory_space<vmem_shared>>) target_semaphore(%run_scoped3A : memref<!tpu.dma_semaphore, #tpu.memory_space<semaphore_mem>>)
        %dma_wait3A = arith.constant 0 : i32
        %dma_wait3A_53 = tpu.memref_slice %arg9[%add3A_48, %dma_wait3A] : memref<10000x128xf32, #tpu.memory_space<vmem_shared>> -> memref<25x128xf32, #tpu.memory_space<vmem_shared>>
        %dma_wait3A_54 = arith.constant 0 : i32
        %dma_wait3A_55 = tpu.memref_slice %arg9[%add3A_48, %dma_wait3A_54] : memref<10000x128xf32, #tpu.memory_space<vmem_shared>> -> memref<25x128xf32, #tpu.memory_space<vmem_shared>>
        tpu.wait_dma2 semaphore(%run_scoped3A : memref<!tpu.dma_semaphore, #tpu.memory_space<semaphore_mem>>) src(%arg8 : memref<25x128xf32, #tpu.memory_space<vmem>>) dst(%dma_wait3A_55 : memref<25x128xf32, #tpu.memory_space<vmem_shared>>)
        tpu.yield
      }) : () -> ()
      %scan3A_49 = arith.constant 0 : i32
      scf.yield %scan3A_49 : i32
    }
    %scan3A_23 = arith.constant 25 : i32
    %barrier3A = arith.constant 0 : index
    tpu.barrier barrier_id(%barrier3A)
    %mul3A_24 = arith.constant 10000 : i32
    %mul3A_25 = arith.muli %add3A, %mul3A_24 : i32
    %scan3A_26 = arith.constant 0 : i32
    %scan3A_27 = arith.constant 0 : i32
    %scan3A_28 = arith.constant 78 : i32
    %scan3A_29 = arith.addi %scan3A_27, %scan3A_28 : i32
    %scan3A_30 = arith.constant 1 : i32
    %scan3A_31 = scf.for %scan3A_42 = %scan3A_27 to %scan3A_29 step %scan3A_30 iter_args(%scan3A_43 = %scan3A_26) -> (i32)  : i32 {
      %mul3A_44 = arith.constant 128 : i32
      %mul3A_45 = arith.muli %scan3A_42, %mul3A_44 : i32
      %add3A_46 = arith.addi %mul3A_25, %mul3A_45 : i32
      "tpu.region"() ({
        %run_scoped3A = tpu.sem_alloc : memref<!tpu.dma_semaphore, #tpu.memory_space<semaphore_mem>>
        %dma_start3A = tpu.memref_slice %arg2[%add3A_46] : memref<320000xi32, #tpu.memory_space<hbm>> -> memref<128xi32, #tpu.memory_space<hbm>>
        %dma_start3A_48 = tpu.memref_slice %arg2[%add3A_46] : memref<320000xi32, #tpu.memory_space<hbm>> -> memref<128xi32, #tpu.memory_space<hbm>>
        tpu.enqueue_dma source(%dma_start3A_48 : memref<128xi32, #tpu.memory_space<hbm>>) target(%arg4 : memref<128xi32, #tpu.memory_space<vmem>>) target_semaphore(%run_scoped3A : memref<!tpu.dma_semaphore, #tpu.memory_space<semaphore_mem>>)
        %dma_wait3A = tpu.memref_slice %arg2[%add3A_46] : memref<320000xi32, #tpu.memory_space<hbm>> -> memref<128xi32, #tpu.memory_space<hbm>>
        %dma_wait3A_49 = tpu.memref_slice %arg2[%add3A_46] : memref<320000xi32, #tpu.memory_space<hbm>> -> memref<128xi32, #tpu.memory_space<hbm>>
        tpu.wait_dma2 semaphore(%run_scoped3A : memref<!tpu.dma_semaphore, #tpu.memory_space<semaphore_mem>>) src(%dma_wait3A_49 : memref<128xi32, #tpu.memory_space<hbm>>) dst(%arg4 : memref<128xi32, #tpu.memory_space<vmem>>)
        tpu.yield
      }) : () -> ()
      "tpu.region"() ({
        %run_scoped3A = tpu.sem_alloc : memref<!tpu.dma_semaphore, #tpu.memory_space<semaphore_mem>>
        %dma_start3A = arith.constant 0 : i32
        %dma_start3A_48 = arith.constant 0 : i32
        %dma_start3A_49 = tpu.memref_slice %arg9[%dma_start3A, %dma_start3A_48] : memref<10000x128xf32, #tpu.memory_space<vmem_shared>> -> memref<10000x128xf32, #tpu.memory_space<vmem_shared>>
        tpu.enqueue_indirect_dma source(%arg6 : memref<128x128xf32, #tpu.memory_space<vmem>>) target(%dma_start3A_49 : memref<10000x128xf32, #tpu.memory_space<vmem_shared>>) offsets(%arg4 : memref<128xi32, #tpu.memory_space<vmem>>) semaphore(%run_scoped3A : memref<!tpu.dma_semaphore, #tpu.memory_space<semaphore_mem>>) {add = true}
        %dma_wait3A = arith.constant 0 : i32
        %dma_wait3A_50 = arith.constant 0 : i32
        %dma_wait3A_51 = tpu.memref_slice %arg9[%dma_wait3A, %dma_wait3A_50] : memref<10000x128xf32, #tpu.memory_space<vmem_shared>> -> memref<10000x128xf32, #tpu.memory_space<vmem_shared>>
        tpu.wait_indirect_dma semaphore(%run_scoped3A : memref<!tpu.dma_semaphore, #tpu.memory_space<semaphore_mem>>) src(%arg6 : memref<128x128xf32, #tpu.memory_space<vmem>>) dst(%dma_wait3A_51 : memref<10000x128xf32, #tpu.memory_space<vmem_shared>>)
        tpu.yield
      }) : () -> ()
      %scan3A_47 = arith.constant 0 : i32
      scf.yield %scan3A_47 : i32
    }
    %scan3A_32 = arith.constant 78 : i32
    %add3A_33 = arith.constant 9984 : i32
    %add3A_34 = arith.addi %mul3A_25, %add3A_33 : i32
    "tpu.region"() ({
      %run_scoped3A = tpu.sem_alloc : memref<!tpu.dma_semaphore, #tpu.memory_space<semaphore_mem>>
      %dma_start3A = tpu.memref_slice %arg2[%add3A_34] : memref<320000xi32, #tpu.memory_space<hbm>> -> memref<16xi32, #tpu.memory_space<hbm>>
      %dma_start3A_42 = tpu.memref_slice %arg2[%add3A_34] : memref<320000xi32, #tpu.memory_space<hbm>> -> memref<16xi32, #tpu.memory_space<hbm>>
      tpu.enqueue_dma source(%dma_start3A_42 : memref<16xi32, #tpu.memory_space<hbm>>) target(%arg5 : memref<16xi32, #tpu.memory_space<vmem>>) target_semaphore(%run_scoped3A : memref<!tpu.dma_semaphore, #tpu.memory_space<semaphore_mem>>)
      %dma_wait3A = tpu.memref_slice %arg2[%add3A_34] : memref<320000xi32, #tpu.memory_space<hbm>> -> memref<16xi32, #tpu.memory_space<hbm>>
      %dma_wait3A_43 = tpu.memref_slice %arg2[%add3A_34] : memref<320000xi32, #tpu.memory_space<hbm>> -> memref<16xi32, #tpu.memory_space<hbm>>
      tpu.wait_dma2 semaphore(%run_scoped3A : memref<!tpu.dma_semaphore, #tpu.memory_space<semaphore_mem>>) src(%dma_wait3A_43 : memref<16xi32, #tpu.memory_space<hbm>>) dst(%arg5 : memref<16xi32, #tpu.memory_space<vmem>>)
      tpu.yield
    }) : () -> ()
    "tpu.region"() ({
      %run_scoped3A = tpu.sem_alloc : memref<!tpu.dma_semaphore, #tpu.memory_space<semaphore_mem>>
      %dma_start3A = arith.constant 0 : i32
      %dma_start3A_42 = arith.constant 0 : i32
      %dma_start3A_43 = tpu.memref_slice %arg9[%dma_start3A, %dma_start3A_42] : memref<10000x128xf32, #tpu.memory_space<vmem_shared>> -> memref<10000x128xf32, #tpu.memory_space<vmem_shared>>
      tpu.enqueue_indirect_dma source(%arg7 : memref<16x128xf32, #tpu.memory_space<vmem>>) target(%dma_start3A_43 : memref<10000x128xf32, #tpu.memory_space<vmem_shared>>) offsets(%arg5 : memref<16xi32, #tpu.memory_space<vmem>>) semaphore(%run_scoped3A : memref<!tpu.dma_semaphore, #tpu.memory_space<semaphore_mem>>) {add = true}
      %dma_wait3A = arith.constant 0 : i32
      %dma_wait3A_44 = arith.constant 0 : i32
      %dma_wait3A_45 = tpu.memref_slice %arg9[%dma_wait3A, %dma_wait3A_44] : memref<10000x128xf32, #tpu.memory_space<vmem_shared>> -> memref<10000x128xf32, #tpu.memory_space<vmem_shared>>
      tpu.wait_indirect_dma semaphore(%run_scoped3A : memref<!tpu.dma_semaphore, #tpu.memory_space<semaphore_mem>>) src(%arg7 : memref<16x128xf32, #tpu.memory_space<vmem>>) dst(%dma_wait3A_45 : memref<10000x128xf32, #tpu.memory_space<vmem_shared>>)
      tpu.yield
    }) : () -> ()
    %barrier3A_35 = arith.constant 0 : index
    tpu.barrier barrier_id(%barrier3A_35)
    %lt3A = arith.constant 15 : i32
    %lt3A_36 = arith.cmpi slt, %arg1, %lt3A : i32
    %convert_element_type3A = arith.extui %lt3A_36 : i1 to i32
    %cond3A = arith.constant 0 : i32
    %cond3A_37 = arith.cmpi ne, %convert_element_type3A, %cond3A : i32
    scf.if %cond3A_37 {
      %mul3A_42 = arith.constant 640 : i32
      %mul3A_43 = arith.muli %arg1, %mul3A_42 : i32
      %mul3A_44 = arith.constant 10000 : i32
      %mul3A_45 = arith.muli %arg0, %mul3A_44 : i32
      %mul3A_46 = arith.constant 640 : i32
      %mul3A_47 = arith.muli %arg1, %mul3A_46 : i32
      %add3A_48 = arith.addi %mul3A_45, %mul3A_47 : i32
      "tpu.region"() ({
        %run_scoped3A = tpu.sem_alloc : memref<!tpu.dma_semaphore, #tpu.memory_space<semaphore_mem>>
        %dma_start3A = arith.constant 0 : i32
        %dma_start3A_49 = tpu.memref_slice %arg3[%add3A_48, %dma_start3A] : memref<20000x128xf32, #tpu.memory_space<hbm>> -> memref<640x128xf32, #tpu.memory_space<hbm>>
        %dma_start3A_50 = arith.constant 0 : i32
        %dma_start3A_51 = tpu.memref_slice %arg9[%mul3A_43, %dma_start3A_50] : memref<10000x128xf32, #tpu.memory_space<vmem_shared>> -> memref<640x128xf32, #tpu.memory_space<vmem_shared>>
        tpu.enqueue_dma source(%dma_start3A_51 : memref<640x128xf32, #tpu.memory_space<vmem_shared>>) target(%dma_start3A_49 : memref<640x128xf32, #tpu.memory_space<hbm>>) target_semaphore(%run_scoped3A : memref<!tpu.dma_semaphore, #tpu.memory_space<semaphore_mem>>)
        %dma_wait3A = arith.constant 0 : i32
        %dma_wait3A_52 = tpu.memref_slice %arg3[%add3A_48, %dma_wait3A] : memref<20000x128xf32, #tpu.memory_space<hbm>> -> memref<640x128xf32, #tpu.memory_space<hbm>>
        %dma_wait3A_53 = arith.constant 0 : i32
        %dma_wait3A_54 = tpu.memref_slice %arg9[%mul3A_43, %dma_wait3A_53] : memref<10000x128xf32, #tpu.memory_space<vmem_shared>> -> memref<640x128xf32, #tpu.memory_space<vmem_shared>>
        tpu.wait_dma2 semaphore(%run_scoped3A : memref<!tpu.dma_semaphore, #tpu.memory_space<semaphore_mem>>) src(%dma_wait3A_54 : memref<640x128xf32, #tpu.memory_space<vmem_shared>>) dst(%dma_wait3A_52 : memref<640x128xf32, #tpu.memory_space<hbm>>)
        tpu.yield
      }) : () -> ()
    } else {
    }
    %eq3A = arith.constant 15 : i32
    %eq3A_38 = arith.cmpi eq, %arg1, %eq3A : i32
    %convert_element_type3A_39 = arith.extui %eq3A_38 : i1 to i32
    %cond3A_40 = arith.constant 0 : i32
    %cond3A_41 = arith.cmpi ne, %convert_element_type3A_39, %cond3A_40 : i32
    scf.if %cond3A_41 {
      %mul3A_42 = arith.constant 10000 : i32
      %mul3A_43 = arith.muli %arg0, %mul3A_42 : i32
      %add3A_44 = arith.constant 9600 : i32
      %add3A_45 = arith.addi %mul3A_43, %add3A_44 : i32
      "tpu.region"() ({
        %run_scoped3A = tpu.sem_alloc : memref<!tpu.dma_semaphore, #tpu.memory_space<semaphore_mem>>
        %dma_start3A = arith.constant 0 : i32
        %dma_start3A_46 = tpu.memref_slice %arg3[%add3A_45, %dma_start3A] : memref<20000x128xf32, #tpu.memory_space<hbm>> -> memref<400x128xf32, #tpu.memory_space<hbm>>
        %dma_start3A_47 = arith.constant 9600 : i32
        %dma_start3A_48 = arith.constant 0 : i32
        %dma_start3A_49 = tpu.memref_slice %arg9[%dma_start3A_47, %dma_start3A_48] : memref<10000x128xf32, #tpu.memory_space<vmem_shared>> -> memref<400x128xf32, #tpu.memory_space<vmem_shared>>
        tpu.enqueue_dma source(%dma_start3A_49 : memref<400x128xf32, #tpu.memory_space<vmem_shared>>) target(%dma_start3A_46 : memref<400x128xf32, #tpu.memory_space<hbm>>) target_semaphore(%run_scoped3A : memref<!tpu.dma_semaphore, #tpu.memory_space<semaphore_mem>>)
        %dma_wait3A = arith.constant 0 : i32
        %dma_wait3A_50 = tpu.memref_slice %arg3[%add3A_45, %dma_wait3A] : memref<20000x128xf32, #tpu.memory_space<hbm>> -> memref<400x128xf32, #tpu.memory_space<hbm>>
        %dma_wait3A_51 = arith.constant 9600 : i32
        %dma_wait3A_52 = arith.constant 0 : i32
        %dma_wait3A_53 = tpu.memref_slice %arg9[%dma_wait3A_51, %dma_wait3A_52] : memref<10000x128xf32, #tpu.memory_space<vmem_shared>> -> memref<400x128xf32, #tpu.memory_space<vmem_shared>>
        tpu.wait_dma2 semaphore(%run_scoped3A : memref<!tpu.dma_semaphore, #tpu.memory_space<semaphore_mem>>) src(%dma_wait3A_53 : memref<400x128xf32, #tpu.memory_space<vmem_shared>>) dst(%dma_wait3A_50 : memref<400x128xf32, #tpu.memory_space<hbm>>)
        tpu.yield
      }) : () -> ()
    } else {
    }
    return
  }
}

#map = affine_map<(d0, d1) -> (0, 0)>
#map1 = affine_map<(d0, d1) -> (0)>
module attributes {stable_mosaic.version = 14 : i64} {
  func.func @_prop_sc(%arg0: i32, %arg1: i32, %arg2: memref<10000x128xf32, #tpu.memory_space<hbm>>, %arg3: memref<320000xi32, #tpu.memory_space<hbm>>, %arg4: memref<320000xi32, #tpu.memory_space<hbm>>, %arg5: memref<20000x128xf32, #tpu.memory_space<hbm>>, %arg6: memref<128xi32, #tpu.memory_space<vmem>>, %arg7: memref<128xi32, #tpu.memory_space<vmem>>, %arg8: memref<128xi32, #tpu.memory_space<vmem>>, %arg9: memref<128xi32, #tpu.memory_space<vmem>>, %arg10: memref<16xi32, #tpu.memory_space<vmem>>, %arg11: memref<16xi32, #tpu.memory_space<vmem>>, %arg12: memref<128x128xf32, #tpu.memory_space<vmem>>, %arg13: memref<128x128xf32, #tpu.memory_space<vmem>>, %arg14: memref<16x128xf32, #tpu.memory_space<vmem>>, %arg15: memref<25x128xf32, #tpu.memory_space<vmem>>, %arg16: memref<10000x128xf32, #tpu.memory_space<vmem_shared>>, %arg17: memref<!tpu.dma_semaphore, #tpu.memory_space<semaphore_mem>>, %arg18: memref<!tpu.dma_semaphore, #tpu.memory_space<semaphore_mem>>, %arg19: memref<!tpu.dma_semaphore, #tpu.memory_space<semaphore_mem>>) attributes {dimension_semantics = [#tpu.dimension_semantics<core_parallel>, #tpu.dimension_semantics<subcore_parallel>], iteration_bounds = array<i64: 2, 16>, scalar_prefetch = 0 : i64, scratch_operands = 14 : i64, tpu.core_type = #tpu.core_type<sc_vector_subcore>, window_params = [{transform_indices = #map}, {transform_indices = #map1}, {transform_indices = #map1}, {transform_indices = #map}]} {
    %mul3A = arith.constant 2 : i32
    %mul3A_0 = arith.muli %arg1, %mul3A : i32
    %add3A = arith.addi %mul3A_0, %arg0 : i32
    %broadcast_in_dim3A = arith.constant 0.000000e+00 : f32
    %broadcast_in_dim3A_1 = vector.broadcast %broadcast_in_dim3A : f32 to vector<16xf32>
    %scan3A = arith.constant 0 : i32
    %scan3A_2 = arith.constant 0 : i32
    %scan3A_3 = arith.constant 25 : i32
    %scan3A_4 = arith.addi %scan3A_2, %scan3A_3 : i32
    %scan3A_5 = arith.constant 1 : i32
    %scan3A_6 = scf.for %scan3A_46 = %scan3A_2 to %scan3A_4 step %scan3A_5 iter_args(%scan3A_47 = %scan3A) -> (i32)  : i32 {
      %swap3A = arith.index_cast %scan3A_46 : i32 to index
      %swap3A_48 = arith.constant 0 : index
      %swap3A_49 = tpu.vector_load %arg15[%swap3A, %swap3A_48] {strides = array<i32>} : memref<25x128xf32, #tpu.memory_space<vmem>>, vector<1x16xf32>,
      %swap3A_50 = vector.shape_cast %swap3A_49 : vector<1x16xf32> to vector<16xf32>
      %swap3A_51 = vector.shape_cast %broadcast_in_dim3A_1 : vector<16xf32> to vector<1x16xf32>
      tpu.vector_store %arg15[%swap3A, %swap3A_48], %swap3A_51 {strides = array<i32>} : memref<25x128xf32, #tpu.memory_space<vmem>>, vector<1x16xf32>,
      %swap3A_52 = arith.index_cast %scan3A_46 : i32 to index
      %swap3A_53 = arith.constant 16 : index
      %swap3A_54 = tpu.vector_load %arg15[%swap3A_52, %swap3A_53] {strides = array<i32>} : memref<25x128xf32, #tpu.memory_space<vmem>>, vector<1x16xf32>,
      %swap3A_55 = vector.shape_cast %swap3A_54 : vector<1x16xf32> to vector<16xf32>
      %swap3A_56 = vector.shape_cast %broadcast_in_dim3A_1 : vector<16xf32> to vector<1x16xf32>
      tpu.vector_store %arg15[%swap3A_52, %swap3A_53], %swap3A_56 {strides = array<i32>} : memref<25x128xf32, #tpu.memory_space<vmem>>, vector<1x16xf32>,
      %swap3A_57 = arith.index_cast %scan3A_46 : i32 to index
      %swap3A_58 = arith.constant 32 : index
      %swap3A_59 = tpu.vector_load %arg15[%swap3A_57, %swap3A_58] {strides = array<i32>} : memref<25x128xf32, #tpu.memory_space<vmem>>, vector<1x16xf32>,
      %swap3A_60 = vector.shape_cast %swap3A_59 : vector<1x16xf32> to vector<16xf32>
      %swap3A_61 = vector.shape_cast %broadcast_in_dim3A_1 : vector<16xf32> to vector<1x16xf32>
      tpu.vector_store %arg15[%swap3A_57, %swap3A_58], %swap3A_61 {strides = array<i32>} : memref<25x128xf32, #tpu.memory_space<vmem>>, vector<1x16xf32>,
      %swap3A_62 = arith.index_cast %scan3A_46 : i32 to index
      %swap3A_63 = arith.constant 48 : index
      %swap3A_64 = tpu.vector_load %arg15[%swap3A_62, %swap3A_63] {strides = array<i32>} : memref<25x128xf32, #tpu.memory_space<vmem>>, vector<1x16xf32>,
      %swap3A_65 = vector.shape_cast %swap3A_64 : vector<1x16xf32> to vector<16xf32>
      %swap3A_66 = vector.shape_cast %broadcast_in_dim3A_1 : vector<16xf32> to vector<1x16xf32>
      tpu.vector_store %arg15[%swap3A_62, %swap3A_63], %swap3A_66 {strides = array<i32>} : memref<25x128xf32, #tpu.memory_space<vmem>>, vector<1x16xf32>,
      %swap3A_67 = arith.index_cast %scan3A_46 : i32 to index
      %swap3A_68 = arith.constant 64 : index
      %swap3A_69 = tpu.vector_load %arg15[%swap3A_67, %swap3A_68] {strides = array<i32>} : memref<25x128xf32, #tpu.memory_space<vmem>>, vector<1x16xf32>,
      %swap3A_70 = vector.shape_cast %swap3A_69 : vector<1x16xf32> to vector<16xf32>
      %swap3A_71 = vector.shape_cast %broadcast_in_dim3A_1 : vector<16xf32> to vector<1x16xf32>
      tpu.vector_store %arg15[%swap3A_67, %swap3A_68], %swap3A_71 {strides = array<i32>} : memref<25x128xf32, #tpu.memory_space<vmem>>, vector<1x16xf32>,
      %swap3A_72 = arith.index_cast %scan3A_46 : i32 to index
      %swap3A_73 = arith.constant 80 : index
      %swap3A_74 = tpu.vector_load %arg15[%swap3A_72, %swap3A_73] {strides = array<i32>} : memref<25x128xf32, #tpu.memory_space<vmem>>, vector<1x16xf32>,
      %swap3A_75 = vector.shape_cast %swap3A_74 : vector<1x16xf32> to vector<16xf32>
      %swap3A_76 = vector.shape_cast %broadcast_in_dim3A_1 : vector<16xf32> to vector<1x16xf32>
      tpu.vector_store %arg15[%swap3A_72, %swap3A_73], %swap3A_76 {strides = array<i32>} : memref<25x128xf32, #tpu.memory_space<vmem>>, vector<1x16xf32>,
      %swap3A_77 = arith.index_cast %scan3A_46 : i32 to index
      %swap3A_78 = arith.constant 96 : index
      %swap3A_79 = tpu.vector_load %arg15[%swap3A_77, %swap3A_78] {strides = array<i32>} : memref<25x128xf32, #tpu.memory_space<vmem>>, vector<1x16xf32>,
      %swap3A_80 = vector.shape_cast %swap3A_79 : vector<1x16xf32> to vector<16xf32>
      %swap3A_81 = vector.shape_cast %broadcast_in_dim3A_1 : vector<16xf32> to vector<1x16xf32>
      tpu.vector_store %arg15[%swap3A_77, %swap3A_78], %swap3A_81 {strides = array<i32>} : memref<25x128xf32, #tpu.memory_space<vmem>>, vector<1x16xf32>,
      %swap3A_82 = arith.index_cast %scan3A_46 : i32 to index
      %swap3A_83 = arith.constant 112 : index
      %swap3A_84 = tpu.vector_load %arg15[%swap3A_82, %swap3A_83] {strides = array<i32>} : memref<25x128xf32, #tpu.memory_space<vmem>>, vector<1x16xf32>,
      %swap3A_85 = vector.shape_cast %swap3A_84 : vector<1x16xf32> to vector<16xf32>
      %swap3A_86 = vector.shape_cast %broadcast_in_dim3A_1 : vector<16xf32> to vector<1x16xf32>
      tpu.vector_store %arg15[%swap3A_82, %swap3A_83], %swap3A_86 {strides = array<i32>} : memref<25x128xf32, #tpu.memory_space<vmem>>, vector<1x16xf32>,
      %scan3A_87 = arith.constant 0 : i32
      scf.yield %scan3A_87 : i32
    }
    %scan3A_7 = arith.constant 25 : i32
    %scan3A_8 = arith.constant 0 : i32
    %scan3A_9 = arith.constant 0 : i32
    %scan3A_10 = arith.constant 25 : i32
    %scan3A_11 = arith.addi %scan3A_9, %scan3A_10 : i32
    %scan3A_12 = arith.constant 1 : i32
    %scan3A_13 = scf.for %scan3A_46 = %scan3A_9 to %scan3A_11 step %scan3A_12 iter_args(%scan3A_47 = %scan3A_8) -> (i32)  : i32 {
      %mul3A_48 = arith.constant 625 : i32
      %mul3A_49 = arith.muli %arg1, %mul3A_48 : i32
      %mul3A_50 = arith.constant 25 : i32
      %mul3A_51 = arith.muli %scan3A_46, %mul3A_50 : i32
      %add3A_52 = arith.addi %mul3A_49, %mul3A_51 : i32
      "tpu.region"() ({
        %run_scoped3A = tpu.sem_alloc : memref<!tpu.dma_semaphore, #tpu.memory_space<semaphore_mem>>
        %dma_start3A_54 = arith.constant 0 : i32
        %dma_start3A_55 = tpu.memref_slice %arg16[%add3A_52, %dma_start3A_54] : memref<10000x128xf32, #tpu.memory_space<vmem_shared>> -> memref<25x128xf32, #tpu.memory_space<vmem_shared>>
        %dma_start3A_56 = arith.constant 0 : i32
        %dma_start3A_57 = tpu.memref_slice %arg16[%add3A_52, %dma_start3A_56] : memref<10000x128xf32, #tpu.memory_space<vmem_shared>> -> memref<25x128xf32, #tpu.memory_space<vmem_shared>>
        tpu.enqueue_dma source(%arg15 : memref<25x128xf32, #tpu.memory_space<vmem>>) target(%dma_start3A_57 : memref<25x128xf32, #tpu.memory_space<vmem_shared>>) target_semaphore(%run_scoped3A : memref<!tpu.dma_semaphore, #tpu.memory_space<semaphore_mem>>)
        %dma_wait3A_58 = arith.constant 0 : i32
        %dma_wait3A_59 = tpu.memref_slice %arg16[%add3A_52, %dma_wait3A_58] : memref<10000x128xf32, #tpu.memory_space<vmem_shared>> -> memref<25x128xf32, #tpu.memory_space<vmem_shared>>
        %dma_wait3A_60 = arith.constant 0 : i32
        %dma_wait3A_61 = tpu.memref_slice %arg16[%add3A_52, %dma_wait3A_60] : memref<10000x128xf32, #tpu.memory_space<vmem_shared>> -> memref<25x128xf32, #tpu.memory_space<vmem_shared>>
        tpu.wait_dma2 semaphore(%run_scoped3A : memref<!tpu.dma_semaphore, #tpu.memory_space<semaphore_mem>>) src(%arg15 : memref<25x128xf32, #tpu.memory_space<vmem>>) dst(%dma_wait3A_61 : memref<25x128xf32, #tpu.memory_space<vmem_shared>>)
        tpu.yield
      }) : () -> ()
      %scan3A_53 = arith.constant 0 : i32
      scf.yield %scan3A_53 : i32
    }
    %scan3A_14 = arith.constant 25 : i32
    %barrier3A = arith.constant 0 : index
    tpu.barrier barrier_id(%barrier3A)
    %mul3A_15 = arith.constant 10000 : i32
    %mul3A_16 = arith.muli %add3A, %mul3A_15 : i32
    "tpu.region"() ({
      %run_scoped3A = tpu.sem_alloc : memref<!tpu.dma_semaphore, #tpu.memory_space<semaphore_mem>>
      %dma_start3A_46 = tpu.memref_slice %arg3[%mul3A_16] : memref<320000xi32, #tpu.memory_space<hbm>> -> memref<128xi32, #tpu.memory_space<hbm>>
      %dma_start3A_47 = tpu.memref_slice %arg3[%mul3A_16] : memref<320000xi32, #tpu.memory_space<hbm>> -> memref<128xi32, #tpu.memory_space<hbm>>
      tpu.enqueue_dma source(%dma_start3A_47 : memref<128xi32, #tpu.memory_space<hbm>>) target(%arg6 : memref<128xi32, #tpu.memory_space<vmem>>) target_semaphore(%run_scoped3A : memref<!tpu.dma_semaphore, #tpu.memory_space<semaphore_mem>>)
      %dma_wait3A_48 = tpu.memref_slice %arg3[%mul3A_16] : memref<320000xi32, #tpu.memory_space<hbm>> -> memref<128xi32, #tpu.memory_space<hbm>>
      %dma_wait3A_49 = tpu.memref_slice %arg3[%mul3A_16] : memref<320000xi32, #tpu.memory_space<hbm>> -> memref<128xi32, #tpu.memory_space<hbm>>
      tpu.wait_dma2 semaphore(%run_scoped3A : memref<!tpu.dma_semaphore, #tpu.memory_space<semaphore_mem>>) src(%dma_wait3A_49 : memref<128xi32, #tpu.memory_space<hbm>>) dst(%arg6 : memref<128xi32, #tpu.memory_space<vmem>>)
      tpu.yield
    }) : () -> ()
    "tpu.region"() ({
      %run_scoped3A = tpu.sem_alloc : memref<!tpu.dma_semaphore, #tpu.memory_space<semaphore_mem>>
      %dma_start3A_46 = tpu.memref_slice %arg4[%mul3A_16] : memref<320000xi32, #tpu.memory_space<hbm>> -> memref<128xi32, #tpu.memory_space<hbm>>
      %dma_start3A_47 = tpu.memref_slice %arg4[%mul3A_16] : memref<320000xi32, #tpu.memory_space<hbm>> -> memref<128xi32, #tpu.memory_space<hbm>>
      tpu.enqueue_dma source(%dma_start3A_47 : memref<128xi32, #tpu.memory_space<hbm>>) target(%arg8 : memref<128xi32, #tpu.memory_space<vmem>>) target_semaphore(%run_scoped3A : memref<!tpu.dma_semaphore, #tpu.memory_space<semaphore_mem>>)
      %dma_wait3A_48 = tpu.memref_slice %arg4[%mul3A_16] : memref<320000xi32, #tpu.memory_space<hbm>> -> memref<128xi32, #tpu.memory_space<hbm>>
      %dma_wait3A_49 = tpu.memref_slice %arg4[%mul3A_16] : memref<320000xi32, #tpu.memory_space<hbm>> -> memref<128xi32, #tpu.memory_space<hbm>>
      tpu.wait_dma2 semaphore(%run_scoped3A : memref<!tpu.dma_semaphore, #tpu.memory_space<semaphore_mem>>) src(%dma_wait3A_49 : memref<128xi32, #tpu.memory_space<hbm>>) dst(%arg8 : memref<128xi32, #tpu.memory_space<vmem>>)
      tpu.yield
    }) : () -> ()
    %dma_start3A = arith.constant 0 : i32
    %dma_start3A_17 = arith.constant 0 : i32
    %dma_start3A_18 = tpu.memref_slice %arg2[%dma_start3A, %dma_start3A_17] : memref<10000x128xf32, #tpu.memory_space<hbm>> -> memref<10000x128xf32, #tpu.memory_space<hbm>>
    tpu.enqueue_indirect_dma source(%dma_start3A_18 : memref<10000x128xf32, #tpu.memory_space<hbm>>) target(%arg12 : memref<128x128xf32, #tpu.memory_space<vmem>>) offsets(%arg6 : memref<128xi32, #tpu.memory_space<vmem>>) semaphore(%arg17 : memref<!tpu.dma_semaphore, #tpu.memory_space<semaphore_mem>>)
    %scan3A_19 = arith.constant 0 : i32
    %scan3A_20 = arith.constant 0 : i32
    %scan3A_21 = arith.constant 39 : i32
    %scan3A_22 = arith.addi %scan3A_20, %scan3A_21 : i32
    %scan3A_23 = arith.constant 1 : i32
    %scan3A_24 = scf.for %scan3A_46 = %scan3A_20 to %scan3A_22 step %scan3A_23 iter_args(%scan3A_47 = %scan3A_19) -> (i32)  : i32 {
      %mul3A_48 = arith.constant 2 : i32
      %mul3A_49 = arith.muli %mul3A_48, %scan3A_46 : i32
      %mul3A_50 = arith.constant 128 : i32
      %mul3A_51 = arith.muli %mul3A_49, %mul3A_50 : i32
      %add3A_52 = arith.addi %mul3A_16, %mul3A_51 : i32
      %add3A_53 = arith.constant 128 : i32
      %add3A_54 = arith.addi %add3A_52, %add3A_53 : i32
      "tpu.region"() ({
        %run_scoped3A = tpu.sem_alloc : memref<!tpu.dma_semaphore, #tpu.memory_space<semaphore_mem>>
        %dma_start3A_94 = tpu.memref_slice %arg3[%add3A_54] : memref<320000xi32, #tpu.memory_space<hbm>> -> memref<128xi32, #tpu.memory_space<hbm>>
        %dma_start3A_95 = tpu.memref_slice %arg3[%add3A_54] : memref<320000xi32, #tpu.memory_space<hbm>> -> memref<128xi32, #tpu.memory_space<hbm>>
        tpu.enqueue_dma source(%dma_start3A_95 : memref<128xi32, #tpu.memory_space<hbm>>) target(%arg7 : memref<128xi32, #tpu.memory_space<vmem>>) target_semaphore(%run_scoped3A : memref<!tpu.dma_semaphore, #tpu.memory_space<semaphore_mem>>)
        %dma_wait3A_96 = tpu.memref_slice %arg3[%add3A_54] : memref<320000xi32, #tpu.memory_space<hbm>> -> memref<128xi32, #tpu.memory_space<hbm>>
        %dma_wait3A_97 = tpu.memref_slice %arg3[%add3A_54] : memref<320000xi32, #tpu.memory_space<hbm>> -> memref<128xi32, #tpu.memory_space<hbm>>
        tpu.wait_dma2 semaphore(%run_scoped3A : memref<!tpu.dma_semaphore, #tpu.memory_space<semaphore_mem>>) src(%dma_wait3A_97 : memref<128xi32, #tpu.memory_space<hbm>>) dst(%arg7 : memref<128xi32, #tpu.memory_space<vmem>>)
        tpu.yield
      }) : () -> ()
      %add3A_55 = arith.constant 128 : i32
      %add3A_56 = arith.addi %add3A_52, %add3A_55 : i32
      "tpu.region"() ({
        %run_scoped3A = tpu.sem_alloc : memref<!tpu.dma_semaphore, #tpu.memory_space<semaphore_mem>>
        %dma_start3A_94 = tpu.memref_slice %arg4[%add3A_56] : memref<320000xi32, #tpu.memory_space<hbm>> -> memref<128xi32, #tpu.memory_space<hbm>>
        %dma_start3A_95 = tpu.memref_slice %arg4[%add3A_56] : memref<320000xi32, #tpu.memory_space<hbm>> -> memref<128xi32, #tpu.memory_space<hbm>>
        tpu.enqueue_dma source(%dma_start3A_95 : memref<128xi32, #tpu.memory_space<hbm>>) target(%arg9 : memref<128xi32, #tpu.memory_space<vmem>>) target_semaphore(%run_scoped3A : memref<!tpu.dma_semaphore, #tpu.memory_space<semaphore_mem>>)
        %dma_wait3A_96 = tpu.memref_slice %arg4[%add3A_56] : memref<320000xi32, #tpu.memory_space<hbm>> -> memref<128xi32, #tpu.memory_space<hbm>>
        %dma_wait3A_97 = tpu.memref_slice %arg4[%add3A_56] : memref<320000xi32, #tpu.memory_space<hbm>> -> memref<128xi32, #tpu.memory_space<hbm>>
        tpu.wait_dma2 semaphore(%run_scoped3A : memref<!tpu.dma_semaphore, #tpu.memory_space<semaphore_mem>>) src(%dma_wait3A_97 : memref<128xi32, #tpu.memory_space<hbm>>) dst(%arg9 : memref<128xi32, #tpu.memory_space<vmem>>)
        tpu.yield
      }) : () -> ()
      %dma_wait3A_57 = arith.constant 0 : i32
      %dma_wait3A_58 = arith.constant 0 : i32
      %dma_wait3A_59 = tpu.memref_slice %arg2[%dma_wait3A_57, %dma_wait3A_58] : memref<10000x128xf32, #tpu.memory_space<hbm>> -> memref<128x128xf32, #tpu.memory_space<hbm>>
      %dma_wait3A_60 = arith.constant 0 : i32
      %dma_wait3A_61 = arith.constant 0 : i32
      %dma_wait3A_62 = tpu.memref_slice %arg2[%dma_wait3A_60, %dma_wait3A_61] : memref<10000x128xf32, #tpu.memory_space<hbm>> -> memref<128x128xf32, #tpu.memory_space<hbm>>
      tpu.wait_dma2 semaphore(%arg17 : memref<!tpu.dma_semaphore, #tpu.memory_space<semaphore_mem>>) src(%dma_wait3A_62 : memref<128x128xf32, #tpu.memory_space<hbm>>) dst(%arg12 : memref<128x128xf32, #tpu.memory_space<vmem>>)
      %gt3A = arith.constant 0 : i32
      %gt3A_63 = arith.cmpi sgt, %scan3A_46, %gt3A : i32
      %convert_element_type3A_64 = arith.extui %gt3A_63 : i1 to i32
      %cond3A_65 = arith.constant 0 : i32
      %cond3A_66 = arith.cmpi ne, %convert_element_type3A_64, %cond3A_65 : i32
      scf.if %cond3A_66 {
        %dma_wait3A_94 = arith.constant 0 : i32
        %dma_wait3A_95 = arith.constant 0 : i32
        %dma_wait3A_96 = tpu.memref_slice %arg2[%dma_wait3A_94, %dma_wait3A_95] : memref<10000x128xf32, #tpu.memory_space<hbm>> -> memref<128x128xf32, #tpu.memory_space<hbm>>
        %dma_wait3A_97 = arith.constant 0 : i32
        %dma_wait3A_98 = arith.constant 0 : i32
        %dma_wait3A_99 = tpu.memref_slice %arg2[%dma_wait3A_97, %dma_wait3A_98] : memref<10000x128xf32, #tpu.memory_space<hbm>> -> memref<128x128xf32, #tpu.memory_space<hbm>>
        tpu.wait_dma2 semaphore(%arg19 : memref<!tpu.dma_semaphore, #tpu.memory_space<semaphore_mem>>) src(%dma_wait3A_99 : memref<128x128xf32, #tpu.memory_space<hbm>>) dst(%arg13 : memref<128x128xf32, #tpu.memory_space<vmem>>)
      } else {
      }
      %dma_start3A_67 = arith.constant 0 : i32
      %dma_start3A_68 = arith.constant 0 : i32
      %dma_start3A_69 = tpu.memref_slice %arg2[%dma_start3A_67, %dma_start3A_68] : memref<10000x128xf32, #tpu.memory_space<hbm>> -> memref<10000x128xf32, #tpu.memory_space<hbm>>
      tpu.enqueue_indirect_dma source(%dma_start3A_69 : memref<10000x128xf32, #tpu.memory_space<hbm>>) target(%arg13 : memref<128x128xf32, #tpu.memory_space<vmem>>) offsets(%arg7 : memref<128xi32, #tpu.memory_space<vmem>>) semaphore(%arg17 : memref<!tpu.dma_semaphore, #tpu.memory_space<semaphore_mem>>)
      %dma_start3A_70 = arith.constant 0 : i32
      %dma_start3A_71 = arith.constant 0 : i32
      %dma_start3A_72 = tpu.memref_slice %arg16[%dma_start3A_70, %dma_start3A_71] : memref<10000x128xf32, #tpu.memory_space<vmem_shared>> -> memref<10000x128xf32, #tpu.memory_space<vmem_shared>>
      tpu.enqueue_indirect_dma source(%arg12 : memref<128x128xf32, #tpu.memory_space<vmem>>) target(%dma_start3A_72 : memref<10000x128xf32, #tpu.memory_space<vmem_shared>>) offsets(%arg8 : memref<128xi32, #tpu.memory_space<vmem>>) semaphore(%arg18 : memref<!tpu.dma_semaphore, #tpu.memory_space<semaphore_mem>>) {add = true}
      %dma_wait3A_73 = arith.constant 0 : i32
      %dma_wait3A_74 = arith.constant 0 : i32
      %dma_wait3A_75 = tpu.memref_slice %arg2[%dma_wait3A_73, %dma_wait3A_74] : memref<10000x128xf32, #tpu.memory_space<hbm>> -> memref<128x128xf32, #tpu.memory_space<hbm>>
      %dma_wait3A_76 = arith.constant 0 : i32
      %dma_wait3A_77 = arith.constant 0 : i32
      %dma_wait3A_78 = tpu.memref_slice %arg2[%dma_wait3A_76, %dma_wait3A_77] : memref<10000x128xf32, #tpu.memory_space<hbm>> -> memref<128x128xf32, #tpu.memory_space<hbm>>
      tpu.wait_dma2 semaphore(%arg17 : memref<!tpu.dma_semaphore, #tpu.memory_space<semaphore_mem>>) src(%dma_wait3A_78 : memref<128x128xf32, #tpu.memory_space<hbm>>) dst(%arg13 : memref<128x128xf32, #tpu.memory_space<vmem>>)
      %dma_wait3A_79 = arith.constant 0 : i32
      %dma_wait3A_80 = arith.constant 0 : i32
      %dma_wait3A_81 = tpu.memref_slice %arg2[%dma_wait3A_79, %dma_wait3A_80] : memref<10000x128xf32, #tpu.memory_space<hbm>> -> memref<128x128xf32, #tpu.memory_space<hbm>>
      %dma_wait3A_82 = arith.constant 0 : i32
      %dma_wait3A_83 = arith.constant 0 : i32
      %dma_wait3A_84 = tpu.memref_slice %arg2[%dma_wait3A_82, %dma_wait3A_83] : memref<10000x128xf32, #tpu.memory_space<hbm>> -> memref<128x128xf32, #tpu.memory_space<hbm>>
      tpu.wait_dma2 semaphore(%arg18 : memref<!tpu.dma_semaphore, #tpu.memory_space<semaphore_mem>>) src(%dma_wait3A_84 : memref<128x128xf32, #tpu.memory_space<hbm>>) dst(%arg12 : memref<128x128xf32, #tpu.memory_space<vmem>>)
      %lt3A_85 = arith.constant 38 : i32
      %lt3A_86 = arith.cmpi slt, %scan3A_46, %lt3A_85 : i32
      %convert_element_type3A_87 = arith.extui %lt3A_86 : i1 to i32
      %cond3A_88 = arith.constant 0 : i32
      %cond3A_89 = arith.cmpi ne, %convert_element_type3A_87, %cond3A_88 : i32
      scf.if %cond3A_89 {
        %add3A_94 = arith.constant 256 : i32
        %add3A_95 = arith.addi %add3A_52, %add3A_94 : i32
        "tpu.region"() ({
          %run_scoped3A = tpu.sem_alloc : memref<!tpu.dma_semaphore, #tpu.memory_space<semaphore_mem>>
          %dma_start3A_99 = tpu.memref_slice %arg3[%add3A_95] : memref<320000xi32, #tpu.memory_space<hbm>> -> memref<128xi32, #tpu.memory_space<hbm>>
          %dma_start3A_100 = tpu.memref_slice %arg3[%add3A_95] : memref<320000xi32, #tpu.memory_space<hbm>> -> memref<128xi32, #tpu.memory_space<hbm>>
          tpu.enqueue_dma source(%dma_start3A_100 : memref<128xi32, #tpu.memory_space<hbm>>) target(%arg6 : memref<128xi32, #tpu.memory_space<vmem>>) target_semaphore(%run_scoped3A : memref<!tpu.dma_semaphore, #tpu.memory_space<semaphore_mem>>)
          %dma_wait3A_101 = tpu.memref_slice %arg3[%add3A_95] : memref<320000xi32, #tpu.memory_space<hbm>> -> memref<128xi32, #tpu.memory_space<hbm>>
          %dma_wait3A_102 = tpu.memref_slice %arg3[%add3A_95] : memref<320000xi32, #tpu.memory_space<hbm>> -> memref<128xi32, #tpu.memory_space<hbm>>
          tpu.wait_dma2 semaphore(%run_scoped3A : memref<!tpu.dma_semaphore, #tpu.memory_space<semaphore_mem>>) src(%dma_wait3A_102 : memref<128xi32, #tpu.memory_space<hbm>>) dst(%arg6 : memref<128xi32, #tpu.memory_space<vmem>>)
          tpu.yield
        }) : () -> ()
        "tpu.region"() ({
          %run_scoped3A = tpu.sem_alloc : memref<!tpu.dma_semaphore, #tpu.memory_space<semaphore_mem>>
          %dma_start3A_99 = tpu.memref_slice %arg4[%add3A_95] : memref<320000xi32, #tpu.memory_space<hbm>> -> memref<128xi32, #tpu.memory_space<hbm>>
          %dma_start3A_100 = tpu.memref_slice %arg4[%add3A_95] : memref<320000xi32, #tpu.memory_space<hbm>> -> memref<128xi32, #tpu.memory_space<hbm>>
          tpu.enqueue_dma source(%dma_start3A_100 : memref<128xi32, #tpu.memory_space<hbm>>) target(%arg8 : memref<128xi32, #tpu.memory_space<vmem>>) target_semaphore(%run_scoped3A : memref<!tpu.dma_semaphore, #tpu.memory_space<semaphore_mem>>)
          %dma_wait3A_101 = tpu.memref_slice %arg4[%add3A_95] : memref<320000xi32, #tpu.memory_space<hbm>> -> memref<128xi32, #tpu.memory_space<hbm>>
          %dma_wait3A_102 = tpu.memref_slice %arg4[%add3A_95] : memref<320000xi32, #tpu.memory_space<hbm>> -> memref<128xi32, #tpu.memory_space<hbm>>
          tpu.wait_dma2 semaphore(%run_scoped3A : memref<!tpu.dma_semaphore, #tpu.memory_space<semaphore_mem>>) src(%dma_wait3A_102 : memref<128xi32, #tpu.memory_space<hbm>>) dst(%arg8 : memref<128xi32, #tpu.memory_space<vmem>>)
          tpu.yield
        }) : () -> ()
        %dma_start3A_96 = arith.constant 0 : i32
        %dma_start3A_97 = arith.constant 0 : i32
        %dma_start3A_98 = tpu.memref_slice %arg2[%dma_start3A_96, %dma_start3A_97] : memref<10000x128xf32, #tpu.memory_space<hbm>> -> memref<10000x128xf32, #tpu.memory_space<hbm>>
        tpu.enqueue_indirect_dma source(%dma_start3A_98 : memref<10000x128xf32, #tpu.memory_space<hbm>>) target(%arg12 : memref<128x128xf32, #tpu.memory_space<vmem>>) offsets(%arg6 : memref<128xi32, #tpu.memory_space<vmem>>) semaphore(%arg17 : memref<!tpu.dma_semaphore, #tpu.memory_space<semaphore_mem>>)
      } else {
      }
      %dma_start3A_90 = arith.constant 0 : i32
      %dma_start3A_91 = arith.constant 0 : i32
      %dma_start3A_92 = tpu.memref_slice %arg16[%dma_start3A_90, %dma_start3A_91] : memref<10000x128xf32, #tpu.memory_space<vmem_shared>> -> memref<10000x128xf32, #tpu.memory_space<vmem_shared>>
      tpu.enqueue_indirect_dma source(%arg13 : memref<128x128xf32, #tpu.memory_space<vmem>>) target(%dma_start3A_92 : memref<10000x128xf32, #tpu.memory_space<vmem_shared>>) offsets(%arg9 : memref<128xi32, #tpu.memory_space<vmem>>) semaphore(%arg19 : memref<!tpu.dma_semaphore, #tpu.memory_space<semaphore_mem>>) {add = true}
      %scan3A_93 = arith.constant 0 : i32
      scf.yield %scan3A_93 : i32
    }
    %scan3A_25 = arith.constant 39 : i32
    %dma_wait3A = arith.constant 0 : i32
    %dma_wait3A_26 = arith.constant 0 : i32
    %dma_wait3A_27 = tpu.memref_slice %arg2[%dma_wait3A, %dma_wait3A_26] : memref<10000x128xf32, #tpu.memory_space<hbm>> -> memref<128x128xf32, #tpu.memory_space<hbm>>
    %dma_wait3A_28 = arith.constant 0 : i32
    %dma_wait3A_29 = arith.constant 0 : i32
    %dma_wait3A_30 = tpu.memref_slice %arg2[%dma_wait3A_28, %dma_wait3A_29] : memref<10000x128xf32, #tpu.memory_space<hbm>> -> memref<128x128xf32, #tpu.memory_space<hbm>>
    tpu.wait_dma2 semaphore(%arg19 : memref<!tpu.dma_semaphore, #tpu.memory_space<semaphore_mem>>) src(%dma_wait3A_30 : memref<128x128xf32, #tpu.memory_space<hbm>>) dst(%arg13 : memref<128x128xf32, #tpu.memory_space<vmem>>)
    %add3A_31 = arith.constant 9984 : i32
    %add3A_32 = arith.addi %mul3A_16, %add3A_31 : i32
    "tpu.region"() ({
      %run_scoped3A = tpu.sem_alloc : memref<!tpu.dma_semaphore, #tpu.memory_space<semaphore_mem>>
      %dma_start3A_46 = tpu.memref_slice %arg3[%add3A_32] : memref<320000xi32, #tpu.memory_space<hbm>> -> memref<16xi32, #tpu.memory_space<hbm>>
      %dma_start3A_47 = tpu.memref_slice %arg3[%add3A_32] : memref<320000xi32, #tpu.memory_space<hbm>> -> memref<16xi32, #tpu.memory_space<hbm>>
      tpu.enqueue_dma source(%dma_start3A_47 : memref<16xi32, #tpu.memory_space<hbm>>) target(%arg10 : memref<16xi32, #tpu.memory_space<vmem>>) target_semaphore(%run_scoped3A : memref<!tpu.dma_semaphore, #tpu.memory_space<semaphore_mem>>)
      %dma_wait3A_48 = tpu.memref_slice %arg3[%add3A_32] : memref<320000xi32, #tpu.memory_space<hbm>> -> memref<16xi32, #tpu.memory_space<hbm>>
      %dma_wait3A_49 = tpu.memref_slice %arg3[%add3A_32] : memref<320000xi32, #tpu.memory_space<hbm>> -> memref<16xi32, #tpu.memory_space<hbm>>
      tpu.wait_dma2 semaphore(%run_scoped3A : memref<!tpu.dma_semaphore, #tpu.memory_space<semaphore_mem>>) src(%dma_wait3A_49 : memref<16xi32, #tpu.memory_space<hbm>>) dst(%arg10 : memref<16xi32, #tpu.memory_space<vmem>>)
      tpu.yield
    }) : () -> ()
    "tpu.region"() ({
      %run_scoped3A = tpu.sem_alloc : memref<!tpu.dma_semaphore, #tpu.memory_space<semaphore_mem>>
      %dma_start3A_46 = tpu.memref_slice %arg4[%add3A_32] : memref<320000xi32, #tpu.memory_space<hbm>> -> memref<16xi32, #tpu.memory_space<hbm>>
      %dma_start3A_47 = tpu.memref_slice %arg4[%add3A_32] : memref<320000xi32, #tpu.memory_space<hbm>> -> memref<16xi32, #tpu.memory_space<hbm>>
      tpu.enqueue_dma source(%dma_start3A_47 : memref<16xi32, #tpu.memory_space<hbm>>) target(%arg11 : memref<16xi32, #tpu.memory_space<vmem>>) target_semaphore(%run_scoped3A : memref<!tpu.dma_semaphore, #tpu.memory_space<semaphore_mem>>)
      %dma_wait3A_48 = tpu.memref_slice %arg4[%add3A_32] : memref<320000xi32, #tpu.memory_space<hbm>> -> memref<16xi32, #tpu.memory_space<hbm>>
      %dma_wait3A_49 = tpu.memref_slice %arg4[%add3A_32] : memref<320000xi32, #tpu.memory_space<hbm>> -> memref<16xi32, #tpu.memory_space<hbm>>
      tpu.wait_dma2 semaphore(%run_scoped3A : memref<!tpu.dma_semaphore, #tpu.memory_space<semaphore_mem>>) src(%dma_wait3A_49 : memref<16xi32, #tpu.memory_space<hbm>>) dst(%arg11 : memref<16xi32, #tpu.memory_space<vmem>>)
      tpu.yield
    }) : () -> ()
    %dma_start3A_33 = arith.constant 0 : i32
    %dma_start3A_34 = arith.constant 0 : i32
    %dma_start3A_35 = tpu.memref_slice %arg2[%dma_start3A_33, %dma_start3A_34] : memref<10000x128xf32, #tpu.memory_space<hbm>> -> memref<10000x128xf32, #tpu.memory_space<hbm>>
    tpu.enqueue_indirect_dma source(%dma_start3A_35 : memref<10000x128xf32, #tpu.memory_space<hbm>>) target(%arg14 : memref<16x128xf32, #tpu.memory_space<vmem>>) offsets(%arg10 : memref<16xi32, #tpu.memory_space<vmem>>) semaphore(%arg17 : memref<!tpu.dma_semaphore, #tpu.memory_space<semaphore_mem>>)
    %dma_wait3A_36 = arith.constant 0 : i32
    %dma_wait3A_37 = arith.constant 0 : i32
    %dma_wait3A_38 = tpu.memref_slice %arg2[%dma_wait3A_36, %dma_wait3A_37] : memref<10000x128xf32, #tpu.memory_space<hbm>> -> memref<10000x128xf32, #tpu.memory_space<hbm>>
    tpu.wait_indirect_dma semaphore(%arg17 : memref<!tpu.dma_semaphore, #tpu.memory_space<semaphore_mem>>) src(%dma_wait3A_38 : memref<10000x128xf32, #tpu.memory_space<hbm>>) dst(%arg14 : memref<16x128xf32, #tpu.memory_space<vmem>>)
    "tpu.region"() ({
      %run_scoped3A = tpu.sem_alloc : memref<!tpu.dma_semaphore, #tpu.memory_space<semaphore_mem>>
      %dma_start3A_46 = arith.constant 0 : i32
      %dma_start3A_47 = arith.constant 0 : i32
      %dma_start3A_48 = tpu.memref_slice %arg16[%dma_start3A_46, %dma_start3A_47] : memref<10000x128xf32, #tpu.memory_space<vmem_shared>> -> memref<10000x128xf32, #tpu.memory_space<vmem_shared>>
      tpu.enqueue_indirect_dma source(%arg14 : memref<16x128xf32, #tpu.memory_space<vmem>>) target(%dma_start3A_48 : memref<10000x128xf32, #tpu.memory_space<vmem_shared>>) offsets(%arg11 : memref<16xi32, #tpu.memory_space<vmem>>) semaphore(%run_scoped3A : memref<!tpu.dma_semaphore, #tpu.memory_space<semaphore_mem>>) {add = true}
      %dma_wait3A_49 = arith.constant 0 : i32
      %dma_wait3A_50 = arith.constant 0 : i32
      %dma_wait3A_51 = tpu.memref_slice %arg16[%dma_wait3A_49, %dma_wait3A_50] : memref<10000x128xf32, #tpu.memory_space<vmem_shared>> -> memref<10000x128xf32, #tpu.memory_space<vmem_shared>>
      tpu.wait_indirect_dma semaphore(%run_scoped3A : memref<!tpu.dma_semaphore, #tpu.memory_space<semaphore_mem>>) src(%arg14 : memref<16x128xf32, #tpu.memory_space<vmem>>) dst(%dma_wait3A_51 : memref<10000x128xf32, #tpu.memory_space<vmem_shared>>)
      tpu.yield
    }) : () -> ()
    %barrier3A_39 = arith.constant 0 : index
    tpu.barrier barrier_id(%barrier3A_39)
    %lt3A = arith.constant 15 : i32
    %lt3A_40 = arith.cmpi slt, %arg1, %lt3A : i32
    %convert_element_type3A = arith.extui %lt3A_40 : i1 to i32
    %cond3A = arith.constant 0 : i32
    %cond3A_41 = arith.cmpi ne, %convert_element_type3A, %cond3A : i32
    scf.if %cond3A_41 {
      %mul3A_46 = arith.constant 640 : i32
      %mul3A_47 = arith.muli %arg1, %mul3A_46 : i32
      %mul3A_48 = arith.constant 10000 : i32
      %mul3A_49 = arith.muli %arg0, %mul3A_48 : i32
      %mul3A_50 = arith.constant 640 : i32
      %mul3A_51 = arith.muli %arg1, %mul3A_50 : i32
      %add3A_52 = arith.addi %mul3A_49, %mul3A_51 : i32
      "tpu.region"() ({
        %run_scoped3A = tpu.sem_alloc : memref<!tpu.dma_semaphore, #tpu.memory_space<semaphore_mem>>
        %dma_start3A_53 = arith.constant 0 : i32
        %dma_start3A_54 = tpu.memref_slice %arg5[%add3A_52, %dma_start3A_53] : memref<20000x128xf32, #tpu.memory_space<hbm>> -> memref<640x128xf32, #tpu.memory_space<hbm>>
        %dma_start3A_55 = arith.constant 0 : i32
        %dma_start3A_56 = tpu.memref_slice %arg16[%mul3A_47, %dma_start3A_55] : memref<10000x128xf32, #tpu.memory_space<vmem_shared>> -> memref<640x128xf32, #tpu.memory_space<vmem_shared>>
        tpu.enqueue_dma source(%dma_start3A_56 : memref<640x128xf32, #tpu.memory_space<vmem_shared>>) target(%dma_start3A_54 : memref<640x128xf32, #tpu.memory_space<hbm>>) target_semaphore(%run_scoped3A : memref<!tpu.dma_semaphore, #tpu.memory_space<semaphore_mem>>)
        %dma_wait3A_57 = arith.constant 0 : i32
        %dma_wait3A_58 = tpu.memref_slice %arg5[%add3A_52, %dma_wait3A_57] : memref<20000x128xf32, #tpu.memory_space<hbm>> -> memref<640x128xf32, #tpu.memory_space<hbm>>
        %dma_wait3A_59 = arith.constant 0 : i32
        %dma_wait3A_60 = tpu.memref_slice %arg16[%mul3A_47, %dma_wait3A_59] : memref<10000x128xf32, #tpu.memory_space<vmem_shared>> -> memref<640x128xf32, #tpu.memory_space<vmem_shared>>
        tpu.wait_dma2 semaphore(%run_scoped3A : memref<!tpu.dma_semaphore, #tpu.memory_space<semaphore_mem>>) src(%dma_wait3A_60 : memref<640x128xf32, #tpu.memory_space<vmem_shared>>) dst(%dma_wait3A_58 : memref<640x128xf32, #tpu.memory_space<hbm>>)
        tpu.yield
      }) : () -> ()
    } else {
    }
    %eq3A = arith.constant 15 : i32
    %eq3A_42 = arith.cmpi eq, %arg1, %eq3A : i32
    %convert_element_type3A_43 = arith.extui %eq3A_42 : i1 to i32
    %cond3A_44 = arith.constant 0 : i32
    %cond3A_45 = arith.cmpi ne, %convert_element_type3A_43, %cond3A_44 : i32
    scf.if %cond3A_45 {
      %mul3A_46 = arith.constant 10000 : i32
      %mul3A_47 = arith.muli %arg0, %mul3A_46 : i32
      %add3A_48 = arith.constant 9600 : i32
      %add3A_49 = arith.addi %mul3A_47, %add3A_48 : i32
      "tpu.region"() ({
        %run_scoped3A = tpu.sem_alloc : memref<!tpu.dma_semaphore, #tpu.memory_space<semaphore_mem>>
        %dma_start3A_50 = arith.constant 0 : i32
        %dma_start3A_51 = tpu.memref_slice %arg5[%add3A_49, %dma_start3A_50] : memref<20000x128xf32, #tpu.memory_space<hbm>> -> memref<400x128xf32, #tpu.memory_space<hbm>>
        %dma_start3A_52 = arith.constant 9600 : i32
        %dma_start3A_53 = arith.constant 0 : i32
        %dma_start3A_54 = tpu.memref_slice %arg16[%dma_start3A_52, %dma_start3A_53] : memref<10000x128xf32, #tpu.memory_space<vmem_shared>> -> memref<400x128xf32, #tpu.memory_space<vmem_shared>>
        tpu.enqueue_dma source(%dma_start3A_54 : memref<400x128xf32, #tpu.memory_space<vmem_shared>>) target(%dma_start3A_51 : memref<400x128xf32, #tpu.memory_space<hbm>>) target_semaphore(%run_scoped3A : memref<!tpu.dma_semaphore, #tpu.memory_space<semaphore_mem>>)
        %dma_wait3A_55 = arith.constant 0 : i32
        %dma_wait3A_56 = tpu.memref_slice %arg5[%add3A_49, %dma_wait3A_55] : memref<20000x128xf32, #tpu.memory_space<hbm>> -> memref<400x128xf32, #tpu.memory_space<hbm>>
        %dma_wait3A_57 = arith.constant 9600 : i32
        %dma_wait3A_58 = arith.constant 0 : i32
        %dma_wait3A_59 = tpu.memref_slice %arg16[%dma_wait3A_57, %dma_wait3A_58] : memref<10000x128xf32, #tpu.memory_space<vmem_shared>> -> memref<400x128xf32, #tpu.memory_space<vmem_shared>>
        tpu.wait_dma2 semaphore(%run_scoped3A : memref<!tpu.dma_semaphore, #tpu.memory_space<semaphore_mem>>) src(%dma_wait3A_59 : memref<400x128xf32, #tpu.memory_space<vmem_shared>>) dst(%dma_wait3A_56 : memref<400x128xf32, #tpu.memory_space<hbm>>)
        tpu.yield
      }) : () -> ()
    } else {
    }
    return
  }
}

#map = affine_map<(d0, d1) -> (0, 0)>
#map1 = affine_map<(d0, d1) -> (0)>
module attributes {stable_mosaic.version = 14 : i64} {
  func.func @_prop_sc(%arg0: i32, %arg1: i32, %arg2: memref<10000x128xf32, #tpu.memory_space<hbm>>, %arg3: memref<320000xi32, #tpu.memory_space<hbm>>, %arg4: memref<320000xi32, #tpu.memory_space<hbm>>, %arg5: memref<20000x128xf32, #tpu.memory_space<hbm>>, %arg6: memref<128xi32, #tpu.memory_space<vmem>>, %arg7: memref<128xi32, #tpu.memory_space<vmem>>, %arg8: memref<128xi32, #tpu.memory_space<vmem>>, %arg9: memref<128xi32, #tpu.memory_space<vmem>>, %arg10: memref<16xi32, #tpu.memory_space<vmem>>, %arg11: memref<16xi32, #tpu.memory_space<vmem>>, %arg12: memref<128x128xf32, #tpu.memory_space<vmem>>, %arg13: memref<128x128xf32, #tpu.memory_space<vmem>>, %arg14: memref<16x128xf32, #tpu.memory_space<vmem>>, %arg15: memref<25x128xf32, #tpu.memory_space<vmem>>, %arg16: memref<10000x128xf32, #tpu.memory_space<vmem_shared>>, %arg17: memref<!tpu.dma_semaphore, #tpu.memory_space<semaphore_mem>>, %arg18: memref<!tpu.dma_semaphore, #tpu.memory_space<semaphore_mem>>, %arg19: memref<!tpu.dma_semaphore, #tpu.memory_space<semaphore_mem>>) attributes {dimension_semantics = [#tpu.dimension_semantics<core_parallel>, #tpu.dimension_semantics<subcore_parallel>], iteration_bounds = array<i64: 2, 16>, scalar_prefetch = 0 : i64, scratch_operands = 14 : i64, tpu.core_type = #tpu.core_type<sc_vector_subcore>, window_params = [{transform_indices = #map}, {transform_indices = #map1}, {transform_indices = #map1}, {transform_indices = #map}]} {
    %mul3A = arith.constant 2 : i32
    %mul3A_0 = arith.muli %arg1, %mul3A : i32
    %add3A = arith.addi %mul3A_0, %arg0 : i32
    %broadcast_in_dim3A = arith.constant 0.000000e+00 : f32
    %broadcast_in_dim3A_1 = vector.broadcast %broadcast_in_dim3A : f32 to vector<16xf32>
    %scan3A = arith.constant 0 : i32
    %scan3A_2 = arith.constant 0 : i32
    %scan3A_3 = arith.constant 25 : i32
    %scan3A_4 = arith.addi %scan3A_2, %scan3A_3 : i32
    %scan3A_5 = arith.constant 1 : i32
    %scan3A_6 = scf.for %scan3A_46 = %scan3A_2 to %scan3A_4 step %scan3A_5 iter_args(%scan3A_47 = %scan3A) -> (i32)  : i32 {
      %swap3A = arith.index_cast %scan3A_46 : i32 to index
      %swap3A_48 = arith.constant 0 : index
      %swap3A_49 = tpu.vector_load %arg15[%swap3A, %swap3A_48] {strides = array<i32>} : memref<25x128xf32, #tpu.memory_space<vmem>>, vector<1x16xf32>,
      %swap3A_50 = vector.shape_cast %swap3A_49 : vector<1x16xf32> to vector<16xf32>
      %swap3A_51 = vector.shape_cast %broadcast_in_dim3A_1 : vector<16xf32> to vector<1x16xf32>
      tpu.vector_store %arg15[%swap3A, %swap3A_48], %swap3A_51 {strides = array<i32>} : memref<25x128xf32, #tpu.memory_space<vmem>>, vector<1x16xf32>,
      %swap3A_52 = arith.index_cast %scan3A_46 : i32 to index
      %swap3A_53 = arith.constant 16 : index
      %swap3A_54 = tpu.vector_load %arg15[%swap3A_52, %swap3A_53] {strides = array<i32>} : memref<25x128xf32, #tpu.memory_space<vmem>>, vector<1x16xf32>,
      %swap3A_55 = vector.shape_cast %swap3A_54 : vector<1x16xf32> to vector<16xf32>
      %swap3A_56 = vector.shape_cast %broadcast_in_dim3A_1 : vector<16xf32> to vector<1x16xf32>
      tpu.vector_store %arg15[%swap3A_52, %swap3A_53], %swap3A_56 {strides = array<i32>} : memref<25x128xf32, #tpu.memory_space<vmem>>, vector<1x16xf32>,
      %swap3A_57 = arith.index_cast %scan3A_46 : i32 to index
      %swap3A_58 = arith.constant 32 : index
      %swap3A_59 = tpu.vector_load %arg15[%swap3A_57, %swap3A_58] {strides = array<i32>} : memref<25x128xf32, #tpu.memory_space<vmem>>, vector<1x16xf32>,
      %swap3A_60 = vector.shape_cast %swap3A_59 : vector<1x16xf32> to vector<16xf32>
      %swap3A_61 = vector.shape_cast %broadcast_in_dim3A_1 : vector<16xf32> to vector<1x16xf32>
      tpu.vector_store %arg15[%swap3A_57, %swap3A_58], %swap3A_61 {strides = array<i32>} : memref<25x128xf32, #tpu.memory_space<vmem>>, vector<1x16xf32>,
      %swap3A_62 = arith.index_cast %scan3A_46 : i32 to index
      %swap3A_63 = arith.constant 48 : index
      %swap3A_64 = tpu.vector_load %arg15[%swap3A_62, %swap3A_63] {strides = array<i32>} : memref<25x128xf32, #tpu.memory_space<vmem>>, vector<1x16xf32>,
      %swap3A_65 = vector.shape_cast %swap3A_64 : vector<1x16xf32> to vector<16xf32>
      %swap3A_66 = vector.shape_cast %broadcast_in_dim3A_1 : vector<16xf32> to vector<1x16xf32>
      tpu.vector_store %arg15[%swap3A_62, %swap3A_63], %swap3A_66 {strides = array<i32>} : memref<25x128xf32, #tpu.memory_space<vmem>>, vector<1x16xf32>,
      %swap3A_67 = arith.index_cast %scan3A_46 : i32 to index
      %swap3A_68 = arith.constant 64 : index
      %swap3A_69 = tpu.vector_load %arg15[%swap3A_67, %swap3A_68] {strides = array<i32>} : memref<25x128xf32, #tpu.memory_space<vmem>>, vector<1x16xf32>,
      %swap3A_70 = vector.shape_cast %swap3A_69 : vector<1x16xf32> to vector<16xf32>
      %swap3A_71 = vector.shape_cast %broadcast_in_dim3A_1 : vector<16xf32> to vector<1x16xf32>
      tpu.vector_store %arg15[%swap3A_67, %swap3A_68], %swap3A_71 {strides = array<i32>} : memref<25x128xf32, #tpu.memory_space<vmem>>, vector<1x16xf32>,
      %swap3A_72 = arith.index_cast %scan3A_46 : i32 to index
      %swap3A_73 = arith.constant 80 : index
      %swap3A_74 = tpu.vector_load %arg15[%swap3A_72, %swap3A_73] {strides = array<i32>} : memref<25x128xf32, #tpu.memory_space<vmem>>, vector<1x16xf32>,
      %swap3A_75 = vector.shape_cast %swap3A_74 : vector<1x16xf32> to vector<16xf32>
      %swap3A_76 = vector.shape_cast %broadcast_in_dim3A_1 : vector<16xf32> to vector<1x16xf32>
      tpu.vector_store %arg15[%swap3A_72, %swap3A_73], %swap3A_76 {strides = array<i32>} : memref<25x128xf32, #tpu.memory_space<vmem>>, vector<1x16xf32>,
      %swap3A_77 = arith.index_cast %scan3A_46 : i32 to index
      %swap3A_78 = arith.constant 96 : index
      %swap3A_79 = tpu.vector_load %arg15[%swap3A_77, %swap3A_78] {strides = array<i32>} : memref<25x128xf32, #tpu.memory_space<vmem>>, vector<1x16xf32>,
      %swap3A_80 = vector.shape_cast %swap3A_79 : vector<1x16xf32> to vector<16xf32>
      %swap3A_81 = vector.shape_cast %broadcast_in_dim3A_1 : vector<16xf32> to vector<1x16xf32>
      tpu.vector_store %arg15[%swap3A_77, %swap3A_78], %swap3A_81 {strides = array<i32>} : memref<25x128xf32, #tpu.memory_space<vmem>>, vector<1x16xf32>,
      %swap3A_82 = arith.index_cast %scan3A_46 : i32 to index
      %swap3A_83 = arith.constant 112 : index
      %swap3A_84 = tpu.vector_load %arg15[%swap3A_82, %swap3A_83] {strides = array<i32>} : memref<25x128xf32, #tpu.memory_space<vmem>>, vector<1x16xf32>,
      %swap3A_85 = vector.shape_cast %swap3A_84 : vector<1x16xf32> to vector<16xf32>
      %swap3A_86 = vector.shape_cast %broadcast_in_dim3A_1 : vector<16xf32> to vector<1x16xf32>
      tpu.vector_store %arg15[%swap3A_82, %swap3A_83], %swap3A_86 {strides = array<i32>} : memref<25x128xf32, #tpu.memory_space<vmem>>, vector<1x16xf32>,
      %scan3A_87 = arith.constant 0 : i32
      scf.yield %scan3A_87 : i32
    }
    %scan3A_7 = arith.constant 25 : i32
    %scan3A_8 = arith.constant 0 : i32
    %scan3A_9 = arith.constant 0 : i32
    %scan3A_10 = arith.constant 25 : i32
    %scan3A_11 = arith.addi %scan3A_9, %scan3A_10 : i32
    %scan3A_12 = arith.constant 1 : i32
    %scan3A_13 = scf.for %scan3A_46 = %scan3A_9 to %scan3A_11 step %scan3A_12 iter_args(%scan3A_47 = %scan3A_8) -> (i32)  : i32 {
      %mul3A_48 = arith.constant 625 : i32
      %mul3A_49 = arith.muli %arg1, %mul3A_48 : i32
      %mul3A_50 = arith.constant 25 : i32
      %mul3A_51 = arith.muli %scan3A_46, %mul3A_50 : i32
      %add3A_52 = arith.addi %mul3A_49, %mul3A_51 : i32
      "tpu.region"() ({
        %run_scoped3A = tpu.sem_alloc : memref<!tpu.dma_semaphore, #tpu.memory_space<semaphore_mem>>
        %dma_start3A_54 = arith.constant 0 : i32
        %dma_start3A_55 = tpu.memref_slice %arg16[%add3A_52, %dma_start3A_54] : memref<10000x128xf32, #tpu.memory_space<vmem_shared>> -> memref<25x128xf32, #tpu.memory_space<vmem_shared>>
        %dma_start3A_56 = arith.constant 0 : i32
        %dma_start3A_57 = tpu.memref_slice %arg16[%add3A_52, %dma_start3A_56] : memref<10000x128xf32, #tpu.memory_space<vmem_shared>> -> memref<25x128xf32, #tpu.memory_space<vmem_shared>>
        tpu.enqueue_dma source(%arg15 : memref<25x128xf32, #tpu.memory_space<vmem>>) target(%dma_start3A_57 : memref<25x128xf32, #tpu.memory_space<vmem_shared>>) target_semaphore(%run_scoped3A : memref<!tpu.dma_semaphore, #tpu.memory_space<semaphore_mem>>)
        %dma_wait3A_58 = arith.constant 0 : i32
        %dma_wait3A_59 = tpu.memref_slice %arg16[%add3A_52, %dma_wait3A_58] : memref<10000x128xf32, #tpu.memory_space<vmem_shared>> -> memref<25x128xf32, #tpu.memory_space<vmem_shared>>
        %dma_wait3A_60 = arith.constant 0 : i32
        %dma_wait3A_61 = tpu.memref_slice %arg16[%add3A_52, %dma_wait3A_60] : memref<10000x128xf32, #tpu.memory_space<vmem_shared>> -> memref<25x128xf32, #tpu.memory_space<vmem_shared>>
        tpu.wait_dma2 semaphore(%run_scoped3A : memref<!tpu.dma_semaphore, #tpu.memory_space<semaphore_mem>>) src(%arg15 : memref<25x128xf32, #tpu.memory_space<vmem>>) dst(%dma_wait3A_61 : memref<25x128xf32, #tpu.memory_space<vmem_shared>>)
        tpu.yield
      }) : () -> ()
      %scan3A_53 = arith.constant 0 : i32
      scf.yield %scan3A_53 : i32
    }
    %scan3A_14 = arith.constant 25 : i32
    %barrier3A = arith.constant 0 : index
    tpu.barrier barrier_id(%barrier3A)
    %mul3A_15 = arith.constant 10000 : i32
    %mul3A_16 = arith.muli %add3A, %mul3A_15 : i32
    "tpu.region"() ({
      %run_scoped3A = tpu.sem_alloc : memref<!tpu.dma_semaphore, #tpu.memory_space<semaphore_mem>>
      %dma_start3A_46 = tpu.memref_slice %arg3[%mul3A_16] : memref<320000xi32, #tpu.memory_space<hbm>> -> memref<128xi32, #tpu.memory_space<hbm>>
      %dma_start3A_47 = tpu.memref_slice %arg3[%mul3A_16] : memref<320000xi32, #tpu.memory_space<hbm>> -> memref<128xi32, #tpu.memory_space<hbm>>
      tpu.enqueue_dma source(%dma_start3A_47 : memref<128xi32, #tpu.memory_space<hbm>>) target(%arg6 : memref<128xi32, #tpu.memory_space<vmem>>) target_semaphore(%run_scoped3A : memref<!tpu.dma_semaphore, #tpu.memory_space<semaphore_mem>>)
      %dma_wait3A_48 = tpu.memref_slice %arg3[%mul3A_16] : memref<320000xi32, #tpu.memory_space<hbm>> -> memref<128xi32, #tpu.memory_space<hbm>>
      %dma_wait3A_49 = tpu.memref_slice %arg3[%mul3A_16] : memref<320000xi32, #tpu.memory_space<hbm>> -> memref<128xi32, #tpu.memory_space<hbm>>
      tpu.wait_dma2 semaphore(%run_scoped3A : memref<!tpu.dma_semaphore, #tpu.memory_space<semaphore_mem>>) src(%dma_wait3A_49 : memref<128xi32, #tpu.memory_space<hbm>>) dst(%arg6 : memref<128xi32, #tpu.memory_space<vmem>>)
      tpu.yield
    }) : () -> ()
    "tpu.region"() ({
      %run_scoped3A = tpu.sem_alloc : memref<!tpu.dma_semaphore, #tpu.memory_space<semaphore_mem>>
      %dma_start3A_46 = tpu.memref_slice %arg4[%mul3A_16] : memref<320000xi32, #tpu.memory_space<hbm>> -> memref<128xi32, #tpu.memory_space<hbm>>
      %dma_start3A_47 = tpu.memref_slice %arg4[%mul3A_16] : memref<320000xi32, #tpu.memory_space<hbm>> -> memref<128xi32, #tpu.memory_space<hbm>>
      tpu.enqueue_dma source(%dma_start3A_47 : memref<128xi32, #tpu.memory_space<hbm>>) target(%arg8 : memref<128xi32, #tpu.memory_space<vmem>>) target_semaphore(%run_scoped3A : memref<!tpu.dma_semaphore, #tpu.memory_space<semaphore_mem>>)
      %dma_wait3A_48 = tpu.memref_slice %arg4[%mul3A_16] : memref<320000xi32, #tpu.memory_space<hbm>> -> memref<128xi32, #tpu.memory_space<hbm>>
      %dma_wait3A_49 = tpu.memref_slice %arg4[%mul3A_16] : memref<320000xi32, #tpu.memory_space<hbm>> -> memref<128xi32, #tpu.memory_space<hbm>>
      tpu.wait_dma2 semaphore(%run_scoped3A : memref<!tpu.dma_semaphore, #tpu.memory_space<semaphore_mem>>) src(%dma_wait3A_49 : memref<128xi32, #tpu.memory_space<hbm>>) dst(%arg8 : memref<128xi32, #tpu.memory_space<vmem>>)
      tpu.yield
    }) : () -> ()
    %dma_start3A = arith.constant 0 : i32
    %dma_start3A_17 = arith.constant 0 : i32
    %dma_start3A_18 = tpu.memref_slice %arg2[%dma_start3A, %dma_start3A_17] : memref<10000x128xf32, #tpu.memory_space<hbm>> -> memref<10000x128xf32, #tpu.memory_space<hbm>>
    tpu.enqueue_indirect_dma source(%dma_start3A_18 : memref<10000x128xf32, #tpu.memory_space<hbm>>) target(%arg12 : memref<128x128xf32, #tpu.memory_space<vmem>>) offsets(%arg6 : memref<128xi32, #tpu.memory_space<vmem>>) semaphore(%arg17 : memref<!tpu.dma_semaphore, #tpu.memory_space<semaphore_mem>>)
    %scan3A_19 = arith.constant 0 : i32
    %scan3A_20 = arith.constant 0 : i32
    %scan3A_21 = arith.constant 39 : i32
    %scan3A_22 = arith.addi %scan3A_20, %scan3A_21 : i32
    %scan3A_23 = arith.constant 1 : i32
    %scan3A_24 = scf.for %scan3A_46 = %scan3A_20 to %scan3A_22 step %scan3A_23 iter_args(%scan3A_47 = %scan3A_19) -> (i32)  : i32 {
      %mul3A_48 = arith.constant 2 : i32
      %mul3A_49 = arith.muli %mul3A_48, %scan3A_46 : i32
      %mul3A_50 = arith.constant 128 : i32
      %mul3A_51 = arith.muli %mul3A_49, %mul3A_50 : i32
      %add3A_52 = arith.addi %mul3A_16, %mul3A_51 : i32
      %add3A_53 = arith.constant 128 : i32
      %add3A_54 = arith.addi %add3A_52, %add3A_53 : i32
      "tpu.region"() ({
        %run_scoped3A = tpu.sem_alloc : memref<!tpu.dma_semaphore, #tpu.memory_space<semaphore_mem>>
        %dma_start3A_94 = tpu.memref_slice %arg3[%add3A_54] : memref<320000xi32, #tpu.memory_space<hbm>> -> memref<128xi32, #tpu.memory_space<hbm>>
        %dma_start3A_95 = tpu.memref_slice %arg3[%add3A_54] : memref<320000xi32, #tpu.memory_space<hbm>> -> memref<128xi32, #tpu.memory_space<hbm>>
        tpu.enqueue_dma source(%dma_start3A_95 : memref<128xi32, #tpu.memory_space<hbm>>) target(%arg7 : memref<128xi32, #tpu.memory_space<vmem>>) target_semaphore(%run_scoped3A : memref<!tpu.dma_semaphore, #tpu.memory_space<semaphore_mem>>)
        %dma_wait3A_96 = tpu.memref_slice %arg3[%add3A_54] : memref<320000xi32, #tpu.memory_space<hbm>> -> memref<128xi32, #tpu.memory_space<hbm>>
        %dma_wait3A_97 = tpu.memref_slice %arg3[%add3A_54] : memref<320000xi32, #tpu.memory_space<hbm>> -> memref<128xi32, #tpu.memory_space<hbm>>
        tpu.wait_dma2 semaphore(%run_scoped3A : memref<!tpu.dma_semaphore, #tpu.memory_space<semaphore_mem>>) src(%dma_wait3A_97 : memref<128xi32, #tpu.memory_space<hbm>>) dst(%arg7 : memref<128xi32, #tpu.memory_space<vmem>>)
        tpu.yield
      }) : () -> ()
      %add3A_55 = arith.constant 128 : i32
      %add3A_56 = arith.addi %add3A_52, %add3A_55 : i32
      "tpu.region"() ({
        %run_scoped3A = tpu.sem_alloc : memref<!tpu.dma_semaphore, #tpu.memory_space<semaphore_mem>>
        %dma_start3A_94 = tpu.memref_slice %arg4[%add3A_56] : memref<320000xi32, #tpu.memory_space<hbm>> -> memref<128xi32, #tpu.memory_space<hbm>>
        %dma_start3A_95 = tpu.memref_slice %arg4[%add3A_56] : memref<320000xi32, #tpu.memory_space<hbm>> -> memref<128xi32, #tpu.memory_space<hbm>>
        tpu.enqueue_dma source(%dma_start3A_95 : memref<128xi32, #tpu.memory_space<hbm>>) target(%arg9 : memref<128xi32, #tpu.memory_space<vmem>>) target_semaphore(%run_scoped3A : memref<!tpu.dma_semaphore, #tpu.memory_space<semaphore_mem>>)
        %dma_wait3A_96 = tpu.memref_slice %arg4[%add3A_56] : memref<320000xi32, #tpu.memory_space<hbm>> -> memref<128xi32, #tpu.memory_space<hbm>>
        %dma_wait3A_97 = tpu.memref_slice %arg4[%add3A_56] : memref<320000xi32, #tpu.memory_space<hbm>> -> memref<128xi32, #tpu.memory_space<hbm>>
        tpu.wait_dma2 semaphore(%run_scoped3A : memref<!tpu.dma_semaphore, #tpu.memory_space<semaphore_mem>>) src(%dma_wait3A_97 : memref<128xi32, #tpu.memory_space<hbm>>) dst(%arg9 : memref<128xi32, #tpu.memory_space<vmem>>)
        tpu.yield
      }) : () -> ()
      %dma_wait3A_57 = arith.constant 0 : i32
      %dma_wait3A_58 = arith.constant 0 : i32
      %dma_wait3A_59 = tpu.memref_slice %arg2[%dma_wait3A_57, %dma_wait3A_58] : memref<10000x128xf32, #tpu.memory_space<hbm>> -> memref<128x128xf32, #tpu.memory_space<hbm>>
      %dma_wait3A_60 = arith.constant 0 : i32
      %dma_wait3A_61 = arith.constant 0 : i32
      %dma_wait3A_62 = tpu.memref_slice %arg2[%dma_wait3A_60, %dma_wait3A_61] : memref<10000x128xf32, #tpu.memory_space<hbm>> -> memref<128x128xf32, #tpu.memory_space<hbm>>
      tpu.wait_dma2 semaphore(%arg17 : memref<!tpu.dma_semaphore, #tpu.memory_space<semaphore_mem>>) src(%dma_wait3A_62 : memref<128x128xf32, #tpu.memory_space<hbm>>) dst(%arg12 : memref<128x128xf32, #tpu.memory_space<vmem>>)
      %gt3A = arith.constant 0 : i32
      %gt3A_63 = arith.cmpi sgt, %scan3A_46, %gt3A : i32
      %convert_element_type3A_64 = arith.extui %gt3A_63 : i1 to i32
      %cond3A_65 = arith.constant 0 : i32
      %cond3A_66 = arith.cmpi ne, %convert_element_type3A_64, %cond3A_65 : i32
      scf.if %cond3A_66 {
        %dma_wait3A_94 = arith.constant 0 : i32
        %dma_wait3A_95 = arith.constant 0 : i32
        %dma_wait3A_96 = tpu.memref_slice %arg2[%dma_wait3A_94, %dma_wait3A_95] : memref<10000x128xf32, #tpu.memory_space<hbm>> -> memref<128x128xf32, #tpu.memory_space<hbm>>
        %dma_wait3A_97 = arith.constant 0 : i32
        %dma_wait3A_98 = arith.constant 0 : i32
        %dma_wait3A_99 = tpu.memref_slice %arg2[%dma_wait3A_97, %dma_wait3A_98] : memref<10000x128xf32, #tpu.memory_space<hbm>> -> memref<128x128xf32, #tpu.memory_space<hbm>>
        tpu.wait_dma2 semaphore(%arg19 : memref<!tpu.dma_semaphore, #tpu.memory_space<semaphore_mem>>) src(%dma_wait3A_99 : memref<128x128xf32, #tpu.memory_space<hbm>>) dst(%arg13 : memref<128x128xf32, #tpu.memory_space<vmem>>)
      } else {
      }
      %dma_start3A_67 = arith.constant 0 : i32
      %dma_start3A_68 = arith.constant 0 : i32
      %dma_start3A_69 = tpu.memref_slice %arg2[%dma_start3A_67, %dma_start3A_68] : memref<10000x128xf32, #tpu.memory_space<hbm>> -> memref<10000x128xf32, #tpu.memory_space<hbm>>
      tpu.enqueue_indirect_dma source(%dma_start3A_69 : memref<10000x128xf32, #tpu.memory_space<hbm>>) target(%arg13 : memref<128x128xf32, #tpu.memory_space<vmem>>) offsets(%arg7 : memref<128xi32, #tpu.memory_space<vmem>>) semaphore(%arg17 : memref<!tpu.dma_semaphore, #tpu.memory_space<semaphore_mem>>)
      %dma_start3A_70 = arith.constant 0 : i32
      %dma_start3A_71 = arith.constant 0 : i32
      %dma_start3A_72 = tpu.memref_slice %arg16[%dma_start3A_70, %dma_start3A_71] : memref<10000x128xf32, #tpu.memory_space<vmem_shared>> -> memref<10000x128xf32, #tpu.memory_space<vmem_shared>>
      tpu.enqueue_indirect_dma source(%arg12 : memref<128x128xf32, #tpu.memory_space<vmem>>) target(%dma_start3A_72 : memref<10000x128xf32, #tpu.memory_space<vmem_shared>>) offsets(%arg8 : memref<128xi32, #tpu.memory_space<vmem>>) semaphore(%arg18 : memref<!tpu.dma_semaphore, #tpu.memory_space<semaphore_mem>>) {add = true}
      %dma_wait3A_73 = arith.constant 0 : i32
      %dma_wait3A_74 = arith.constant 0 : i32
      %dma_wait3A_75 = tpu.memref_slice %arg2[%dma_wait3A_73, %dma_wait3A_74] : memref<10000x128xf32, #tpu.memory_space<hbm>> -> memref<128x128xf32, #tpu.memory_space<hbm>>
      %dma_wait3A_76 = arith.constant 0 : i32
      %dma_wait3A_77 = arith.constant 0 : i32
      %dma_wait3A_78 = tpu.memref_slice %arg2[%dma_wait3A_76, %dma_wait3A_77] : memref<10000x128xf32, #tpu.memory_space<hbm>> -> memref<128x128xf32, #tpu.memory_space<hbm>>
      tpu.wait_dma2 semaphore(%arg17 : memref<!tpu.dma_semaphore, #tpu.memory_space<semaphore_mem>>) src(%dma_wait3A_78 : memref<128x128xf32, #tpu.memory_space<hbm>>) dst(%arg13 : memref<128x128xf32, #tpu.memory_space<vmem>>)
      %dma_wait3A_79 = arith.constant 0 : i32
      %dma_wait3A_80 = arith.constant 0 : i32
      %dma_wait3A_81 = tpu.memref_slice %arg2[%dma_wait3A_79, %dma_wait3A_80] : memref<10000x128xf32, #tpu.memory_space<hbm>> -> memref<128x128xf32, #tpu.memory_space<hbm>>
      %dma_wait3A_82 = arith.constant 0 : i32
      %dma_wait3A_83 = arith.constant 0 : i32
      %dma_wait3A_84 = tpu.memref_slice %arg2[%dma_wait3A_82, %dma_wait3A_83] : memref<10000x128xf32, #tpu.memory_space<hbm>> -> memref<128x128xf32, #tpu.memory_space<hbm>>
      tpu.wait_dma2 semaphore(%arg18 : memref<!tpu.dma_semaphore, #tpu.memory_space<semaphore_mem>>) src(%dma_wait3A_84 : memref<128x128xf32, #tpu.memory_space<hbm>>) dst(%arg12 : memref<128x128xf32, #tpu.memory_space<vmem>>)
      %lt3A_85 = arith.constant 38 : i32
      %lt3A_86 = arith.cmpi slt, %scan3A_46, %lt3A_85 : i32
      %convert_element_type3A_87 = arith.extui %lt3A_86 : i1 to i32
      %cond3A_88 = arith.constant 0 : i32
      %cond3A_89 = arith.cmpi ne, %convert_element_type3A_87, %cond3A_88 : i32
      scf.if %cond3A_89 {
        %add3A_94 = arith.constant 256 : i32
        %add3A_95 = arith.addi %add3A_52, %add3A_94 : i32
        "tpu.region"() ({
          %run_scoped3A = tpu.sem_alloc : memref<!tpu.dma_semaphore, #tpu.memory_space<semaphore_mem>>
          %dma_start3A_99 = tpu.memref_slice %arg3[%add3A_95] : memref<320000xi32, #tpu.memory_space<hbm>> -> memref<128xi32, #tpu.memory_space<hbm>>
          %dma_start3A_100 = tpu.memref_slice %arg3[%add3A_95] : memref<320000xi32, #tpu.memory_space<hbm>> -> memref<128xi32, #tpu.memory_space<hbm>>
          tpu.enqueue_dma source(%dma_start3A_100 : memref<128xi32, #tpu.memory_space<hbm>>) target(%arg6 : memref<128xi32, #tpu.memory_space<vmem>>) target_semaphore(%run_scoped3A : memref<!tpu.dma_semaphore, #tpu.memory_space<semaphore_mem>>)
          %dma_wait3A_101 = tpu.memref_slice %arg3[%add3A_95] : memref<320000xi32, #tpu.memory_space<hbm>> -> memref<128xi32, #tpu.memory_space<hbm>>
          %dma_wait3A_102 = tpu.memref_slice %arg3[%add3A_95] : memref<320000xi32, #tpu.memory_space<hbm>> -> memref<128xi32, #tpu.memory_space<hbm>>
          tpu.wait_dma2 semaphore(%run_scoped3A : memref<!tpu.dma_semaphore, #tpu.memory_space<semaphore_mem>>) src(%dma_wait3A_102 : memref<128xi32, #tpu.memory_space<hbm>>) dst(%arg6 : memref<128xi32, #tpu.memory_space<vmem>>)
          tpu.yield
        }) : () -> ()
        "tpu.region"() ({
          %run_scoped3A = tpu.sem_alloc : memref<!tpu.dma_semaphore, #tpu.memory_space<semaphore_mem>>
          %dma_start3A_99 = tpu.memref_slice %arg4[%add3A_95] : memref<320000xi32, #tpu.memory_space<hbm>> -> memref<128xi32, #tpu.memory_space<hbm>>
          %dma_start3A_100 = tpu.memref_slice %arg4[%add3A_95] : memref<320000xi32, #tpu.memory_space<hbm>> -> memref<128xi32, #tpu.memory_space<hbm>>
          tpu.enqueue_dma source(%dma_start3A_100 : memref<128xi32, #tpu.memory_space<hbm>>) target(%arg8 : memref<128xi32, #tpu.memory_space<vmem>>) target_semaphore(%run_scoped3A : memref<!tpu.dma_semaphore, #tpu.memory_space<semaphore_mem>>)
          %dma_wait3A_101 = tpu.memref_slice %arg4[%add3A_95] : memref<320000xi32, #tpu.memory_space<hbm>> -> memref<128xi32, #tpu.memory_space<hbm>>
          %dma_wait3A_102 = tpu.memref_slice %arg4[%add3A_95] : memref<320000xi32, #tpu.memory_space<hbm>> -> memref<128xi32, #tpu.memory_space<hbm>>
          tpu.wait_dma2 semaphore(%run_scoped3A : memref<!tpu.dma_semaphore, #tpu.memory_space<semaphore_mem>>) src(%dma_wait3A_102 : memref<128xi32, #tpu.memory_space<hbm>>) dst(%arg8 : memref<128xi32, #tpu.memory_space<vmem>>)
          tpu.yield
        }) : () -> ()
        %dma_start3A_96 = arith.constant 0 : i32
        %dma_start3A_97 = arith.constant 0 : i32
        %dma_start3A_98 = tpu.memref_slice %arg2[%dma_start3A_96, %dma_start3A_97] : memref<10000x128xf32, #tpu.memory_space<hbm>> -> memref<10000x128xf32, #tpu.memory_space<hbm>>
        tpu.enqueue_indirect_dma source(%dma_start3A_98 : memref<10000x128xf32, #tpu.memory_space<hbm>>) target(%arg12 : memref<128x128xf32, #tpu.memory_space<vmem>>) offsets(%arg6 : memref<128xi32, #tpu.memory_space<vmem>>) semaphore(%arg17 : memref<!tpu.dma_semaphore, #tpu.memory_space<semaphore_mem>>)
      } else {
      }
      %dma_start3A_90 = arith.constant 0 : i32
      %dma_start3A_91 = arith.constant 0 : i32
      %dma_start3A_92 = tpu.memref_slice %arg16[%dma_start3A_90, %dma_start3A_91] : memref<10000x128xf32, #tpu.memory_space<vmem_shared>> -> memref<10000x128xf32, #tpu.memory_space<vmem_shared>>
      tpu.enqueue_indirect_dma source(%arg13 : memref<128x128xf32, #tpu.memory_space<vmem>>) target(%dma_start3A_92 : memref<10000x128xf32, #tpu.memory_space<vmem_shared>>) offsets(%arg9 : memref<128xi32, #tpu.memory_space<vmem>>) semaphore(%arg19 : memref<!tpu.dma_semaphore, #tpu.memory_space<semaphore_mem>>) {add = true}
      %scan3A_93 = arith.constant 0 : i32
      scf.yield %scan3A_93 : i32
    }
    %scan3A_25 = arith.constant 39 : i32
    %dma_wait3A = arith.constant 0 : i32
    %dma_wait3A_26 = arith.constant 0 : i32
    %dma_wait3A_27 = tpu.memref_slice %arg2[%dma_wait3A, %dma_wait3A_26] : memref<10000x128xf32, #tpu.memory_space<hbm>> -> memref<128x128xf32, #tpu.memory_space<hbm>>
    %dma_wait3A_28 = arith.constant 0 : i32
    %dma_wait3A_29 = arith.constant 0 : i32
    %dma_wait3A_30 = tpu.memref_slice %arg2[%dma_wait3A_28, %dma_wait3A_29] : memref<10000x128xf32, #tpu.memory_space<hbm>> -> memref<128x128xf32, #tpu.memory_space<hbm>>
    tpu.wait_dma2 semaphore(%arg19 : memref<!tpu.dma_semaphore, #tpu.memory_space<semaphore_mem>>) src(%dma_wait3A_30 : memref<128x128xf32, #tpu.memory_space<hbm>>) dst(%arg13 : memref<128x128xf32, #tpu.memory_space<vmem>>)
    %add3A_31 = arith.constant 9984 : i32
    %add3A_32 = arith.addi %mul3A_16, %add3A_31 : i32
    "tpu.region"() ({
      %run_scoped3A = tpu.sem_alloc : memref<!tpu.dma_semaphore, #tpu.memory_space<semaphore_mem>>
      %dma_start3A_46 = tpu.memref_slice %arg3[%add3A_32] : memref<320000xi32, #tpu.memory_space<hbm>> -> memref<16xi32, #tpu.memory_space<hbm>>
      %dma_start3A_47 = tpu.memref_slice %arg3[%add3A_32] : memref<320000xi32, #tpu.memory_space<hbm>> -> memref<16xi32, #tpu.memory_space<hbm>>
      tpu.enqueue_dma source(%dma_start3A_47 : memref<16xi32, #tpu.memory_space<hbm>>) target(%arg10 : memref<16xi32, #tpu.memory_space<vmem>>) target_semaphore(%run_scoped3A : memref<!tpu.dma_semaphore, #tpu.memory_space<semaphore_mem>>)
      %dma_wait3A_48 = tpu.memref_slice %arg3[%add3A_32] : memref<320000xi32, #tpu.memory_space<hbm>> -> memref<16xi32, #tpu.memory_space<hbm>>
      %dma_wait3A_49 = tpu.memref_slice %arg3[%add3A_32] : memref<320000xi32, #tpu.memory_space<hbm>> -> memref<16xi32, #tpu.memory_space<hbm>>
      tpu.wait_dma2 semaphore(%run_scoped3A : memref<!tpu.dma_semaphore, #tpu.memory_space<semaphore_mem>>) src(%dma_wait3A_49 : memref<16xi32, #tpu.memory_space<hbm>>) dst(%arg10 : memref<16xi32, #tpu.memory_space<vmem>>)
      tpu.yield
    }) : () -> ()
    "tpu.region"() ({
      %run_scoped3A = tpu.sem_alloc : memref<!tpu.dma_semaphore, #tpu.memory_space<semaphore_mem>>
      %dma_start3A_46 = tpu.memref_slice %arg4[%add3A_32] : memref<320000xi32, #tpu.memory_space<hbm>> -> memref<16xi32, #tpu.memory_space<hbm>>
      %dma_start3A_47 = tpu.memref_slice %arg4[%add3A_32] : memref<320000xi32, #tpu.memory_space<hbm>> -> memref<16xi32, #tpu.memory_space<hbm>>
      tpu.enqueue_dma source(%dma_start3A_47 : memref<16xi32, #tpu.memory_space<hbm>>) target(%arg11 : memref<16xi32, #tpu.memory_space<vmem>>) target_semaphore(%run_scoped3A : memref<!tpu.dma_semaphore, #tpu.memory_space<semaphore_mem>>)
      %dma_wait3A_48 = tpu.memref_slice %arg4[%add3A_32] : memref<320000xi32, #tpu.memory_space<hbm>> -> memref<16xi32, #tpu.memory_space<hbm>>
      %dma_wait3A_49 = tpu.memref_slice %arg4[%add3A_32] : memref<320000xi32, #tpu.memory_space<hbm>> -> memref<16xi32, #tpu.memory_space<hbm>>
      tpu.wait_dma2 semaphore(%run_scoped3A : memref<!tpu.dma_semaphore, #tpu.memory_space<semaphore_mem>>) src(%dma_wait3A_49 : memref<16xi32, #tpu.memory_space<hbm>>) dst(%arg11 : memref<16xi32, #tpu.memory_space<vmem>>)
      tpu.yield
    }) : () -> ()
    %dma_start3A_33 = arith.constant 0 : i32
    %dma_start3A_34 = arith.constant 0 : i32
    %dma_start3A_35 = tpu.memref_slice %arg2[%dma_start3A_33, %dma_start3A_34] : memref<10000x128xf32, #tpu.memory_space<hbm>> -> memref<10000x128xf32, #tpu.memory_space<hbm>>
    tpu.enqueue_indirect_dma source(%dma_start3A_35 : memref<10000x128xf32, #tpu.memory_space<hbm>>) target(%arg14 : memref<16x128xf32, #tpu.memory_space<vmem>>) offsets(%arg10 : memref<16xi32, #tpu.memory_space<vmem>>) semaphore(%arg17 : memref<!tpu.dma_semaphore, #tpu.memory_space<semaphore_mem>>)
    %dma_wait3A_36 = arith.constant 0 : i32
    %dma_wait3A_37 = arith.constant 0 : i32
    %dma_wait3A_38 = tpu.memref_slice %arg2[%dma_wait3A_36, %dma_wait3A_37] : memref<10000x128xf32, #tpu.memory_space<hbm>> -> memref<10000x128xf32, #tpu.memory_space<hbm>>
    tpu.wait_indirect_dma semaphore(%arg17 : memref<!tpu.dma_semaphore, #tpu.memory_space<semaphore_mem>>) src(%dma_wait3A_38 : memref<10000x128xf32, #tpu.memory_space<hbm>>) dst(%arg14 : memref<16x128xf32, #tpu.memory_space<vmem>>)
    "tpu.region"() ({
      %run_scoped3A = tpu.sem_alloc : memref<!tpu.dma_semaphore, #tpu.memory_space<semaphore_mem>>
      %dma_start3A_46 = arith.constant 0 : i32
      %dma_start3A_47 = arith.constant 0 : i32
      %dma_start3A_48 = tpu.memref_slice %arg16[%dma_start3A_46, %dma_start3A_47] : memref<10000x128xf32, #tpu.memory_space<vmem_shared>> -> memref<10000x128xf32, #tpu.memory_space<vmem_shared>>
      tpu.enqueue_indirect_dma source(%arg14 : memref<16x128xf32, #tpu.memory_space<vmem>>) target(%dma_start3A_48 : memref<10000x128xf32, #tpu.memory_space<vmem_shared>>) offsets(%arg11 : memref<16xi32, #tpu.memory_space<vmem>>) semaphore(%run_scoped3A : memref<!tpu.dma_semaphore, #tpu.memory_space<semaphore_mem>>) {add = true}
      %dma_wait3A_49 = arith.constant 0 : i32
      %dma_wait3A_50 = arith.constant 0 : i32
      %dma_wait3A_51 = tpu.memref_slice %arg16[%dma_wait3A_49, %dma_wait3A_50] : memref<10000x128xf32, #tpu.memory_space<vmem_shared>> -> memref<10000x128xf32, #tpu.memory_space<vmem_shared>>
      tpu.wait_indirect_dma semaphore(%run_scoped3A : memref<!tpu.dma_semaphore, #tpu.memory_space<semaphore_mem>>) src(%arg14 : memref<16x128xf32, #tpu.memory_space<vmem>>) dst(%dma_wait3A_51 : memref<10000x128xf32, #tpu.memory_space<vmem_shared>>)
      tpu.yield
    }) : () -> ()
    %barrier3A_39 = arith.constant 0 : index
    tpu.barrier barrier_id(%barrier3A_39)
    %lt3A = arith.constant 15 : i32
    %lt3A_40 = arith.cmpi slt, %arg1, %lt3A : i32
    %convert_element_type3A = arith.extui %lt3A_40 : i1 to i32
    %cond3A = arith.constant 0 : i32
    %cond3A_41 = arith.cmpi ne, %convert_element_type3A, %cond3A : i32
    scf.if %cond3A_41 {
      %mul3A_46 = arith.constant 640 : i32
      %mul3A_47 = arith.muli %arg1, %mul3A_46 : i32
      %mul3A_48 = arith.constant 10000 : i32
      %mul3A_49 = arith.muli %arg0, %mul3A_48 : i32
      %mul3A_50 = arith.constant 640 : i32
      %mul3A_51 = arith.muli %arg1, %mul3A_50 : i32
      %add3A_52 = arith.addi %mul3A_49, %mul3A_51 : i32
      "tpu.region"() ({
        %run_scoped3A = tpu.sem_alloc : memref<!tpu.dma_semaphore, #tpu.memory_space<semaphore_mem>>
        %dma_start3A_53 = arith.constant 0 : i32
        %dma_start3A_54 = tpu.memref_slice %arg5[%add3A_52, %dma_start3A_53] : memref<20000x128xf32, #tpu.memory_space<hbm>> -> memref<640x128xf32, #tpu.memory_space<hbm>>
        %dma_start3A_55 = arith.constant 0 : i32
        %dma_start3A_56 = tpu.memref_slice %arg16[%mul3A_47, %dma_start3A_55] : memref<10000x128xf32, #tpu.memory_space<vmem_shared>> -> memref<640x128xf32, #tpu.memory_space<vmem_shared>>
        tpu.enqueue_dma source(%dma_start3A_56 : memref<640x128xf32, #tpu.memory_space<vmem_shared>>) target(%dma_start3A_54 : memref<640x128xf32, #tpu.memory_space<hbm>>) target_semaphore(%run_scoped3A : memref<!tpu.dma_semaphore, #tpu.memory_space<semaphore_mem>>)
        %dma_wait3A_57 = arith.constant 0 : i32
        %dma_wait3A_58 = tpu.memref_slice %arg5[%add3A_52, %dma_wait3A_57] : memref<20000x128xf32, #tpu.memory_space<hbm>> -> memref<640x128xf32, #tpu.memory_space<hbm>>
        %dma_wait3A_59 = arith.constant 0 : i32
        %dma_wait3A_60 = tpu.memref_slice %arg16[%mul3A_47, %dma_wait3A_59] : memref<10000x128xf32, #tpu.memory_space<vmem_shared>> -> memref<640x128xf32, #tpu.memory_space<vmem_shared>>
        tpu.wait_dma2 semaphore(%run_scoped3A : memref<!tpu.dma_semaphore, #tpu.memory_space<semaphore_mem>>) src(%dma_wait3A_60 : memref<640x128xf32, #tpu.memory_space<vmem_shared>>) dst(%dma_wait3A_58 : memref<640x128xf32, #tpu.memory_space<hbm>>)
        tpu.yield
      }) : () -> ()
    } else {
    }
    %eq3A = arith.constant 15 : i32
    %eq3A_42 = arith.cmpi eq, %arg1, %eq3A : i32
    %convert_element_type3A_43 = arith.extui %eq3A_42 : i1 to i32
    %cond3A_44 = arith.constant 0 : i32
    %cond3A_45 = arith.cmpi ne, %convert_element_type3A_43, %cond3A_44 : i32
    scf.if %cond3A_45 {
      %mul3A_46 = arith.constant 10000 : i32
      %mul3A_47 = arith.muli %arg0, %mul3A_46 : i32
      %add3A_48 = arith.constant 9600 : i32
      %add3A_49 = arith.addi %mul3A_47, %add3A_48 : i32
      "tpu.region"() ({
        %run_scoped3A = tpu.sem_alloc : memref<!tpu.dma_semaphore, #tpu.memory_space<semaphore_mem>>
        %dma_start3A_50 = arith.constant 0 : i32
        %dma_start3A_51 = tpu.memref_slice %arg5[%add3A_49, %dma_start3A_50] : memref<20000x128xf32, #tpu.memory_space<hbm>> -> memref<400x128xf32, #tpu.memory_space<hbm>>
        %dma_start3A_52 = arith.constant 9600 : i32
        %dma_start3A_53 = arith.constant 0 : i32
        %dma_start3A_54 = tpu.memref_slice %arg16[%dma_start3A_52, %dma_start3A_53] : memref<10000x128xf32, #tpu.memory_space<vmem_shared>> -> memref<400x128xf32, #tpu.memory_space<vmem_shared>>
        tpu.enqueue_dma source(%dma_start3A_54 : memref<400x128xf32, #tpu.memory_space<vmem_shared>>) target(%dma_start3A_51 : memref<400x128xf32, #tpu.memory_space<hbm>>) target_semaphore(%run_scoped3A : memref<!tpu.dma_semaphore, #tpu.memory_space<semaphore_mem>>)
        %dma_wait3A_55 = arith.constant 0 : i32
        %dma_wait3A_56 = tpu.memref_slice %arg5[%add3A_49, %dma_wait3A_55] : memref<20000x128xf32, #tpu.memory_space<hbm>> -> memref<400x128xf32, #tpu.memory_space<hbm>>
        %dma_wait3A_57 = arith.constant 9600 : i32
        %dma_wait3A_58 = arith.constant 0 : i32
        %dma_wait3A_59 = tpu.memref_slice %arg16[%dma_wait3A_57, %dma_wait3A_58] : memref<10000x128xf32, #tpu.memory_space<vmem_shared>> -> memref<400x128xf32, #tpu.memory_space<vmem_shared>>
        tpu.wait_dma2 semaphore(%run_scoped3A : memref<!tpu.dma_semaphore, #tpu.memory_space<semaphore_mem>>) src(%dma_wait3A_59 : memref<400x128xf32, #tpu.memory_space<vmem_shared>>) dst(%dma_wait3A_56 : memref<400x128xf32, #tpu.memory_space<hbm>>)
        tpu.yield
      }) : () -> ()
    } else {
    }
    return
  }
}

#map = affine_map<(d0, d1) -> (0, 0)>
#map1 = affine_map<(d0, d1) -> (0)>
module attributes {stable_mosaic.version = 14 : i64} {
  func.func @_prop_sc(%arg0: i32, %arg1: i32, %arg2: memref<10000x128xf32, #tpu.memory_space<hbm>>, %arg3: memref<320000xi32, #tpu.memory_space<hbm>>, %arg4: memref<320000xi32, #tpu.memory_space<hbm>>, %arg5: memref<20000x128xf32, #tpu.memory_space<hbm>>, %arg6: memref<128xi32, #tpu.memory_space<vmem>>, %arg7: memref<128xi32, #tpu.memory_space<vmem>>, %arg8: memref<128xi32, #tpu.memory_space<vmem>>, %arg9: memref<128xi32, #tpu.memory_space<vmem>>, %arg10: memref<16xi32, #tpu.memory_space<vmem>>, %arg11: memref<16xi32, #tpu.memory_space<vmem>>, %arg12: memref<128x128xf32, #tpu.memory_space<vmem>>, %arg13: memref<128x128xf32, #tpu.memory_space<vmem>>, %arg14: memref<16x128xf32, #tpu.memory_space<vmem>>, %arg15: memref<25x128xf32, #tpu.memory_space<vmem>>, %arg16: memref<10000x128xf32, #tpu.memory_space<vmem_shared>>, %arg17: memref<!tpu.dma_semaphore, #tpu.memory_space<semaphore_mem>>, %arg18: memref<!tpu.dma_semaphore, #tpu.memory_space<semaphore_mem>>, %arg19: memref<!tpu.dma_semaphore, #tpu.memory_space<semaphore_mem>>) attributes {dimension_semantics = [#tpu.dimension_semantics<core_parallel>, #tpu.dimension_semantics<subcore_parallel>], iteration_bounds = array<i64: 2, 16>, scalar_prefetch = 0 : i64, scratch_operands = 14 : i64, tpu.core_type = #tpu.core_type<sc_vector_subcore>, window_params = [{transform_indices = #map}, {transform_indices = #map1}, {transform_indices = #map1}, {transform_indices = #map}]} {
    %mul3A = arith.constant 2 : i32
    %mul3A_0 = arith.muli %arg1, %mul3A : i32
    %add3A = arith.addi %mul3A_0, %arg0 : i32
    %broadcast_in_dim3A = arith.constant 0.000000e+00 : f32
    %broadcast_in_dim3A_1 = vector.broadcast %broadcast_in_dim3A : f32 to vector<16xf32>
    %scan3A = arith.constant 0 : i32
    %scan3A_2 = arith.constant 0 : i32
    %scan3A_3 = arith.constant 25 : i32
    %scan3A_4 = arith.addi %scan3A_2, %scan3A_3 : i32
    %scan3A_5 = arith.constant 1 : i32
    %scan3A_6 = scf.for %scan3A_46 = %scan3A_2 to %scan3A_4 step %scan3A_5 iter_args(%scan3A_47 = %scan3A) -> (i32)  : i32 {
      %swap3A = arith.index_cast %scan3A_46 : i32 to index
      %swap3A_48 = arith.constant 0 : index
      %swap3A_49 = tpu.vector_load %arg15[%swap3A, %swap3A_48] {strides = array<i32>} : memref<25x128xf32, #tpu.memory_space<vmem>>, vector<1x16xf32>,
      %swap3A_50 = vector.shape_cast %swap3A_49 : vector<1x16xf32> to vector<16xf32>
      %swap3A_51 = vector.shape_cast %broadcast_in_dim3A_1 : vector<16xf32> to vector<1x16xf32>
      tpu.vector_store %arg15[%swap3A, %swap3A_48], %swap3A_51 {strides = array<i32>} : memref<25x128xf32, #tpu.memory_space<vmem>>, vector<1x16xf32>,
      %swap3A_52 = arith.index_cast %scan3A_46 : i32 to index
      %swap3A_53 = arith.constant 16 : index
      %swap3A_54 = tpu.vector_load %arg15[%swap3A_52, %swap3A_53] {strides = array<i32>} : memref<25x128xf32, #tpu.memory_space<vmem>>, vector<1x16xf32>,
      %swap3A_55 = vector.shape_cast %swap3A_54 : vector<1x16xf32> to vector<16xf32>
      %swap3A_56 = vector.shape_cast %broadcast_in_dim3A_1 : vector<16xf32> to vector<1x16xf32>
      tpu.vector_store %arg15[%swap3A_52, %swap3A_53], %swap3A_56 {strides = array<i32>} : memref<25x128xf32, #tpu.memory_space<vmem>>, vector<1x16xf32>,
      %swap3A_57 = arith.index_cast %scan3A_46 : i32 to index
      %swap3A_58 = arith.constant 32 : index
      %swap3A_59 = tpu.vector_load %arg15[%swap3A_57, %swap3A_58] {strides = array<i32>} : memref<25x128xf32, #tpu.memory_space<vmem>>, vector<1x16xf32>,
      %swap3A_60 = vector.shape_cast %swap3A_59 : vector<1x16xf32> to vector<16xf32>
      %swap3A_61 = vector.shape_cast %broadcast_in_dim3A_1 : vector<16xf32> to vector<1x16xf32>
      tpu.vector_store %arg15[%swap3A_57, %swap3A_58], %swap3A_61 {strides = array<i32>} : memref<25x128xf32, #tpu.memory_space<vmem>>, vector<1x16xf32>,
      %swap3A_62 = arith.index_cast %scan3A_46 : i32 to index
      %swap3A_63 = arith.constant 48 : index
      %swap3A_64 = tpu.vector_load %arg15[%swap3A_62, %swap3A_63] {strides = array<i32>} : memref<25x128xf32, #tpu.memory_space<vmem>>, vector<1x16xf32>,
      %swap3A_65 = vector.shape_cast %swap3A_64 : vector<1x16xf32> to vector<16xf32>
      %swap3A_66 = vector.shape_cast %broadcast_in_dim3A_1 : vector<16xf32> to vector<1x16xf32>
      tpu.vector_store %arg15[%swap3A_62, %swap3A_63], %swap3A_66 {strides = array<i32>} : memref<25x128xf32, #tpu.memory_space<vmem>>, vector<1x16xf32>,
      %swap3A_67 = arith.index_cast %scan3A_46 : i32 to index
      %swap3A_68 = arith.constant 64 : index
      %swap3A_69 = tpu.vector_load %arg15[%swap3A_67, %swap3A_68] {strides = array<i32>} : memref<25x128xf32, #tpu.memory_space<vmem>>, vector<1x16xf32>,
      %swap3A_70 = vector.shape_cast %swap3A_69 : vector<1x16xf32> to vector<16xf32>
      %swap3A_71 = vector.shape_cast %broadcast_in_dim3A_1 : vector<16xf32> to vector<1x16xf32>
      tpu.vector_store %arg15[%swap3A_67, %swap3A_68], %swap3A_71 {strides = array<i32>} : memref<25x128xf32, #tpu.memory_space<vmem>>, vector<1x16xf32>,
      %swap3A_72 = arith.index_cast %scan3A_46 : i32 to index
      %swap3A_73 = arith.constant 80 : index
      %swap3A_74 = tpu.vector_load %arg15[%swap3A_72, %swap3A_73] {strides = array<i32>} : memref<25x128xf32, #tpu.memory_space<vmem>>, vector<1x16xf32>,
      %swap3A_75 = vector.shape_cast %swap3A_74 : vector<1x16xf32> to vector<16xf32>
      %swap3A_76 = vector.shape_cast %broadcast_in_dim3A_1 : vector<16xf32> to vector<1x16xf32>
      tpu.vector_store %arg15[%swap3A_72, %swap3A_73], %swap3A_76 {strides = array<i32>} : memref<25x128xf32, #tpu.memory_space<vmem>>, vector<1x16xf32>,
      %swap3A_77 = arith.index_cast %scan3A_46 : i32 to index
      %swap3A_78 = arith.constant 96 : index
      %swap3A_79 = tpu.vector_load %arg15[%swap3A_77, %swap3A_78] {strides = array<i32>} : memref<25x128xf32, #tpu.memory_space<vmem>>, vector<1x16xf32>,
      %swap3A_80 = vector.shape_cast %swap3A_79 : vector<1x16xf32> to vector<16xf32>
      %swap3A_81 = vector.shape_cast %broadcast_in_dim3A_1 : vector<16xf32> to vector<1x16xf32>
      tpu.vector_store %arg15[%swap3A_77, %swap3A_78], %swap3A_81 {strides = array<i32>} : memref<25x128xf32, #tpu.memory_space<vmem>>, vector<1x16xf32>,
      %swap3A_82 = arith.index_cast %scan3A_46 : i32 to index
      %swap3A_83 = arith.constant 112 : index
      %swap3A_84 = tpu.vector_load %arg15[%swap3A_82, %swap3A_83] {strides = array<i32>} : memref<25x128xf32, #tpu.memory_space<vmem>>, vector<1x16xf32>,
      %swap3A_85 = vector.shape_cast %swap3A_84 : vector<1x16xf32> to vector<16xf32>
      %swap3A_86 = vector.shape_cast %broadcast_in_dim3A_1 : vector<16xf32> to vector<1x16xf32>
      tpu.vector_store %arg15[%swap3A_82, %swap3A_83], %swap3A_86 {strides = array<i32>} : memref<25x128xf32, #tpu.memory_space<vmem>>, vector<1x16xf32>,
      %scan3A_87 = arith.constant 0 : i32
      scf.yield %scan3A_87 : i32
    }
    %scan3A_7 = arith.constant 25 : i32
    %scan3A_8 = arith.constant 0 : i32
    %scan3A_9 = arith.constant 0 : i32
    %scan3A_10 = arith.constant 25 : i32
    %scan3A_11 = arith.addi %scan3A_9, %scan3A_10 : i32
    %scan3A_12 = arith.constant 1 : i32
    %scan3A_13 = scf.for %scan3A_46 = %scan3A_9 to %scan3A_11 step %scan3A_12 iter_args(%scan3A_47 = %scan3A_8) -> (i32)  : i32 {
      %mul3A_48 = arith.constant 625 : i32
      %mul3A_49 = arith.muli %arg1, %mul3A_48 : i32
      %mul3A_50 = arith.constant 25 : i32
      %mul3A_51 = arith.muli %scan3A_46, %mul3A_50 : i32
      %add3A_52 = arith.addi %mul3A_49, %mul3A_51 : i32
      "tpu.region"() ({
        %run_scoped3A = tpu.sem_alloc : memref<!tpu.dma_semaphore, #tpu.memory_space<semaphore_mem>>
        %dma_start3A_54 = arith.constant 0 : i32
        %dma_start3A_55 = tpu.memref_slice %arg16[%add3A_52, %dma_start3A_54] : memref<10000x128xf32, #tpu.memory_space<vmem_shared>> -> memref<25x128xf32, #tpu.memory_space<vmem_shared>>
        %dma_start3A_56 = arith.constant 0 : i32
        %dma_start3A_57 = tpu.memref_slice %arg16[%add3A_52, %dma_start3A_56] : memref<10000x128xf32, #tpu.memory_space<vmem_shared>> -> memref<25x128xf32, #tpu.memory_space<vmem_shared>>
        tpu.enqueue_dma source(%arg15 : memref<25x128xf32, #tpu.memory_space<vmem>>) target(%dma_start3A_57 : memref<25x128xf32, #tpu.memory_space<vmem_shared>>) target_semaphore(%run_scoped3A : memref<!tpu.dma_semaphore, #tpu.memory_space<semaphore_mem>>)
        %dma_wait3A_58 = arith.constant 0 : i32
        %dma_wait3A_59 = tpu.memref_slice %arg16[%add3A_52, %dma_wait3A_58] : memref<10000x128xf32, #tpu.memory_space<vmem_shared>> -> memref<25x128xf32, #tpu.memory_space<vmem_shared>>
        %dma_wait3A_60 = arith.constant 0 : i32
        %dma_wait3A_61 = tpu.memref_slice %arg16[%add3A_52, %dma_wait3A_60] : memref<10000x128xf32, #tpu.memory_space<vmem_shared>> -> memref<25x128xf32, #tpu.memory_space<vmem_shared>>
        tpu.wait_dma2 semaphore(%run_scoped3A : memref<!tpu.dma_semaphore, #tpu.memory_space<semaphore_mem>>) src(%arg15 : memref<25x128xf32, #tpu.memory_space<vmem>>) dst(%dma_wait3A_61 : memref<25x128xf32, #tpu.memory_space<vmem_shared>>)
        tpu.yield
      }) : () -> ()
      %scan3A_53 = arith.constant 0 : i32
      scf.yield %scan3A_53 : i32
    }
    %scan3A_14 = arith.constant 25 : i32
    %barrier3A = arith.constant 0 : index
    tpu.barrier barrier_id(%barrier3A)
    %mul3A_15 = arith.constant 10000 : i32
    %mul3A_16 = arith.muli %add3A, %mul3A_15 : i32
    "tpu.region"() ({
      %run_scoped3A = tpu.sem_alloc : memref<!tpu.dma_semaphore, #tpu.memory_space<semaphore_mem>>
      %dma_start3A_46 = tpu.memref_slice %arg3[%mul3A_16] : memref<320000xi32, #tpu.memory_space<hbm>> -> memref<128xi32, #tpu.memory_space<hbm>>
      %dma_start3A_47 = tpu.memref_slice %arg3[%mul3A_16] : memref<320000xi32, #tpu.memory_space<hbm>> -> memref<128xi32, #tpu.memory_space<hbm>>
      tpu.enqueue_dma source(%dma_start3A_47 : memref<128xi32, #tpu.memory_space<hbm>>) target(%arg6 : memref<128xi32, #tpu.memory_space<vmem>>) target_semaphore(%run_scoped3A : memref<!tpu.dma_semaphore, #tpu.memory_space<semaphore_mem>>)
      %dma_wait3A_48 = tpu.memref_slice %arg3[%mul3A_16] : memref<320000xi32, #tpu.memory_space<hbm>> -> memref<128xi32, #tpu.memory_space<hbm>>
      %dma_wait3A_49 = tpu.memref_slice %arg3[%mul3A_16] : memref<320000xi32, #tpu.memory_space<hbm>> -> memref<128xi32, #tpu.memory_space<hbm>>
      tpu.wait_dma2 semaphore(%run_scoped3A : memref<!tpu.dma_semaphore, #tpu.memory_space<semaphore_mem>>) src(%dma_wait3A_49 : memref<128xi32, #tpu.memory_space<hbm>>) dst(%arg6 : memref<128xi32, #tpu.memory_space<vmem>>)
      tpu.yield
    }) : () -> ()
    "tpu.region"() ({
      %run_scoped3A = tpu.sem_alloc : memref<!tpu.dma_semaphore, #tpu.memory_space<semaphore_mem>>
      %dma_start3A_46 = tpu.memref_slice %arg4[%mul3A_16] : memref<320000xi32, #tpu.memory_space<hbm>> -> memref<128xi32, #tpu.memory_space<hbm>>
      %dma_start3A_47 = tpu.memref_slice %arg4[%mul3A_16] : memref<320000xi32, #tpu.memory_space<hbm>> -> memref<128xi32, #tpu.memory_space<hbm>>
      tpu.enqueue_dma source(%dma_start3A_47 : memref<128xi32, #tpu.memory_space<hbm>>) target(%arg8 : memref<128xi32, #tpu.memory_space<vmem>>) target_semaphore(%run_scoped3A : memref<!tpu.dma_semaphore, #tpu.memory_space<semaphore_mem>>)
      %dma_wait3A_48 = tpu.memref_slice %arg4[%mul3A_16] : memref<320000xi32, #tpu.memory_space<hbm>> -> memref<128xi32, #tpu.memory_space<hbm>>
      %dma_wait3A_49 = tpu.memref_slice %arg4[%mul3A_16] : memref<320000xi32, #tpu.memory_space<hbm>> -> memref<128xi32, #tpu.memory_space<hbm>>
      tpu.wait_dma2 semaphore(%run_scoped3A : memref<!tpu.dma_semaphore, #tpu.memory_space<semaphore_mem>>) src(%dma_wait3A_49 : memref<128xi32, #tpu.memory_space<hbm>>) dst(%arg8 : memref<128xi32, #tpu.memory_space<vmem>>)
      tpu.yield
    }) : () -> ()
    %dma_start3A = arith.constant 0 : i32
    %dma_start3A_17 = arith.constant 0 : i32
    %dma_start3A_18 = tpu.memref_slice %arg2[%dma_start3A, %dma_start3A_17] : memref<10000x128xf32, #tpu.memory_space<hbm>> -> memref<10000x128xf32, #tpu.memory_space<hbm>>
    tpu.enqueue_indirect_dma source(%dma_start3A_18 : memref<10000x128xf32, #tpu.memory_space<hbm>>) target(%arg12 : memref<128x128xf32, #tpu.memory_space<vmem>>) offsets(%arg6 : memref<128xi32, #tpu.memory_space<vmem>>) semaphore(%arg17 : memref<!tpu.dma_semaphore, #tpu.memory_space<semaphore_mem>>)
    %scan3A_19 = arith.constant 0 : i32
    %scan3A_20 = arith.constant 0 : i32
    %scan3A_21 = arith.constant 39 : i32
    %scan3A_22 = arith.addi %scan3A_20, %scan3A_21 : i32
    %scan3A_23 = arith.constant 1 : i32
    %scan3A_24 = scf.for %scan3A_46 = %scan3A_20 to %scan3A_22 step %scan3A_23 iter_args(%scan3A_47 = %scan3A_19) -> (i32)  : i32 {
      %mul3A_48 = arith.constant 2 : i32
      %mul3A_49 = arith.muli %mul3A_48, %scan3A_46 : i32
      %mul3A_50 = arith.constant 128 : i32
      %mul3A_51 = arith.muli %mul3A_49, %mul3A_50 : i32
      %add3A_52 = arith.addi %mul3A_16, %mul3A_51 : i32
      %add3A_53 = arith.constant 128 : i32
      %add3A_54 = arith.addi %add3A_52, %add3A_53 : i32
      "tpu.region"() ({
        %run_scoped3A = tpu.sem_alloc : memref<!tpu.dma_semaphore, #tpu.memory_space<semaphore_mem>>
        %dma_start3A_94 = tpu.memref_slice %arg3[%add3A_54] : memref<320000xi32, #tpu.memory_space<hbm>> -> memref<128xi32, #tpu.memory_space<hbm>>
        %dma_start3A_95 = tpu.memref_slice %arg3[%add3A_54] : memref<320000xi32, #tpu.memory_space<hbm>> -> memref<128xi32, #tpu.memory_space<hbm>>
        tpu.enqueue_dma source(%dma_start3A_95 : memref<128xi32, #tpu.memory_space<hbm>>) target(%arg7 : memref<128xi32, #tpu.memory_space<vmem>>) target_semaphore(%run_scoped3A : memref<!tpu.dma_semaphore, #tpu.memory_space<semaphore_mem>>)
        %dma_wait3A_96 = tpu.memref_slice %arg3[%add3A_54] : memref<320000xi32, #tpu.memory_space<hbm>> -> memref<128xi32, #tpu.memory_space<hbm>>
        %dma_wait3A_97 = tpu.memref_slice %arg3[%add3A_54] : memref<320000xi32, #tpu.memory_space<hbm>> -> memref<128xi32, #tpu.memory_space<hbm>>
        tpu.wait_dma2 semaphore(%run_scoped3A : memref<!tpu.dma_semaphore, #tpu.memory_space<semaphore_mem>>) src(%dma_wait3A_97 : memref<128xi32, #tpu.memory_space<hbm>>) dst(%arg7 : memref<128xi32, #tpu.memory_space<vmem>>)
        tpu.yield
      }) : () -> ()
      %add3A_55 = arith.constant 128 : i32
      %add3A_56 = arith.addi %add3A_52, %add3A_55 : i32
      "tpu.region"() ({
        %run_scoped3A = tpu.sem_alloc : memref<!tpu.dma_semaphore, #tpu.memory_space<semaphore_mem>>
        %dma_start3A_94 = tpu.memref_slice %arg4[%add3A_56] : memref<320000xi32, #tpu.memory_space<hbm>> -> memref<128xi32, #tpu.memory_space<hbm>>
        %dma_start3A_95 = tpu.memref_slice %arg4[%add3A_56] : memref<320000xi32, #tpu.memory_space<hbm>> -> memref<128xi32, #tpu.memory_space<hbm>>
        tpu.enqueue_dma source(%dma_start3A_95 : memref<128xi32, #tpu.memory_space<hbm>>) target(%arg9 : memref<128xi32, #tpu.memory_space<vmem>>) target_semaphore(%run_scoped3A : memref<!tpu.dma_semaphore, #tpu.memory_space<semaphore_mem>>)
        %dma_wait3A_96 = tpu.memref_slice %arg4[%add3A_56] : memref<320000xi32, #tpu.memory_space<hbm>> -> memref<128xi32, #tpu.memory_space<hbm>>
        %dma_wait3A_97 = tpu.memref_slice %arg4[%add3A_56] : memref<320000xi32, #tpu.memory_space<hbm>> -> memref<128xi32, #tpu.memory_space<hbm>>
        tpu.wait_dma2 semaphore(%run_scoped3A : memref<!tpu.dma_semaphore, #tpu.memory_space<semaphore_mem>>) src(%dma_wait3A_97 : memref<128xi32, #tpu.memory_space<hbm>>) dst(%arg9 : memref<128xi32, #tpu.memory_space<vmem>>)
        tpu.yield
      }) : () -> ()
      %dma_wait3A_57 = arith.constant 0 : i32
      %dma_wait3A_58 = arith.constant 0 : i32
      %dma_wait3A_59 = tpu.memref_slice %arg2[%dma_wait3A_57, %dma_wait3A_58] : memref<10000x128xf32, #tpu.memory_space<hbm>> -> memref<128x128xf32, #tpu.memory_space<hbm>>
      %dma_wait3A_60 = arith.constant 0 : i32
      %dma_wait3A_61 = arith.constant 0 : i32
      %dma_wait3A_62 = tpu.memref_slice %arg2[%dma_wait3A_60, %dma_wait3A_61] : memref<10000x128xf32, #tpu.memory_space<hbm>> -> memref<128x128xf32, #tpu.memory_space<hbm>>
      tpu.wait_dma2 semaphore(%arg17 : memref<!tpu.dma_semaphore, #tpu.memory_space<semaphore_mem>>) src(%dma_wait3A_62 : memref<128x128xf32, #tpu.memory_space<hbm>>) dst(%arg12 : memref<128x128xf32, #tpu.memory_space<vmem>>)
      %gt3A = arith.constant 0 : i32
      %gt3A_63 = arith.cmpi sgt, %scan3A_46, %gt3A : i32
      %convert_element_type3A_64 = arith.extui %gt3A_63 : i1 to i32
      %cond3A_65 = arith.constant 0 : i32
      %cond3A_66 = arith.cmpi ne, %convert_element_type3A_64, %cond3A_65 : i32
      scf.if %cond3A_66 {
        %dma_wait3A_94 = arith.constant 0 : i32
        %dma_wait3A_95 = arith.constant 0 : i32
        %dma_wait3A_96 = tpu.memref_slice %arg2[%dma_wait3A_94, %dma_wait3A_95] : memref<10000x128xf32, #tpu.memory_space<hbm>> -> memref<128x128xf32, #tpu.memory_space<hbm>>
        %dma_wait3A_97 = arith.constant 0 : i32
        %dma_wait3A_98 = arith.constant 0 : i32
        %dma_wait3A_99 = tpu.memref_slice %arg2[%dma_wait3A_97, %dma_wait3A_98] : memref<10000x128xf32, #tpu.memory_space<hbm>> -> memref<128x128xf32, #tpu.memory_space<hbm>>
        tpu.wait_dma2 semaphore(%arg19 : memref<!tpu.dma_semaphore, #tpu.memory_space<semaphore_mem>>) src(%dma_wait3A_99 : memref<128x128xf32, #tpu.memory_space<hbm>>) dst(%arg13 : memref<128x128xf32, #tpu.memory_space<vmem>>)
      } else {
      }
      %dma_start3A_67 = arith.constant 0 : i32
      %dma_start3A_68 = arith.constant 0 : i32
      %dma_start3A_69 = tpu.memref_slice %arg2[%dma_start3A_67, %dma_start3A_68] : memref<10000x128xf32, #tpu.memory_space<hbm>> -> memref<10000x128xf32, #tpu.memory_space<hbm>>
      tpu.enqueue_indirect_dma source(%dma_start3A_69 : memref<10000x128xf32, #tpu.memory_space<hbm>>) target(%arg13 : memref<128x128xf32, #tpu.memory_space<vmem>>) offsets(%arg7 : memref<128xi32, #tpu.memory_space<vmem>>) semaphore(%arg17 : memref<!tpu.dma_semaphore, #tpu.memory_space<semaphore_mem>>)
      %dma_start3A_70 = arith.constant 0 : i32
      %dma_start3A_71 = arith.constant 0 : i32
      %dma_start3A_72 = tpu.memref_slice %arg16[%dma_start3A_70, %dma_start3A_71] : memref<10000x128xf32, #tpu.memory_space<vmem_shared>> -> memref<10000x128xf32, #tpu.memory_space<vmem_shared>>
      tpu.enqueue_indirect_dma source(%arg12 : memref<128x128xf32, #tpu.memory_space<vmem>>) target(%dma_start3A_72 : memref<10000x128xf32, #tpu.memory_space<vmem_shared>>) offsets(%arg8 : memref<128xi32, #tpu.memory_space<vmem>>) semaphore(%arg18 : memref<!tpu.dma_semaphore, #tpu.memory_space<semaphore_mem>>) {add = true}
      %dma_wait3A_73 = arith.constant 0 : i32
      %dma_wait3A_74 = arith.constant 0 : i32
      %dma_wait3A_75 = tpu.memref_slice %arg2[%dma_wait3A_73, %dma_wait3A_74] : memref<10000x128xf32, #tpu.memory_space<hbm>> -> memref<128x128xf32, #tpu.memory_space<hbm>>
      %dma_wait3A_76 = arith.constant 0 : i32
      %dma_wait3A_77 = arith.constant 0 : i32
      %dma_wait3A_78 = tpu.memref_slice %arg2[%dma_wait3A_76, %dma_wait3A_77] : memref<10000x128xf32, #tpu.memory_space<hbm>> -> memref<128x128xf32, #tpu.memory_space<hbm>>
      tpu.wait_dma2 semaphore(%arg17 : memref<!tpu.dma_semaphore, #tpu.memory_space<semaphore_mem>>) src(%dma_wait3A_78 : memref<128x128xf32, #tpu.memory_space<hbm>>) dst(%arg13 : memref<128x128xf32, #tpu.memory_space<vmem>>)
      %dma_wait3A_79 = arith.constant 0 : i32
      %dma_wait3A_80 = arith.constant 0 : i32
      %dma_wait3A_81 = tpu.memref_slice %arg2[%dma_wait3A_79, %dma_wait3A_80] : memref<10000x128xf32, #tpu.memory_space<hbm>> -> memref<128x128xf32, #tpu.memory_space<hbm>>
      %dma_wait3A_82 = arith.constant 0 : i32
      %dma_wait3A_83 = arith.constant 0 : i32
      %dma_wait3A_84 = tpu.memref_slice %arg2[%dma_wait3A_82, %dma_wait3A_83] : memref<10000x128xf32, #tpu.memory_space<hbm>> -> memref<128x128xf32, #tpu.memory_space<hbm>>
      tpu.wait_dma2 semaphore(%arg18 : memref<!tpu.dma_semaphore, #tpu.memory_space<semaphore_mem>>) src(%dma_wait3A_84 : memref<128x128xf32, #tpu.memory_space<hbm>>) dst(%arg12 : memref<128x128xf32, #tpu.memory_space<vmem>>)
      %lt3A_85 = arith.constant 38 : i32
      %lt3A_86 = arith.cmpi slt, %scan3A_46, %lt3A_85 : i32
      %convert_element_type3A_87 = arith.extui %lt3A_86 : i1 to i32
      %cond3A_88 = arith.constant 0 : i32
      %cond3A_89 = arith.cmpi ne, %convert_element_type3A_87, %cond3A_88 : i32
      scf.if %cond3A_89 {
        %add3A_94 = arith.constant 256 : i32
        %add3A_95 = arith.addi %add3A_52, %add3A_94 : i32
        "tpu.region"() ({
          %run_scoped3A = tpu.sem_alloc : memref<!tpu.dma_semaphore, #tpu.memory_space<semaphore_mem>>
          %dma_start3A_99 = tpu.memref_slice %arg3[%add3A_95] : memref<320000xi32, #tpu.memory_space<hbm>> -> memref<128xi32, #tpu.memory_space<hbm>>
          %dma_start3A_100 = tpu.memref_slice %arg3[%add3A_95] : memref<320000xi32, #tpu.memory_space<hbm>> -> memref<128xi32, #tpu.memory_space<hbm>>
          tpu.enqueue_dma source(%dma_start3A_100 : memref<128xi32, #tpu.memory_space<hbm>>) target(%arg6 : memref<128xi32, #tpu.memory_space<vmem>>) target_semaphore(%run_scoped3A : memref<!tpu.dma_semaphore, #tpu.memory_space<semaphore_mem>>)
          %dma_wait3A_101 = tpu.memref_slice %arg3[%add3A_95] : memref<320000xi32, #tpu.memory_space<hbm>> -> memref<128xi32, #tpu.memory_space<hbm>>
          %dma_wait3A_102 = tpu.memref_slice %arg3[%add3A_95] : memref<320000xi32, #tpu.memory_space<hbm>> -> memref<128xi32, #tpu.memory_space<hbm>>
          tpu.wait_dma2 semaphore(%run_scoped3A : memref<!tpu.dma_semaphore, #tpu.memory_space<semaphore_mem>>) src(%dma_wait3A_102 : memref<128xi32, #tpu.memory_space<hbm>>) dst(%arg6 : memref<128xi32, #tpu.memory_space<vmem>>)
          tpu.yield
        }) : () -> ()
        "tpu.region"() ({
          %run_scoped3A = tpu.sem_alloc : memref<!tpu.dma_semaphore, #tpu.memory_space<semaphore_mem>>
          %dma_start3A_99 = tpu.memref_slice %arg4[%add3A_95] : memref<320000xi32, #tpu.memory_space<hbm>> -> memref<128xi32, #tpu.memory_space<hbm>>
          %dma_start3A_100 = tpu.memref_slice %arg4[%add3A_95] : memref<320000xi32, #tpu.memory_space<hbm>> -> memref<128xi32, #tpu.memory_space<hbm>>
          tpu.enqueue_dma source(%dma_start3A_100 : memref<128xi32, #tpu.memory_space<hbm>>) target(%arg8 : memref<128xi32, #tpu.memory_space<vmem>>) target_semaphore(%run_scoped3A : memref<!tpu.dma_semaphore, #tpu.memory_space<semaphore_mem>>)
          %dma_wait3A_101 = tpu.memref_slice %arg4[%add3A_95] : memref<320000xi32, #tpu.memory_space<hbm>> -> memref<128xi32, #tpu.memory_space<hbm>>
          %dma_wait3A_102 = tpu.memref_slice %arg4[%add3A_95] : memref<320000xi32, #tpu.memory_space<hbm>> -> memref<128xi32, #tpu.memory_space<hbm>>
          tpu.wait_dma2 semaphore(%run_scoped3A : memref<!tpu.dma_semaphore, #tpu.memory_space<semaphore_mem>>) src(%dma_wait3A_102 : memref<128xi32, #tpu.memory_space<hbm>>) dst(%arg8 : memref<128xi32, #tpu.memory_space<vmem>>)
          tpu.yield
        }) : () -> ()
        %dma_start3A_96 = arith.constant 0 : i32
        %dma_start3A_97 = arith.constant 0 : i32
        %dma_start3A_98 = tpu.memref_slice %arg2[%dma_start3A_96, %dma_start3A_97] : memref<10000x128xf32, #tpu.memory_space<hbm>> -> memref<10000x128xf32, #tpu.memory_space<hbm>>
        tpu.enqueue_indirect_dma source(%dma_start3A_98 : memref<10000x128xf32, #tpu.memory_space<hbm>>) target(%arg12 : memref<128x128xf32, #tpu.memory_space<vmem>>) offsets(%arg6 : memref<128xi32, #tpu.memory_space<vmem>>) semaphore(%arg17 : memref<!tpu.dma_semaphore, #tpu.memory_space<semaphore_mem>>)
      } else {
      }
      %dma_start3A_90 = arith.constant 0 : i32
      %dma_start3A_91 = arith.constant 0 : i32
      %dma_start3A_92 = tpu.memref_slice %arg16[%dma_start3A_90, %dma_start3A_91] : memref<10000x128xf32, #tpu.memory_space<vmem_shared>> -> memref<10000x128xf32, #tpu.memory_space<vmem_shared>>
      tpu.enqueue_indirect_dma source(%arg13 : memref<128x128xf32, #tpu.memory_space<vmem>>) target(%dma_start3A_92 : memref<10000x128xf32, #tpu.memory_space<vmem_shared>>) offsets(%arg9 : memref<128xi32, #tpu.memory_space<vmem>>) semaphore(%arg19 : memref<!tpu.dma_semaphore, #tpu.memory_space<semaphore_mem>>) {add = true}
      %scan3A_93 = arith.constant 0 : i32
      scf.yield %scan3A_93 : i32
    }
    %scan3A_25 = arith.constant 39 : i32
    %dma_wait3A = arith.constant 0 : i32
    %dma_wait3A_26 = arith.constant 0 : i32
    %dma_wait3A_27 = tpu.memref_slice %arg2[%dma_wait3A, %dma_wait3A_26] : memref<10000x128xf32, #tpu.memory_space<hbm>> -> memref<128x128xf32, #tpu.memory_space<hbm>>
    %dma_wait3A_28 = arith.constant 0 : i32
    %dma_wait3A_29 = arith.constant 0 : i32
    %dma_wait3A_30 = tpu.memref_slice %arg2[%dma_wait3A_28, %dma_wait3A_29] : memref<10000x128xf32, #tpu.memory_space<hbm>> -> memref<128x128xf32, #tpu.memory_space<hbm>>
    tpu.wait_dma2 semaphore(%arg19 : memref<!tpu.dma_semaphore, #tpu.memory_space<semaphore_mem>>) src(%dma_wait3A_30 : memref<128x128xf32, #tpu.memory_space<hbm>>) dst(%arg13 : memref<128x128xf32, #tpu.memory_space<vmem>>)
    %add3A_31 = arith.constant 9984 : i32
    %add3A_32 = arith.addi %mul3A_16, %add3A_31 : i32
    "tpu.region"() ({
      %run_scoped3A = tpu.sem_alloc : memref<!tpu.dma_semaphore, #tpu.memory_space<semaphore_mem>>
      %dma_start3A_46 = tpu.memref_slice %arg3[%add3A_32] : memref<320000xi32, #tpu.memory_space<hbm>> -> memref<16xi32, #tpu.memory_space<hbm>>
      %dma_start3A_47 = tpu.memref_slice %arg3[%add3A_32] : memref<320000xi32, #tpu.memory_space<hbm>> -> memref<16xi32, #tpu.memory_space<hbm>>
      tpu.enqueue_dma source(%dma_start3A_47 : memref<16xi32, #tpu.memory_space<hbm>>) target(%arg10 : memref<16xi32, #tpu.memory_space<vmem>>) target_semaphore(%run_scoped3A : memref<!tpu.dma_semaphore, #tpu.memory_space<semaphore_mem>>)
      %dma_wait3A_48 = tpu.memref_slice %arg3[%add3A_32] : memref<320000xi32, #tpu.memory_space<hbm>> -> memref<16xi32, #tpu.memory_space<hbm>>
      %dma_wait3A_49 = tpu.memref_slice %arg3[%add3A_32] : memref<320000xi32, #tpu.memory_space<hbm>> -> memref<16xi32, #tpu.memory_space<hbm>>
      tpu.wait_dma2 semaphore(%run_scoped3A : memref<!tpu.dma_semaphore, #tpu.memory_space<semaphore_mem>>) src(%dma_wait3A_49 : memref<16xi32, #tpu.memory_space<hbm>>) dst(%arg10 : memref<16xi32, #tpu.memory_space<vmem>>)
      tpu.yield
    }) : () -> ()
    "tpu.region"() ({
      %run_scoped3A = tpu.sem_alloc : memref<!tpu.dma_semaphore, #tpu.memory_space<semaphore_mem>>
      %dma_start3A_46 = tpu.memref_slice %arg4[%add3A_32] : memref<320000xi32, #tpu.memory_space<hbm>> -> memref<16xi32, #tpu.memory_space<hbm>>
      %dma_start3A_47 = tpu.memref_slice %arg4[%add3A_32] : memref<320000xi32, #tpu.memory_space<hbm>> -> memref<16xi32, #tpu.memory_space<hbm>>
      tpu.enqueue_dma source(%dma_start3A_47 : memref<16xi32, #tpu.memory_space<hbm>>) target(%arg11 : memref<16xi32, #tpu.memory_space<vmem>>) target_semaphore(%run_scoped3A : memref<!tpu.dma_semaphore, #tpu.memory_space<semaphore_mem>>)
      %dma_wait3A_48 = tpu.memref_slice %arg4[%add3A_32] : memref<320000xi32, #tpu.memory_space<hbm>> -> memref<16xi32, #tpu.memory_space<hbm>>
      %dma_wait3A_49 = tpu.memref_slice %arg4[%add3A_32] : memref<320000xi32, #tpu.memory_space<hbm>> -> memref<16xi32, #tpu.memory_space<hbm>>
      tpu.wait_dma2 semaphore(%run_scoped3A : memref<!tpu.dma_semaphore, #tpu.memory_space<semaphore_mem>>) src(%dma_wait3A_49 : memref<16xi32, #tpu.memory_space<hbm>>) dst(%arg11 : memref<16xi32, #tpu.memory_space<vmem>>)
      tpu.yield
    }) : () -> ()
    %dma_start3A_33 = arith.constant 0 : i32
    %dma_start3A_34 = arith.constant 0 : i32
    %dma_start3A_35 = tpu.memref_slice %arg2[%dma_start3A_33, %dma_start3A_34] : memref<10000x128xf32, #tpu.memory_space<hbm>> -> memref<10000x128xf32, #tpu.memory_space<hbm>>
    tpu.enqueue_indirect_dma source(%dma_start3A_35 : memref<10000x128xf32, #tpu.memory_space<hbm>>) target(%arg14 : memref<16x128xf32, #tpu.memory_space<vmem>>) offsets(%arg10 : memref<16xi32, #tpu.memory_space<vmem>>) semaphore(%arg17 : memref<!tpu.dma_semaphore, #tpu.memory_space<semaphore_mem>>)
    %dma_wait3A_36 = arith.constant 0 : i32
    %dma_wait3A_37 = arith.constant 0 : i32
    %dma_wait3A_38 = tpu.memref_slice %arg2[%dma_wait3A_36, %dma_wait3A_37] : memref<10000x128xf32, #tpu.memory_space<hbm>> -> memref<10000x128xf32, #tpu.memory_space<hbm>>
    tpu.wait_indirect_dma semaphore(%arg17 : memref<!tpu.dma_semaphore, #tpu.memory_space<semaphore_mem>>) src(%dma_wait3A_38 : memref<10000x128xf32, #tpu.memory_space<hbm>>) dst(%arg14 : memref<16x128xf32, #tpu.memory_space<vmem>>)
    "tpu.region"() ({
      %run_scoped3A = tpu.sem_alloc : memref<!tpu.dma_semaphore, #tpu.memory_space<semaphore_mem>>
      %dma_start3A_46 = arith.constant 0 : i32
      %dma_start3A_47 = arith.constant 0 : i32
      %dma_start3A_48 = tpu.memref_slice %arg16[%dma_start3A_46, %dma_start3A_47] : memref<10000x128xf32, #tpu.memory_space<vmem_shared>> -> memref<10000x128xf32, #tpu.memory_space<vmem_shared>>
      tpu.enqueue_indirect_dma source(%arg14 : memref<16x128xf32, #tpu.memory_space<vmem>>) target(%dma_start3A_48 : memref<10000x128xf32, #tpu.memory_space<vmem_shared>>) offsets(%arg11 : memref<16xi32, #tpu.memory_space<vmem>>) semaphore(%run_scoped3A : memref<!tpu.dma_semaphore, #tpu.memory_space<semaphore_mem>>) {add = true}
      %dma_wait3A_49 = arith.constant 0 : i32
      %dma_wait3A_50 = arith.constant 0 : i32
      %dma_wait3A_51 = tpu.memref_slice %arg16[%dma_wait3A_49, %dma_wait3A_50] : memref<10000x128xf32, #tpu.memory_space<vmem_shared>> -> memref<10000x128xf32, #tpu.memory_space<vmem_shared>>
      tpu.wait_indirect_dma semaphore(%run_scoped3A : memref<!tpu.dma_semaphore, #tpu.memory_space<semaphore_mem>>) src(%arg14 : memref<16x128xf32, #tpu.memory_space<vmem>>) dst(%dma_wait3A_51 : memref<10000x128xf32, #tpu.memory_space<vmem_shared>>)
      tpu.yield
    }) : () -> ()
    %barrier3A_39 = arith.constant 0 : index
    tpu.barrier barrier_id(%barrier3A_39)
    %lt3A = arith.constant 15 : i32
    %lt3A_40 = arith.cmpi slt, %arg1, %lt3A : i32
    %convert_element_type3A = arith.extui %lt3A_40 : i1 to i32
    %cond3A = arith.constant 0 : i32
    %cond3A_41 = arith.cmpi ne, %convert_element_type3A, %cond3A : i32
    scf.if %cond3A_41 {
      %mul3A_46 = arith.constant 640 : i32
      %mul3A_47 = arith.muli %arg1, %mul3A_46 : i32
      %mul3A_48 = arith.constant 10000 : i32
      %mul3A_49 = arith.muli %arg0, %mul3A_48 : i32
      %mul3A_50 = arith.constant 640 : i32
      %mul3A_51 = arith.muli %arg1, %mul3A_50 : i32
      %add3A_52 = arith.addi %mul3A_49, %mul3A_51 : i32
      "tpu.region"() ({
        %run_scoped3A = tpu.sem_alloc : memref<!tpu.dma_semaphore, #tpu.memory_space<semaphore_mem>>
        %dma_start3A_53 = arith.constant 0 : i32
        %dma_start3A_54 = tpu.memref_slice %arg5[%add3A_52, %dma_start3A_53] : memref<20000x128xf32, #tpu.memory_space<hbm>> -> memref<640x128xf32, #tpu.memory_space<hbm>>
        %dma_start3A_55 = arith.constant 0 : i32
        %dma_start3A_56 = tpu.memref_slice %arg16[%mul3A_47, %dma_start3A_55] : memref<10000x128xf32, #tpu.memory_space<vmem_shared>> -> memref<640x128xf32, #tpu.memory_space<vmem_shared>>
        tpu.enqueue_dma source(%dma_start3A_56 : memref<640x128xf32, #tpu.memory_space<vmem_shared>>) target(%dma_start3A_54 : memref<640x128xf32, #tpu.memory_space<hbm>>) target_semaphore(%run_scoped3A : memref<!tpu.dma_semaphore, #tpu.memory_space<semaphore_mem>>)
        %dma_wait3A_57 = arith.constant 0 : i32
        %dma_wait3A_58 = tpu.memref_slice %arg5[%add3A_52, %dma_wait3A_57] : memref<20000x128xf32, #tpu.memory_space<hbm>> -> memref<640x128xf32, #tpu.memory_space<hbm>>
        %dma_wait3A_59 = arith.constant 0 : i32
        %dma_wait3A_60 = tpu.memref_slice %arg16[%mul3A_47, %dma_wait3A_59] : memref<10000x128xf32, #tpu.memory_space<vmem_shared>> -> memref<640x128xf32, #tpu.memory_space<vmem_shared>>
        tpu.wait_dma2 semaphore(%run_scoped3A : memref<!tpu.dma_semaphore, #tpu.memory_space<semaphore_mem>>) src(%dma_wait3A_60 : memref<640x128xf32, #tpu.memory_space<vmem_shared>>) dst(%dma_wait3A_58 : memref<640x128xf32, #tpu.memory_space<hbm>>)
        tpu.yield
      }) : () -> ()
    } else {
    }
    %eq3A = arith.constant 15 : i32
    %eq3A_42 = arith.cmpi eq, %arg1, %eq3A : i32
    %convert_element_type3A_43 = arith.extui %eq3A_42 : i1 to i32
    %cond3A_44 = arith.constant 0 : i32
    %cond3A_45 = arith.cmpi ne, %convert_element_type3A_43, %cond3A_44 : i32
    scf.if %cond3A_45 {
      %mul3A_46 = arith.constant 10000 : i32
      %mul3A_47 = arith.muli %arg0, %mul3A_46 : i32
      %add3A_48 = arith.constant 9600 : i32
      %add3A_49 = arith.addi %mul3A_47, %add3A_48 : i32
      "tpu.region"() ({
        %run_scoped3A = tpu.sem_alloc : memref<!tpu.dma_semaphore, #tpu.memory_space<semaphore_mem>>
        %dma_start3A_50 = arith.constant 0 : i32
        %dma_start3A_51 = tpu.memref_slice %arg5[%add3A_49, %dma_start3A_50] : memref<20000x128xf32, #tpu.memory_space<hbm>> -> memref<400x128xf32, #tpu.memory_space<hbm>>
        %dma_start3A_52 = arith.constant 9600 : i32
        %dma_start3A_53 = arith.constant 0 : i32
        %dma_start3A_54 = tpu.memref_slice %arg16[%dma_start3A_52, %dma_start3A_53] : memref<10000x128xf32, #tpu.memory_space<vmem_shared>> -> memref<400x128xf32, #tpu.memory_space<vmem_shared>>
        tpu.enqueue_dma source(%dma_start3A_54 : memref<400x128xf32, #tpu.memory_space<vmem_shared>>) target(%dma_start3A_51 : memref<400x128xf32, #tpu.memory_space<hbm>>) target_semaphore(%run_scoped3A : memref<!tpu.dma_semaphore, #tpu.memory_space<semaphore_mem>>)
        %dma_wait3A_55 = arith.constant 0 : i32
        %dma_wait3A_56 = tpu.memref_slice %arg5[%add3A_49, %dma_wait3A_55] : memref<20000x128xf32, #tpu.memory_space<hbm>> -> memref<400x128xf32, #tpu.memory_space<hbm>>
        %dma_wait3A_57 = arith.constant 9600 : i32
        %dma_wait3A_58 = arith.constant 0 : i32
        %dma_wait3A_59 = tpu.memref_slice %arg16[%dma_wait3A_57, %dma_wait3A_58] : memref<10000x128xf32, #tpu.memory_space<vmem_shared>> -> memref<400x128xf32, #tpu.memory_space<vmem_shared>>
        tpu.wait_dma2 semaphore(%run_scoped3A : memref<!tpu.dma_semaphore, #tpu.memory_space<semaphore_mem>>) src(%dma_wait3A_59 : memref<400x128xf32, #tpu.memory_space<vmem_shared>>) dst(%dma_wait3A_56 : memref<400x128xf32, #tpu.memory_space<hbm>>)
        tpu.yield
      }) : () -> ()
    } else {
    }
    return
  }
}

#map = affine_map<(d0, d1) -> (0, 0)>
#map1 = affine_map<(d0, d1) -> (0)>
module attributes {stable_mosaic.version = 14 : i64} {
  func.func @_prop_sc(%arg0: i32, %arg1: i32, %arg2: memref<10000x128xf32, #tpu.memory_space<hbm>>, %arg3: memref<320000xi32, #tpu.memory_space<hbm>>, %arg4: memref<320000xi32, #tpu.memory_space<hbm>>, %arg5: memref<20000x128xf32, #tpu.memory_space<hbm>>, %arg6: memref<128xi32, #tpu.memory_space<vmem>>, %arg7: memref<128xi32, #tpu.memory_space<vmem>>, %arg8: memref<128xi32, #tpu.memory_space<vmem>>, %arg9: memref<128xi32, #tpu.memory_space<vmem>>, %arg10: memref<16xi32, #tpu.memory_space<vmem>>, %arg11: memref<16xi32, #tpu.memory_space<vmem>>, %arg12: memref<128x128xf32, #tpu.memory_space<vmem>>, %arg13: memref<128x128xf32, #tpu.memory_space<vmem>>, %arg14: memref<16x128xf32, #tpu.memory_space<vmem>>, %arg15: memref<25x128xf32, #tpu.memory_space<vmem>>, %arg16: memref<10000x128xf32, #tpu.memory_space<vmem_shared>>, %arg17: memref<!tpu.dma_semaphore, #tpu.memory_space<semaphore_mem>>, %arg18: memref<!tpu.dma_semaphore, #tpu.memory_space<semaphore_mem>>, %arg19: memref<!tpu.dma_semaphore, #tpu.memory_space<semaphore_mem>>) attributes {dimension_semantics = [#tpu.dimension_semantics<core_parallel>, #tpu.dimension_semantics<subcore_parallel>], iteration_bounds = array<i64: 2, 16>, scalar_prefetch = 0 : i64, scratch_operands = 14 : i64, tpu.core_type = #tpu.core_type<sc_vector_subcore>, window_params = [{transform_indices = #map}, {transform_indices = #map1}, {transform_indices = #map1}, {transform_indices = #map}]} {
    %mul3A = arith.constant 2 : i32
    %mul3A_0 = arith.muli %arg1, %mul3A : i32
    %add3A = arith.addi %mul3A_0, %arg0 : i32
    %broadcast_in_dim3A = arith.constant 0.000000e+00 : f32
    %broadcast_in_dim3A_1 = vector.broadcast %broadcast_in_dim3A : f32 to vector<16xf32>
    %scan3A = arith.constant 0 : i32
    %scan3A_2 = arith.constant 0 : i32
    %scan3A_3 = arith.constant 25 : i32
    %scan3A_4 = arith.addi %scan3A_2, %scan3A_3 : i32
    %scan3A_5 = arith.constant 1 : i32
    %scan3A_6 = scf.for %scan3A_46 = %scan3A_2 to %scan3A_4 step %scan3A_5 iter_args(%scan3A_47 = %scan3A) -> (i32)  : i32 {
      %swap3A = arith.index_cast %scan3A_46 : i32 to index
      %swap3A_48 = arith.constant 0 : index
      %swap3A_49 = tpu.vector_load %arg15[%swap3A, %swap3A_48] {strides = array<i32>} : memref<25x128xf32, #tpu.memory_space<vmem>>, vector<1x16xf32>,
      %swap3A_50 = vector.shape_cast %swap3A_49 : vector<1x16xf32> to vector<16xf32>
      %swap3A_51 = vector.shape_cast %broadcast_in_dim3A_1 : vector<16xf32> to vector<1x16xf32>
      tpu.vector_store %arg15[%swap3A, %swap3A_48], %swap3A_51 {strides = array<i32>} : memref<25x128xf32, #tpu.memory_space<vmem>>, vector<1x16xf32>,
      %swap3A_52 = arith.index_cast %scan3A_46 : i32 to index
      %swap3A_53 = arith.constant 16 : index
      %swap3A_54 = tpu.vector_load %arg15[%swap3A_52, %swap3A_53] {strides = array<i32>} : memref<25x128xf32, #tpu.memory_space<vmem>>, vector<1x16xf32>,
      %swap3A_55 = vector.shape_cast %swap3A_54 : vector<1x16xf32> to vector<16xf32>
      %swap3A_56 = vector.shape_cast %broadcast_in_dim3A_1 : vector<16xf32> to vector<1x16xf32>
      tpu.vector_store %arg15[%swap3A_52, %swap3A_53], %swap3A_56 {strides = array<i32>} : memref<25x128xf32, #tpu.memory_space<vmem>>, vector<1x16xf32>,
      %swap3A_57 = arith.index_cast %scan3A_46 : i32 to index
      %swap3A_58 = arith.constant 32 : index
      %swap3A_59 = tpu.vector_load %arg15[%swap3A_57, %swap3A_58] {strides = array<i32>} : memref<25x128xf32, #tpu.memory_space<vmem>>, vector<1x16xf32>,
      %swap3A_60 = vector.shape_cast %swap3A_59 : vector<1x16xf32> to vector<16xf32>
      %swap3A_61 = vector.shape_cast %broadcast_in_dim3A_1 : vector<16xf32> to vector<1x16xf32>
      tpu.vector_store %arg15[%swap3A_57, %swap3A_58], %swap3A_61 {strides = array<i32>} : memref<25x128xf32, #tpu.memory_space<vmem>>, vector<1x16xf32>,
      %swap3A_62 = arith.index_cast %scan3A_46 : i32 to index
      %swap3A_63 = arith.constant 48 : index
      %swap3A_64 = tpu.vector_load %arg15[%swap3A_62, %swap3A_63] {strides = array<i32>} : memref<25x128xf32, #tpu.memory_space<vmem>>, vector<1x16xf32>,
      %swap3A_65 = vector.shape_cast %swap3A_64 : vector<1x16xf32> to vector<16xf32>
      %swap3A_66 = vector.shape_cast %broadcast_in_dim3A_1 : vector<16xf32> to vector<1x16xf32>
      tpu.vector_store %arg15[%swap3A_62, %swap3A_63], %swap3A_66 {strides = array<i32>} : memref<25x128xf32, #tpu.memory_space<vmem>>, vector<1x16xf32>,
      %swap3A_67 = arith.index_cast %scan3A_46 : i32 to index
      %swap3A_68 = arith.constant 64 : index
      %swap3A_69 = tpu.vector_load %arg15[%swap3A_67, %swap3A_68] {strides = array<i32>} : memref<25x128xf32, #tpu.memory_space<vmem>>, vector<1x16xf32>,
      %swap3A_70 = vector.shape_cast %swap3A_69 : vector<1x16xf32> to vector<16xf32>
      %swap3A_71 = vector.shape_cast %broadcast_in_dim3A_1 : vector<16xf32> to vector<1x16xf32>
      tpu.vector_store %arg15[%swap3A_67, %swap3A_68], %swap3A_71 {strides = array<i32>} : memref<25x128xf32, #tpu.memory_space<vmem>>, vector<1x16xf32>,
      %swap3A_72 = arith.index_cast %scan3A_46 : i32 to index
      %swap3A_73 = arith.constant 80 : index
      %swap3A_74 = tpu.vector_load %arg15[%swap3A_72, %swap3A_73] {strides = array<i32>} : memref<25x128xf32, #tpu.memory_space<vmem>>, vector<1x16xf32>,
      %swap3A_75 = vector.shape_cast %swap3A_74 : vector<1x16xf32> to vector<16xf32>
      %swap3A_76 = vector.shape_cast %broadcast_in_dim3A_1 : vector<16xf32> to vector<1x16xf32>
      tpu.vector_store %arg15[%swap3A_72, %swap3A_73], %swap3A_76 {strides = array<i32>} : memref<25x128xf32, #tpu.memory_space<vmem>>, vector<1x16xf32>,
      %swap3A_77 = arith.index_cast %scan3A_46 : i32 to index
      %swap3A_78 = arith.constant 96 : index
      %swap3A_79 = tpu.vector_load %arg15[%swap3A_77, %swap3A_78] {strides = array<i32>} : memref<25x128xf32, #tpu.memory_space<vmem>>, vector<1x16xf32>,
      %swap3A_80 = vector.shape_cast %swap3A_79 : vector<1x16xf32> to vector<16xf32>
      %swap3A_81 = vector.shape_cast %broadcast_in_dim3A_1 : vector<16xf32> to vector<1x16xf32>
      tpu.vector_store %arg15[%swap3A_77, %swap3A_78], %swap3A_81 {strides = array<i32>} : memref<25x128xf32, #tpu.memory_space<vmem>>, vector<1x16xf32>,
      %swap3A_82 = arith.index_cast %scan3A_46 : i32 to index
      %swap3A_83 = arith.constant 112 : index
      %swap3A_84 = tpu.vector_load %arg15[%swap3A_82, %swap3A_83] {strides = array<i32>} : memref<25x128xf32, #tpu.memory_space<vmem>>, vector<1x16xf32>,
      %swap3A_85 = vector.shape_cast %swap3A_84 : vector<1x16xf32> to vector<16xf32>
      %swap3A_86 = vector.shape_cast %broadcast_in_dim3A_1 : vector<16xf32> to vector<1x16xf32>
      tpu.vector_store %arg15[%swap3A_82, %swap3A_83], %swap3A_86 {strides = array<i32>} : memref<25x128xf32, #tpu.memory_space<vmem>>, vector<1x16xf32>,
      %scan3A_87 = arith.constant 0 : i32
      scf.yield %scan3A_87 : i32
    }
    %scan3A_7 = arith.constant 25 : i32
    %scan3A_8 = arith.constant 0 : i32
    %scan3A_9 = arith.constant 0 : i32
    %scan3A_10 = arith.constant 25 : i32
    %scan3A_11 = arith.addi %scan3A_9, %scan3A_10 : i32
    %scan3A_12 = arith.constant 1 : i32
    %scan3A_13 = scf.for %scan3A_46 = %scan3A_9 to %scan3A_11 step %scan3A_12 iter_args(%scan3A_47 = %scan3A_8) -> (i32)  : i32 {
      %mul3A_48 = arith.constant 625 : i32
      %mul3A_49 = arith.muli %arg1, %mul3A_48 : i32
      %mul3A_50 = arith.constant 25 : i32
      %mul3A_51 = arith.muli %scan3A_46, %mul3A_50 : i32
      %add3A_52 = arith.addi %mul3A_49, %mul3A_51 : i32
      "tpu.region"() ({
        %run_scoped3A = tpu.sem_alloc : memref<!tpu.dma_semaphore, #tpu.memory_space<semaphore_mem>>
        %dma_start3A_54 = arith.constant 0 : i32
        %dma_start3A_55 = tpu.memref_slice %arg16[%add3A_52, %dma_start3A_54] : memref<10000x128xf32, #tpu.memory_space<vmem_shared>> -> memref<25x128xf32, #tpu.memory_space<vmem_shared>>
        %dma_start3A_56 = arith.constant 0 : i32
        %dma_start3A_57 = tpu.memref_slice %arg16[%add3A_52, %dma_start3A_56] : memref<10000x128xf32, #tpu.memory_space<vmem_shared>> -> memref<25x128xf32, #tpu.memory_space<vmem_shared>>
        tpu.enqueue_dma source(%arg15 : memref<25x128xf32, #tpu.memory_space<vmem>>) target(%dma_start3A_57 : memref<25x128xf32, #tpu.memory_space<vmem_shared>>) target_semaphore(%run_scoped3A : memref<!tpu.dma_semaphore, #tpu.memory_space<semaphore_mem>>)
        %dma_wait3A_58 = arith.constant 0 : i32
        %dma_wait3A_59 = tpu.memref_slice %arg16[%add3A_52, %dma_wait3A_58] : memref<10000x128xf32, #tpu.memory_space<vmem_shared>> -> memref<25x128xf32, #tpu.memory_space<vmem_shared>>
        %dma_wait3A_60 = arith.constant 0 : i32
        %dma_wait3A_61 = tpu.memref_slice %arg16[%add3A_52, %dma_wait3A_60] : memref<10000x128xf32, #tpu.memory_space<vmem_shared>> -> memref<25x128xf32, #tpu.memory_space<vmem_shared>>
        tpu.wait_dma2 semaphore(%run_scoped3A : memref<!tpu.dma_semaphore, #tpu.memory_space<semaphore_mem>>) src(%arg15 : memref<25x128xf32, #tpu.memory_space<vmem>>) dst(%dma_wait3A_61 : memref<25x128xf32, #tpu.memory_space<vmem_shared>>)
        tpu.yield
      }) : () -> ()
      %scan3A_53 = arith.constant 0 : i32
      scf.yield %scan3A_53 : i32
    }
    %scan3A_14 = arith.constant 25 : i32
    %barrier3A = arith.constant 0 : index
    tpu.barrier barrier_id(%barrier3A)
    %mul3A_15 = arith.constant 10000 : i32
    %mul3A_16 = arith.muli %add3A, %mul3A_15 : i32
    "tpu.region"() ({
      %run_scoped3A = tpu.sem_alloc : memref<!tpu.dma_semaphore, #tpu.memory_space<semaphore_mem>>
      %dma_start3A_46 = tpu.memref_slice %arg3[%mul3A_16] : memref<320000xi32, #tpu.memory_space<hbm>> -> memref<128xi32, #tpu.memory_space<hbm>>
      %dma_start3A_47 = tpu.memref_slice %arg3[%mul3A_16] : memref<320000xi32, #tpu.memory_space<hbm>> -> memref<128xi32, #tpu.memory_space<hbm>>
      tpu.enqueue_dma source(%dma_start3A_47 : memref<128xi32, #tpu.memory_space<hbm>>) target(%arg6 : memref<128xi32, #tpu.memory_space<vmem>>) target_semaphore(%run_scoped3A : memref<!tpu.dma_semaphore, #tpu.memory_space<semaphore_mem>>)
      %dma_wait3A_48 = tpu.memref_slice %arg3[%mul3A_16] : memref<320000xi32, #tpu.memory_space<hbm>> -> memref<128xi32, #tpu.memory_space<hbm>>
      %dma_wait3A_49 = tpu.memref_slice %arg3[%mul3A_16] : memref<320000xi32, #tpu.memory_space<hbm>> -> memref<128xi32, #tpu.memory_space<hbm>>
      tpu.wait_dma2 semaphore(%run_scoped3A : memref<!tpu.dma_semaphore, #tpu.memory_space<semaphore_mem>>) src(%dma_wait3A_49 : memref<128xi32, #tpu.memory_space<hbm>>) dst(%arg6 : memref<128xi32, #tpu.memory_space<vmem>>)
      tpu.yield
    }) : () -> ()
    "tpu.region"() ({
      %run_scoped3A = tpu.sem_alloc : memref<!tpu.dma_semaphore, #tpu.memory_space<semaphore_mem>>
      %dma_start3A_46 = tpu.memref_slice %arg4[%mul3A_16] : memref<320000xi32, #tpu.memory_space<hbm>> -> memref<128xi32, #tpu.memory_space<hbm>>
      %dma_start3A_47 = tpu.memref_slice %arg4[%mul3A_16] : memref<320000xi32, #tpu.memory_space<hbm>> -> memref<128xi32, #tpu.memory_space<hbm>>
      tpu.enqueue_dma source(%dma_start3A_47 : memref<128xi32, #tpu.memory_space<hbm>>) target(%arg8 : memref<128xi32, #tpu.memory_space<vmem>>) target_semaphore(%run_scoped3A : memref<!tpu.dma_semaphore, #tpu.memory_space<semaphore_mem>>)
      %dma_wait3A_48 = tpu.memref_slice %arg4[%mul3A_16] : memref<320000xi32, #tpu.memory_space<hbm>> -> memref<128xi32, #tpu.memory_space<hbm>>
      %dma_wait3A_49 = tpu.memref_slice %arg4[%mul3A_16] : memref<320000xi32, #tpu.memory_space<hbm>> -> memref<128xi32, #tpu.memory_space<hbm>>
      tpu.wait_dma2 semaphore(%run_scoped3A : memref<!tpu.dma_semaphore, #tpu.memory_space<semaphore_mem>>) src(%dma_wait3A_49 : memref<128xi32, #tpu.memory_space<hbm>>) dst(%arg8 : memref<128xi32, #tpu.memory_space<vmem>>)
      tpu.yield
    }) : () -> ()
    %dma_start3A = arith.constant 0 : i32
    %dma_start3A_17 = arith.constant 0 : i32
    %dma_start3A_18 = tpu.memref_slice %arg2[%dma_start3A, %dma_start3A_17] : memref<10000x128xf32, #tpu.memory_space<hbm>> -> memref<10000x128xf32, #tpu.memory_space<hbm>>
    tpu.enqueue_indirect_dma source(%dma_start3A_18 : memref<10000x128xf32, #tpu.memory_space<hbm>>) target(%arg12 : memref<128x128xf32, #tpu.memory_space<vmem>>) offsets(%arg6 : memref<128xi32, #tpu.memory_space<vmem>>) semaphore(%arg17 : memref<!tpu.dma_semaphore, #tpu.memory_space<semaphore_mem>>)
    %scan3A_19 = arith.constant 0 : i32
    %scan3A_20 = arith.constant 0 : i32
    %scan3A_21 = arith.constant 39 : i32
    %scan3A_22 = arith.addi %scan3A_20, %scan3A_21 : i32
    %scan3A_23 = arith.constant 1 : i32
    %scan3A_24 = scf.for %scan3A_46 = %scan3A_20 to %scan3A_22 step %scan3A_23 iter_args(%scan3A_47 = %scan3A_19) -> (i32)  : i32 {
      %mul3A_48 = arith.constant 2 : i32
      %mul3A_49 = arith.muli %mul3A_48, %scan3A_46 : i32
      %mul3A_50 = arith.constant 128 : i32
      %mul3A_51 = arith.muli %mul3A_49, %mul3A_50 : i32
      %add3A_52 = arith.addi %mul3A_16, %mul3A_51 : i32
      %add3A_53 = arith.constant 128 : i32
      %add3A_54 = arith.addi %add3A_52, %add3A_53 : i32
      "tpu.region"() ({
        %run_scoped3A = tpu.sem_alloc : memref<!tpu.dma_semaphore, #tpu.memory_space<semaphore_mem>>
        %dma_start3A_94 = tpu.memref_slice %arg3[%add3A_54] : memref<320000xi32, #tpu.memory_space<hbm>> -> memref<128xi32, #tpu.memory_space<hbm>>
        %dma_start3A_95 = tpu.memref_slice %arg3[%add3A_54] : memref<320000xi32, #tpu.memory_space<hbm>> -> memref<128xi32, #tpu.memory_space<hbm>>
        tpu.enqueue_dma source(%dma_start3A_95 : memref<128xi32, #tpu.memory_space<hbm>>) target(%arg7 : memref<128xi32, #tpu.memory_space<vmem>>) target_semaphore(%run_scoped3A : memref<!tpu.dma_semaphore, #tpu.memory_space<semaphore_mem>>)
        %dma_wait3A_96 = tpu.memref_slice %arg3[%add3A_54] : memref<320000xi32, #tpu.memory_space<hbm>> -> memref<128xi32, #tpu.memory_space<hbm>>
        %dma_wait3A_97 = tpu.memref_slice %arg3[%add3A_54] : memref<320000xi32, #tpu.memory_space<hbm>> -> memref<128xi32, #tpu.memory_space<hbm>>
        tpu.wait_dma2 semaphore(%run_scoped3A : memref<!tpu.dma_semaphore, #tpu.memory_space<semaphore_mem>>) src(%dma_wait3A_97 : memref<128xi32, #tpu.memory_space<hbm>>) dst(%arg7 : memref<128xi32, #tpu.memory_space<vmem>>)
        tpu.yield
      }) : () -> ()
      %add3A_55 = arith.constant 128 : i32
      %add3A_56 = arith.addi %add3A_52, %add3A_55 : i32
      "tpu.region"() ({
        %run_scoped3A = tpu.sem_alloc : memref<!tpu.dma_semaphore, #tpu.memory_space<semaphore_mem>>
        %dma_start3A_94 = tpu.memref_slice %arg4[%add3A_56] : memref<320000xi32, #tpu.memory_space<hbm>> -> memref<128xi32, #tpu.memory_space<hbm>>
        %dma_start3A_95 = tpu.memref_slice %arg4[%add3A_56] : memref<320000xi32, #tpu.memory_space<hbm>> -> memref<128xi32, #tpu.memory_space<hbm>>
        tpu.enqueue_dma source(%dma_start3A_95 : memref<128xi32, #tpu.memory_space<hbm>>) target(%arg9 : memref<128xi32, #tpu.memory_space<vmem>>) target_semaphore(%run_scoped3A : memref<!tpu.dma_semaphore, #tpu.memory_space<semaphore_mem>>)
        %dma_wait3A_96 = tpu.memref_slice %arg4[%add3A_56] : memref<320000xi32, #tpu.memory_space<hbm>> -> memref<128xi32, #tpu.memory_space<hbm>>
        %dma_wait3A_97 = tpu.memref_slice %arg4[%add3A_56] : memref<320000xi32, #tpu.memory_space<hbm>> -> memref<128xi32, #tpu.memory_space<hbm>>
        tpu.wait_dma2 semaphore(%run_scoped3A : memref<!tpu.dma_semaphore, #tpu.memory_space<semaphore_mem>>) src(%dma_wait3A_97 : memref<128xi32, #tpu.memory_space<hbm>>) dst(%arg9 : memref<128xi32, #tpu.memory_space<vmem>>)
        tpu.yield
      }) : () -> ()
      %dma_wait3A_57 = arith.constant 0 : i32
      %dma_wait3A_58 = arith.constant 0 : i32
      %dma_wait3A_59 = tpu.memref_slice %arg2[%dma_wait3A_57, %dma_wait3A_58] : memref<10000x128xf32, #tpu.memory_space<hbm>> -> memref<128x128xf32, #tpu.memory_space<hbm>>
      %dma_wait3A_60 = arith.constant 0 : i32
      %dma_wait3A_61 = arith.constant 0 : i32
      %dma_wait3A_62 = tpu.memref_slice %arg2[%dma_wait3A_60, %dma_wait3A_61] : memref<10000x128xf32, #tpu.memory_space<hbm>> -> memref<128x128xf32, #tpu.memory_space<hbm>>
      tpu.wait_dma2 semaphore(%arg17 : memref<!tpu.dma_semaphore, #tpu.memory_space<semaphore_mem>>) src(%dma_wait3A_62 : memref<128x128xf32, #tpu.memory_space<hbm>>) dst(%arg12 : memref<128x128xf32, #tpu.memory_space<vmem>>)
      %gt3A = arith.constant 0 : i32
      %gt3A_63 = arith.cmpi sgt, %scan3A_46, %gt3A : i32
      %convert_element_type3A_64 = arith.extui %gt3A_63 : i1 to i32
      %cond3A_65 = arith.constant 0 : i32
      %cond3A_66 = arith.cmpi ne, %convert_element_type3A_64, %cond3A_65 : i32
      scf.if %cond3A_66 {
        %dma_wait3A_94 = arith.constant 0 : i32
        %dma_wait3A_95 = arith.constant 0 : i32
        %dma_wait3A_96 = tpu.memref_slice %arg2[%dma_wait3A_94, %dma_wait3A_95] : memref<10000x128xf32, #tpu.memory_space<hbm>> -> memref<128x128xf32, #tpu.memory_space<hbm>>
        %dma_wait3A_97 = arith.constant 0 : i32
        %dma_wait3A_98 = arith.constant 0 : i32
        %dma_wait3A_99 = tpu.memref_slice %arg2[%dma_wait3A_97, %dma_wait3A_98] : memref<10000x128xf32, #tpu.memory_space<hbm>> -> memref<128x128xf32, #tpu.memory_space<hbm>>
        tpu.wait_dma2 semaphore(%arg19 : memref<!tpu.dma_semaphore, #tpu.memory_space<semaphore_mem>>) src(%dma_wait3A_99 : memref<128x128xf32, #tpu.memory_space<hbm>>) dst(%arg13 : memref<128x128xf32, #tpu.memory_space<vmem>>)
      } else {
      }
      %dma_start3A_67 = arith.constant 0 : i32
      %dma_start3A_68 = arith.constant 0 : i32
      %dma_start3A_69 = tpu.memref_slice %arg2[%dma_start3A_67, %dma_start3A_68] : memref<10000x128xf32, #tpu.memory_space<hbm>> -> memref<10000x128xf32, #tpu.memory_space<hbm>>
      tpu.enqueue_indirect_dma source(%dma_start3A_69 : memref<10000x128xf32, #tpu.memory_space<hbm>>) target(%arg13 : memref<128x128xf32, #tpu.memory_space<vmem>>) offsets(%arg7 : memref<128xi32, #tpu.memory_space<vmem>>) semaphore(%arg17 : memref<!tpu.dma_semaphore, #tpu.memory_space<semaphore_mem>>)
      %dma_start3A_70 = arith.constant 0 : i32
      %dma_start3A_71 = arith.constant 0 : i32
      %dma_start3A_72 = tpu.memref_slice %arg16[%dma_start3A_70, %dma_start3A_71] : memref<10000x128xf32, #tpu.memory_space<vmem_shared>> -> memref<10000x128xf32, #tpu.memory_space<vmem_shared>>
      tpu.enqueue_indirect_dma source(%arg12 : memref<128x128xf32, #tpu.memory_space<vmem>>) target(%dma_start3A_72 : memref<10000x128xf32, #tpu.memory_space<vmem_shared>>) offsets(%arg8 : memref<128xi32, #tpu.memory_space<vmem>>) semaphore(%arg18 : memref<!tpu.dma_semaphore, #tpu.memory_space<semaphore_mem>>) {add = true}
      %dma_wait3A_73 = arith.constant 0 : i32
      %dma_wait3A_74 = arith.constant 0 : i32
      %dma_wait3A_75 = tpu.memref_slice %arg2[%dma_wait3A_73, %dma_wait3A_74] : memref<10000x128xf32, #tpu.memory_space<hbm>> -> memref<128x128xf32, #tpu.memory_space<hbm>>
      %dma_wait3A_76 = arith.constant 0 : i32
      %dma_wait3A_77 = arith.constant 0 : i32
      %dma_wait3A_78 = tpu.memref_slice %arg2[%dma_wait3A_76, %dma_wait3A_77] : memref<10000x128xf32, #tpu.memory_space<hbm>> -> memref<128x128xf32, #tpu.memory_space<hbm>>
      tpu.wait_dma2 semaphore(%arg17 : memref<!tpu.dma_semaphore, #tpu.memory_space<semaphore_mem>>) src(%dma_wait3A_78 : memref<128x128xf32, #tpu.memory_space<hbm>>) dst(%arg13 : memref<128x128xf32, #tpu.memory_space<vmem>>)
      %dma_wait3A_79 = arith.constant 0 : i32
      %dma_wait3A_80 = arith.constant 0 : i32
      %dma_wait3A_81 = tpu.memref_slice %arg2[%dma_wait3A_79, %dma_wait3A_80] : memref<10000x128xf32, #tpu.memory_space<hbm>> -> memref<128x128xf32, #tpu.memory_space<hbm>>
      %dma_wait3A_82 = arith.constant 0 : i32
      %dma_wait3A_83 = arith.constant 0 : i32
      %dma_wait3A_84 = tpu.memref_slice %arg2[%dma_wait3A_82, %dma_wait3A_83] : memref<10000x128xf32, #tpu.memory_space<hbm>> -> memref<128x128xf32, #tpu.memory_space<hbm>>
      tpu.wait_dma2 semaphore(%arg18 : memref<!tpu.dma_semaphore, #tpu.memory_space<semaphore_mem>>) src(%dma_wait3A_84 : memref<128x128xf32, #tpu.memory_space<hbm>>) dst(%arg12 : memref<128x128xf32, #tpu.memory_space<vmem>>)
      %lt3A_85 = arith.constant 38 : i32
      %lt3A_86 = arith.cmpi slt, %scan3A_46, %lt3A_85 : i32
      %convert_element_type3A_87 = arith.extui %lt3A_86 : i1 to i32
      %cond3A_88 = arith.constant 0 : i32
      %cond3A_89 = arith.cmpi ne, %convert_element_type3A_87, %cond3A_88 : i32
      scf.if %cond3A_89 {
        %add3A_94 = arith.constant 256 : i32
        %add3A_95 = arith.addi %add3A_52, %add3A_94 : i32
        "tpu.region"() ({
          %run_scoped3A = tpu.sem_alloc : memref<!tpu.dma_semaphore, #tpu.memory_space<semaphore_mem>>
          %dma_start3A_99 = tpu.memref_slice %arg3[%add3A_95] : memref<320000xi32, #tpu.memory_space<hbm>> -> memref<128xi32, #tpu.memory_space<hbm>>
          %dma_start3A_100 = tpu.memref_slice %arg3[%add3A_95] : memref<320000xi32, #tpu.memory_space<hbm>> -> memref<128xi32, #tpu.memory_space<hbm>>
          tpu.enqueue_dma source(%dma_start3A_100 : memref<128xi32, #tpu.memory_space<hbm>>) target(%arg6 : memref<128xi32, #tpu.memory_space<vmem>>) target_semaphore(%run_scoped3A : memref<!tpu.dma_semaphore, #tpu.memory_space<semaphore_mem>>)
          %dma_wait3A_101 = tpu.memref_slice %arg3[%add3A_95] : memref<320000xi32, #tpu.memory_space<hbm>> -> memref<128xi32, #tpu.memory_space<hbm>>
          %dma_wait3A_102 = tpu.memref_slice %arg3[%add3A_95] : memref<320000xi32, #tpu.memory_space<hbm>> -> memref<128xi32, #tpu.memory_space<hbm>>
          tpu.wait_dma2 semaphore(%run_scoped3A : memref<!tpu.dma_semaphore, #tpu.memory_space<semaphore_mem>>) src(%dma_wait3A_102 : memref<128xi32, #tpu.memory_space<hbm>>) dst(%arg6 : memref<128xi32, #tpu.memory_space<vmem>>)
          tpu.yield
        }) : () -> ()
        "tpu.region"() ({
          %run_scoped3A = tpu.sem_alloc : memref<!tpu.dma_semaphore, #tpu.memory_space<semaphore_mem>>
          %dma_start3A_99 = tpu.memref_slice %arg4[%add3A_95] : memref<320000xi32, #tpu.memory_space<hbm>> -> memref<128xi32, #tpu.memory_space<hbm>>
          %dma_start3A_100 = tpu.memref_slice %arg4[%add3A_95] : memref<320000xi32, #tpu.memory_space<hbm>> -> memref<128xi32, #tpu.memory_space<hbm>>
          tpu.enqueue_dma source(%dma_start3A_100 : memref<128xi32, #tpu.memory_space<hbm>>) target(%arg8 : memref<128xi32, #tpu.memory_space<vmem>>) target_semaphore(%run_scoped3A : memref<!tpu.dma_semaphore, #tpu.memory_space<semaphore_mem>>)
          %dma_wait3A_101 = tpu.memref_slice %arg4[%add3A_95] : memref<320000xi32, #tpu.memory_space<hbm>> -> memref<128xi32, #tpu.memory_space<hbm>>
          %dma_wait3A_102 = tpu.memref_slice %arg4[%add3A_95] : memref<320000xi32, #tpu.memory_space<hbm>> -> memref<128xi32, #tpu.memory_space<hbm>>
          tpu.wait_dma2 semaphore(%run_scoped3A : memref<!tpu.dma_semaphore, #tpu.memory_space<semaphore_mem>>) src(%dma_wait3A_102 : memref<128xi32, #tpu.memory_space<hbm>>) dst(%arg8 : memref<128xi32, #tpu.memory_space<vmem>>)
          tpu.yield
        }) : () -> ()
        %dma_start3A_96 = arith.constant 0 : i32
        %dma_start3A_97 = arith.constant 0 : i32
        %dma_start3A_98 = tpu.memref_slice %arg2[%dma_start3A_96, %dma_start3A_97] : memref<10000x128xf32, #tpu.memory_space<hbm>> -> memref<10000x128xf32, #tpu.memory_space<hbm>>
        tpu.enqueue_indirect_dma source(%dma_start3A_98 : memref<10000x128xf32, #tpu.memory_space<hbm>>) target(%arg12 : memref<128x128xf32, #tpu.memory_space<vmem>>) offsets(%arg6 : memref<128xi32, #tpu.memory_space<vmem>>) semaphore(%arg17 : memref<!tpu.dma_semaphore, #tpu.memory_space<semaphore_mem>>)
      } else {
      }
      %dma_start3A_90 = arith.constant 0 : i32
      %dma_start3A_91 = arith.constant 0 : i32
      %dma_start3A_92 = tpu.memref_slice %arg16[%dma_start3A_90, %dma_start3A_91] : memref<10000x128xf32, #tpu.memory_space<vmem_shared>> -> memref<10000x128xf32, #tpu.memory_space<vmem_shared>>
      tpu.enqueue_indirect_dma source(%arg13 : memref<128x128xf32, #tpu.memory_space<vmem>>) target(%dma_start3A_92 : memref<10000x128xf32, #tpu.memory_space<vmem_shared>>) offsets(%arg9 : memref<128xi32, #tpu.memory_space<vmem>>) semaphore(%arg19 : memref<!tpu.dma_semaphore, #tpu.memory_space<semaphore_mem>>) {add = true}
      %scan3A_93 = arith.constant 0 : i32
      scf.yield %scan3A_93 : i32
    }
    %scan3A_25 = arith.constant 39 : i32
    %dma_wait3A = arith.constant 0 : i32
    %dma_wait3A_26 = arith.constant 0 : i32
    %dma_wait3A_27 = tpu.memref_slice %arg2[%dma_wait3A, %dma_wait3A_26] : memref<10000x128xf32, #tpu.memory_space<hbm>> -> memref<128x128xf32, #tpu.memory_space<hbm>>
    %dma_wait3A_28 = arith.constant 0 : i32
    %dma_wait3A_29 = arith.constant 0 : i32
    %dma_wait3A_30 = tpu.memref_slice %arg2[%dma_wait3A_28, %dma_wait3A_29] : memref<10000x128xf32, #tpu.memory_space<hbm>> -> memref<128x128xf32, #tpu.memory_space<hbm>>
    tpu.wait_dma2 semaphore(%arg19 : memref<!tpu.dma_semaphore, #tpu.memory_space<semaphore_mem>>) src(%dma_wait3A_30 : memref<128x128xf32, #tpu.memory_space<hbm>>) dst(%arg13 : memref<128x128xf32, #tpu.memory_space<vmem>>)
    %add3A_31 = arith.constant 9984 : i32
    %add3A_32 = arith.addi %mul3A_16, %add3A_31 : i32
    "tpu.region"() ({
      %run_scoped3A = tpu.sem_alloc : memref<!tpu.dma_semaphore, #tpu.memory_space<semaphore_mem>>
      %dma_start3A_46 = tpu.memref_slice %arg3[%add3A_32] : memref<320000xi32, #tpu.memory_space<hbm>> -> memref<16xi32, #tpu.memory_space<hbm>>
      %dma_start3A_47 = tpu.memref_slice %arg3[%add3A_32] : memref<320000xi32, #tpu.memory_space<hbm>> -> memref<16xi32, #tpu.memory_space<hbm>>
      tpu.enqueue_dma source(%dma_start3A_47 : memref<16xi32, #tpu.memory_space<hbm>>) target(%arg10 : memref<16xi32, #tpu.memory_space<vmem>>) target_semaphore(%run_scoped3A : memref<!tpu.dma_semaphore, #tpu.memory_space<semaphore_mem>>)
      %dma_wait3A_48 = tpu.memref_slice %arg3[%add3A_32] : memref<320000xi32, #tpu.memory_space<hbm>> -> memref<16xi32, #tpu.memory_space<hbm>>
      %dma_wait3A_49 = tpu.memref_slice %arg3[%add3A_32] : memref<320000xi32, #tpu.memory_space<hbm>> -> memref<16xi32, #tpu.memory_space<hbm>>
      tpu.wait_dma2 semaphore(%run_scoped3A : memref<!tpu.dma_semaphore, #tpu.memory_space<semaphore_mem>>) src(%dma_wait3A_49 : memref<16xi32, #tpu.memory_space<hbm>>) dst(%arg10 : memref<16xi32, #tpu.memory_space<vmem>>)
      tpu.yield
    }) : () -> ()
    "tpu.region"() ({
      %run_scoped3A = tpu.sem_alloc : memref<!tpu.dma_semaphore, #tpu.memory_space<semaphore_mem>>
      %dma_start3A_46 = tpu.memref_slice %arg4[%add3A_32] : memref<320000xi32, #tpu.memory_space<hbm>> -> memref<16xi32, #tpu.memory_space<hbm>>
      %dma_start3A_47 = tpu.memref_slice %arg4[%add3A_32] : memref<320000xi32, #tpu.memory_space<hbm>> -> memref<16xi32, #tpu.memory_space<hbm>>
      tpu.enqueue_dma source(%dma_start3A_47 : memref<16xi32, #tpu.memory_space<hbm>>) target(%arg11 : memref<16xi32, #tpu.memory_space<vmem>>) target_semaphore(%run_scoped3A : memref<!tpu.dma_semaphore, #tpu.memory_space<semaphore_mem>>)
      %dma_wait3A_48 = tpu.memref_slice %arg4[%add3A_32] : memref<320000xi32, #tpu.memory_space<hbm>> -> memref<16xi32, #tpu.memory_space<hbm>>
      %dma_wait3A_49 = tpu.memref_slice %arg4[%add3A_32] : memref<320000xi32, #tpu.memory_space<hbm>> -> memref<16xi32, #tpu.memory_space<hbm>>
      tpu.wait_dma2 semaphore(%run_scoped3A : memref<!tpu.dma_semaphore, #tpu.memory_space<semaphore_mem>>) src(%dma_wait3A_49 : memref<16xi32, #tpu.memory_space<hbm>>) dst(%arg11 : memref<16xi32, #tpu.memory_space<vmem>>)
      tpu.yield
    }) : () -> ()
    %dma_start3A_33 = arith.constant 0 : i32
    %dma_start3A_34 = arith.constant 0 : i32
    %dma_start3A_35 = tpu.memref_slice %arg2[%dma_start3A_33, %dma_start3A_34] : memref<10000x128xf32, #tpu.memory_space<hbm>> -> memref<10000x128xf32, #tpu.memory_space<hbm>>
    tpu.enqueue_indirect_dma source(%dma_start3A_35 : memref<10000x128xf32, #tpu.memory_space<hbm>>) target(%arg14 : memref<16x128xf32, #tpu.memory_space<vmem>>) offsets(%arg10 : memref<16xi32, #tpu.memory_space<vmem>>) semaphore(%arg17 : memref<!tpu.dma_semaphore, #tpu.memory_space<semaphore_mem>>)
    %dma_wait3A_36 = arith.constant 0 : i32
    %dma_wait3A_37 = arith.constant 0 : i32
    %dma_wait3A_38 = tpu.memref_slice %arg2[%dma_wait3A_36, %dma_wait3A_37] : memref<10000x128xf32, #tpu.memory_space<hbm>> -> memref<10000x128xf32, #tpu.memory_space<hbm>>
    tpu.wait_indirect_dma semaphore(%arg17 : memref<!tpu.dma_semaphore, #tpu.memory_space<semaphore_mem>>) src(%dma_wait3A_38 : memref<10000x128xf32, #tpu.memory_space<hbm>>) dst(%arg14 : memref<16x128xf32, #tpu.memory_space<vmem>>)
    "tpu.region"() ({
      %run_scoped3A = tpu.sem_alloc : memref<!tpu.dma_semaphore, #tpu.memory_space<semaphore_mem>>
      %dma_start3A_46 = arith.constant 0 : i32
      %dma_start3A_47 = arith.constant 0 : i32
      %dma_start3A_48 = tpu.memref_slice %arg16[%dma_start3A_46, %dma_start3A_47] : memref<10000x128xf32, #tpu.memory_space<vmem_shared>> -> memref<10000x128xf32, #tpu.memory_space<vmem_shared>>
      tpu.enqueue_indirect_dma source(%arg14 : memref<16x128xf32, #tpu.memory_space<vmem>>) target(%dma_start3A_48 : memref<10000x128xf32, #tpu.memory_space<vmem_shared>>) offsets(%arg11 : memref<16xi32, #tpu.memory_space<vmem>>) semaphore(%run_scoped3A : memref<!tpu.dma_semaphore, #tpu.memory_space<semaphore_mem>>) {add = true}
      %dma_wait3A_49 = arith.constant 0 : i32
      %dma_wait3A_50 = arith.constant 0 : i32
      %dma_wait3A_51 = tpu.memref_slice %arg16[%dma_wait3A_49, %dma_wait3A_50] : memref<10000x128xf32, #tpu.memory_space<vmem_shared>> -> memref<10000x128xf32, #tpu.memory_space<vmem_shared>>
      tpu.wait_indirect_dma semaphore(%run_scoped3A : memref<!tpu.dma_semaphore, #tpu.memory_space<semaphore_mem>>) src(%arg14 : memref<16x128xf32, #tpu.memory_space<vmem>>) dst(%dma_wait3A_51 : memref<10000x128xf32, #tpu.memory_space<vmem_shared>>)
      tpu.yield
    }) : () -> ()
    %barrier3A_39 = arith.constant 0 : index
    tpu.barrier barrier_id(%barrier3A_39)
    %lt3A = arith.constant 15 : i32
    %lt3A_40 = arith.cmpi slt, %arg1, %lt3A : i32
    %convert_element_type3A = arith.extui %lt3A_40 : i1 to i32
    %cond3A = arith.constant 0 : i32
    %cond3A_41 = arith.cmpi ne, %convert_element_type3A, %cond3A : i32
    scf.if %cond3A_41 {
      %mul3A_46 = arith.constant 640 : i32
      %mul3A_47 = arith.muli %arg1, %mul3A_46 : i32
      %mul3A_48 = arith.constant 10000 : i32
      %mul3A_49 = arith.muli %arg0, %mul3A_48 : i32
      %mul3A_50 = arith.constant 640 : i32
      %mul3A_51 = arith.muli %arg1, %mul3A_50 : i32
      %add3A_52 = arith.addi %mul3A_49, %mul3A_51 : i32
      "tpu.region"() ({
        %run_scoped3A = tpu.sem_alloc : memref<!tpu.dma_semaphore, #tpu.memory_space<semaphore_mem>>
        %dma_start3A_53 = arith.constant 0 : i32
        %dma_start3A_54 = tpu.memref_slice %arg5[%add3A_52, %dma_start3A_53] : memref<20000x128xf32, #tpu.memory_space<hbm>> -> memref<640x128xf32, #tpu.memory_space<hbm>>
        %dma_start3A_55 = arith.constant 0 : i32
        %dma_start3A_56 = tpu.memref_slice %arg16[%mul3A_47, %dma_start3A_55] : memref<10000x128xf32, #tpu.memory_space<vmem_shared>> -> memref<640x128xf32, #tpu.memory_space<vmem_shared>>
        tpu.enqueue_dma source(%dma_start3A_56 : memref<640x128xf32, #tpu.memory_space<vmem_shared>>) target(%dma_start3A_54 : memref<640x128xf32, #tpu.memory_space<hbm>>) target_semaphore(%run_scoped3A : memref<!tpu.dma_semaphore, #tpu.memory_space<semaphore_mem>>)
        %dma_wait3A_57 = arith.constant 0 : i32
        %dma_wait3A_58 = tpu.memref_slice %arg5[%add3A_52, %dma_wait3A_57] : memref<20000x128xf32, #tpu.memory_space<hbm>> -> memref<640x128xf32, #tpu.memory_space<hbm>>
        %dma_wait3A_59 = arith.constant 0 : i32
        %dma_wait3A_60 = tpu.memref_slice %arg16[%mul3A_47, %dma_wait3A_59] : memref<10000x128xf32, #tpu.memory_space<vmem_shared>> -> memref<640x128xf32, #tpu.memory_space<vmem_shared>>
        tpu.wait_dma2 semaphore(%run_scoped3A : memref<!tpu.dma_semaphore, #tpu.memory_space<semaphore_mem>>) src(%dma_wait3A_60 : memref<640x128xf32, #tpu.memory_space<vmem_shared>>) dst(%dma_wait3A_58 : memref<640x128xf32, #tpu.memory_space<hbm>>)
        tpu.yield
      }) : () -> ()
    } else {
    }
    %eq3A = arith.constant 15 : i32
    %eq3A_42 = arith.cmpi eq, %arg1, %eq3A : i32
    %convert_element_type3A_43 = arith.extui %eq3A_42 : i1 to i32
    %cond3A_44 = arith.constant 0 : i32
    %cond3A_45 = arith.cmpi ne, %convert_element_type3A_43, %cond3A_44 : i32
    scf.if %cond3A_45 {
      %mul3A_46 = arith.constant 10000 : i32
      %mul3A_47 = arith.muli %arg0, %mul3A_46 : i32
      %add3A_48 = arith.constant 9600 : i32
      %add3A_49 = arith.addi %mul3A_47, %add3A_48 : i32
      "tpu.region"() ({
        %run_scoped3A = tpu.sem_alloc : memref<!tpu.dma_semaphore, #tpu.memory_space<semaphore_mem>>
        %dma_start3A_50 = arith.constant 0 : i32
        %dma_start3A_51 = tpu.memref_slice %arg5[%add3A_49, %dma_start3A_50] : memref<20000x128xf32, #tpu.memory_space<hbm>> -> memref<400x128xf32, #tpu.memory_space<hbm>>
        %dma_start3A_52 = arith.constant 9600 : i32
        %dma_start3A_53 = arith.constant 0 : i32
        %dma_start3A_54 = tpu.memref_slice %arg16[%dma_start3A_52, %dma_start3A_53] : memref<10000x128xf32, #tpu.memory_space<vmem_shared>> -> memref<400x128xf32, #tpu.memory_space<vmem_shared>>
        tpu.enqueue_dma source(%dma_start3A_54 : memref<400x128xf32, #tpu.memory_space<vmem_shared>>) target(%dma_start3A_51 : memref<400x128xf32, #tpu.memory_space<hbm>>) target_semaphore(%run_scoped3A : memref<!tpu.dma_semaphore, #tpu.memory_space<semaphore_mem>>)
        %dma_wait3A_55 = arith.constant 0 : i32
        %dma_wait3A_56 = tpu.memref_slice %arg5[%add3A_49, %dma_wait3A_55] : memref<20000x128xf32, #tpu.memory_space<hbm>> -> memref<400x128xf32, #tpu.memory_space<hbm>>
        %dma_wait3A_57 = arith.constant 9600 : i32
        %dma_wait3A_58 = arith.constant 0 : i32
        %dma_wait3A_59 = tpu.memref_slice %arg16[%dma_wait3A_57, %dma_wait3A_58] : memref<10000x128xf32, #tpu.memory_space<vmem_shared>> -> memref<400x128xf32, #tpu.memory_space<vmem_shared>>
        tpu.wait_dma2 semaphore(%run_scoped3A : memref<!tpu.dma_semaphore, #tpu.memory_space<semaphore_mem>>) src(%dma_wait3A_59 : memref<400x128xf32, #tpu.memory_space<vmem_shared>>) dst(%dma_wait3A_56 : memref<400x128xf32, #tpu.memory_space<hbm>>)
        tpu.yield
      }) : () -> ()
    } else {
    }
    return
  }
}

module attributes {stable_mosaic.version = 14 : i64} {
  func.func @_stats_body(%arg0: memref<10000x128xf32, #tpu.memory_space<vmem>>, %arg1: memref<1x128xf32, #tpu.memory_space<vmem>>, %arg2: memref<1x128xf32, #tpu.memory_space<vmem>>) attributes {dimension_semantics = [], scalar_prefetch = 0 : i64, scratch_operands = 0 : i64, tpu.core_type = #tpu.core_type<tc>} {
    %get3A = arith.constant 0 : index
    %get3A_0 = arith.constant 0 : index
    %get3A_1 = vector.load %arg0[%get3A, %get3A_0] : memref<10000x128xf32, #tpu.memory_space<vmem>>, vector<10000x128xf32>
    %reduce_sum3A = arith.constant dense<0.000000e+00> : vector<128xf32>
    %reduce_sum3A_2 = vector.multi_reduction <add>, %get3A_1, %reduce_sum3A [0] : vector<10000x128xf32> to vector<128xf32>
    %broadcast_in_dim3A = vector.shape_cast %reduce_sum3A_2 : vector<128xf32> to vector<1x128xf32>
    %div3A = arith.constant 1.000000e+04 : f32
    %div3A_3 = vector.broadcast %div3A : f32 to vector<1x128xf32>
    %div3A_4 = arith.divf %broadcast_in_dim3A, %div3A_3 : vector<1x128xf32>
    %swap3A = arith.constant 0 : index
    %swap3A_5 = arith.constant 0 : index
    %swap3A_6 = vector.load %arg1[%swap3A, %swap3A_5] : memref<1x128xf32, #tpu.memory_space<vmem>>, vector<1x128xf32>
    tpu.vector_store %arg1[%swap3A, %swap3A_5], %div3A_4 {strides = array<i32>} : memref<1x128xf32, #tpu.memory_space<vmem>>, vector<1x128xf32>,
    %sub3A = vector.broadcast %div3A_4 : vector<1x128xf32> to vector<10000x128xf32>
    %sub3A_7 = arith.subf %get3A_1, %sub3A : vector<10000x128xf32>
    %sub3A_8 = vector.broadcast %div3A_4 : vector<1x128xf32> to vector<10000x128xf32>
    %sub3A_9 = arith.subf %get3A_1, %sub3A_8 : vector<10000x128xf32>
    %mul3A = arith.mulf %sub3A_7, %sub3A_9 : vector<10000x128xf32>
    %reduce_sum3A_10 = arith.constant dense<0.000000e+00> : vector<128xf32>
    %reduce_sum3A_11 = vector.multi_reduction <add>, %mul3A, %reduce_sum3A_10 [0] : vector<10000x128xf32> to vector<128xf32>
    %broadcast_in_dim3A_12 = vector.shape_cast %reduce_sum3A_11 : vector<128xf32> to vector<1x128xf32>
    %div3A_13 = arith.constant 1.000000e+04 : f32
    %div3A_14 = vector.broadcast %div3A_13 : f32 to vector<1x128xf32>
    %div3A_15 = arith.divf %broadcast_in_dim3A_12, %div3A_14 : vector<1x128xf32>
    %add3A = arith.constant 9.99999974E-6 : f32
    %add3A_16 = vector.broadcast %add3A : f32 to vector<1x128xf32>
    %add3A_17 = arith.addf %div3A_15, %add3A_16 : vector<1x128xf32>
    %rsqrt3A = math.rsqrt %add3A_17 : vector<1x128xf32>
    %swap3A_18 = arith.constant 0 : index
    %swap3A_19 = arith.constant 0 : index
    %swap3A_20 = vector.load %arg2[%swap3A_18, %swap3A_19] : memref<1x128xf32, #tpu.memory_space<vmem>>, vector<1x128xf32>
    tpu.vector_store %arg2[%swap3A_18, %swap3A_19], %rsqrt3A {strides = array<i32>} : memref<1x128xf32, #tpu.memory_space<vmem>>, vector<1x128xf32>,
    return
  }
}

module attributes {stable_mosaic.version = 14 : i64} {
  func.func @_scale_body(%arg0: i32, %arg1: memref<2000x128xf32, #tpu.memory_space<vmem>>, %arg2: memref<1x128xf32, #tpu.memory_space<vmem>>, %arg3: memref<1x128xf32, #tpu.memory_space<vmem>>, %arg4: memref<1x128xf32, #tpu.memory_space<vmem>>, %arg5: memref<1x128xf32, #tpu.memory_space<vmem>>, %arg6: memref<2000x128xf32, #tpu.memory_space<vmem>>, %arg7: memref<2000x128xf32, #tpu.memory_space<vmem>>, %arg8: memref<2000x128xf32, #tpu.memory_space<vmem>>, %arg9: memref<2000x1xf32, #tpu.memory_space<vmem>>, %arg10: memref<2000x128xf32, #tpu.memory_space<vmem>>) attributes {dimension_semantics = [#tpu.dimension_semantics<arbitrary>], iteration_bounds = array<i64: 5>, scalar_prefetch = 0 : i64, scratch_operands = 0 : i64, tpu.core_type = #tpu.core_type<tc>, window_params = [{transform_indices = @transform_0, window_bounds = array<i64: 2000, 128>}, {pipeline_mode = #tpu.pipeline_mode<synchronous>, transform_indices = @transform_1, window_bounds = array<i64: 1, 128>}, {pipeline_mode = #tpu.pipeline_mode<synchronous>, transform_indices = @transform_2, window_bounds = array<i64: 1, 128>}, {pipeline_mode = #tpu.pipeline_mode<synchronous>, transform_indices = @transform_3, window_bounds = array<i64: 1, 128>}, {pipeline_mode = #tpu.pipeline_mode<synchronous>, transform_indices = @transform_4, window_bounds = array<i64: 1, 128>}, {transform_indices = @transform_5, window_bounds = array<i64: 2000, 128>}, {transform_indices = @transform_6, window_bounds = array<i64: 2000, 128>}, {transform_indices = @transform_7, window_bounds = array<i64: 2000, 128>}, {transform_indices = @transform_8, window_bounds = array<i64: 2000, 1>}, {transform_indices = @transform_9, window_bounds = array<i64: 2000, 128>}]} {
    %get3A = arith.constant 0 : index
    %get3A_0 = arith.constant 0 : index
    %get3A_1 = vector.load %arg1[%get3A, %get3A_0] : memref<2000x128xf32, #tpu.memory_space<vmem>>, vector<2000x128xf32>
    %get3A_2 = arith.constant 0 : index
    %get3A_3 = arith.constant 0 : index
    %get3A_4 = vector.load %arg2[%get3A_2, %get3A_3] : memref<1x128xf32, #tpu.memory_space<vmem>>, vector<1x128xf32>
    %sub3A = vector.broadcast %get3A_4 : vector<1x128xf32> to vector<2000x128xf32>
    %sub3A_5 = arith.subf %get3A_1, %sub3A : vector<2000x128xf32>
    %get3A_6 = arith.constant 0 : index
    %get3A_7 = arith.constant 0 : index
    %get3A_8 = vector.load %arg3[%get3A_6, %get3A_7] : memref<1x128xf32, #tpu.memory_space<vmem>>, vector<1x128xf32>
    %mul3A = vector.broadcast %get3A_8 : vector<1x128xf32> to vector<2000x128xf32>
    %mul3A_9 = arith.mulf %sub3A_5, %mul3A : vector<2000x128xf32>
    %get3A_10 = arith.constant 0 : index
    %get3A_11 = arith.constant 0 : index
    %get3A_12 = vector.load %arg4[%get3A_10, %get3A_11] : memref<1x128xf32, #tpu.memory_space<vmem>>, vector<1x128xf32>
    %mul3A_13 = vector.broadcast %get3A_12 : vector<1x128xf32> to vector<2000x128xf32>
    %mul3A_14 = arith.mulf %mul3A_9, %mul3A_13 : vector<2000x128xf32>
    %get3A_15 = arith.constant 0 : index
    %get3A_16 = arith.constant 0 : index
    %get3A_17 = vector.load %arg5[%get3A_15, %get3A_16] : memref<1x128xf32, #tpu.memory_space<vmem>>, vector<1x128xf32>
    %add3A = vector.broadcast %get3A_17 : vector<1x128xf32> to vector<2000x128xf32>
    %add3A_18 = arith.addf %mul3A_14, %add3A : vector<2000x128xf32>
    %swap3A = arith.constant 0 : index
    %swap3A_19 = arith.constant 0 : index
    %swap3A_20 = vector.load %arg8[%swap3A, %swap3A_19] : memref<2000x128xf32, #tpu.memory_space<vmem>>, vector<2000x128xf32>
    tpu.vector_store %arg8[%swap3A, %swap3A_19], %add3A_18 {strides = array<i32>} : memref<2000x128xf32, #tpu.memory_space<vmem>>, vector<2000x128xf32>,
    %get3A_21 = arith.constant 0 : index
    %get3A_22 = arith.constant 0 : index
    %get3A_23 = vector.load %arg6[%get3A_21, %get3A_22] : memref<2000x128xf32, #tpu.memory_space<vmem>>, vector<2000x1xf32>
    %get3A_24 = arith.constant 0 : index
    %get3A_25 = arith.constant 0 : index
    %get3A_26 = vector.load %arg7[%get3A_24, %get3A_25] : memref<2000x128xf32, #tpu.memory_space<vmem>>, vector<2000x1xf32>
    %add3A_27 = arith.addf %get3A_23, %get3A_26 : vector<2000x1xf32>
    %gt3A = arith.constant 0.000000e+00 : f32
    %gt3A_28 = vector.broadcast %gt3A : f32 to vector<2000x1xf32>
    %gt3A_29 = arith.cmpf ogt, %add3A_27, %gt3A_28 : vector<2000x1xf32>
    %max3A = arith.constant 1.000000e+00 : f32
    %max3A_30 = vector.broadcast %max3A : f32 to vector<2000x1xf32>
    %max3A_31 = arith.maximumf %add3A_27, %max3A_30 : vector<2000x1xf32>
    %rsqrt3A = math.rsqrt %max3A_31 : vector<2000x1xf32>
    %jit3A = arith.constant 0.000000e+00 : f32
    %broadcast_in_dim3A = vector.broadcast %jit3A : f32 to vector<2000x1xf32>
    %select_n3A = arith.select %gt3A_29, %rsqrt3A, %broadcast_in_dim3A : vector<2000x1xi1>, vector<2000x1xf32>
    %swap3A_32 = arith.constant 0 : index
    %swap3A_33 = arith.constant 0 : index
    %swap3A_34 = vector.load %arg9[%swap3A_32, %swap3A_33] : memref<2000x1xf32, #tpu.memory_space<vmem>>, vector<2000x1xf32>
    tpu.vector_store %arg9[%swap3A_32, %swap3A_33], %select_n3A {strides = array<i32>} : memref<2000x1xf32, #tpu.memory_space<vmem>>, vector<2000x1xf32>,
    %mul3A_35 = vector.broadcast %select_n3A : vector<2000x1xf32> to vector<2000x128xf32>
    %mul3A_36 = arith.mulf %add3A_18, %mul3A_35 : vector<2000x128xf32>
    %swap3A_37 = arith.constant 0 : index
    %swap3A_38 = arith.constant 0 : index
    %swap3A_39 = vector.load %arg10[%swap3A_37, %swap3A_38] : memref<2000x128xf32, #tpu.memory_space<vmem>>, vector<2000x128xf32>
    tpu.vector_store %arg10[%swap3A_37, %swap3A_38], %mul3A_36 {strides = array<i32>} : memref<2000x128xf32, #tpu.memory_space<vmem>>, vector<2000x128xf32>,
    return
  }
  func.func @transform_0(%arg0: i32) -> (i32, i32) {
    %c0_i32 = arith.constant 0 : i32
    %c0_i32_0 = arith.constant 0 : i32
    return %arg0, %c0_i32 : i32, i32
  }
  func.func @transform_1(%arg0: i32) -> (i32, i32) {
    %c0_i32 = arith.constant 0 : i32
    %c0_i32_0 = arith.constant 0 : i32
    %c0_i32_1 = arith.constant 0 : i32
    return %c0_i32, %c0_i32_0 : i32, i32
  }
  func.func @transform_2(%arg0: i32) -> (i32, i32) {
    %c0_i32 = arith.constant 0 : i32
    %c0_i32_0 = arith.constant 0 : i32
    %c0_i32_1 = arith.constant 0 : i32
    return %c0_i32, %c0_i32_0 : i32, i32
  }
  func.func @transform_3(%arg0: i32) -> (i32, i32) {
    %c0_i32 = arith.constant 0 : i32
    %c0_i32_0 = arith.constant 0 : i32
    %c0_i32_1 = arith.constant 0 : i32
    return %c0_i32, %c0_i32_0 : i32, i32
  }
  func.func @transform_4(%arg0: i32) -> (i32, i32) {
    %c0_i32 = arith.constant 0 : i32
    %c0_i32_0 = arith.constant 0 : i32
    %c0_i32_1 = arith.constant 0 : i32
    return %c0_i32, %c0_i32_0 : i32, i32
  }
  func.func @transform_5(%arg0: i32) -> (i32, i32) {
    %c0_i32 = arith.constant 0 : i32
    %c0_i32_0 = arith.constant 0 : i32
    return %arg0, %c0_i32 : i32, i32
  }
  func.func @transform_6(%arg0: i32) -> (i32, i32) {
    %add3A = arith.constant 5 : i32
    %add3A_0 = arith.addi %arg0, %add3A : i32
    %c0_i32 = arith.constant 0 : i32
    %c0_i32_1 = arith.constant 0 : i32
    return %add3A_0, %c0_i32 : i32, i32
  }
  func.func @transform_7(%arg0: i32) -> (i32, i32) {
    %c0_i32 = arith.constant 0 : i32
    %c0_i32_0 = arith.constant 0 : i32
    return %arg0, %c0_i32 : i32, i32
  }
  func.func @transform_8(%arg0: i32) -> (i32, i32) {
    %c0_i32 = arith.constant 0 : i32
    %c0_i32_0 = arith.constant 0 : i32
    return %arg0, %c0_i32 : i32, i32
  }
  func.func @transform_9(%arg0: i32) -> (i32, i32) {
    %c0_i32 = arith.constant 0 : i32
    %c0_i32_0 = arith.constant 0 : i32
    return %arg0, %c0_i32 : i32, i32
  }
}

module attributes {stable_mosaic.version = 14 : i64} {
  func.func @_t3_body(%arg0: i32, %arg1: memref<2000x128xf32, #tpu.memory_space<vmem>>, %arg2: memref<2000x128xf32, #tpu.memory_space<vmem>>, %arg3: memref<2000x1xf32, #tpu.memory_space<vmem>>, %arg4: memref<2000x128xf32, #tpu.memory_space<vmem>>, %arg5: memref<128x128xf32, #tpu.memory_space<vmem>>, %arg6: memref<128x128xf32, #tpu.memory_space<vmem>>, %arg7: memref<1x128xf32, #tpu.memory_space<vmem>>, %arg8: memref<2000x128xf32, #tpu.memory_space<vmem>>, %arg9: memref<2000x128xf32, #tpu.memory_space<vmem>>) attributes {dimension_semantics = [#tpu.dimension_semantics<arbitrary>], iteration_bounds = array<i64: 5>, scalar_prefetch = 0 : i64, scratch_operands = 0 : i64, tpu.core_type = #tpu.core_type<tc>, window_params = [{transform_indices = @transform_0, window_bounds = array<i64: 2000, 128>}, {transform_indices = @transform_1, window_bounds = array<i64: 2000, 128>}, {transform_indices = @transform_2, window_bounds = array<i64: 2000, 1>}, {transform_indices = @transform_3, window_bounds = array<i64: 2000, 128>}, {pipeline_mode = #tpu.pipeline_mode<synchronous>, transform_indices = @transform_4, window_bounds = array<i64: 128, 128>}, {pipeline_mode = #tpu.pipeline_mode<synchronous>, transform_indices = @transform_5, window_bounds = array<i64: 128, 128>}, {pipeline_mode = #tpu.pipeline_mode<synchronous>, transform_indices = @transform_6, window_bounds = array<i64: 1, 128>}, {transform_indices = @transform_7, window_bounds = array<i64: 2000, 128>}, {transform_indices = @transform_8, window_bounds = array<i64: 2000, 128>}]} {
    %get3A = arith.constant 0 : index
    %get3A_0 = arith.constant 0 : index
    %get3A_1 = vector.load %arg3[%get3A, %get3A_0] : memref<2000x1xf32, #tpu.memory_space<vmem>>, vector<2000x1xf32>
    %neg3A = arith.constant 0.000000e+00 : f32
    %neg3A_2 = vector.broadcast %neg3A : f32 to vector<2000x1xf32>
    %neg3A_3 = arith.subf %neg3A_2, %get3A_1 : vector<2000x1xf32>
    %get3A_4 = arith.constant 0 : index
    %get3A_5 = arith.constant 0 : index
    %get3A_6 = vector.load %arg1[%get3A_4, %get3A_5] : memref<2000x128xf32, #tpu.memory_space<vmem>>, vector<2000x128xf32>
    %get3A_7 = arith.constant 0 : index
    %get3A_8 = arith.constant 0 : index
    %get3A_9 = vector.load %arg2[%get3A_7, %get3A_8] : memref<2000x128xf32, #tpu.memory_space<vmem>>, vector<2000x128xf32>
    %add3A = arith.addf %get3A_6, %get3A_9 : vector<2000x128xf32>
    %mul3A = vector.broadcast %neg3A_3 : vector<2000x1xf32> to vector<2000x128xf32>
    %mul3A_10 = arith.mulf %mul3A, %add3A : vector<2000x128xf32>
    %mul3A_11 = vector.broadcast %get3A_1 : vector<2000x1xf32> to vector<2000x128xf32>
    %mul3A_12 = arith.mulf %mul3A_11, %mul3A_10 : vector<2000x128xf32>
    %swap3A = arith.constant 0 : index
    %swap3A_13 = arith.constant 0 : index
    %swap3A_14 = vector.load %arg8[%swap3A, %swap3A_13] : memref<2000x128xf32, #tpu.memory_space<vmem>>, vector<2000x128xf32>
    tpu.vector_store %arg8[%swap3A, %swap3A_13], %mul3A_12 {strides = array<i32>} : memref<2000x128xf32, #tpu.memory_space<vmem>>, vector<2000x128xf32>,
    %get3A_15 = arith.constant 0 : index
    %get3A_16 = arith.constant 0 : index
    %get3A_17 = vector.load %arg4[%get3A_15, %get3A_16] : memref<2000x128xf32, #tpu.memory_space<vmem>>, vector<2000x128xf32>
    %get3A_18 = arith.constant 0 : index
    %get3A_19 = arith.constant 0 : index
    %get3A_20 = vector.load %arg5[%get3A_18, %get3A_19] : memref<128x128xf32, #tpu.memory_space<vmem>>, vector<128x128xf32>
    %dot_general3A = arith.constant dense<0.000000e+00> : vector<2000x128xf32>
    %dot_general3A_21 = tpu.matmul %get3A_17, %get3A_20, %dot_general3A {dimension_numbers = #tpu.dot_dimension_numbers<[1], [0], [0], [1], [0, 0, 1, 1], [], []>, precision = #tpu.contract_precision<fp32>, transpose_lhs_hint = false} : vector<2000x128xf32>, vector<128x128xf32>, vector<2000x128xf32> -> vector<2000x128xf32>
    %get3A_22 = arith.constant 0 : index
    %get3A_23 = arith.constant 0 : index
    %get3A_24 = vector.load %arg6[%get3A_22, %get3A_23] : memref<128x128xf32, #tpu.memory_space<vmem>>, vector<128x128xf32>
    %dot_general3A_25 = arith.constant dense<0.000000e+00> : vector<2000x128xf32>
    %dot_general3A_26 = tpu.matmul %mul3A_10, %get3A_24, %dot_general3A_25 {dimension_numbers = #tpu.dot_dimension_numbers<[1], [0], [0], [1], [0, 0, 1, 1], [], []>, precision = #tpu.contract_precision<fp32>, transpose_lhs_hint = false} : vector<2000x128xf32>, vector<128x128xf32>, vector<2000x128xf32> -> vector<2000x128xf32>
    %add3A_27 = arith.addf %dot_general3A_21, %dot_general3A_26 : vector<2000x128xf32>
    %get3A_28 = arith.constant 0 : index
    %get3A_29 = arith.constant 0 : index
    %get3A_30 = vector.load %arg7[%get3A_28, %get3A_29] : memref<1x128xf32, #tpu.memory_space<vmem>>, vector<1x128xf32>
    %add3A_31 = vector.broadcast %get3A_30 : vector<1x128xf32> to vector<2000x128xf32>
    %add3A_32 = arith.addf %add3A_27, %add3A_31 : vector<2000x128xf32>
    %swap3A_33 = arith.constant 0 : index
    %swap3A_34 = arith.constant 0 : index
    %swap3A_35 = vector.load %arg9[%swap3A_33, %swap3A_34] : memref<2000x128xf32, #tpu.memory_space<vmem>>, vector<2000x128xf32>
    tpu.vector_store %arg9[%swap3A_33, %swap3A_34], %add3A_32 {strides = array<i32>} : memref<2000x128xf32, #tpu.memory_space<vmem>>, vector<2000x128xf32>,
    return
  }
  func.func @transform_0(%arg0: i32) -> (i32, i32) {
    %c0_i32 = arith.constant 0 : i32
    %c0_i32_0 = arith.constant 0 : i32
    return %arg0, %c0_i32 : i32, i32
  }
  func.func @transform_1(%arg0: i32) -> (i32, i32) {
    %add3A = arith.constant 5 : i32
    %add3A_0 = arith.addi %arg0, %add3A : i32
    %c0_i32 = arith.constant 0 : i32
    %c0_i32_1 = arith.constant 0 : i32
    return %add3A_0, %c0_i32 : i32, i32
  }
  func.func @transform_2(%arg0: i32) -> (i32, i32) {
    %c0_i32 = arith.constant 0 : i32
    %c0_i32_0 = arith.constant 0 : i32
    return %arg0, %c0_i32 : i32, i32
  }
  func.func @transform_3(%arg0: i32) -> (i32, i32) {
    %c0_i32 = arith.constant 0 : i32
    %c0_i32_0 = arith.constant 0 : i32
    return %arg0, %c0_i32 : i32, i32
  }
  func.func @transform_4(%arg0: i32) -> (i32, i32) {
    %c0_i32 = arith.constant 0 : i32
    %c0_i32_0 = arith.constant 0 : i32
    %c0_i32_1 = arith.constant 0 : i32
    return %c0_i32, %c0_i32_0 : i32, i32
  }
  func.func @transform_5(%arg0: i32) -> (i32, i32) {
    %c0_i32 = arith.constant 0 : i32
    %c0_i32_0 = arith.constant 0 : i32
    %c0_i32_1 = arith.constant 0 : i32
    return %c0_i32, %c0_i32_0 : i32, i32
  }
  func.func @transform_6(%arg0: i32) -> (i32, i32) {
    %c0_i32 = arith.constant 0 : i32
    %c0_i32_0 = arith.constant 0 : i32
    %c0_i32_1 = arith.constant 0 : i32
    return %c0_i32, %c0_i32_0 : i32, i32
  }
  func.func @transform_7(%arg0: i32) -> (i32, i32) {
    %c0_i32 = arith.constant 0 : i32
    %c0_i32_0 = arith.constant 0 : i32
    return %arg0, %c0_i32 : i32, i32
  }
  func.func @transform_8(%arg0: i32) -> (i32, i32) {
    %c0_i32 = arith.constant 0 : i32
    %c0_i32_0 = arith.constant 0 : i32
    return %arg0, %c0_i32 : i32, i32
  }
}

module attributes {stable_mosaic.version = 14 : i64} {
  func.func @_t4a_body(%arg0: i32, %arg1: memref<2000x128xf32, #tpu.memory_space<vmem>>, %arg2: memref<2000x128xf32, #tpu.memory_space<vmem>>, %arg3: memref<2000x1xf32, #tpu.memory_space<vmem>>, %arg4: memref<2000x128xf32, #tpu.memory_space<vmem>>, %arg5: memref<2000x128xf32, #tpu.memory_space<vmem>>, %arg6: memref<128x128xf32, #tpu.memory_space<vmem>>, %arg7: memref<2000x128xf32, #tpu.memory_space<vmem>>) attributes {dimension_semantics = [#tpu.dimension_semantics<arbitrary>], iteration_bounds = array<i64: 5>, scalar_prefetch = 0 : i64, scratch_operands = 0 : i64, tpu.core_type = #tpu.core_type<tc>, window_params = [{transform_indices = @transform_0, window_bounds = array<i64: 2000, 128>}, {transform_indices = @transform_1, window_bounds = array<i64: 2000, 128>}, {transform_indices = @transform_2, window_bounds = array<i64: 2000, 1>}, {transform_indices = @transform_3, window_bounds = array<i64: 2000, 128>}, {transform_indices = @transform_4, window_bounds = array<i64: 2000, 128>}, {pipeline_mode = #tpu.pipeline_mode<synchronous>, transform_indices = @transform_5, window_bounds = array<i64: 128, 128>}, {transform_indices = @transform_6, window_bounds = array<i64: 2000, 128>}]} {
    %get3A = arith.constant 0 : index
    %get3A_0 = arith.constant 0 : index
    %get3A_1 = vector.load %arg3[%get3A, %get3A_0] : memref<2000x1xf32, #tpu.memory_space<vmem>>, vector<2000x1xf32>
    %mul3A = arith.constant -2.000000e+00 : f32
    %mul3A_2 = vector.broadcast %mul3A : f32 to vector<2000x1xf32>
    %mul3A_3 = arith.mulf %mul3A_2, %get3A_1 : vector<2000x1xf32>
    %get3A_4 = arith.constant 0 : index
    %get3A_5 = arith.constant 0 : index
    %get3A_6 = vector.load %arg1[%get3A_4, %get3A_5] : memref<2000x128xf32, #tpu.memory_space<vmem>>, vector<2000x128xf32>
    %get3A_7 = arith.constant 0 : index
    %get3A_8 = arith.constant 0 : index
    %get3A_9 = vector.load %arg2[%get3A_7, %get3A_8] : memref<2000x128xf32, #tpu.memory_space<vmem>>, vector<2000x128xf32>
    %add3A = arith.addf %get3A_6, %get3A_9 : vector<2000x128xf32>
    %mul3A_10 = vector.broadcast %mul3A_3 : vector<2000x1xf32> to vector<2000x128xf32>
    %mul3A_11 = arith.mulf %mul3A_10, %add3A : vector<2000x128xf32>
    %get3A_12 = arith.constant 0 : index
    %get3A_13 = arith.constant 0 : index
    %get3A_14 = vector.load %arg4[%get3A_12, %get3A_13] : memref<2000x128xf32, #tpu.memory_space<vmem>>, vector<2000x128xf32>
    %sub3A = arith.subf %mul3A_11, %get3A_14 : vector<2000x128xf32>
    %get3A_15 = arith.constant 0 : index
    %get3A_16 = arith.constant 0 : index
    %get3A_17 = vector.load %arg5[%get3A_15, %get3A_16] : memref<2000x128xf32, #tpu.memory_space<vmem>>, vector<2000x128xf32>
    %get3A_18 = arith.constant 0 : index
    %get3A_19 = arith.constant 0 : index
    %get3A_20 = vector.load %arg6[%get3A_18, %get3A_19] : memref<128x128xf32, #tpu.memory_space<vmem>>, vector<128x128xf32>
    %dot_general3A = arith.constant dense<0.000000e+00> : vector<2000x128xf32>
    %dot_general3A_21 = tpu.matmul %sub3A, %get3A_20, %dot_general3A {dimension_numbers = #tpu.dot_dimension_numbers<[1], [0], [0], [1], [0, 0, 1, 1], [], []>, precision = #tpu.contract_precision<fp32>, transpose_lhs_hint = false} : vector<2000x128xf32>, vector<128x128xf32>, vector<2000x128xf32> -> vector<2000x128xf32>
    %add3A_22 = arith.addf %get3A_17, %dot_general3A_21 : vector<2000x128xf32>
    %max3A = arith.constant 0.000000e+00 : f32
    %max3A_23 = vector.broadcast %max3A : f32 to vector<2000x128xf32>
    %max3A_24 = arith.maximumf %add3A_22, %max3A_23 : vector<2000x128xf32>
    %swap3A = arith.constant 0 : index
    %swap3A_25 = arith.constant 0 : index
    %swap3A_26 = vector.load %arg7[%swap3A, %swap3A_25] : memref<2000x128xf32, #tpu.memory_space<vmem>>, vector<2000x128xf32>
    tpu.vector_store %arg7[%swap3A, %swap3A_25], %max3A_24 {strides = array<i32>} : memref<2000x128xf32, #tpu.memory_space<vmem>>, vector<2000x128xf32>,
    return
  }
  func.func @transform_0(%arg0: i32) -> (i32, i32) {
    %c0_i32 = arith.constant 0 : i32
    %c0_i32_0 = arith.constant 0 : i32
    return %arg0, %c0_i32 : i32, i32
  }
  func.func @transform_1(%arg0: i32) -> (i32, i32) {
    %add3A = arith.constant 5 : i32
    %add3A_0 = arith.addi %arg0, %add3A : i32
    %c0_i32 = arith.constant 0 : i32
    %c0_i32_1 = arith.constant 0 : i32
    return %add3A_0, %c0_i32 : i32, i32
  }
  func.func @transform_2(%arg0: i32) -> (i32, i32) {
    %c0_i32 = arith.constant 0 : i32
    %c0_i32_0 = arith.constant 0 : i32
    return %arg0, %c0_i32 : i32, i32
  }
  func.func @transform_3(%arg0: i32) -> (i32, i32) {
    %c0_i32 = arith.constant 0 : i32
    %c0_i32_0 = arith.constant 0 : i32
    return %arg0, %c0_i32 : i32, i32
  }
  func.func @transform_4(%arg0: i32) -> (i32, i32) {
    %c0_i32 = arith.constant 0 : i32
    %c0_i32_0 = arith.constant 0 : i32
    return %arg0, %c0_i32 : i32, i32
  }
  func.func @transform_5(%arg0: i32) -> (i32, i32) {
    %c0_i32 = arith.constant 0 : i32
    %c0_i32_0 = arith.constant 0 : i32
    %c0_i32_1 = arith.constant 0 : i32
    return %c0_i32, %c0_i32_0 : i32, i32
  }
  func.func @transform_6(%arg0: i32) -> (i32, i32) {
    %c0_i32 = arith.constant 0 : i32
    %c0_i32_0 = arith.constant 0 : i32
    return %arg0, %c0_i32 : i32, i32
  }
}

module attributes {stable_mosaic.version = 14 : i64} {
  func.func @_t4b_body(%arg0: i32, %arg1: memref<2000x128xf32, #tpu.memory_space<vmem>>, %arg2: memref<1x128xf32, #tpu.memory_space<vmem>>, %arg3: memref<1x128xf32, #tpu.memory_space<vmem>>, %arg4: memref<1x128xf32, #tpu.memory_space<vmem>>, %arg5: memref<1x128xf32, #tpu.memory_space<vmem>>, %arg6: memref<2000x1xf32, #tpu.memory_space<vmem>>, %arg7: memref<2000x128xf32, #tpu.memory_space<vmem>>, %arg8: memref<2000x128xf32, #tpu.memory_space<vmem>>) attributes {dimension_semantics = [#tpu.dimension_semantics<arbitrary>], iteration_bounds = array<i64: 5>, scalar_prefetch = 0 : i64, scratch_operands = 0 : i64, tpu.core_type = #tpu.core_type<tc>, window_params = [{transform_indices = @transform_0, window_bounds = array<i64: 2000, 128>}, {pipeline_mode = #tpu.pipeline_mode<synchronous>, transform_indices = @transform_1, window_bounds = array<i64: 1, 128>}, {pipeline_mode = #tpu.pipeline_mode<synchronous>, transform_indices = @transform_2, window_bounds = array<i64: 1, 128>}, {pipeline_mode = #tpu.pipeline_mode<synchronous>, transform_indices = @transform_3, window_bounds = array<i64: 1, 128>}, {pipeline_mode = #tpu.pipeline_mode<synchronous>, transform_indices = @transform_4, window_bounds = array<i64: 1, 128>}, {transform_indices = @transform_5, window_bounds = array<i64: 2000, 1>}, {transform_indices = @transform_6, window_bounds = array<i64: 2000, 128>}, {transform_indices = @transform_7, window_bounds = array<i64: 2000, 128>}]} {
    %get3A = arith.constant 0 : index
    %get3A_0 = arith.constant 0 : index
    %get3A_1 = vector.load %arg1[%get3A, %get3A_0] : memref<2000x128xf32, #tpu.memory_space<vmem>>, vector<2000x128xf32>
    %get3A_2 = arith.constant 0 : index
    %get3A_3 = arith.constant 0 : index
    %get3A_4 = vector.load %arg2[%get3A_2, %get3A_3] : memref<1x128xf32, #tpu.memory_space<vmem>>, vector<1x128xf32>
    %sub3A = vector.broadcast %get3A_4 : vector<1x128xf32> to vector<2000x128xf32>
    %sub3A_5 = arith.subf %get3A_1, %sub3A : vector<2000x128xf32>
    %get3A_6 = arith.constant 0 : index
    %get3A_7 = arith.constant 0 : index
    %get3A_8 = vector.load %arg3[%get3A_6, %get3A_7] : memref<1x128xf32, #tpu.memory_space<vmem>>, vector<1x128xf32>
    %mul3A = vector.broadcast %get3A_8 : vector<1x128xf32> to vector<2000x128xf32>
    %mul3A_9 = arith.mulf %sub3A_5, %mul3A : vector<2000x128xf32>
    %get3A_10 = arith.constant 0 : index
    %get3A_11 = arith.constant 0 : index
    %get3A_12 = vector.load %arg4[%get3A_10, %get3A_11] : memref<1x128xf32, #tpu.memory_space<vmem>>, vector<1x128xf32>
    %mul3A_13 = vector.broadcast %get3A_12 : vector<1x128xf32> to vector<2000x128xf32>
    %mul3A_14 = arith.mulf %mul3A_9, %mul3A_13 : vector<2000x128xf32>
    %get3A_15 = arith.constant 0 : index
    %get3A_16 = arith.constant 0 : index
    %get3A_17 = vector.load %arg5[%get3A_15, %get3A_16] : memref<1x128xf32, #tpu.memory_space<vmem>>, vector<1x128xf32>
    %add3A = vector.broadcast %get3A_17 : vector<1x128xf32> to vector<2000x128xf32>
    %add3A_18 = arith.addf %mul3A_14, %add3A : vector<2000x128xf32>
    %swap3A = arith.constant 0 : index
    %swap3A_19 = arith.constant 0 : index
    %swap3A_20 = vector.load %arg7[%swap3A, %swap3A_19] : memref<2000x128xf32, #tpu.memory_space<vmem>>, vector<2000x128xf32>
    tpu.vector_store %arg7[%swap3A, %swap3A_19], %add3A_18 {strides = array<i32>} : memref<2000x128xf32, #tpu.memory_space<vmem>>, vector<2000x128xf32>,
    %get3A_21 = arith.constant 0 : index
    %get3A_22 = arith.constant 0 : index
    %get3A_23 = vector.load %arg6[%get3A_21, %get3A_22] : memref<2000x1xf32, #tpu.memory_space<vmem>>, vector<2000x1xf32>
    %mul3A_24 = vector.broadcast %get3A_23 : vector<2000x1xf32> to vector<2000x128xf32>
    %mul3A_25 = arith.mulf %mul3A_24, %add3A_18 : vector<2000x128xf32>
    %swap3A_26 = arith.constant 0 : index
    %swap3A_27 = arith.constant 0 : index
    %swap3A_28 = vector.load %arg8[%swap3A_26, %swap3A_27] : memref<2000x128xf32, #tpu.memory_space<vmem>>, vector<2000x128xf32>
    tpu.vector_store %arg8[%swap3A_26, %swap3A_27], %mul3A_25 {strides = array<i32>} : memref<2000x128xf32, #tpu.memory_space<vmem>>, vector<2000x128xf32>,
    return
  }
  func.func @transform_0(%arg0: i32) -> (i32, i32) {
    %c0_i32 = arith.constant 0 : i32
    %c0_i32_0 = arith.constant 0 : i32
    return %arg0, %c0_i32 : i32, i32
  }
  func.func @transform_1(%arg0: i32) -> (i32, i32) {
    %c0_i32 = arith.constant 0 : i32
    %c0_i32_0 = arith.constant 0 : i32
    %c0_i32_1 = arith.constant 0 : i32
    return %c0_i32, %c0_i32_0 : i32, i32
  }
  func.func @transform_2(%arg0: i32) -> (i32, i32) {
    %c0_i32 = arith.constant 0 : i32
    %c0_i32_0 = arith.constant 0 : i32
    %c0_i32_1 = arith.constant 0 : i32
    return %c0_i32, %c0_i32_0 : i32, i32
  }
  func.func @transform_3(%arg0: i32) -> (i32, i32) {
    %c0_i32 = arith.constant 0 : i32
    %c0_i32_0 = arith.constant 0 : i32
    %c0_i32_1 = arith.constant 0 : i32
    return %c0_i32, %c0_i32_0 : i32, i32
  }
  func.func @transform_4(%arg0: i32) -> (i32, i32) {
    %c0_i32 = arith.constant 0 : i32
    %c0_i32_0 = arith.constant 0 : i32
    %c0_i32_1 = arith.constant 0 : i32
    return %c0_i32, %c0_i32_0 : i32, i32
  }
  func.func @transform_5(%arg0: i32) -> (i32, i32) {
    %c0_i32 = arith.constant 0 : i32
    %c0_i32_0 = arith.constant 0 : i32
    return %arg0, %c0_i32 : i32, i32
  }
  func.func @transform_6(%arg0: i32) -> (i32, i32) {
    %c0_i32 = arith.constant 0 : i32
    %c0_i32_0 = arith.constant 0 : i32
    return %arg0, %c0_i32 : i32, i32
  }
  func.func @transform_7(%arg0: i32) -> (i32, i32) {
    %c0_i32 = arith.constant 0 : i32
    %c0_i32_0 = arith.constant 0 : i32
    return %arg0, %c0_i32 : i32, i32
  }
}

module attributes {stable_mosaic.version = 14 : i64} {
  func.func @_t5_body(%arg0: i32, %arg1: memref<2000x128xf32, #tpu.memory_space<vmem>>, %arg2: memref<2000x128xf32, #tpu.memory_space<vmem>>, %arg3: memref<2000x1xf32, #tpu.memory_space<vmem>>, %arg4: memref<2000x128xf32, #tpu.memory_space<vmem>>, %arg5: memref<128x128xf32, #tpu.memory_space<vmem>>, %arg6: memref<128x128xf32, #tpu.memory_space<vmem>>, %arg7: memref<1x128xf32, #tpu.memory_space<vmem>>, %arg8: memref<2000x128xf32, #tpu.memory_space<vmem>>, %arg9: memref<2000x128xf32, #tpu.memory_space<vmem>>) attributes {dimension_semantics = [#tpu.dimension_semantics<arbitrary>], iteration_bounds = array<i64: 5>, scalar_prefetch = 0 : i64, scratch_operands = 0 : i64, tpu.core_type = #tpu.core_type<tc>, window_params = [{transform_indices = @transform_0, window_bounds = array<i64: 2000, 128>}, {transform_indices = @transform_1, window_bounds = array<i64: 2000, 128>}, {transform_indices = @transform_2, window_bounds = array<i64: 2000, 1>}, {transform_indices = @transform_3, window_bounds = array<i64: 2000, 128>}, {pipeline_mode = #tpu.pipeline_mode<synchronous>, transform_indices = @transform_4, window_bounds = array<i64: 128, 128>}, {pipeline_mode = #tpu.pipeline_mode<synchronous>, transform_indices = @transform_5, window_bounds = array<i64: 128, 128>}, {pipeline_mode = #tpu.pipeline_mode<synchronous>, transform_indices = @transform_6, window_bounds = array<i64: 1, 128>}, {transform_indices = @transform_7, window_bounds = array<i64: 2000, 128>}, {transform_indices = @transform_8, window_bounds = array<i64: 2000, 128>}]} {
    %get3A = arith.constant 0 : index
    %get3A_0 = arith.constant 0 : index
    %get3A_1 = vector.load %arg3[%get3A, %get3A_0] : memref<2000x1xf32, #tpu.memory_space<vmem>>, vector<2000x1xf32>
    %neg3A = arith.constant 0.000000e+00 : f32
    %neg3A_2 = vector.broadcast %neg3A : f32 to vector<2000x1xf32>
    %neg3A_3 = arith.subf %neg3A_2, %get3A_1 : vector<2000x1xf32>
    %get3A_4 = arith.constant 0 : index
    %get3A_5 = arith.constant 0 : index
    %get3A_6 = vector.load %arg1[%get3A_4, %get3A_5] : memref<2000x128xf32, #tpu.memory_space<vmem>>, vector<2000x128xf32>
    %get3A_7 = arith.constant 0 : index
    %get3A_8 = arith.constant 0 : index
    %get3A_9 = vector.load %arg2[%get3A_7, %get3A_8] : memref<2000x128xf32, #tpu.memory_space<vmem>>, vector<2000x128xf32>
    %add3A = arith.addf %get3A_6, %get3A_9 : vector<2000x128xf32>
    %mul3A = vector.broadcast %neg3A_3 : vector<2000x1xf32> to vector<2000x128xf32>
    %mul3A_10 = arith.mulf %mul3A, %add3A : vector<2000x128xf32>
    %mul3A_11 = vector.broadcast %get3A_1 : vector<2000x1xf32> to vector<2000x128xf32>
    %mul3A_12 = arith.mulf %mul3A_11, %mul3A_10 : vector<2000x128xf32>
    %swap3A = arith.constant 0 : index
    %swap3A_13 = arith.constant 0 : index
    %swap3A_14 = vector.load %arg9[%swap3A, %swap3A_13] : memref<2000x128xf32, #tpu.memory_space<vmem>>, vector<2000x128xf32>
    tpu.vector_store %arg9[%swap3A, %swap3A_13], %mul3A_12 {strides = array<i32>} : memref<2000x128xf32, #tpu.memory_space<vmem>>, vector<2000x128xf32>,
    %get3A_15 = arith.constant 0 : index
    %get3A_16 = arith.constant 0 : index
    %get3A_17 = vector.load %arg4[%get3A_15, %get3A_16] : memref<2000x128xf32, #tpu.memory_space<vmem>>, vector<2000x128xf32>
    %get3A_18 = arith.constant 0 : index
    %get3A_19 = arith.constant 0 : index
    %get3A_20 = vector.load %arg5[%get3A_18, %get3A_19] : memref<128x128xf32, #tpu.memory_space<vmem>>, vector<128x128xf32>
    %dot_general3A = arith.constant dense<0.000000e+00> : vector<2000x128xf32>
    %dot_general3A_21 = tpu.matmul %get3A_17, %get3A_20, %dot_general3A {dimension_numbers = #tpu.dot_dimension_numbers<[1], [0], [0], [1], [0, 0, 1, 1], [], []>, precision = #tpu.contract_precision<fp32>, transpose_lhs_hint = false} : vector<2000x128xf32>, vector<128x128xf32>, vector<2000x128xf32> -> vector<2000x128xf32>
    %get3A_22 = arith.constant 0 : index
    %get3A_23 = arith.constant 0 : index
    %get3A_24 = vector.load %arg6[%get3A_22, %get3A_23] : memref<128x128xf32, #tpu.memory_space<vmem>>, vector<128x128xf32>
    %dot_general3A_25 = arith.constant dense<0.000000e+00> : vector<2000x128xf32>
    %dot_general3A_26 = tpu.matmul %mul3A_10, %get3A_24, %dot_general3A_25 {dimension_numbers = #tpu.dot_dimension_numbers<[1], [0], [0], [1], [0, 0, 1, 1], [], []>, precision = #tpu.contract_precision<fp32>, transpose_lhs_hint = false} : vector<2000x128xf32>, vector<128x128xf32>, vector<2000x128xf32> -> vector<2000x128xf32>
    %add3A_27 = arith.addf %dot_general3A_21, %dot_general3A_26 : vector<2000x128xf32>
    %get3A_28 = arith.constant 0 : index
    %get3A_29 = arith.constant 0 : index
    %get3A_30 = vector.load %arg7[%get3A_28, %get3A_29] : memref<1x128xf32, #tpu.memory_space<vmem>>, vector<1x128xf32>
    %add3A_31 = vector.broadcast %get3A_30 : vector<1x128xf32> to vector<2000x128xf32>
    %add3A_32 = arith.addf %add3A_27, %add3A_31 : vector<2000x128xf32>
    %swap3A_33 = arith.constant 0 : index
    %swap3A_34 = arith.constant 0 : index
    %swap3A_35 = vector.load %arg8[%swap3A_33, %swap3A_34] : memref<2000x128xf32, #tpu.memory_space<vmem>>, vector<2000x128xf32>
    tpu.vector_store %arg8[%swap3A_33, %swap3A_34], %add3A_32 {strides = array<i32>} : memref<2000x128xf32, #tpu.memory_space<vmem>>, vector<2000x128xf32>,
    return
  }
  func.func @transform_0(%arg0: i32) -> (i32, i32) {
    %c0_i32 = arith.constant 0 : i32
    %c0_i32_0 = arith.constant 0 : i32
    return %arg0, %c0_i32 : i32, i32
  }
  func.func @transform_1(%arg0: i32) -> (i32, i32) {
    %add3A = arith.constant 5 : i32
    %add3A_0 = arith.addi %arg0, %add3A : i32
    %c0_i32 = arith.constant 0 : i32
    %c0_i32_1 = arith.constant 0 : i32
    return %add3A_0, %c0_i32 : i32, i32
  }
  func.func @transform_2(%arg0: i32) -> (i32, i32) {
    %c0_i32 = arith.constant 0 : i32
    %c0_i32_0 = arith.constant 0 : i32
    return %arg0, %c0_i32 : i32, i32
  }
  func.func @transform_3(%arg0: i32) -> (i32, i32) {
    %c0_i32 = arith.constant 0 : i32
    %c0_i32_0 = arith.constant 0 : i32
    return %arg0, %c0_i32 : i32, i32
  }
  func.func @transform_4(%arg0: i32) -> (i32, i32) {
    %c0_i32 = arith.constant 0 : i32
    %c0_i32_0 = arith.constant 0 : i32
    %c0_i32_1 = arith.constant 0 : i32
    return %c0_i32, %c0_i32_0 : i32, i32
  }
  func.func @transform_5(%arg0: i32) -> (i32, i32) {
    %c0_i32 = arith.constant 0 : i32
    %c0_i32_0 = arith.constant 0 : i32
    %c0_i32_1 = arith.constant 0 : i32
    return %c0_i32, %c0_i32_0 : i32, i32
  }
  func.func @transform_6(%arg0: i32) -> (i32, i32) {
    %c0_i32 = arith.constant 0 : i32
    %c0_i32_0 = arith.constant 0 : i32
    %c0_i32_1 = arith.constant 0 : i32
    return %c0_i32, %c0_i32_0 : i32, i32
  }
  func.func @transform_7(%arg0: i32) -> (i32, i32) {
    %c0_i32 = arith.constant 0 : i32
    %c0_i32_0 = arith.constant 0 : i32
    return %arg0, %c0_i32 : i32, i32
  }
  func.func @transform_8(%arg0: i32) -> (i32, i32) {
    %c0_i32 = arith.constant 0 : i32
    %c0_i32_0 = arith.constant 0 : i32
    return %arg0, %c0_i32 : i32, i32
  }
}

module attributes {stable_mosaic.version = 14 : i64} {
  func.func @_t6_body(%arg0: i32, %arg1: memref<2000x128xf32, #tpu.memory_space<vmem>>, %arg2: memref<2000x128xf32, #tpu.memory_space<vmem>>, %arg3: memref<2000x1xf32, #tpu.memory_space<vmem>>, %arg4: memref<2000x128xf32, #tpu.memory_space<vmem>>, %arg5: memref<2000x128xf32, #tpu.memory_space<vmem>>, %arg6: memref<2000x128xf32, #tpu.memory_space<vmem>>, %arg7: memref<128x128xf32, #tpu.memory_space<vmem>>, %arg8: memref<2000x128xf32, #tpu.memory_space<vmem>>) attributes {dimension_semantics = [#tpu.dimension_semantics<arbitrary>], iteration_bounds = array<i64: 5>, scalar_prefetch = 0 : i64, scratch_operands = 0 : i64, tpu.core_type = #tpu.core_type<tc>, window_params = [{transform_indices = @transform_0, window_bounds = array<i64: 2000, 128>}, {transform_indices = @transform_1, window_bounds = array<i64: 2000, 128>}, {transform_indices = @transform_2, window_bounds = array<i64: 2000, 1>}, {transform_indices = @transform_3, window_bounds = array<i64: 2000, 128>}, {transform_indices = @transform_4, window_bounds = array<i64: 2000, 128>}, {transform_indices = @transform_5, window_bounds = array<i64: 2000, 128>}, {pipeline_mode = #tpu.pipeline_mode<synchronous>, transform_indices = @transform_6, window_bounds = array<i64: 128, 128>}, {transform_indices = @transform_7, window_bounds = array<i64: 2000, 128>}]} {
    %get3A = arith.constant 0 : index
    %get3A_0 = arith.constant 0 : index
    %get3A_1 = vector.load %arg3[%get3A, %get3A_0] : memref<2000x1xf32, #tpu.memory_space<vmem>>, vector<2000x1xf32>
    %mul3A = arith.constant -2.000000e+00 : f32
    %mul3A_2 = vector.broadcast %mul3A : f32 to vector<2000x1xf32>
    %mul3A_3 = arith.mulf %mul3A_2, %get3A_1 : vector<2000x1xf32>
    %get3A_4 = arith.constant 0 : index
    %get3A_5 = arith.constant 0 : index
    %get3A_6 = vector.load %arg1[%get3A_4, %get3A_5] : memref<2000x128xf32, #tpu.memory_space<vmem>>, vector<2000x128xf32>
    %get3A_7 = arith.constant 0 : index
    %get3A_8 = arith.constant 0 : index
    %get3A_9 = vector.load %arg2[%get3A_7, %get3A_8] : memref<2000x128xf32, #tpu.memory_space<vmem>>, vector<2000x128xf32>
    %add3A = arith.addf %get3A_6, %get3A_9 : vector<2000x128xf32>
    %mul3A_10 = vector.broadcast %mul3A_3 : vector<2000x1xf32> to vector<2000x128xf32>
    %mul3A_11 = arith.mulf %mul3A_10, %add3A : vector<2000x128xf32>
    %get3A_12 = arith.constant 0 : index
    %get3A_13 = arith.constant 0 : index
    %get3A_14 = vector.load %arg4[%get3A_12, %get3A_13] : memref<2000x128xf32, #tpu.memory_space<vmem>>, vector<2000x128xf32>
    %sub3A = arith.subf %mul3A_11, %get3A_14 : vector<2000x128xf32>
    %get3A_15 = arith.constant 0 : index
    %get3A_16 = arith.constant 0 : index
    %get3A_17 = vector.load %arg6[%get3A_15, %get3A_16] : memref<2000x128xf32, #tpu.memory_space<vmem>>, vector<2000x128xf32>
    %get3A_18 = arith.constant 0 : index
    %get3A_19 = arith.constant 0 : index
    %get3A_20 = vector.load %arg5[%get3A_18, %get3A_19] : memref<2000x128xf32, #tpu.memory_space<vmem>>, vector<2000x128xf32>
    %add3A_21 = arith.addf %get3A_17, %get3A_20 : vector<2000x128xf32>
    %get3A_22 = arith.constant 0 : index
    %get3A_23 = arith.constant 0 : index
    %get3A_24 = vector.load %arg7[%get3A_22, %get3A_23] : memref<128x128xf32, #tpu.memory_space<vmem>>, vector<128x128xf32>
    %dot_general3A = arith.constant dense<0.000000e+00> : vector<2000x128xf32>
    %dot_general3A_25 = tpu.matmul %sub3A, %get3A_24, %dot_general3A {dimension_numbers = #tpu.dot_dimension_numbers<[1], [0], [0], [1], [0, 0, 1, 1], [], []>, precision = #tpu.contract_precision<fp32>, transpose_lhs_hint = false} : vector<2000x128xf32>, vector<128x128xf32>, vector<2000x128xf32> -> vector<2000x128xf32>
    %add3A_26 = arith.addf %add3A_21, %dot_general3A_25 : vector<2000x128xf32>
    %max3A = arith.constant 0.000000e+00 : f32
    %max3A_27 = vector.broadcast %max3A : f32 to vector<2000x128xf32>
    %max3A_28 = arith.maximumf %add3A_26, %max3A_27 : vector<2000x128xf32>
    %swap3A = arith.constant 0 : index
    %swap3A_29 = arith.constant 0 : index
    %swap3A_30 = vector.load %arg8[%swap3A, %swap3A_29] : memref<2000x128xf32, #tpu.memory_space<vmem>>, vector<2000x128xf32>
    tpu.vector_store %arg8[%swap3A, %swap3A_29], %max3A_28 {strides = array<i32>} : memref<2000x128xf32, #tpu.memory_space<vmem>>, vector<2000x128xf32>,
    return
  }
  func.func @transform_0(%arg0: i32) -> (i32, i32) {
    %c0_i32 = arith.constant 0 : i32
    %c0_i32_0 = arith.constant 0 : i32
    return %arg0, %c0_i32 : i32, i32
  }
  func.func @transform_1(%arg0: i32) -> (i32, i32) {
    %add3A = arith.constant 5 : i32
    %add3A_0 = arith.addi %arg0, %add3A : i32
    %c0_i32 = arith.constant 0 : i32
    %c0_i32_1 = arith.constant 0 : i32
    return %add3A_0, %c0_i32 : i32, i32
  }
  func.func @transform_2(%arg0: i32) -> (i32, i32) {
    %c0_i32 = arith.constant 0 : i32
    %c0_i32_0 = arith.constant 0 : i32
    return %arg0, %c0_i32 : i32, i32
  }
  func.func @transform_3(%arg0: i32) -> (i32, i32) {
    %c0_i32 = arith.constant 0 : i32
    %c0_i32_0 = arith.constant 0 : i32
    return %arg0, %c0_i32 : i32, i32
  }
  func.func @transform_4(%arg0: i32) -> (i32, i32) {
    %c0_i32 = arith.constant 0 : i32
    %c0_i32_0 = arith.constant 0 : i32
    return %arg0, %c0_i32 : i32, i32
  }
  func.func @transform_5(%arg0: i32) -> (i32, i32) {
    %c0_i32 = arith.constant 0 : i32
    %c0_i32_0 = arith.constant 0 : i32
    return %arg0, %c0_i32 : i32, i32
  }
  func.func @transform_6(%arg0: i32) -> (i32, i32) {
    %c0_i32 = arith.constant 0 : i32
    %c0_i32_0 = arith.constant 0 : i32
    %c0_i32_1 = arith.constant 0 : i32
    return %c0_i32, %c0_i32_0 : i32, i32
  }
  func.func @transform_7(%arg0: i32) -> (i32, i32) {
    %c0_i32 = arith.constant 0 : i32
    %c0_i32_0 = arith.constant 0 : i32
    return %arg0, %c0_i32 : i32, i32
  }
}

</mosaic_0001>

<sc_bundles>
// kernel: kernel.15.cloned.1.call-start
scs
__scs_entry_jumppad:
0x0: {  	(pc) =	sbr.rel $0x88, $3  }
0x1: {  	(tag) =	ssettag $0x0;
	lr =	simm.s32 $0x1  }
0x2: {  	[smem:$0x3F97] =	sst lr;
	_ =	strace $0xD0000000  }
0x3: {  	_ = 	snop  }
0x4: {  	_ = 	snop  }
0x5: {  	_ = 	snop  }
0x6: {  	_ = 	snop  }
0x7: {  	_ = 	snop  }
__scs_overlays_trampoline_lowered:
0x8: {  	[smem:$0x3FA6] =	sst s0  }
0x9: {  	[smem:$0x3FA7] =	sst s1  }
0xa: {  	[smem:$0x3FA8] =	sst s2  }
0xb: {  	[smem:$0x3FA9] =	sst s3  }
0xc: {  	[smem:$0x3FAA] =	sst s4  }
0xd: {  	[smem:$0x3FAB] =	sst s5  }
0xe: {  	[smem:$0x3FAC] =	sst s6  }
0xf: {  	[smem:$0x3FAD] =	sst s7  }
0x10: {  	[smem:$0x3FAE] =	sst s8  }
0x11: {  	[smem:$0x3FAF] =	sst s9;
	s0 =	simm.s32 @!p0 $0x0  }
0x12: {  	s1 =	sld [smem:$0x3F95];
	s0 =	simm.s32 @p0 $0x1  }
0x13: {  	[smem:$0x3FB0] =	sst s0;
	s0 =	simm.s32 @!p1 $0x0  }
0x14: {  	s2 =	sld [smem:$0x3F94];
	s0 =	simm.s32 @p1 $0x1  }
0x15: {  	[smem:$0x3FB1] =	sst s0;
	s0 =	simm.s32 @!p2 $0x0  }
0x16: {  	s3 =	sld [smem:$0x3FDB];
	s0 =	simm.s32 @p2 $0x1  }
0x17: {  	s4 =	simm.s32 $0x1BF5;
	[smem:$0x3FB3] =	sst s0  }
0x18: {  	s0 =	sld [smem:$0x3F96];
	_ =	swait.ge [sflag:s4], $0x0  }
0x19: {  	s7 =	sld [smem:$0x3F97]  }
0x1a: {  	s8 =	sadd.s32 $0xFFFFE003, lr  }
0x1b: {  	s9 =	sadd.s32 $0xFFFFFEF7, lr;
	s5 =	simm.s32 $0xFFFFFFFF;
	p2 =	slt.u32 s8, $0xFFFFF086  }
0x1c: {  	p1 =	slt.u32 s9, $0xF7A;
	s5 =	simm.s32 @!p2 $0x0  }
0x1d: {  	s5 =	simm.s32 @p1 $0x1;
	p0 =	seq.s32 s7, s2  }
0x1e: {  	s7 =	smul.u32 @!p0 $0xF7A, s2;
	p2 =	seq.s32 @!p0 s5, $0x0  }
0x1f: {  	s9 =	smul.u32 $0xF7A, s1;
	s8 =	simm.s32 @!p0 $0x1BF5;
	p2 =	por !p2, p0  }
0x20: {  	[sflag:s8] =	ssyncset.s32 @!p0 $0xFFFFF086;
	s6 =	sadd.s32 @!p0 s3, s7;
	s7 =	simm.s32 @!p0 $0x108  }
0x21: {  	s3 =	sadd.s32 s3, s9;
	s6 =	sadd.s32 @!p0 $0x88, s6;
	s7 =	simm.s32 @p2 $0x1082  }
0x22: {  	[simem:s7], [sflag:s8] =	dma.local @!p0 [hbm:s6], $0xF7A  }
0x23: {  	s9 =	sor.u32 $0xD0000000, s2;
	s6 =	simm.s32 $0x108;
	_ =	swait.ge @!p0 [sflag:s8], $0x0  }
0x24: {  	s3 =	sadd.s32 $0x88, s3;
	s6 =	simm.s32 @!p1 $0x1082;
	[sflag:s4] =	ssyncset.s32 $0xFFFFF086  }
0x25: {  	[simem:s6], [sflag:s4] =	dma.local [hbm:s3], $0xF7A  }
0x26: {  	[smem:$0x3F97] =	sst s1;
	(tag) =	ssettag s2;
	_ =	strace s9  }
0x27: {  	s1 =	sld [smem:$0x3FA7]  }
0x28: {  	s2 =	sld [smem:$0x3FA8]  }
0x29: {  	s4 =	sld [smem:$0x3FAA]  }
0x2a: {  	p0 =	seq.s32 s5, $0x0;
	s5 =	sld [smem:$0x3FAB]  }
0x2b: {  	s6 =	sld [smem:$0x3FAC]  }
0x2c: {  	s7 =	sld [smem:$0x3FAD]  }
0x2d: {  	s3 =	simm.s32 $0x108;
	s8 =	sld [smem:$0x3FAE]  }
0x2e: {  	s3 =	simm.s32 @!p0 $0x1082;
	s9 =	sld [smem:$0x3FAF]  }
0x2f: {  	lr =	sadd.s32 s0, s3;
	s0 =	sld [smem:$0x3FA6]  }
0x30: {  	s3 =	sld [smem:$0x3FA9]  }
0x31: {  	[smem:$0x3FB2] =	sst s10  }
0x32: {  	s10 =	sld [smem:$0x3FB0];
	_ =	sdelay $0x3  }
0x33: {  	p0 =	seq.s32 s10, $0x1;
	s10 =	sld [smem:$0x3FB2];
	_ =	sdelay $0x3  }
0x34: {  	[smem:$0x3FB2] =	sst s10  }
0x35: {  	s10 =	sld [smem:$0x3FB1];
	_ =	sdelay $0x3  }
0x36: {  	p1 =	seq.s32 s10, $0x1;
	s10 =	sld [smem:$0x3FB2];
	_ =	sdelay $0x3  }
0x37: {  	[smem:$0x3FB2] =	sst s10  }
0x38: {  	s10 =	sld [smem:$0x3FB3]  }
0x39: {  	_ = 	snop;
	(pc) =	sbr.ind lr, $3  }
0x3a: {  	_ = 	snop  }
0x3b: {  	_ = 	snop  }
0x3c: {  	p2 =	seq.s32 s10, $0x1;
	s10 =	sld [smem:$0x3FB2]  }
0x3d: {  	_ =	shalt  }
0x3e: {  	_ =	shalt  }
0x3f: {  	_ =	shalt  }
0x40: {  	_ =	shalt  }
0x41: {  	_ =	shalt  }
0x42: {  	_ =	shalt  }
0x43: {  	_ =	shalt  }
0x44: {  	_ =	shalt  }
0x45: {  	_ =	shalt  }
0x46: {  	_ =	shalt  }
0x47: {  	_ =	shalt  }
0x48: {  	_ =	shalt  }
0x49: {  	_ =	shalt  }
0x4a: {  	_ =	shalt  }
0x4b: {  	_ =	shalt  }
0x4c: {  	_ =	shalt  }
0x4d: {  	_ =	shalt  }
0x4e: {  	_ =	shalt  }
0x4f: {  	_ =	shalt  }
0x50: {  	_ =	shalt  }
0x51: {  	_ =	shalt  }
0x52: {  	_ =	shalt  }
0x53: {  	_ =	shalt  }
0x54: {  	_ =	shalt  }
0x55: {  	_ =	shalt  }
0x56: {  	_ =	shalt  }
0x57: {  	_ =	shalt  }
0x58: {  	_ =	shalt  }
0x59: {  	_ =	shalt  }
0x5a: {  	_ =	shalt  }
0x5b: {  	_ =	shalt  }
0x5c: {  	_ =	shalt  }
0x5d: {  	_ =	shalt  }
0x5e: {  	_ =	shalt  }
0x5f: {  	_ =	shalt  }
0x60: {  	_ =	shalt  }
0x61: {  	_ =	shalt  }
0x62: {  	_ =	shalt  }
0x63: {  	_ =	shalt  }
0x64: {  	_ =	shalt  }
0x65: {  	_ =	shalt  }
0x66: {  	_ =	shalt  }
0x67: {  	_ =	shalt  }
0x68: {  	_ =	shalt  }
0x69: {  	_ =	shalt  }
0x6a: {  	_ =	shalt  }
0x6b: {  	_ =	shalt  }
0x6c: {  	_ =	shalt  }
0x6d: {  	_ =	shalt  }
0x6e: {  	_ =	shalt  }
0x6f: {  	_ =	shalt  }
0x70: {  	_ =	shalt  }
0x71: {  	_ =	shalt  }
0x72: {  	_ =	shalt  }
0x73: {  	_ =	shalt  }
0x74: {  	_ =	shalt  }
0x75: {  	_ =	shalt  }
0x76: {  	_ =	shalt  }
0x77: {  	_ =	shalt  }
0x78: {  	_ =	shalt  }
0x79: {  	_ =	shalt  }
0x7a: {  	_ =	shalt  }
0x7b: {  	_ =	shalt  }
0x7c: {  	_ =	shalt  }
0x7d: {  	_ =	shalt  }
0x7e: {  	_ =	shalt  }
0x7f: {  	_ =	shalt  }
0x80: {  	_ =	shalt  }
0x81: {  	_ =	shalt  }
0x82: {  	_ =	shalt  }
0x83: {  	_ =	shalt  }
0x84: {  	_ =	shalt  }
0x85: {  	_ =	shalt  }
0x86: {  	_ =	shalt  }
0x87: {  	_ =	shalt  }
.Lfunc_end0:
.L_simem_size_0:
called_computation_lowered:
.L_overlay_start_0:
0x88: {  	s2 =	sld [smem:$0x3FD9]  }
0x89: {  	s3 =	sld [smem:$0x3FFE];
	_ =	sdelay $0x1  }
0x8a: {  	s1 =	srdreg.scid  }
0x8b: {  	s0 =	sand.u32 $0x1, s1  }
0x8c: {  	s16 =	sshll.u32 s0, $0xA;
	s2 =	sadd.s32 s3, s2  }
0x8d: {  	s2 =	sadd.s32 s2, s16  }
0x8e: {  	[smem:$0x3FBE] =	sst s2  }
0x8f: {  	_ = 	snop  }
0x90: {  	(tm) =	ssettm $0x1  }
0x91: {  	s17 =	sld [smem:$0x3FFB];
	_ =	sdelay $0x3  }
0x92: {  	_ =	strace s17  }
0x93: {  	s2 =	sld [smem:$0x3FFC];
	_ =	sdelay $0x3  }
0x94: {  	_ =	strace s2  }
0x95: {  	s2 =	sld [smem:$0x3FFD];
	_ =	sdelay $0x3  }
0x96: {  	_ =	strace s2  }
0x97: {  	_ =	strace $0x8FFFFFFF  }
0x98: {  	s18 =	sld [smem:$0x3FDB];
	_ =	sdelay $0x1  }
0x99: {  	s19 =	simm.s32 $_scs_section_size  }
0x9a: {  	s4 =	simm.s32 $_size__tile_overlayer_lowered;
	s5 =	simm.s32 $_tile_overlayer_lowered  }
0x9b: {  	s22 =	simm.s32 $0x1BFF;
	s21 =	sshll.u32 s5, $0x1;
	s2 =	sadd.s32 s19, s18  }
0x9c: {  	s6 =	simm.s32 $0x0;
	s20 =	sshll.u32 s4, $0x1;
	s4 =	sadd.s32 s21, s2  }
0x9d: {  	[timem:s6], [sflag:s22] =	dma.local [hbm:s4], s20  }
0x9e: {  	_ =	swait.ge [sflag:s22], s20  }
0x9f: {  	s3 =	ssub.s32 $0x0, s20;
	[sflag:s22] =	ssyncset.done $0x0  }
0xa0: {  	[sflag:s22] =	ssyncadd.s32 s3;
	_ =	sdelay $0x1  }
0xa1: {  	s23 =	simm.s32 $0x1B8B  }
0xa2: {  	_ =	swait.ge [sflag:s23], $0x1  }
0xa3: {  	[sflag:s23] =	ssyncset.done $0x0  }
0xa4: {  	s25 =	simm.s32 $0x1B8E;
	s24 =	sld [smem:$0x3FFE];
	[sflag:s23] =	ssyncadd.s32 $0xFFFFFFFF  }
0xa5: {  	s26 =	simm.s32 $execute0_lowered;
	[smem:$0x3FD2] =	sst s25  }
0xa6: {  	s4 =	sshll.u32 s26, $0x1;
	_ =	strace $0x80000046;
	[dreg:$0x1] =	wrdreg $0xFFFFFFFF  }
0xa7: {  	s28 =	simm.s32 $_size_execute0_lowered;
	s2 =	sadd.s32 s2, s4;
	[dreg:$0x0] =	wrdreg $0x0  }
0xa8: {  	s4 =	sshll.u32 s28, $0x1;
	[dreg:$0x2] =	wrdreg s2  }
0xa9: {  	[dreg:$0x3] =	wrdreg s4  }
0xaa: {  	[dreg:$0x4] =	wrdreg $0xC0  }
0xab: {  	_ =	task [dreg:s6], $0x5FFFF  }
0xac: {  	[dreg:$0x1] =	wrdreg $0xFFFFFFFF  }
0xad: {  	[dreg:$0x0] =	wrdreg $0x60  }
0xae: {  	[dreg:$0x2] =	wrdreg s24  }
0xaf: {  	[dreg:$0x3] =	wrdreg $0x59000  }
0xb0: {  	[dreg:$0x4] =	wrdreg $0x9  }
0xb1: {  	_ =	task.clear_ibuf [dreg:s6], $0x5FFFF;
	_ =	strace $0x90000046  }
0xb2: {  	s29 =	simm.s32 $0x9;
	_ =	strace $0x80000048  }
0xb3: {  	_ =	swait.ge [sflag:s29], $0x1  }
0xb4: {  	[sflag:s29] =	ssyncadd.s32 $0xFFFFFFFF  }
0xb5: {  	_ =	strace $0x90000048  }
0xb6: {  	_ =	sfence  }
0xb7: {  	s30 =	sld [smem:$0x0];
	_ =	sdelay $0x2  }
0xb8: {  	s31 =	sshll.u32 s1, $0xD;
	s1 =	sshrl.u32 s1, $0x2  }
0xb9: {  	s3 =	sand.u32 $0x4000, s31;
	s1 =	sadd.s32 s1, s30  }
0xba: {  	s0 =	sor.u32 s3, s0;
	s1 =	sshll.u32 s1, $0x11  }
0xbb: {  	s0 =	sor.u32 s1, s0  }
0xbc: {  	s0 =	sadd.s32 $0x8F2B, s0  }
0xbd: {  	[sflag:s0] =	ssyncadd.remote.s32 $0x1  }
0xbe: {  	_ =	sfence.sel $0xFFFF  }
0xbf: {  	[dreg:$0x0] =	wrdreg $0xFFFFFFFF;
	(pc) =	sbr.abs _section_cstart, $3  }
0xc0: {  	[dreg:$0x1] =	wrdreg $0xFFFFFFFF  }
0xc1: {  	_ =	task.clear_ibuf [dreg:s6], $0x2FFFF;
	_ =	strace $0x9FFFFFFF  }
0xc2: {  	(tm) =	ssettm $0x7FFFFFFF  }
0xc3: {  	_ =	shalt  }
tec
execute0_lowered:
.L_overlay_start_1:
0x0: {  	(tag) =	ssettag $0x1  }
0x1: {  	s4 =	rddreg [dreg:$0x0]  }
0x2: {  	s2 =	rddreg [dreg:$0x1]  }
0x3: {  	s0 =	rddreg [dreg:$0x2]  }
0x4: {  	s5 =	srdreg.scid;
	s1 =	stileid.u32;
	s3 =	simm.s32 $0x0  }
0x5: {  	s13 =	simm.s32 $0x100;
	s14 =	simm.s32 $0x10;
	s8 =	smul.u32 $0x50000, s1  }
0x6: {  	s15 =	simm.s32 $0x4100;
	s18 =	simm.s32 $0x0;
	s24 =	smul.u32 $0x2800, s1  }
0x7: {  	s5 =	sand.u32 $0x1, s5;
	s6 =	sshll.u32 s1, $0x1;
	s25 =	smul.u32 $0x4E20, s1  }
0x8: {  	[smem:$0x7FF] =	sst s3;
	s9 =	sadd.s32 $0xDE00, s4;
	s30 =	smul.u32 $0x4E200, s1  }
0x9: {  	s10 =	sadd.s32 $0x17C00, s4;
	s16 =	sadd.s32 $0x12C000, s2;
	s11 =	smul.u32 $0x27100, s5  }
0xa: {  	p0 =	seq.s32 s1, $0xF;
	s6 =	sor.u32 s5, s6;
	s12 =	smul.u32 $0x138800, s5  }
0xb: {  	_ =	strace $0x80000047;
	s7 =	ssub.s32 $0x2, s5;
	s28 =	smul.u32 $0x2710, s5  }
0xc: {  	s16 =	sshrl.u32 @p0 s16, $0x3;
	s22 =	sshrl.u32 s7, $0x1;
	s8 =	sshrl.u32 s8, $0x2  }
0xd: {  	s6 =	smul.u32 $0x2710, s6;
	s7 =	ssub.s32 s7, s22;
	s17 =	sadd.s32 s8, s2  }
0xe: {  	s26 =	sshrl.u32 s12, $0x3;
	s8 =	sadd.s32 s28, s25;
	s12 =	simm.s32 $0x80  }
0xf: {  	s23 =	sshrl.u32 s6, $0x3;
	s6 =	sadd.s32 s24, s11;
	s29 =	sadd.s32 s10, s26  }
0x10: {  	s7 =	smax.u32 s7, $0x1;
	s31 =	sshrl.u32 s8, $0x3;
	s11 =	simm.s32 $0x1  }
0x11: {  	s17 =	sshrl.u32 @!p0 s17, $0x3;
	s4 =	sadd.s32 s9, s23;
	s5 =	sadd.s32 s10, s6  }
0x12: {  	s6 =	sadd.s32 $0x25800, s29;
	s10 =	sshrl.u32 s30, $0x2;
	s9 =	sadd.s32 s31, s9  }
0x13: {  	v0 =	vimm.f32 $1.000000000e+00;
	v1 =	vimm.f32 $0.0e+00;
	s4 =	sadd.s32 $0x4E0, s4;
	s8 =	sadd.s32 s10, s2;
	s10 =	simm.s32 $0x4900  }
.LBB2_1:
0x14: {  	s19 =	smul.u32 $0x29, s3;
	_ =	sdelay $0x1  }
0x15: {  	s19 =	sshrl.u32 s19, $0xA  }
0x16: {  	s19 =	sand.u32 $0x3F, s19  }
0x17: {  	s19 =	smul.u32 $0x19, s19;
	_ =	sdelay $0x1  }
0x18: {  	s20 =	ssub.s32 $0x0, s19  }
0x19: {  	s19 =	simm.s32 $0x140;
	s20 =	sand.u32 $0xFF, s20  }
0x1a: {  	[tilespmem:s19+$0xFFFFFFC0] =	vst v0;
	s20 =	sshll.u32 s20, $0x7  }
0x1b: {  	[tilespmem:s20+$0x4900] =	vst v1  }
0x1c: {  	[tilespmem:s19+$0xFFFFFFD0] =	vst v0  }
0x1d: {  	[tilespmem:s20+$0x4910] =	vst v1  }
0x1e: {  	[tilespmem:s19+$0xFFFFFFE0] =	vst v0  }
0x1f: {  	[tilespmem:s20+$0x4920] =	vst v1  }
0x20: {  	s21 =	simm.s32 $0x1;
	[tilespmem:s19+$0xFFFFFFF0] =	vst v0  }
.LBB2_2:
0x21: {  	p1 =	sne.s32 s21, $0x7F;
	[tilespmem:s20+$0x4930] =	vst v1  }
0x22: {  	s22 =	smul.u32 $0x29, s21;
	[tilespmem:s19+$0x0] =	vst v0  }
0x23: {  	[tilespmem:s20+$0x4940] =	vst v1  }
0x24: {  	s22 =	sshrl.u32 s22, $0xA;
	[tilespmem:s19+$0x10] =	vst v0  }
0x25: {  	s22 =	sand.u32 $0x3F, s22;
	[tilespmem:s20+$0x4950] =	vst v1  }
0x26: {  	s22 =	smul.u32 $0x19, s22;
	[tilespmem:s19+$0x20] =	vst v0  }
0x27: {  	[tilespmem:s20+$0x4960] =	vst v1  }
0x28: {  	s22 =	ssub.s32 s21, s22;
	[tilespmem:s19+$0x30] =	vst v0  }
0x29: {  	s22 =	sand.u32 $0xFF, s22;
	s19 =	sadd.s32 $0x80, s19;
	[tilespmem:s20+$0x4970] =	vst v1  }
0x2a: {  	s20 =	sshll.u32 s22, $0x7;
	[tilespmem:s19+$0xFFFFFFC0] =	vst v0  }
0x2b: {  	[tilespmem:s20+$0x4900] =	vst v1  }
.Ltmp0:
0x2c: {  	[tilespmem:s19+$0xFFFFFFD0] =	vst v0;
	(pc) =	sbr.rel @p1 .LBB2_2-.Ltmp0, $4  }
0x2d: {  	[tilespmem:s20+$0x4910] =	vst v1  }
0x2e: {  	[tilespmem:s19+$0xFFFFFFE0] =	vst v0  }
0x2f: {  	[tilespmem:s20+$0x4920] =	vst v1  }
0x30: {  	s21 =	sadd.s32 $0x1, s21;
	[tilespmem:s19+$0xFFFFFFF0] =	vst v0  }
0x31: {  	[tilespmem:s20+$0x4930] =	vst v1  }
0x32: {  	[tilespmem:s19+$0x0] =	vst v0  }
0x33: {  	[tilespmem:s20+$0x4940] =	vst v1  }
0x34: {  	[tilespmem:s19+$0x10] =	vst v0  }
0x35: {  	[tilespmem:s20+$0x4950] =	vst v1  }
0x36: {  	[tilespmem:s19+$0x20] =	vst v0  }
0x37: {  	[tilespmem:s20+$0x4960] =	vst v1  }
0x38: {  	[tilespmem:s19+$0x30] =	vst v0  }
0x39: {  	s19 =	simm.s32 $0x0;
	[tilespmem:s20+$0x4970] =	vst v1;
	s20 =	simm.s32 $0x200  }
.LBB2_4:
0x3a: {  	p1 =	sne.s32 s20, $0x1E00;
	[tilespmem:s19+$0x4170] =	vst v0  }
0x3b: {  	[tilespmem:s19+$0x4100] =	vst v0  }
0x3c: {  	[tilespmem:s19+$0x4110] =	vst v0  }
.Ltmp1:
0x3d: {  	[tilespmem:s19+$0x4120] =	vst v0;
	(pc) =	sbr.rel @p1 .LBB2_4-.Ltmp1, $4  }
0x3e: {  	[tilespmem:s19+$0x4130] =	vst v0  }
0x3f: {  	[tilespmem:s19+$0x4140] =	vst v0  }
0x40: {  	[tilespmem:s19+$0x4150] =	vst v0  }
0x41: {  	[tilespmem:s19+$0x4160] =	vst v0;
	s19 =	sshra.s32 s20, $0x2;
	s20 =	sadd.s32 $0x200, s20  }
0x42: {  	[tilespmem:s19+$0x4170] =	vst v0  }
0x43: {  	[tilespmem:s19+$0x4100] =	vst v0  }
0x44: {  	[tilespmem:s19+$0x4110] =	vst v0  }
0x45: {  	[tilespmem:s19+$0x4120] =	vst v0  }
0x46: {  	[tilespmem:s19+$0x4130] =	vst v0  }
0x47: {  	[tilespmem:s19+$0x4140] =	vst v0  }
0x48: {  	[tilespmem:s19+$0x4150] =	vst v0  }
0x49: {  	[tilespmem:s19+$0x4160] =	vst v0;
	s31 =	sadd.s32 $0x0, s8  }
0x4a: {  	[spmem:s31] =	stream.linear.scatter [tilespmem:s10], [sflag:$0x1], $0xC80, $0x38;
	[tilespmem:$0x19180] =	vst v63  }
0x4b: {  	s19 =	simm.s32 $0x3200;
	_ =	swait.ge [sflag:s11], $0xC80  }
.LBB2_6:
0x4c: {  	s20 =	sshra.s32 s19, $0x2;
	[sflag:s11] =	ssyncset.done $0x0;
	p1 =	sne.s32 s19, $0x4B000  }
.Ltmp2:
0x4d: {  	s20 =	sadd.s32 s20, s8;
	[sflag:s11] =	ssyncadd.s32 $0xFFFFF380;
	(pc) =	sbr.rel @p1 .LBB2_6-.Ltmp2, $3  }
0x4e: {  	[spmem:s20] =	stream.linear.scatter [tilespmem:s10], [sflag:$0x1], $0xC80, $0x38;
	[tilespmem:$0x19180] =	vst v63  }
0x4f: {  	s19 =	sadd.s32 $0x3200, s19;
	_ =	sdelay $0x1  }
0x50: {  	_ =	swait.ge [sflag:s11], $0xC80  }
0x51: {  	[sflag:s11] =	ssyncset.done $0x0  }
0x52: {  	[sflag:s11] =	ssyncadd.s32 $0xFFFFF380  }
0x53: {  	s19 =	sadd.s32 $0x0, s9;
	[bflag:$0x0] =	sbarrier.arrive $0xFFFF  }
0x54: {  	[tilespmem:s3], [sflag:$0x1] =	stream.linear.gather [hbm4b:s19+s3], $0x80, $0x38;
	[tilespmem:$0x19180] =	vst v63  }
0x55: {  	_ =	swait.ge [sflag:s11], $0x80  }
0x56: {  	[sflag:s11] =	ssyncset.done $0x0  }
0x57: {  	[sflag:s11] =	ssyncadd.s32 $0xFFFFFF80  }
0x58: {  	[spmem:s2] =	stream.indirect.scatter.add.f32 [tilespmem:s13], [sflag:$0x1], $0x80, s3, s12, $0xb8;
	[tilespmem:$0x19180] =	vst v63  }
0x59: {  	_ =	swait.ge [sflag:s11], $0x4000  }
0x5a: {  	s20 =	simm.s32 $0x20;
	s19 =	simm.s32 $0x10;
	[sflag:s11] =	ssyncset.done $0x0  }
.LBB2_8:
0x5b: {  	s21 =	sadd.s32 s19, s9  }
0x5c: {  	[sflag:s11] =	ssyncadd.s32 $0xFFFFC000;
	s19 =	smov.u32 s20;
	s22 =	sadd.s32 $0x10, s20  }
0x5d: {  	[tilespmem:s3], [sflag:$0x1] =	stream.linear.gather [hbm4b:s21+s3], $0x80, $0x38;
	[tilespmem:$0x19180] =	vst v63  }
0x5e: {  	p1 =	sne.s32 s20, $0x4D0;
	_ =	swait.ge [sflag:s11], $0x80  }
.Ltmp3:
0x5f: {  	[sflag:s11] =	ssyncset.done $0x0;
	(pc) =	sbr.rel @p1 .LBB2_8-.Ltmp3, $4  }
0x60: {  	[sflag:s11] =	ssyncadd.s32 $0xFFFFFF80  }
0x61: {  	[spmem:s2] =	stream.indirect.scatter.add.f32 [tilespmem:s13], [sflag:$0x1], $0x80, s3, s12, $0xb8;
	[tilespmem:$0x19180] =	vst v63  }
0x62: {  	_ =	swait.ge [sflag:s11], $0x4000  }
0x63: {  	s20 =	smov.u32 s22;
	[sflag:s11] =	ssyncset.done $0x0  }
0x64: {  	s19 =	sadd.s32 s19, s9;
	[sflag:s11] =	ssyncadd.s32 $0xFFFFC000  }
0x65: {  	[tilespmem:s3], [sflag:$0x1] =	stream.linear.gather [hbm4b:s19+s3], $0x80, $0x38;
	[tilespmem:$0x19180] =	vst v63  }
0x66: {  	_ =	swait.ge [sflag:s11], $0x80  }
0x67: {  	[sflag:s11] =	ssyncset.done $0x0  }
0x68: {  	[sflag:s11] =	ssyncadd.s32 $0xFFFFFF80  }
0x69: {  	[spmem:s2] =	stream.indirect.scatter.add.f32 [tilespmem:s13], [sflag:$0x1], $0x80, s3, s12, $0xb8;
	[tilespmem:$0x19180] =	vst v63  }
0x6a: {  	_ =	swait.ge [sflag:s11], $0x4000  }
0x6b: {  	[sflag:s11] =	ssyncset.done $0x0  }
0x6c: {  	[sflag:s11] =	ssyncadd.s32 $0xFFFFC000  }
0x6d: {  	[tilespmem:s12], [sflag:$0x1] =	stream.linear.gather [hbm4b:s4+s3], $0x10, $0x38;
	[tilespmem:$0x19180] =	vst v63  }
0x6e: {  	_ =	swait.ge [sflag:s11], $0x10  }
0x6f: {  	[sflag:s11] =	ssyncset.done $0x0  }
0x70: {  	[sflag:s11] =	ssyncadd.s32 $0xFFFFFFF0  }
0x71: {  	[spmem:s2] =	stream.indirect.scatter.add.f32 [tilespmem:s15], [sflag:$0x1], $0x80, s12, s14, $0xb8;
	[tilespmem:$0x19180] =	vst v63  }
0x72: {  	_ =	swait.ge [sflag:s11], $0x800  }
0x73: {  	[sflag:s11] =	ssyncset.done $0x0  }
0x74: {  	[sflag:s11] =	ssyncadd.s32 $0xFFFFF800  }
0x75: {  	s19 =	simm.s32 @p0 $0x1FC1;
	[bflag:$0x0] =	sbarrier.arrive $0xFFFF  }
0x76: {  	[hbm:s6], [sflag:s19] =	dma.local @p0 [spmem:s16], $0x1900  }
0x77: {  	s19 =	simm.s32 @p0 $0x1  }
0x78: {  	_ =	swait.ge @p0 [sflag:s19], $0x1900  }
0x79: {  	s20 =	sshll.u32 @!p0 s1, $0x6;
	s18 =	sadd.s32 $0x1, s18;
	[sflag:s19] =	ssyncset.done @p0 $0x0  }
0x7a: {  	p1 =	sne.s32 s18, s7;
	[sflag:s19] =	ssyncadd.s32 @p0 $0xFFFFE700;
	s19 =	sor.u32 @!p0 $0x1C01, s20  }
0x7b: {  	[hbm:s5], [sflag:s19] =	dma.local @!p0 [spmem:s17], $0x2800  }
.Ltmp4:
0x7c: {  	_ = 	snop;
	(pc) =	sbr.rel @p1 .LBB2_1-.Ltmp4, $4  }
0x7d: {  	s19 =	simm.s32 @!p0 $0x1  }
0x7e: {  	_ =	swait.ge @!p0 [sflag:s19], $0x2800  }
0x7f: {  	[sflag:s19] =	ssyncset.done @!p0 $0x0  }
0x80: {  	[sflag:s19] =	ssyncadd.s32 @!p0 $0xFFFFD800  }
0x81: {  	_ =	sfence.sel $0x180000  }
0x82: {  	[bflag:$0x0] =	sbarrier.arrive $0xFFFF  }
0x83: {  	p0 =	sne.s32 s1, $0x0;
	_ =	strace $0x90000047  }
0x84: {  	s0 =	sadd.s32 @!p0 $0x100000, s0;
	[bflag:$0x2] =	sbarrier.arrive $0xFFFF  }
0x85: {  	[sflag:s0] =	ssyncadd.tile.s32 @!p0 $0x1;
	_ =	shalt  }
.Lfunc_end2:
_tile_overlayer_lowered:
.L_overlay_start_2:
0x86: {  	(tag) =	ssettag $0x2  }
0x87: {  	s0 =	rddreg [dreg:$0x0];
	s2 =	stileid.u32  }
0x88: {  	s1 =	rddreg [dreg:$0x1];
	p0 =	sne.s32 s2, $0x0  }
0x89: {  	s3 =	rddreg [dreg:$0x2];
	[bflag:$0x3] =	sbarrier.arrive $0xFFFF;
	s2 =	simm.s32 @!p0 $0x1C01  }
0x8a: {  	[timem:s3], [sflag:s2] =	dma.local @!p0 [hbm:s0], s1  }
0x8b: {  	s0 =	simm.s32 @!p0 $0x1  }
0x8c: {  	_ =	swait.ge @!p0 [sflag:s0], s1  }
0x8d: {  	s1 =	ssub.s32 @!p0 $0x0, s1;
	[sflag:s0] =	ssyncset.done @!p0 $0x0  }
0x8e: {  	[sflag:s0] =	ssyncadd.s32 @!p0 s1  }
0x8f: {  	[bflag:$0x3] =	sbarrier.arrive $0xFFFF  }
0x90: {  	_ =	shalt  }

// kernel: kernel.18.cloned.1.call-start
scs
__scs_entry_jumppad:
0x0: {  	(pc) =	sbr.rel $0x88, $3  }
0x1: {  	(tag) =	ssettag $0x0;
	lr =	simm.s32 $0x1  }
0x2: {  	[smem:$0x3F97] =	sst lr;
	_ =	strace $0xD0000000  }
0x3: {  	_ = 	snop  }
0x4: {  	_ = 	snop  }
0x5: {  	_ = 	snop  }
0x6: {  	_ = 	snop  }
0x7: {  	_ = 	snop  }
__scs_overlays_trampoline_lowered:
0x8: {  	[smem:$0x3FA6] =	sst s0  }
0x9: {  	[smem:$0x3FA7] =	sst s1  }
0xa: {  	[smem:$0x3FA8] =	sst s2  }
0xb: {  	[smem:$0x3FA9] =	sst s3  }
0xc: {  	[smem:$0x3FAA] =	sst s4  }
0xd: {  	[smem:$0x3FAB] =	sst s5  }
0xe: {  	[smem:$0x3FAC] =	sst s6  }
0xf: {  	[smem:$0x3FAD] =	sst s7  }
0x10: {  	[smem:$0x3FAE] =	sst s8  }
0x11: {  	[smem:$0x3FAF] =	sst s9;
	s0 =	simm.s32 @!p0 $0x0  }
0x12: {  	s1 =	sld [smem:$0x3F95];
	s0 =	simm.s32 @p0 $0x1  }
0x13: {  	[smem:$0x3FB0] =	sst s0;
	s0 =	simm.s32 @!p1 $0x0  }
0x14: {  	s2 =	sld [smem:$0x3F94];
	s0 =	simm.s32 @p1 $0x1  }
0x15: {  	[smem:$0x3FB1] =	sst s0;
	s0 =	simm.s32 @!p2 $0x0  }
0x16: {  	s3 =	sld [smem:$0x3FDB];
	s0 =	simm.s32 @p2 $0x1  }
0x17: {  	s4 =	simm.s32 $0x1BF5;
	[smem:$0x3FB3] =	sst s0  }
0x18: {  	s0 =	sld [smem:$0x3F96];
	_ =	swait.ge [sflag:s4], $0x0  }
0x19: {  	s7 =	sld [smem:$0x3F97]  }
0x1a: {  	s8 =	sadd.s32 $0xFFFFE003, lr  }
0x1b: {  	s9 =	sadd.s32 $0xFFFFFEF7, lr;
	s5 =	simm.s32 $0xFFFFFFFF;
	p2 =	slt.u32 s8, $0xFFFFF086  }
0x1c: {  	p1 =	slt.u32 s9, $0xF7A;
	s5 =	simm.s32 @!p2 $0x0  }
0x1d: {  	s5 =	simm.s32 @p1 $0x1;
	p0 =	seq.s32 s7, s2  }
0x1e: {  	s7 =	smul.u32 @!p0 $0xF7A, s2;
	p2 =	seq.s32 @!p0 s5, $0x0  }
0x1f: {  	s9 =	smul.u32 $0xF7A, s1;
	s8 =	simm.s32 @!p0 $0x1BF5;
	p2 =	por !p2, p0  }
0x20: {  	[sflag:s8] =	ssyncset.s32 @!p0 $0xFFFFF086;
	s6 =	sadd.s32 @!p0 s3, s7;
	s7 =	simm.s32 @!p0 $0x108  }
0x21: {  	s3 =	sadd.s32 s3, s9;
	s6 =	sadd.s32 @!p0 $0x88, s6;
	s7 =	simm.s32 @p2 $0x1082  }
0x22: {  	[simem:s7], [sflag:s8] =	dma.local @!p0 [hbm:s6], $0xF7A  }
0x23: {  	s9 =	sor.u32 $0xD0000000, s2;
	s6 =	simm.s32 $0x108;
	_ =	swait.ge @!p0 [sflag:s8], $0x0  }
0x24: {  	s3 =	sadd.s32 $0x88, s3;
	s6 =	simm.s32 @!p1 $0x1082;
	[sflag:s4] =	ssyncset.s32 $0xFFFFF086  }
0x25: {  	[simem:s6], [sflag:s4] =	dma.local [hbm:s3], $0xF7A  }
0x26: {  	[smem:$0x3F97] =	sst s1;
	(tag) =	ssettag s2;
	_ =	strace s9  }
0x27: {  	s1 =	sld [smem:$0x3FA7]  }
0x28: {  	s2 =	sld [smem:$0x3FA8]  }
0x29: {  	s4 =	sld [smem:$0x3FAA]  }
0x2a: {  	p0 =	seq.s32 s5, $0x0;
	s5 =	sld [smem:$0x3FAB]  }
0x2b: {  	s6 =	sld [smem:$0x3FAC]  }
0x2c: {  	s7 =	sld [smem:$0x3FAD]  }
0x2d: {  	s3 =	simm.s32 $0x108;
	s8 =	sld [smem:$0x3FAE]  }
0x2e: {  	s3 =	simm.s32 @!p0 $0x1082;
	s9 =	sld [smem:$0x3FAF]  }
0x2f: {  	lr =	sadd.s32 s0, s3;
	s0 =	sld [smem:$0x3FA6]  }
0x30: {  	s3 =	sld [smem:$0x3FA9]  }
0x31: {  	[smem:$0x3FB2] =	sst s10  }
0x32: {  	s10 =	sld [smem:$0x3FB0];
	_ =	sdelay $0x3  }
0x33: {  	p0 =	seq.s32 s10, $0x1;
	s10 =	sld [smem:$0x3FB2];
	_ =	sdelay $0x3  }
0x34: {  	[smem:$0x3FB2] =	sst s10  }
0x35: {  	s10 =	sld [smem:$0x3FB1];
	_ =	sdelay $0x3  }
0x36: {  	p1 =	seq.s32 s10, $0x1;
	s10 =	sld [smem:$0x3FB2];
	_ =	sdelay $0x3  }
0x37: {  	[smem:$0x3FB2] =	sst s10  }
0x38: {  	s10 =	sld [smem:$0x3FB3]  }
0x39: {  	_ = 	snop;
	(pc) =	sbr.ind lr, $3  }
0x3a: {  	_ = 	snop  }
0x3b: {  	_ = 	snop  }
0x3c: {  	p2 =	seq.s32 s10, $0x1;
	s10 =	sld [smem:$0x3FB2]  }
0x3d: {  	_ =	shalt  }
0x3e: {  	_ =	shalt  }
0x3f: {  	_ =	shalt  }
0x40: {  	_ =	shalt  }
0x41: {  	_ =	shalt  }
0x42: {  	_ =	shalt  }
0x43: {  	_ =	shalt  }
0x44: {  	_ =	shalt  }
0x45: {  	_ =	shalt  }
0x46: {  	_ =	shalt  }
0x47: {  	_ =	shalt  }
0x48: {  	_ =	shalt  }
0x49: {  	_ =	shalt  }
0x4a: {  	_ =	shalt  }
0x4b: {  	_ =	shalt  }
0x4c: {  	_ =	shalt  }
0x4d: {  	_ =	shalt  }
0x4e: {  	_ =	shalt  }
0x4f: {  	_ =	shalt  }
0x50: {  	_ =	shalt  }
0x51: {  	_ =	shalt  }
0x52: {  	_ =	shalt  }
0x53: {  	_ =	shalt  }
0x54: {  	_ =	shalt  }
0x55: {  	_ =	shalt  }
0x56: {  	_ =	shalt  }
0x57: {  	_ =	shalt  }
0x58: {  	_ =	shalt  }
0x59: {  	_ =	shalt  }
0x5a: {  	_ =	shalt  }
0x5b: {  	_ =	shalt  }
0x5c: {  	_ =	shalt  }
0x5d: {  	_ =	shalt  }
0x5e: {  	_ =	shalt  }
0x5f: {  	_ =	shalt  }
0x60: {  	_ =	shalt  }
0x61: {  	_ =	shalt  }
0x62: {  	_ =	shalt  }
0x63: {  	_ =	shalt  }
0x64: {  	_ =	shalt  }
0x65: {  	_ =	shalt  }
0x66: {  	_ =	shalt  }
0x67: {  	_ =	shalt  }
0x68: {  	_ =	shalt  }
0x69: {  	_ =	shalt  }
0x6a: {  	_ =	shalt  }
0x6b: {  	_ =	shalt  }
0x6c: {  	_ =	shalt  }
0x6d: {  	_ =	shalt  }
0x6e: {  	_ =	shalt  }
0x6f: {  	_ =	shalt  }
0x70: {  	_ =	shalt  }
0x71: {  	_ =	shalt  }
0x72: {  	_ =	shalt  }
0x73: {  	_ =	shalt  }
0x74: {  	_ =	shalt  }
0x75: {  	_ =	shalt  }
0x76: {  	_ =	shalt  }
0x77: {  	_ =	shalt  }
0x78: {  	_ =	shalt  }
0x79: {  	_ =	shalt  }
0x7a: {  	_ =	shalt  }
0x7b: {  	_ =	shalt  }
0x7c: {  	_ =	shalt  }
0x7d: {  	_ =	shalt  }
0x7e: {  	_ =	shalt  }
0x7f: {  	_ =	shalt  }
0x80: {  	_ =	shalt  }
0x81: {  	_ =	shalt  }
0x82: {  	_ =	shalt  }
0x83: {  	_ =	shalt  }
0x84: {  	_ =	shalt  }
0x85: {  	_ =	shalt  }
0x86: {  	_ =	shalt  }
0x87: {  	_ =	shalt  }
.Lfunc_end0:
.L_simem_size_0:
called_computation.1_lowered:
.L_overlay_start_0:
0x88: {  	s2 =	sld [smem:$0x3FD9]  }
0x89: {  	s3 =	sld [smem:$0x3FFE];
	_ =	sdelay $0x1  }
0x8a: {  	s1 =	srdreg.scid  }
0x8b: {  	s0 =	sand.u32 $0x1, s1  }
0x8c: {  	s17 =	sshll.u32 s0, $0xA;
	s2 =	sadd.s32 s3, s2  }
0x8d: {  	s2 =	sadd.s32 s2, s17  }
0x8e: {  	[smem:$0x3FBE] =	sst s2  }
0x8f: {  	_ = 	snop  }
0x90: {  	s2 =	sld [smem:$0x3FD0];
	(tm) =	ssettm $0x1  }
0x91: {  	s18 =	sld [smem:$0x3FFB];
	_ =	sdelay $0x3  }
0x92: {  	_ =	strace s18  }
0x93: {  	s3 =	sld [smem:$0x3FFC];
	_ =	sdelay $0x3  }
0x94: {  	_ =	strace s3  }
0x95: {  	s3 =	sld [smem:$0x3FFD];
	_ =	sdelay $0x3  }
0x96: {  	_ =	strace s3  }
0x97: {  	_ =	strace $0x8FFFFFFF  }
0x98: {  	s19 =	sld [smem:$0x3FDB];
	_ =	sdelay $0x1  }
0x99: {  	s4 =	simm.s32 $_scs_section_size  }
0x9a: {  	s5 =	simm.s32 $_size__tile_overlayer_lowered;
	s6 =	simm.s32 $_tile_overlayer_lowered  }
0x9b: {  	s22 =	simm.s32 $0x1BFF;
	s21 =	sshll.u32 s6, $0x1;
	s3 =	sadd.s32 s4, s19  }
0x9c: {  	s7 =	simm.s32 $0x0;
	s20 =	sshll.u32 s5, $0x1;
	s5 =	sadd.s32 s21, s3  }
0x9d: {  	[timem:s7], [sflag:s22] =	dma.local [hbm:s5], s20  }
0x9e: {  	_ =	swait.ge [sflag:s22], s20  }
0x9f: {  	s4 =	ssub.s32 $0x0, s20;
	[sflag:s22] =	ssyncset.done $0x0  }
0xa0: {  	[sflag:s22] =	ssyncadd.s32 s4;
	_ =	sdelay $0x1  }
0xa1: {  	s23 =	simm.s32 $0x1B8B  }
0xa2: {  	_ =	swait.ge [sflag:s23], $0x1  }
0xa3: {  	[sflag:s23] =	ssyncset.done $0x0  }
0xa4: {  	s25 =	simm.s32 $0x1B8E;
	s24 =	sld [smem:$0x3FFE];
	[sflag:s23] =	ssyncadd.s32 $0xFFFFFFFF  }
0xa5: {  	s26 =	simm.s32 $execute0_lowered;
	[smem:$0x3FD2] =	sst s25  }
0xa6: {  	s5 =	sshll.u32 s26, $0x1;
	_ =	strace $0x80000049;
	[dreg:$0x1] =	wrdreg $0xFFFFFFFF  }
0xa7: {  	s28 =	simm.s32 $_size_execute0_lowered;
	s3 =	sadd.s32 s3, s5;
	[dreg:$0x0] =	wrdreg $0x0  }
0xa8: {  	s5 =	sshll.u32 s28, $0x1;
	[dreg:$0x2] =	wrdreg s3  }
0xa9: {  	[dreg:$0x3] =	wrdreg s5  }
0xaa: {  	[dreg:$0x4] =	wrdreg $0xC0  }
0xab: {  	_ =	task [dreg:s7], $0x5FFFF  }
0xac: {  	[dreg:$0x1] =	wrdreg $0xFFFFFFFF  }
0xad: {  	[dreg:$0x0] =	wrdreg $0x60  }
0xae: {  	[dreg:$0x2] =	wrdreg s2  }
0xaf: {  	[dreg:$0x3] =	wrdreg s24  }
0xb0: {  	[dreg:$0x4] =	wrdreg $0x9B000  }
0xb1: {  	[dreg:$0x5] =	wrdreg $0x9  }
0xb2: {  	_ =	task.clear_ibuf [dreg:s7], $0x6FFFF;
	_ =	strace $0x90000049  }
0xb3: {  	s29 =	simm.s32 $0x9;
	_ =	strace $0x8000004B  }
0xb4: {  	_ =	swait.ge [sflag:s29], $0x1  }
0xb5: {  	[sflag:s29] =	ssyncadd.s32 $0xFFFFFFFF  }
0xb6: {  	_ =	strace $0x9000004B  }
0xb7: {  	_ =	sfence  }
0xb8: {  	s30 =	sld [smem:$0x0];
	_ =	sdelay $0x2  }
0xb9: {  	s31 =	sshll.u32 s1, $0xD;
	s1 =	sshrl.u32 s1, $0x2  }
0xba: {  	s3 =	sand.u32 $0x4000, s31;
	s1 =	sadd.s32 s1, s30  }
0xbb: {  	s0 =	sor.u32 s3, s0;
	s1 =	sshll.u32 s1, $0x11  }
0xbc: {  	s0 =	sor.u32 s1, s0  }
0xbd: {  	s0 =	sadd.s32 $0x8F2B, s0  }
0xbe: {  	[sflag:s0] =	ssyncadd.remote.s32 $0x1  }
0xbf: {  	_ =	sfence.sel $0xFFFF  }
0xc0: {  	[dreg:$0x0] =	wrdreg $0xFFFFFFFF;
	(pc) =	sbr.abs _section_cstart, $3  }
0xc1: {  	[dreg:$0x1] =	wrdreg $0xFFFFFFFF  }
0xc2: {  	_ =	task.clear_ibuf [dreg:s7], $0x2FFFF;
	_ =	strace $0x9FFFFFFF  }
0xc3: {  	(tm) =	ssettm $0x7FFFFFFF  }
tec
execute0_lowered:
.L_overlay_start_1:
0x0: {  	(tag) =	ssettag $0x1  }
0x1: {  	s1 =	rddreg [dreg:$0x0]  }
0x2: {  	s0 =	rddreg [dreg:$0x1]  }
0x3: {  	s3 =	rddreg [dreg:$0x2];
	s4 =	simm.s32 $0x0;
	s2 =	srdreg.scid  }
0x4: {  	s23 =	stileid.u32;
	s28 =	simm.s32 $0x300;
	s29 =	simm.s32 $0x180  }
0x5: {  	s30 =	simm.s32 $0x1;
	s31 =	simm.s32 $0x4300;
	s10 =	smul.u32 $0x50000, s23  }
0x6: {  	[smem:$0x7FF] =	sst s4;
	s2 =	sand.u32 $0x1, s2;
	s12 =	smul.u32 $0x2800, s23  }
0x7: {  	s5 =	sshll.u32 s23, $0x1;
	s6 =	sadd.s32 $0x4000, s0;
	s21 =	smul.u32 $0x4E20, s23  }
0x8: {  	s7 =	sadd.s32 $0xDE00, s0;
	s0 =	sadd.s32 $0x17C00, s0;
	s25 =	smul.u32 $0x4E200, s23  }
0x9: {  	p0 =	seq.s32 s23, $0xF;
	s23 =	simm.s32 $0x100;
	s16 =	smul.u32 $0x27100, s2  }
0xa: {  	_ =	strace $0x8000004A;
	s8 =	ssub.s32 $0x2, s2;
	s19 =	smul.u32 $0x138800, s2  }
0xb: {  	s5 =	sor.u32 s2, s5;
	s2 =	smul.u32 $0x2710, s2;
	s9 =	sshrl.u32 s8, $0x1  }
0xc: {  	s5 =	smul.u32 $0x2710, s5;
	s10 =	sshrl.u32 s10, $0x2;
	s8 =	ssub.s32 s8, s9  }
0xd: {  	s9 =	sadd.s32 s12, s16;
	s10 =	sadd.s32 s10, s3;
	s20 =	sshrl.u32 s19, $0x3  }
0xe: {  	s2 =	sadd.s32 s2, s21;
	s21 =	simm.s32 $0x8B00;
	s5 =	sshrl.u32 s5, $0x3  }
0xf: {  	s9 =	sadd.s32 s0, s9;
	s0 =	sadd.s32 s0, s20;
	s8 =	smax.u32 s8, $0x1  }
0x10: {  	s26 =	sadd.s32 $0x200, s2;
	s2 =	sadd.s32 $0x180, s2;
	s11 =	sadd.s32 s6, s5  }
0x11: {  	s17 =	sadd.s32 $0x4E0, s5;
	s13 =	sadd.s32 s7, s5;
	[dreg:$0x8] =	wrdreg s9  }
0x12: {  	s0 =	sadd.s32 $0x25800, s0;
	s22 =	sadd.s32 $0x10, s5;
	[dreg:$0xa] =	wrdreg s8  }
0x13: {  	s24 =	sadd.s32 $0x20, s5;
	s5 =	sshrl.u32 s25, $0x2;
	s2 =	sshrl.u32 s2, $0x3  }
0x14: {  	s25 =	sshrl.u32 @!p0 s10, $0x3;
	s8 =	simm.s32 $0x8300;
	[dreg:$0x4] =	wrdreg s11  }
0x15: {  	s9 =	simm.s32 $0x0;
	[dreg:$0x5] =	wrdreg s13;
	s18 =	sadd.s32 s6, s17  }
0x16: {  	s11 =	sadd.s32 s7, s17;
	[dreg:$0x9] =	wrdreg s0;
	s12 =	sadd.s32 s6, s22  }
0x17: {  	s13 =	sadd.s32 s7, s22;
	s14 =	sadd.s32 s6, s24;
	s15 =	sadd.s32 s7, s24  }
0x18: {  	s0 =	sshrl.u32 s26, $0x3;
	s16 =	sadd.s32 s5, s3;
	s19 =	sadd.s32 s2, s7  }
.Ltmp0:
0x19: {  	s20 =	sadd.s32 s2, s6;
	s22 =	simm.s32 $0x4;
	(pc) =	sbr.rel .LBB2_1-.Ltmp0, $4  }
0x1a: {  	s26 =	simm.s32 $0x80;
	s2 =	simm.s32 $0x3;
	[dreg:$0x6] =	wrdreg s18  }
0x1b: {  	s5 =	simm.s32 $0x200;
	[dreg:$0x7] =	wrdreg s11;
	s11 =	sadd.s32 $0x12C000, s3  }
0x1c: {  	s17 =	sadd.s32 s0, s7;
	s18 =	sadd.s32 s0, s6;
	s0 =	simm.s32 $0x2  }
0x1d: {  	v0 =	vimm.f32 $0.0e+00;
	s6 =	simm.s32 $0x280;
	s7 =	simm.s32 $0x10;
	s24 =	sshrl.u32 @p0 s11, $0x3  }
.LBB2_8:
0x1e: {  	[spmem:s3] =	stream.indirect.scatter.add.f32 [tilespmem:s31], [sflag:$0x3], $0x80, s29, s26, $0xb8;
	[tilespmem:$0x1D380] =	vst v63  }
0x1f: {  	_ =	swait.ge [sflag:s2], $0x4000  }
0x20: {  	[sflag:s2] =	ssyncset.done $0x0  }
0x21: {  	s10 =	rddreg [dreg:$0x6];
	[sflag:s2] =	ssyncadd.s32 $0xFFFFC000  }
0x22: {  	[tilespmem:s5], [sflag:$0x4] =	stream.linear.gather [hbm4b:s10+s4], $0x10, $0x38;
	[tilespmem:$0x1D380] =	vst v63  }
0x23: {  	_ =	swait.ge [sflag:s22], $0x10  }
0x24: {  	[sflag:s22] =	ssyncset.done $0x0  }
0x25: {  	s11 =	rddreg [dreg:$0x7];
	[sflag:s22] =	ssyncadd.s32 $0xFFFFFFF0  }
0x26: {  	[tilespmem:s6], [sflag:$0x4] =	stream.linear.gather [hbm4b:s11+s4], $0x10, $0x38;
	[tilespmem:$0x1D380] =	vst v63  }
0x27: {  	_ =	swait.ge [sflag:s22], $0x10  }
0x28: {  	[sflag:s22] =	ssyncset.done $0x0  }
0x29: {  	[sflag:s22] =	ssyncadd.s32 $0xFFFFFFF0  }
0x2a: {  	[tilespmem:s8], [sflag:$0x1] =	stream.indirect.gather [hbm4b:s1+s7], $0x80, s5, s7, $0xb8;
	[tilespmem:$0x1D380] =	vst v63  }
0x2b: {  	_ =	swait.ge [sflag:s30], $0x800  }
0x2c: {  	[sflag:s30] =	ssyncset.done $0x0  }
0x2d: {  	[sflag:s30] =	ssyncadd.s32 $0xFFFFF800  }
0x2e: {  	[spmem:s3] =	stream.indirect.scatter.add.f32 [tilespmem:s8], [sflag:$0x4], $0x80, s6, s7, $0xb8;
	[tilespmem:$0x1D380] =	vst v63  }
0x2f: {  	_ =	swait.ge [sflag:s22], $0x800  }
0x30: {  	[sflag:s22] =	ssyncset.done $0x0  }
0x31: {  	[sflag:s22] =	ssyncadd.s32 $0xFFFFF800  }
0x32: {  	[bflag:$0x0] =	sbarrier.arrive $0xFFFF  }
0x33: {  	s10 =	simm.s32 @p0 $0x1FC4;
	s11 =	rddreg [dreg:$0x9]  }
0x34: {  	[hbm:s11], [sflag:s10] =	dma.local @p0 [spmem:s24], $0x1900  }
0x35: {  	s10 =	simm.s32 @p0 $0x4  }
0x36: {  	s11 =	stileid.u32;
	_ =	swait.ge @p0 [sflag:s10], $0x1900  }
0x37: {  	s11 =	sshll.u32 @!p0 s11, $0x6;
	[sflag:s10] =	ssyncset.done @p0 $0x0  }
0x38: {  	[sflag:s10] =	ssyncadd.s32 @p0 $0xFFFFE700;
	s10 =	sor.u32 @!p0 $0x1C04, s11;
	s11 =	rddreg [dreg:$0x8]  }
0x39: {  	[hbm:s11], [sflag:s10] =	dma.local @!p0 [spmem:s25], $0x2800  }
0x3a: {  	s10 =	simm.s32 @!p0 $0x4  }
0x3b: {  	_ =	swait.ge @!p0 [sflag:s10], $0x2800  }
0x3c: {  	s9 =	sadd.s32 $0x1, s9;
	s11 =	rddreg [dreg:$0xa]  }
0x3d: {  	p1 =	sne.s32 s9, s11  }
.Ltmp1:
0x3e: {  	_ = 	snop;
	(pc) =	sbr.rel @!p1 .LBB2_9-.Ltmp1, $3  }
0x3f: {  	_ =	sdelay $0x1  }
0x40: {  	[sflag:s10] =	ssyncset.done @!p0 $0x0  }
0x41: {  	[sflag:s10] =	ssyncadd.s32 @!p0 $0xFFFFD800  }
.LBB2_1:
0x42: {  	s10 =	simm.s32 $0x0;
	s11 =	simm.s32 $0x200  }
.LBB2_2:
0x43: {  	p1 =	sne.s32 s11, $0x3000;
	[tilespmem:s10+$0x8B70] =	vst v0  }
0x44: {  	[tilespmem:s10+$0x8B00] =	vst v0  }
0x45: {  	[tilespmem:s10+$0x8B10] =	vst v0  }
.Ltmp2:
0x46: {  	[tilespmem:s10+$0x8B20] =	vst v0;
	(pc) =	sbr.rel @p1 .LBB2_2-.Ltmp2, $4  }
0x47: {  	[tilespmem:s10+$0x8B30] =	vst v0  }
0x48: {  	[tilespmem:s10+$0x8B40] =	vst v0  }
0x49: {  	[tilespmem:s10+$0x8B50] =	vst v0  }
0x4a: {  	[tilespmem:s10+$0x8B60] =	vst v0;
	s10 =	sshra.s32 s11, $0x2;
	s11 =	sadd.s32 $0x200, s11  }
0x4b: {  	[tilespmem:s10+$0x8B70] =	vst v0  }
0x4c: {  	[tilespmem:s10+$0x8B00] =	vst v0  }
0x4d: {  	[tilespmem:s10+$0x8B10] =	vst v0  }
0x4e: {  	[tilespmem:s10+$0x8B20] =	vst v0  }
0x4f: {  	[tilespmem:s10+$0x8B30] =	vst v0  }
0x50: {  	[tilespmem:s10+$0x8B40] =	vst v0  }
0x51: {  	[tilespmem:s10+$0x8B50] =	vst v0  }
0x52: {  	[tilespmem:s10+$0x8B60] =	vst v0;
	s11 =	sadd.s32 $0x0, s16  }
0x53: {  	[spmem:s11] =	stream.linear.scatter [tilespmem:s21], [sflag:$0x4], $0xC80, $0x38;
	[tilespmem:$0x1D380] =	vst v63  }
0x54: {  	s10 =	simm.s32 $0x3200;
	_ =	swait.ge [sflag:s22], $0xC80  }
.LBB2_4:
0x55: {  	s11 =	sshra.s32 s10, $0x2;
	[sflag:s22] =	ssyncset.done $0x0;
	p1 =	sne.s32 s10, $0x4B000  }
.Ltmp3:
0x56: {  	s11 =	sadd.s32 s11, s16;
	[sflag:s22] =	ssyncadd.s32 $0xFFFFF380;
	(pc) =	sbr.rel @p1 .LBB2_4-.Ltmp3, $3  }
0x57: {  	[spmem:s11] =	stream.linear.scatter [tilespmem:s21], [sflag:$0x4], $0xC80, $0x38;
	[tilespmem:$0x1D380] =	vst v63  }
0x58: {  	s10 =	sadd.s32 $0x3200, s10;
	_ =	sdelay $0x1  }
0x59: {  	_ =	swait.ge [sflag:s22], $0xC80  }
0x5a: {  	[sflag:s22] =	ssyncset.done $0x0  }
0x5b: {  	[sflag:s22] =	ssyncadd.s32 $0xFFFFF380  }
0x5c: {  	[bflag:$0x0] =	sbarrier.arrive $0xFFFF  }
0x5d: {  	s10 =	simm.s32 $0x0;
	s11 =	rddreg [dreg:$0x4]  }
0x5e: {  	[tilespmem:s10], [sflag:$0x4] =	stream.linear.gather [hbm4b:s11+s10], $0x80, $0x38;
	[tilespmem:$0x1D380] =	vst v63  }
0x5f: {  	_ =	swait.ge [sflag:s22], $0x80  }
0x60: {  	[sflag:s22] =	ssyncset.done $0x0  }
0x61: {  	s11 =	rddreg [dreg:$0x5];
	[sflag:s22] =	ssyncadd.s32 $0xFFFFFF80  }
0x62: {  	[tilespmem:s23], [sflag:$0x4] =	stream.linear.gather [hbm4b:s11+s10], $0x80, $0x38;
	[tilespmem:$0x1D380] =	vst v63  }
0x63: {  	_ =	swait.ge [sflag:s22], $0x80  }
0x64: {  	[sflag:s22] =	ssyncset.done $0x0  }
0x65: {  	[sflag:s22] =	ssyncadd.s32 $0xFFFFFF80  }
0x66: {  	[tilespmem:s28], [sflag:$0x1] =	stream.indirect.gather [hbm4b:s1+s26], $0x80, s10, s26, $0xb8;
	[tilespmem:$0x1D380] =	vst v63  }
0x67: {  	_ = 	snop  }
0x68: {  	[tilespmem:s26], [sflag:$0x4] =	stream.linear.gather [hbm4b:s12+s10], $0x80, $0x38;
	[tilespmem:$0x1D380] =	vst v63  }
0x69: {  	_ =	swait.ge [sflag:s22], $0x80  }
0x6a: {  	[sflag:s22] =	ssyncset.done $0x0  }
0x6b: {  	[sflag:s22] =	ssyncadd.s32 $0xFFFFFF80  }
0x6c: {  	[tilespmem:s29], [sflag:$0x4] =	stream.linear.gather [hbm4b:s13+s10], $0x80, $0x38;
	[tilespmem:$0x1D380] =	vst v63  }
0x6d: {  	_ =	swait.ge [sflag:s22], $0x80  }
0x6e: {  	[sflag:s22] =	ssyncset.done $0x0  }
0x6f: {  	[sflag:s22] =	ssyncadd.s32 $0xFFFFFF80  }
0x70: {  	_ =	swait.ge [sflag:s30], $0x4000  }
0x71: {  	[sflag:s30] =	ssyncset.done $0x0  }
0x72: {  	[sflag:s30] =	ssyncadd.s32 $0xFFFFC000  }
0x73: {  	[tilespmem:s31], [sflag:$0x1] =	stream.indirect.gather [hbm4b:s1+s26], $0x80, s26, s26, $0xb8;
	[tilespmem:$0x1D380] =	vst v63  }
0x74: {  	_ = 	snop  }
0x75: {  	[spmem:s3] =	stream.indirect.scatter.add.f32 [tilespmem:s28], [sflag:$0x2], $0x80, s23, s26, $0xb8;
	[tilespmem:$0x1D380] =	vst v63  }
0x76: {  	_ =	swait.ge [sflag:s30], $0x4000  }
0x77: {  	[sflag:s30] =	ssyncset.done $0x0  }
0x78: {  	[sflag:s30] =	ssyncadd.s32 $0xFFFFC000  }
0x79: {  	_ =	swait.ge [sflag:s0], $0x4000  }
0x7a: {  	[sflag:s0] =	ssyncset.done $0x0  }
0x7b: {  	[sflag:s0] =	ssyncadd.s32 $0xFFFFC000  }
0x7c: {  	[tilespmem:s10], [sflag:$0x4] =	stream.linear.gather [hbm4b:s14+s10], $0x80, $0x38;
	[tilespmem:$0x1D380] =	vst v63  }
0x7d: {  	_ =	swait.ge [sflag:s22], $0x80  }
0x7e: {  	[sflag:s22] =	ssyncset.done $0x0  }
0x7f: {  	[sflag:s22] =	ssyncadd.s32 $0xFFFFFF80  }
0x80: {  	[tilespmem:s23], [sflag:$0x4] =	stream.linear.gather [hbm4b:s15+s10], $0x80, $0x38;
	[tilespmem:$0x1D380] =	vst v63  }
0x81: {  	_ =	swait.ge [sflag:s22], $0x80  }
0x82: {  	[sflag:s22] =	ssyncset.done $0x0  }
0x83: {  	[sflag:s22] =	ssyncadd.s32 $0xFFFFFF80  }
0x84: {  	[tilespmem:s28], [sflag:$0x1] =	stream.indirect.gather [hbm4b:s1+s26], $0x80, s10, s26, $0xb8;
	[tilespmem:$0x1D380] =	vst v63  }
0x85: {  	_ = 	snop  }
0x86: {  	[spmem:s3] =	stream.indirect.scatter.add.f32 [tilespmem:s31], [sflag:$0x3], $0x80, s29, s26, $0xb8;
	[tilespmem:$0x1D380] =	vst v63  }
.LBB2_6:
0x87: {  	s11 =	sadd.s32 s10, s20  }
0x88: {  	[tilespmem:s26], [sflag:$0x4] =	stream.linear.gather [hbm4b:s11+s4], $0x80, $0x38;
	[tilespmem:$0x1D380] =	vst v63  }
0x89: {  	_ =	swait.ge [sflag:s22], $0x80  }
0x8a: {  	[sflag:s22] =	ssyncset.done $0x0  }
0x8b: {  	s11 =	sadd.s32 s10, s19;
	[sflag:s22] =	ssyncadd.s32 $0xFFFFFF80  }
0x8c: {  	[tilespmem:s29], [sflag:$0x4] =	stream.linear.gather [hbm4b:s11+s4], $0x80, $0x38;
	[tilespmem:$0x1D380] =	vst v63  }
0x8d: {  	_ =	swait.ge [sflag:s22], $0x80  }
0x8e: {  	[sflag:s22] =	ssyncset.done $0x0  }
0x8f: {  	[sflag:s22] =	ssyncadd.s32 $0xFFFFFF80  }
0x90: {  	_ =	swait.ge [sflag:s30], $0x4000  }
0x91: {  	[sflag:s30] =	ssyncset.done $0x0  }
0x92: {  	[sflag:s30] =	ssyncadd.s32 $0xFFFFC000  }
0x93: {  	_ =	swait.ge [sflag:s2], $0x4000  }
0x94: {  	[sflag:s2] =	ssyncset.done $0x0  }
0x95: {  	[sflag:s2] =	ssyncadd.s32 $0xFFFFC000  }
0x96: {  	[tilespmem:s31], [sflag:$0x1] =	stream.indirect.gather [hbm4b:s1+s26], $0x80, s26, s26, $0xb8;
	[tilespmem:$0x1D380] =	vst v63  }
0x97: {  	_ = 	snop  }
0x98: {  	[spmem:s3] =	stream.indirect.scatter.add.f32 [tilespmem:s28], [sflag:$0x2], $0x80, s23, s26, $0xb8;
	[tilespmem:$0x1D380] =	vst v63  }
0x99: {  	p1 =	seq.s32 s10, $0x4A0;
	_ =	swait.ge [sflag:s30], $0x4000  }
.Ltmp4:
0x9a: {  	[sflag:s30] =	ssyncset.done $0x0;
	(pc) =	sbr.rel @p1 .LBB2_8-.Ltmp4, $4  }
0x9b: {  	[sflag:s30] =	ssyncadd.s32 $0xFFFFC000  }
0x9c: {  	_ =	swait.ge [sflag:s0], $0x4000  }
0x9d: {  	[sflag:s0] =	ssyncset.done $0x0  }
0x9e: {  	[sflag:s0] =	ssyncadd.s32 $0xFFFFC000  }
0x9f: {  	s11 =	sadd.s32 s10, s18  }
0xa0: {  	[tilespmem:s4], [sflag:$0x4] =	stream.linear.gather [hbm4b:s11+s4], $0x80, $0x38;
	[tilespmem:$0x1D380] =	vst v63  }
0xa1: {  	_ =	swait.ge [sflag:s22], $0x80  }
0xa2: {  	[sflag:s22] =	ssyncset.done $0x0  }
0xa3: {  	s11 =	sadd.s32 s10, s17;
	[sflag:s22] =	ssyncadd.s32 $0xFFFFFF80  }
0xa4: {  	[tilespmem:s23], [sflag:$0x4] =	stream.linear.gather [hbm4b:s11+s4], $0x80, $0x38;
	[tilespmem:$0x1D380] =	vst v63  }
0xa5: {  	_ =	swait.ge [sflag:s22], $0x80  }
.Ltmp5:
0xa6: {  	[sflag:s22] =	ssyncset.done $0x0;
	(pc) =	sbr.rel .LBB2_6-.Ltmp5, $4  }
0xa7: {  	[sflag:s22] =	ssyncadd.s32 $0xFFFFFF80  }
0xa8: {  	[tilespmem:s28], [sflag:$0x1] =	stream.indirect.gather [hbm4b:s1+s26], $0x80, s4, s26, $0xb8;
	[tilespmem:$0x1D380] =	vst v63  }
0xa9: {  	s10 =	sadd.s32 $0x20, s10  }
0xaa: {  	[spmem:s3] =	stream.indirect.scatter.add.f32 [tilespmem:s31], [sflag:$0x3], $0x80, s29, s26, $0xb8;
	[tilespmem:$0x1D380] =	vst v63  }
.LBB2_9:
0xab: {  	_ =	sfence.sel $0x180000  }
0xac: {  	[bflag:$0x0] =	sbarrier.arrive $0xFFFF  }
0xad: {  	_ =	strace $0x9000004A  }
0xae: {  	s0 =	stileid.u32;
	[bflag:$0x2] =	sbarrier.arrive $0xFFFF  }
0xaf: {  	p0 =	sne.s32 s0, $0x0;
	s0 =	rddreg [dreg:$0x3]  }
0xb0: {  	s0 =	sadd.s32 @!p0 $0x100000, s0  }
0xb1: {  	[sflag:s0] =	ssyncadd.tile.s32 @!p0 $0x1;
	_ =	shalt  }
.Lfunc_end2:
_tile_overlayer_lowered:
.L_overlay_start_2:
0xb2: {  	(tag) =	ssettag $0x2  }
0xb3: {  	s0 =	rddreg [dreg:$0x0];
	s2 =	stileid.u32  }
0xb4: {  	s1 =	rddreg [dreg:$0x1];
	p0 =	sne.s32 s2, $0x0  }
0xb5: {  	s3 =	rddreg [dreg:$0x2];
	[bflag:$0x3] =	sbarrier.arrive $0xFFFF;
	s2 =	simm.s32 @!p0 $0x1C04  }
0xb6: {  	[timem:s3], [sflag:s2] =	dma.local @!p0 [hbm:s0], s1  }
0xb7: {  	s0 =	simm.s32 @!p0 $0x4  }
0xb8: {  	_ =	swait.ge @!p0 [sflag:s0], s1  }
0xb9: {  	s1 =	ssub.s32 @!p0 $0x0, s1;
	[sflag:s0] =	ssyncset.done @!p0 $0x0  }
0xba: {  	[sflag:s0] =	ssyncadd.s32 @!p0 s1  }
0xbb: {  	[bflag:$0x3] =	sbarrier.arrive $0xFFFF  }
0xbc: {  	_ =	shalt  }

// kernel: kernel.21.cloned.1.call-start
scs
__scs_entry_jumppad:
0x0: {  	(pc) =	sbr.rel $0x88, $3  }
0x1: {  	(tag) =	ssettag $0x0;
	lr =	simm.s32 $0x1  }
0x2: {  	[smem:$0x3F97] =	sst lr;
	_ =	strace $0xD0000000  }
0x3: {  	_ = 	snop  }
0x4: {  	_ = 	snop  }
0x5: {  	_ = 	snop  }
0x6: {  	_ = 	snop  }
0x7: {  	_ = 	snop  }
__scs_overlays_trampoline_lowered:
0x8: {  	[smem:$0x3FA6] =	sst s0  }
0x9: {  	[smem:$0x3FA7] =	sst s1  }
0xa: {  	[smem:$0x3FA8] =	sst s2  }
0xb: {  	[smem:$0x3FA9] =	sst s3  }
0xc: {  	[smem:$0x3FAA] =	sst s4  }
0xd: {  	[smem:$0x3FAB] =	sst s5  }
0xe: {  	[smem:$0x3FAC] =	sst s6  }
0xf: {  	[smem:$0x3FAD] =	sst s7  }
0x10: {  	[smem:$0x3FAE] =	sst s8  }
0x11: {  	[smem:$0x3FAF] =	sst s9;
	s0 =	simm.s32 @!p0 $0x0  }
0x12: {  	s1 =	sld [smem:$0x3F95];
	s0 =	simm.s32 @p0 $0x1  }
0x13: {  	[smem:$0x3FB0] =	sst s0;
	s0 =	simm.s32 @!p1 $0x0  }
0x14: {  	s2 =	sld [smem:$0x3F94];
	s0 =	simm.s32 @p1 $0x1  }
0x15: {  	[smem:$0x3FB1] =	sst s0;
	s0 =	simm.s32 @!p2 $0x0  }
0x16: {  	s3 =	sld [smem:$0x3FDB];
	s0 =	simm.s32 @p2 $0x1  }
0x17: {  	s4 =	simm.s32 $0x1BF5;
	[smem:$0x3FB3] =	sst s0  }
0x18: {  	s0 =	sld [smem:$0x3F96];
	_ =	swait.ge [sflag:s4], $0x0  }
0x19: {  	s7 =	sld [smem:$0x3F97]  }
0x1a: {  	s8 =	sadd.s32 $0xFFFFE003, lr  }
0x1b: {  	s9 =	sadd.s32 $0xFFFFFEF7, lr;
	s5 =	simm.s32 $0xFFFFFFFF;
	p2 =	slt.u32 s8, $0xFFFFF086  }
0x1c: {  	p1 =	slt.u32 s9, $0xF7A;
	s5 =	simm.s32 @!p2 $0x0  }
0x1d: {  	s5 =	simm.s32 @p1 $0x1;
	p0 =	seq.s32 s7, s2  }
0x1e: {  	s7 =	smul.u32 @!p0 $0xF7A, s2;
	p2 =	seq.s32 @!p0 s5, $0x0  }
0x1f: {  	s9 =	smul.u32 $0xF7A, s1;
	s8 =	simm.s32 @!p0 $0x1BF5;
	p2 =	por !p2, p0  }
0x20: {  	[sflag:s8] =	ssyncset.s32 @!p0 $0xFFFFF086;
	s6 =	sadd.s32 @!p0 s3, s7;
	s7 =	simm.s32 @!p0 $0x108  }
0x21: {  	s3 =	sadd.s32 s3, s9;
	s6 =	sadd.s32 @!p0 $0x88, s6;
	s7 =	simm.s32 @p2 $0x1082  }
0x22: {  	[simem:s7], [sflag:s8] =	dma.local @!p0 [hbm:s6], $0xF7A  }
0x23: {  	s9 =	sor.u32 $0xD0000000, s2;
	s6 =	simm.s32 $0x108;
	_ =	swait.ge @!p0 [sflag:s8], $0x0  }
0x24: {  	s3 =	sadd.s32 $0x88, s3;
	s6 =	simm.s32 @!p1 $0x1082;
	[sflag:s4] =	ssyncset.s32 $0xFFFFF086  }
0x25: {  	[simem:s6], [sflag:s4] =	dma.local [hbm:s3], $0xF7A  }
0x26: {  	[smem:$0x3F97] =	sst s1;
	(tag) =	ssettag s2;
	_ =	strace s9  }
0x27: {  	s1 =	sld [smem:$0x3FA7]  }
0x28: {  	s2 =	sld [smem:$0x3FA8]  }
0x29: {  	s4 =	sld [smem:$0x3FAA]  }
0x2a: {  	p0 =	seq.s32 s5, $0x0;
	s5 =	sld [smem:$0x3FAB]  }
0x2b: {  	s6 =	sld [smem:$0x3FAC]  }
0x2c: {  	s7 =	sld [smem:$0x3FAD]  }
0x2d: {  	s3 =	simm.s32 $0x108;
	s8 =	sld [smem:$0x3FAE]  }
0x2e: {  	s3 =	simm.s32 @!p0 $0x1082;
	s9 =	sld [smem:$0x3FAF]  }
0x2f: {  	lr =	sadd.s32 s0, s3;
	s0 =	sld [smem:$0x3FA6]  }
0x30: {  	s3 =	sld [smem:$0x3FA9]  }
0x31: {  	[smem:$0x3FB2] =	sst s10  }
0x32: {  	s10 =	sld [smem:$0x3FB0];
	_ =	sdelay $0x3  }
0x33: {  	p0 =	seq.s32 s10, $0x1;
	s10 =	sld [smem:$0x3FB2];
	_ =	sdelay $0x3  }
0x34: {  	[smem:$0x3FB2] =	sst s10  }
0x35: {  	s10 =	sld [smem:$0x3FB1];
	_ =	sdelay $0x3  }
0x36: {  	p1 =	seq.s32 s10, $0x1;
	s10 =	sld [smem:$0x3FB2];
	_ =	sdelay $0x3  }
0x37: {  	[smem:$0x3FB2] =	sst s10  }
0x38: {  	s10 =	sld [smem:$0x3FB3]  }
0x39: {  	_ = 	snop;
	(pc) =	sbr.ind lr, $3  }
0x3a: {  	_ = 	snop  }
0x3b: {  	_ = 	snop  }
0x3c: {  	p2 =	seq.s32 s10, $0x1;
	s10 =	sld [smem:$0x3FB2]  }
0x3d: {  	_ =	shalt  }
0x3e: {  	_ =	shalt  }
0x3f: {  	_ =	shalt  }
0x40: {  	_ =	shalt  }
0x41: {  	_ =	shalt  }
0x42: {  	_ =	shalt  }
0x43: {  	_ =	shalt  }
0x44: {  	_ =	shalt  }
0x45: {  	_ =	shalt  }
0x46: {  	_ =	shalt  }
0x47: {  	_ =	shalt  }
0x48: {  	_ =	shalt  }
0x49: {  	_ =	shalt  }
0x4a: {  	_ =	shalt  }
0x4b: {  	_ =	shalt  }
0x4c: {  	_ =	shalt  }
0x4d: {  	_ =	shalt  }
0x4e: {  	_ =	shalt  }
0x4f: {  	_ =	shalt  }
0x50: {  	_ =	shalt  }
0x51: {  	_ =	shalt  }
0x52: {  	_ =	shalt  }
0x53: {  	_ =	shalt  }
0x54: {  	_ =	shalt  }
0x55: {  	_ =	shalt  }
0x56: {  	_ =	shalt  }
0x57: {  	_ =	shalt  }
0x58: {  	_ =	shalt  }
0x59: {  	_ =	shalt  }
0x5a: {  	_ =	shalt  }
0x5b: {  	_ =	shalt  }
0x5c: {  	_ =	shalt  }
0x5d: {  	_ =	shalt  }
0x5e: {  	_ =	shalt  }
0x5f: {  	_ =	shalt  }
0x60: {  	_ =	shalt  }
0x61: {  	_ =	shalt  }
0x62: {  	_ =	shalt  }
0x63: {  	_ =	shalt  }
0x64: {  	_ =	shalt  }
0x65: {  	_ =	shalt  }
0x66: {  	_ =	shalt  }
0x67: {  	_ =	shalt  }
0x68: {  	_ =	shalt  }
0x69: {  	_ =	shalt  }
0x6a: {  	_ =	shalt  }
0x6b: {  	_ =	shalt  }
0x6c: {  	_ =	shalt  }
0x6d: {  	_ =	shalt  }
0x6e: {  	_ =	shalt  }
0x6f: {  	_ =	shalt  }
0x70: {  	_ =	shalt  }
0x71: {  	_ =	shalt  }
0x72: {  	_ =	shalt  }
0x73: {  	_ =	shalt  }
0x74: {  	_ =	shalt  }
0x75: {  	_ =	shalt  }
0x76: {  	_ =	shalt  }
0x77: {  	_ =	shalt  }
0x78: {  	_ =	shalt  }
0x79: {  	_ =	shalt  }
0x7a: {  	_ =	shalt  }
0x7b: {  	_ =	shalt  }
0x7c: {  	_ =	shalt  }
0x7d: {  	_ =	shalt  }
0x7e: {  	_ =	shalt  }
0x7f: {  	_ =	shalt  }
0x80: {  	_ =	shalt  }
0x81: {  	_ =	shalt  }
0x82: {  	_ =	shalt  }
0x83: {  	_ =	shalt  }
0x84: {  	_ =	shalt  }
0x85: {  	_ =	shalt  }
0x86: {  	_ =	shalt  }
0x87: {  	_ =	shalt  }
.Lfunc_end0:
.L_simem_size_0:
called_computation.2_lowered:
.L_overlay_start_0:
0x88: {  	s2 =	sld [smem:$0x3FD9]  }
0x89: {  	s3 =	sld [smem:$0x3FFE];
	_ =	sdelay $0x1  }
0x8a: {  	s1 =	srdreg.scid  }
0x8b: {  	s0 =	sand.u32 $0x1, s1  }
0x8c: {  	s17 =	sshll.u32 s0, $0xA;
	s2 =	sadd.s32 s3, s2  }
0x8d: {  	s2 =	sadd.s32 s2, s17  }
0x8e: {  	[smem:$0x3FBE] =	sst s2  }
0x8f: {  	_ = 	snop  }
0x90: {  	s2 =	sld [smem:$0x3FD0];
	(tm) =	ssettm $0x1  }
0x91: {  	s18 =	sld [smem:$0x3FFB];
	_ =	sdelay $0x3  }
0x92: {  	_ =	strace s18  }
0x93: {  	s3 =	sld [smem:$0x3FFC];
	_ =	sdelay $0x3  }
0x94: {  	_ =	strace s3  }
0x95: {  	s3 =	sld [smem:$0x3FFD];
	_ =	sdelay $0x3  }
0x96: {  	_ =	strace s3  }
0x97: {  	_ =	strace $0x8FFFFFFF  }
0x98: {  	s19 =	sld [smem:$0x3FDB];
	_ =	sdelay $0x1  }
0x99: {  	s4 =	simm.s32 $_scs_section_size  }
0x9a: {  	s5 =	simm.s32 $_size__tile_overlayer_lowered;
	s6 =	simm.s32 $_tile_overlayer_lowered  }
0x9b: {  	s22 =	simm.s32 $0x1BFF;
	s21 =	sshll.u32 s6, $0x1;
	s3 =	sadd.s32 s4, s19  }
0x9c: {  	s7 =	simm.s32 $0x0;
	s20 =	sshll.u32 s5, $0x1;
	s5 =	sadd.s32 s21, s3  }
0x9d: {  	[timem:s7], [sflag:s22] =	dma.local [hbm:s5], s20  }
0x9e: {  	_ =	swait.ge [sflag:s22], s20  }
0x9f: {  	s4 =	ssub.s32 $0x0, s20;
	[sflag:s22] =	ssyncset.done $0x0  }
0xa0: {  	[sflag:s22] =	ssyncadd.s32 s4;
	_ =	sdelay $0x1  }
0xa1: {  	s23 =	simm.s32 $0x1B8B  }
0xa2: {  	_ =	swait.ge [sflag:s23], $0x1  }
0xa3: {  	[sflag:s23] =	ssyncset.done $0x0  }
0xa4: {  	s25 =	simm.s32 $0x1B8E;
	s24 =	sld [smem:$0x3FFE];
	[sflag:s23] =	ssyncadd.s32 $0xFFFFFFFF  }
0xa5: {  	s26 =	simm.s32 $execute0_lowered;
	[smem:$0x3FD2] =	sst s25  }
0xa6: {  	s5 =	sshll.u32 s26, $0x1;
	_ =	strace $0x8000004C;
	[dreg:$0x1] =	wrdreg $0xFFFFFFFF  }
0xa7: {  	s28 =	simm.s32 $_size_execute0_lowered;
	s3 =	sadd.s32 s3, s5;
	[dreg:$0x0] =	wrdreg $0x0  }
0xa8: {  	s5 =	sshll.u32 s28, $0x1;
	[dreg:$0x2] =	wrdreg s3  }
0xa9: {  	[dreg:$0x3] =	wrdreg s5  }
0xaa: {  	[dreg:$0x4] =	wrdreg $0xC0  }
0xab: {  	_ =	task [dreg:s7], $0x5FFFF  }
0xac: {  	[dreg:$0x1] =	wrdreg $0xFFFFFFFF  }
0xad: {  	[dreg:$0x0] =	wrdreg $0x60  }
0xae: {  	[dreg:$0x2] =	wrdreg s2  }
0xaf: {  	[dreg:$0x3] =	wrdreg s24  }
0xb0: {  	[dreg:$0x4] =	wrdreg $0x9B000  }
0xb1: {  	[dreg:$0x5] =	wrdreg $0x9  }
0xb2: {  	_ =	task.clear_ibuf [dreg:s7], $0x6FFFF;
	_ =	strace $0x9000004C  }
0xb3: {  	s29 =	simm.s32 $0x9;
	_ =	strace $0x8000004E  }
0xb4: {  	_ =	swait.ge [sflag:s29], $0x1  }
0xb5: {  	[sflag:s29] =	ssyncadd.s32 $0xFFFFFFFF  }
0xb6: {  	_ =	strace $0x9000004E  }
0xb7: {  	_ =	sfence  }
0xb8: {  	s30 =	sld [smem:$0x0];
	_ =	sdelay $0x2  }
0xb9: {  	s31 =	sshll.u32 s1, $0xD;
	s1 =	sshrl.u32 s1, $0x2  }
0xba: {  	s3 =	sand.u32 $0x4000, s31;
	s1 =	sadd.s32 s1, s30  }
0xbb: {  	s0 =	sor.u32 s3, s0;
	s1 =	sshll.u32 s1, $0x11  }
0xbc: {  	s0 =	sor.u32 s1, s0  }
0xbd: {  	s0 =	sadd.s32 $0x8F2B, s0  }
0xbe: {  	[sflag:s0] =	ssyncadd.remote.s32 $0x1  }
0xbf: {  	_ =	sfence.sel $0xFFFF  }
0xc0: {  	[dreg:$0x0] =	wrdreg $0xFFFFFFFF;
	(pc) =	sbr.abs _section_cstart, $3  }
0xc1: {  	[dreg:$0x1] =	wrdreg $0xFFFFFFFF  }
0xc2: {  	_ =	task.clear_ibuf [dreg:s7], $0x2FFFF;
	_ =	strace $0x9FFFFFFF  }
0xc3: {  	(tm) =	ssettm $0x7FFFFFFF  }
tec
execute0_lowered:
.L_overlay_start_1:
0x0: {  	(tag) =	ssettag $0x1  }
0x1: {  	s1 =	rddreg [dreg:$0x0]  }
0x2: {  	s0 =	rddreg [dreg:$0x1]  }
0x3: {  	s3 =	rddreg [dreg:$0x2];
	s4 =	simm.s32 $0x0;
	s2 =	srdreg.scid  }
0x4: {  	s23 =	stileid.u32;
	s28 =	simm.s32 $0x300;
	s29 =	simm.s32 $0x180  }
0x5: {  	s30 =	simm.s32 $0x1;
	s31 =	simm.s32 $0x4300;
	s10 =	smul.u32 $0x50000, s23  }
0x6: {  	[smem:$0x7FF] =	sst s4;
	s2 =	sand.u32 $0x1, s2;
	s12 =	smul.u32 $0x2800, s23  }
0x7: {  	s5 =	sshll.u32 s23, $0x1;
	s6 =	sadd.s32 $0x4000, s0;
	s21 =	smul.u32 $0x4E20, s23  }
0x8: {  	s7 =	sadd.s32 $0xDE00, s0;
	s0 =	sadd.s32 $0x17C00, s0;
	s25 =	smul.u32 $0x4E200, s23  }
0x9: {  	p0 =	seq.s32 s23, $0xF;
	s23 =	simm.s32 $0x100;
	s16 =	smul.u32 $0x27100, s2  }
0xa: {  	_ =	strace $0x8000004D;
	s8 =	ssub.s32 $0x2, s2;
	s19 =	smul.u32 $0x138800, s2  }
0xb: {  	s5 =	sor.u32 s2, s5;
	s2 =	smul.u32 $0x2710, s2;
	s9 =	sshrl.u32 s8, $0x1  }
0xc: {  	s5 =	smul.u32 $0x2710, s5;
	s10 =	sshrl.u32 s10, $0x2;
	s8 =	ssub.s32 s8, s9  }
0xd: {  	s9 =	sadd.s32 s12, s16;
	s10 =	sadd.s32 s10, s3;
	s20 =	sshrl.u32 s19, $0x3  }
0xe: {  	s2 =	sadd.s32 s2, s21;
	s21 =	simm.s32 $0x8B00;
	s5 =	sshrl.u32 s5, $0x3  }
0xf: {  	s9 =	sadd.s32 s0, s9;
	s0 =	sadd.s32 s0, s20;
	s8 =	smax.u32 s8, $0x1  }
0x10: {  	s26 =	sadd.s32 $0x200, s2;
	s2 =	sadd.s32 $0x180, s2;
	s11 =	sadd.s32 s6, s5  }
0x11: {  	s17 =	sadd.s32 $0x4E0, s5;
	s13 =	sadd.s32 s7, s5;
	[dreg:$0x8] =	wrdreg s9  }
0x12: {  	s0 =	sadd.s32 $0x25800, s0;
	s22 =	sadd.s32 $0x10, s5;
	[dreg:$0xa] =	wrdreg s8  }
0x13: {  	s24 =	sadd.s32 $0x20, s5;
	s5 =	sshrl.u32 s25, $0x2;
	s2 =	sshrl.u32 s2, $0x3  }
0x14: {  	s25 =	sshrl.u32 @!p0 s10, $0x3;
	s8 =	simm.s32 $0x8300;
	[dreg:$0x4] =	wrdreg s11  }
0x15: {  	s9 =	simm.s32 $0x0;
	[dreg:$0x5] =	wrdreg s13;
	s18 =	sadd.s32 s6, s17  }
0x16: {  	s11 =	sadd.s32 s7, s17;
	[dreg:$0x9] =	wrdreg s0;
	s12 =	sadd.s32 s6, s22  }
0x17: {  	s13 =	sadd.s32 s7, s22;
	s14 =	sadd.s32 s6, s24;
	s15 =	sadd.s32 s7, s24  }
0x18: {  	s0 =	sshrl.u32 s26, $0x3;
	s16 =	sadd.s32 s5, s3;
	s19 =	sadd.s32 s2, s7  }
.Ltmp0:
0x19: {  	s20 =	sadd.s32 s2, s6;
	s22 =	simm.s32 $0x4;
	(pc) =	sbr.rel .LBB2_1-.Ltmp0, $4  }
0x1a: {  	s26 =	simm.s32 $0x80;
	s2 =	simm.s32 $0x3;
	[dreg:$0x6] =	wrdreg s18  }
0x1b: {  	s5 =	simm.s32 $0x200;
	[dreg:$0x7] =	wrdreg s11;
	s11 =	sadd.s32 $0x12C000, s3  }
0x1c: {  	s17 =	sadd.s32 s0, s7;
	s18 =	sadd.s32 s0, s6;
	s0 =	simm.s32 $0x2  }
0x1d: {  	v0 =	vimm.f32 $0.0e+00;
	s6 =	simm.s32 $0x280;
	s7 =	simm.s32 $0x10;
	s24 =	sshrl.u32 @p0 s11, $0x3  }
.LBB2_8:
0x1e: {  	[spmem:s3] =	stream.indirect.scatter.add.f32 [tilespmem:s31], [sflag:$0x3], $0x80, s29, s26, $0xb8;
	[tilespmem:$0x1D380] =	vst v63  }
0x1f: {  	_ =	swait.ge [sflag:s2], $0x4000  }
0x20: {  	[sflag:s2] =	ssyncset.done $0x0  }
0x21: {  	s10 =	rddreg [dreg:$0x6];
	[sflag:s2] =	ssyncadd.s32 $0xFFFFC000  }
0x22: {  	[tilespmem:s5], [sflag:$0x4] =	stream.linear.gather [hbm4b:s10+s4], $0x10, $0x38;
	[tilespmem:$0x1D380] =	vst v63  }
0x23: {  	_ =	swait.ge [sflag:s22], $0x10  }
0x24: {  	[sflag:s22] =	ssyncset.done $0x0  }
0x25: {  	s11 =	rddreg [dreg:$0x7];
	[sflag:s22] =	ssyncadd.s32 $0xFFFFFFF0  }
0x26: {  	[tilespmem:s6], [sflag:$0x4] =	stream.linear.gather [hbm4b:s11+s4], $0x10, $0x38;
	[tilespmem:$0x1D380] =	vst v63  }
0x27: {  	_ =	swait.ge [sflag:s22], $0x10  }
0x28: {  	[sflag:s22] =	ssyncset.done $0x0  }
0x29: {  	[sflag:s22] =	ssyncadd.s32 $0xFFFFFFF0  }
0x2a: {  	[tilespmem:s8], [sflag:$0x1] =	stream.indirect.gather [hbm4b:s1+s7], $0x80, s5, s7, $0xb8;
	[tilespmem:$0x1D380] =	vst v63  }
0x2b: {  	_ =	swait.ge [sflag:s30], $0x800  }
0x2c: {  	[sflag:s30] =	ssyncset.done $0x0  }
0x2d: {  	[sflag:s30] =	ssyncadd.s32 $0xFFFFF800  }
0x2e: {  	[spmem:s3] =	stream.indirect.scatter.add.f32 [tilespmem:s8], [sflag:$0x4], $0x80, s6, s7, $0xb8;
	[tilespmem:$0x1D380] =	vst v63  }
0x2f: {  	_ =	swait.ge [sflag:s22], $0x800  }
0x30: {  	[sflag:s22] =	ssyncset.done $0x0  }
0x31: {  	[sflag:s22] =	ssyncadd.s32 $0xFFFFF800  }
0x32: {  	[bflag:$0x0] =	sbarrier.arrive $0xFFFF  }
0x33: {  	s10 =	simm.s32 @p0 $0x1FC4;
	s11 =	rddreg [dreg:$0x9]  }
0x34: {  	[hbm:s11], [sflag:s10] =	dma.local @p0 [spmem:s24], $0x1900  }
0x35: {  	s10 =	simm.s32 @p0 $0x4  }
0x36: {  	s11 =	stileid.u32;
	_ =	swait.ge @p0 [sflag:s10], $0x1900  }
0x37: {  	s11 =	sshll.u32 @!p0 s11, $0x6;
	[sflag:s10] =	ssyncset.done @p0 $0x0  }
0x38: {  	[sflag:s10] =	ssyncadd.s32 @p0 $0xFFFFE700;
	s10 =	sor.u32 @!p0 $0x1C04, s11;
	s11 =	rddreg [dreg:$0x8]  }
0x39: {  	[hbm:s11], [sflag:s10] =	dma.local @!p0 [spmem:s25], $0x2800  }
0x3a: {  	s10 =	simm.s32 @!p0 $0x4  }
0x3b: {  	_ =	swait.ge @!p0 [sflag:s10], $0x2800  }
0x3c: {  	s9 =	sadd.s32 $0x1, s9;
	s11 =	rddreg [dreg:$0xa]  }
0x3d: {  	p1 =	sne.s32 s9, s11  }
.Ltmp1:
0x3e: {  	_ = 	snop;
	(pc) =	sbr.rel @!p1 .LBB2_9-.Ltmp1, $3  }
0x3f: {  	_ =	sdelay $0x1  }
0x40: {  	[sflag:s10] =	ssyncset.done @!p0 $0x0  }
0x41: {  	[sflag:s10] =	ssyncadd.s32 @!p0 $0xFFFFD800  }
.LBB2_1:
0x42: {  	s10 =	simm.s32 $0x0;
	s11 =	simm.s32 $0x200  }
.LBB2_2:
0x43: {  	p1 =	sne.s32 s11, $0x3000;
	[tilespmem:s10+$0x8B70] =	vst v0  }
0x44: {  	[tilespmem:s10+$0x8B00] =	vst v0  }
0x45: {  	[tilespmem:s10+$0x8B10] =	vst v0  }
.Ltmp2:
0x46: {  	[tilespmem:s10+$0x8B20] =	vst v0;
	(pc) =	sbr.rel @p1 .LBB2_2-.Ltmp2, $4  }
0x47: {  	[tilespmem:s10+$0x8B30] =	vst v0  }
0x48: {  	[tilespmem:s10+$0x8B40] =	vst v0  }
0x49: {  	[tilespmem:s10+$0x8B50] =	vst v0  }
0x4a: {  	[tilespmem:s10+$0x8B60] =	vst v0;
	s10 =	sshra.s32 s11, $0x2;
	s11 =	sadd.s32 $0x200, s11  }
0x4b: {  	[tilespmem:s10+$0x8B70] =	vst v0  }
0x4c: {  	[tilespmem:s10+$0x8B00] =	vst v0  }
0x4d: {  	[tilespmem:s10+$0x8B10] =	vst v0  }
0x4e: {  	[tilespmem:s10+$0x8B20] =	vst v0  }
0x4f: {  	[tilespmem:s10+$0x8B30] =	vst v0  }
0x50: {  	[tilespmem:s10+$0x8B40] =	vst v0  }
0x51: {  	[tilespmem:s10+$0x8B50] =	vst v0  }
0x52: {  	[tilespmem:s10+$0x8B60] =	vst v0;
	s11 =	sadd.s32 $0x0, s16  }
0x53: {  	[spmem:s11] =	stream.linear.scatter [tilespmem:s21], [sflag:$0x4], $0xC80, $0x38;
	[tilespmem:$0x1D380] =	vst v63  }
0x54: {  	s10 =	simm.s32 $0x3200;
	_ =	swait.ge [sflag:s22], $0xC80  }
.LBB2_4:
0x55: {  	s11 =	sshra.s32 s10, $0x2;
	[sflag:s22] =	ssyncset.done $0x0;
	p1 =	sne.s32 s10, $0x4B000  }
.Ltmp3:
0x56: {  	s11 =	sadd.s32 s11, s16;
	[sflag:s22] =	ssyncadd.s32 $0xFFFFF380;
	(pc) =	sbr.rel @p1 .LBB2_4-.Ltmp3, $3  }
0x57: {  	[spmem:s11] =	stream.linear.scatter [tilespmem:s21], [sflag:$0x4], $0xC80, $0x38;
	[tilespmem:$0x1D380] =	vst v63  }
0x58: {  	s10 =	sadd.s32 $0x3200, s10;
	_ =	sdelay $0x1  }
0x59: {  	_ =	swait.ge [sflag:s22], $0xC80  }
0x5a: {  	[sflag:s22] =	ssyncset.done $0x0  }
0x5b: {  	[sflag:s22] =	ssyncadd.s32 $0xFFFFF380  }
0x5c: {  	[bflag:$0x0] =	sbarrier.arrive $0xFFFF  }
0x5d: {  	s10 =	simm.s32 $0x0;
	s11 =	rddreg [dreg:$0x4]  }
0x5e: {  	[tilespmem:s10], [sflag:$0x4] =	stream.linear.gather [hbm4b:s11+s10], $0x80, $0x38;
	[tilespmem:$0x1D380] =	vst v63  }
0x5f: {  	_ =	swait.ge [sflag:s22], $0x80  }
0x60: {  	[sflag:s22] =	ssyncset.done $0x0  }
0x61: {  	s11 =	rddreg [dreg:$0x5];
	[sflag:s22] =	ssyncadd.s32 $0xFFFFFF80  }
0x62: {  	[tilespmem:s23], [sflag:$0x4] =	stream.linear.gather [hbm4b:s11+s10], $0x80, $0x38;
	[tilespmem:$0x1D380] =	vst v63  }
0x63: {  	_ =	swait.ge [sflag:s22], $0x80  }
0x64: {  	[sflag:s22] =	ssyncset.done $0x0  }
0x65: {  	[sflag:s22] =	ssyncadd.s32 $0xFFFFFF80  }
0x66: {  	[tilespmem:s28], [sflag:$0x1] =	stream.indirect.gather [hbm4b:s1+s26], $0x80, s10, s26, $0xb8;
	[tilespmem:$0x1D380] =	vst v63  }
0x67: {  	_ = 	snop  }
0x68: {  	[tilespmem:s26], [sflag:$0x4] =	stream.linear.gather [hbm4b:s12+s10], $0x80, $0x38;
	[tilespmem:$0x1D380] =	vst v63  }
0x69: {  	_ =	swait.ge [sflag:s22], $0x80  }
0x6a: {  	[sflag:s22] =	ssyncset.done $0x0  }
0x6b: {  	[sflag:s22] =	ssyncadd.s32 $0xFFFFFF80  }
0x6c: {  	[tilespmem:s29], [sflag:$0x4] =	stream.linear.gather [hbm4b:s13+s10], $0x80, $0x38;
	[tilespmem:$0x1D380] =	vst v63  }
0x6d: {  	_ =	swait.ge [sflag:s22], $0x80  }
0x6e: {  	[sflag:s22] =	ssyncset.done $0x0  }
0x6f: {  	[sflag:s22] =	ssyncadd.s32 $0xFFFFFF80  }
0x70: {  	_ =	swait.ge [sflag:s30], $0x4000  }
0x71: {  	[sflag:s30] =	ssyncset.done $0x0  }
0x72: {  	[sflag:s30] =	ssyncadd.s32 $0xFFFFC000  }
0x73: {  	[tilespmem:s31], [sflag:$0x1] =	stream.indirect.gather [hbm4b:s1+s26], $0x80, s26, s26, $0xb8;
	[tilespmem:$0x1D380] =	vst v63  }
0x74: {  	_ = 	snop  }
0x75: {  	[spmem:s3] =	stream.indirect.scatter.add.f32 [tilespmem:s28], [sflag:$0x2], $0x80, s23, s26, $0xb8;
	[tilespmem:$0x1D380] =	vst v63  }
0x76: {  	_ =	swait.ge [sflag:s30], $0x4000  }
0x77: {  	[sflag:s30] =	ssyncset.done $0x0  }
0x78: {  	[sflag:s30] =	ssyncadd.s32 $0xFFFFC000  }
0x79: {  	_ =	swait.ge [sflag:s0], $0x4000  }
0x7a: {  	[sflag:s0] =	ssyncset.done $0x0  }
0x7b: {  	[sflag:s0] =	ssyncadd.s32 $0xFFFFC000  }
0x7c: {  	[tilespmem:s10], [sflag:$0x4] =	stream.linear.gather [hbm4b:s14+s10], $0x80, $0x38;
	[tilespmem:$0x1D380] =	vst v63  }
0x7d: {  	_ =	swait.ge [sflag:s22], $0x80  }
0x7e: {  	[sflag:s22] =	ssyncset.done $0x0  }
0x7f: {  	[sflag:s22] =	ssyncadd.s32 $0xFFFFFF80  }
0x80: {  	[tilespmem:s23], [sflag:$0x4] =	stream.linear.gather [hbm4b:s15+s10], $0x80, $0x38;
	[tilespmem:$0x1D380] =	vst v63  }
0x81: {  	_ =	swait.ge [sflag:s22], $0x80  }
0x82: {  	[sflag:s22] =	ssyncset.done $0x0  }
0x83: {  	[sflag:s22] =	ssyncadd.s32 $0xFFFFFF80  }
0x84: {  	[tilespmem:s28], [sflag:$0x1] =	stream.indirect.gather [hbm4b:s1+s26], $0x80, s10, s26, $0xb8;
	[tilespmem:$0x1D380] =	vst v63  }
0x85: {  	_ = 	snop  }
0x86: {  	[spmem:s3] =	stream.indirect.scatter.add.f32 [tilespmem:s31], [sflag:$0x3], $0x80, s29, s26, $0xb8;
	[tilespmem:$0x1D380] =	vst v63  }
.LBB2_6:
0x87: {  	s11 =	sadd.s32 s10, s20  }
0x88: {  	[tilespmem:s26], [sflag:$0x4] =	stream.linear.gather [hbm4b:s11+s4], $0x80, $0x38;
	[tilespmem:$0x1D380] =	vst v63  }
0x89: {  	_ =	swait.ge [sflag:s22], $0x80  }
0x8a: {  	[sflag:s22] =	ssyncset.done $0x0  }
0x8b: {  	s11 =	sadd.s32 s10, s19;
	[sflag:s22] =	ssyncadd.s32 $0xFFFFFF80  }
0x8c: {  	[tilespmem:s29], [sflag:$0x4] =	stream.linear.gather [hbm4b:s11+s4], $0x80, $0x38;
	[tilespmem:$0x1D380] =	vst v63  }
0x8d: {  	_ =	swait.ge [sflag:s22], $0x80  }
0x8e: {  	[sflag:s22] =	ssyncset.done $0x0  }
0x8f: {  	[sflag:s22] =	ssyncadd.s32 $0xFFFFFF80  }
0x90: {  	_ =	swait.ge [sflag:s30], $0x4000  }
0x91: {  	[sflag:s30] =	ssyncset.done $0x0  }
0x92: {  	[sflag:s30] =	ssyncadd.s32 $0xFFFFC000  }
0x93: {  	_ =	swait.ge [sflag:s2], $0x4000  }
0x94: {  	[sflag:s2] =	ssyncset.done $0x0  }
0x95: {  	[sflag:s2] =	ssyncadd.s32 $0xFFFFC000  }
0x96: {  	[tilespmem:s31], [sflag:$0x1] =	stream.indirect.gather [hbm4b:s1+s26], $0x80, s26, s26, $0xb8;
	[tilespmem:$0x1D380] =	vst v63  }
0x97: {  	_ = 	snop  }
0x98: {  	[spmem:s3] =	stream.indirect.scatter.add.f32 [tilespmem:s28], [sflag:$0x2], $0x80, s23, s26, $0xb8;
	[tilespmem:$0x1D380] =	vst v63  }
0x99: {  	p1 =	seq.s32 s10, $0x4A0;
	_ =	swait.ge [sflag:s30], $0x4000  }
.Ltmp4:
0x9a: {  	[sflag:s30] =	ssyncset.done $0x0;
	(pc) =	sbr.rel @p1 .LBB2_8-.Ltmp4, $4  }
0x9b: {  	[sflag:s30] =	ssyncadd.s32 $0xFFFFC000  }
0x9c: {  	_ =	swait.ge [sflag:s0], $0x4000  }
0x9d: {  	[sflag:s0] =	ssyncset.done $0x0  }
0x9e: {  	[sflag:s0] =	ssyncadd.s32 $0xFFFFC000  }
0x9f: {  	s11 =	sadd.s32 s10, s18  }
0xa0: {  	[tilespmem:s4], [sflag:$0x4] =	stream.linear.gather [hbm4b:s11+s4], $0x80, $0x38;
	[tilespmem:$0x1D380] =	vst v63  }
0xa1: {  	_ =	swait.ge [sflag:s22], $0x80  }
0xa2: {  	[sflag:s22] =	ssyncset.done $0x0  }
0xa3: {  	s11 =	sadd.s32 s10, s17;
	[sflag:s22] =	ssyncadd.s32 $0xFFFFFF80  }
0xa4: {  	[tilespmem:s23], [sflag:$0x4] =	stream.linear.gather [hbm4b:s11+s4], $0x80, $0x38;
	[tilespmem:$0x1D380] =	vst v63  }
0xa5: {  	_ =	swait.ge [sflag:s22], $0x80  }
.Ltmp5:
0xa6: {  	[sflag:s22] =	ssyncset.done $0x0;
	(pc) =	sbr.rel .LBB2_6-.Ltmp5, $4  }
0xa7: {  	[sflag:s22] =	ssyncadd.s32 $0xFFFFFF80  }
0xa8: {  	[tilespmem:s28], [sflag:$0x1] =	stream.indirect.gather [hbm4b:s1+s26], $0x80, s4, s26, $0xb8;
	[tilespmem:$0x1D380] =	vst v63  }
0xa9: {  	s10 =	sadd.s32 $0x20, s10  }
0xaa: {  	[spmem:s3] =	stream.indirect.scatter.add.f32 [tilespmem:s31], [sflag:$0x3], $0x80, s29, s26, $0xb8;
	[tilespmem:$0x1D380] =	vst v63  }
.LBB2_9:
0xab: {  	_ =	sfence.sel $0x180000  }
0xac: {  	[bflag:$0x0] =	sbarrier.arrive $0xFFFF  }
0xad: {  	_ =	strace $0x9000004D  }
0xae: {  	s0 =	stileid.u32;
	[bflag:$0x2] =	sbarrier.arrive $0xFFFF  }
0xaf: {  	p0 =	sne.s32 s0, $0x0;
	s0 =	rddreg [dreg:$0x3]  }
0xb0: {  	s0 =	sadd.s32 @!p0 $0x100000, s0  }
0xb1: {  	[sflag:s0] =	ssyncadd.tile.s32 @!p0 $0x1;
	_ =	shalt  }
.Lfunc_end2:
_tile_overlayer_lowered:
.L_overlay_start_2:
0xb2: {  	(tag) =	ssettag $0x2  }
0xb3: {  	s0 =	rddreg [dreg:$0x0];
	s2 =	stileid.u32  }
0xb4: {  	s1 =	rddreg [dreg:$0x1];
	p0 =	sne.s32 s2, $0x0  }
0xb5: {  	s3 =	rddreg [dreg:$0x2];
	[bflag:$0x3] =	sbarrier.arrive $0xFFFF;
	s2 =	simm.s32 @!p0 $0x1C04  }
0xb6: {  	[timem:s3], [sflag:s2] =	dma.local @!p0 [hbm:s0], s1  }
0xb7: {  	s0 =	simm.s32 @!p0 $0x4  }
0xb8: {  	_ =	swait.ge @!p0 [sflag:s0], s1  }
0xb9: {  	s1 =	ssub.s32 @!p0 $0x0, s1;
	[sflag:s0] =	ssyncset.done @!p0 $0x0  }
0xba: {  	[sflag:s0] =	ssyncadd.s32 @!p0 s1  }
0xbb: {  	[bflag:$0x3] =	sbarrier.arrive $0xFFFF  }
0xbc: {  	_ =	shalt  }

// kernel: kernel.24.cloned.1.call-start
scs
__scs_entry_jumppad:
0x0: {  	(pc) =	sbr.rel $0x88, $3  }
0x1: {  	(tag) =	ssettag $0x0;
	lr =	simm.s32 $0x1  }
0x2: {  	[smem:$0x3F97] =	sst lr;
	_ =	strace $0xD0000000  }
0x3: {  	_ = 	snop  }
0x4: {  	_ = 	snop  }
0x5: {  	_ = 	snop  }
0x6: {  	_ = 	snop  }
0x7: {  	_ = 	snop  }
__scs_overlays_trampoline_lowered:
0x8: {  	[smem:$0x3FA6] =	sst s0  }
0x9: {  	[smem:$0x3FA7] =	sst s1  }
0xa: {  	[smem:$0x3FA8] =	sst s2  }
0xb: {  	[smem:$0x3FA9] =	sst s3  }
0xc: {  	[smem:$0x3FAA] =	sst s4  }
0xd: {  	[smem:$0x3FAB] =	sst s5  }
0xe: {  	[smem:$0x3FAC] =	sst s6  }
0xf: {  	[smem:$0x3FAD] =	sst s7  }
0x10: {  	[smem:$0x3FAE] =	sst s8  }
0x11: {  	[smem:$0x3FAF] =	sst s9;
	s0 =	simm.s32 @!p0 $0x0  }
0x12: {  	s1 =	sld [smem:$0x3F95];
	s0 =	simm.s32 @p0 $0x1  }
0x13: {  	[smem:$0x3FB0] =	sst s0;
	s0 =	simm.s32 @!p1 $0x0  }
0x14: {  	s2 =	sld [smem:$0x3F94];
	s0 =	simm.s32 @p1 $0x1  }
0x15: {  	[smem:$0x3FB1] =	sst s0;
	s0 =	simm.s32 @!p2 $0x0  }
0x16: {  	s3 =	sld [smem:$0x3FDB];
	s0 =	simm.s32 @p2 $0x1  }
0x17: {  	s4 =	simm.s32 $0x1BF5;
	[smem:$0x3FB3] =	sst s0  }
0x18: {  	s0 =	sld [smem:$0x3F96];
	_ =	swait.ge [sflag:s4], $0x0  }
0x19: {  	s7 =	sld [smem:$0x3F97]  }
0x1a: {  	s8 =	sadd.s32 $0xFFFFE003, lr  }
0x1b: {  	s9 =	sadd.s32 $0xFFFFFEF7, lr;
	s5 =	simm.s32 $0xFFFFFFFF;
	p2 =	slt.u32 s8, $0xFFFFF086  }
0x1c: {  	p1 =	slt.u32 s9, $0xF7A;
	s5 =	simm.s32 @!p2 $0x0  }
0x1d: {  	s5 =	simm.s32 @p1 $0x1;
	p0 =	seq.s32 s7, s2  }
0x1e: {  	s7 =	smul.u32 @!p0 $0xF7A, s2;
	p2 =	seq.s32 @!p0 s5, $0x0  }
0x1f: {  	s9 =	smul.u32 $0xF7A, s1;
	s8 =	simm.s32 @!p0 $0x1BF5;
	p2 =	por !p2, p0  }
0x20: {  	[sflag:s8] =	ssyncset.s32 @!p0 $0xFFFFF086;
	s6 =	sadd.s32 @!p0 s3, s7;
	s7 =	simm.s32 @!p0 $0x108  }
0x21: {  	s3 =	sadd.s32 s3, s9;
	s6 =	sadd.s32 @!p0 $0x88, s6;
	s7 =	simm.s32 @p2 $0x1082  }
0x22: {  	[simem:s7], [sflag:s8] =	dma.local @!p0 [hbm:s6], $0xF7A  }
0x23: {  	s9 =	sor.u32 $0xD0000000, s2;
	s6 =	simm.s32 $0x108;
	_ =	swait.ge @!p0 [sflag:s8], $0x0  }
0x24: {  	s3 =	sadd.s32 $0x88, s3;
	s6 =	simm.s32 @!p1 $0x1082;
	[sflag:s4] =	ssyncset.s32 $0xFFFFF086  }
0x25: {  	[simem:s6], [sflag:s4] =	dma.local [hbm:s3], $0xF7A  }
0x26: {  	[smem:$0x3F97] =	sst s1;
	(tag) =	ssettag s2;
	_ =	strace s9  }
0x27: {  	s1 =	sld [smem:$0x3FA7]  }
0x28: {  	s2 =	sld [smem:$0x3FA8]  }
0x29: {  	s4 =	sld [smem:$0x3FAA]  }
0x2a: {  	p0 =	seq.s32 s5, $0x0;
	s5 =	sld [smem:$0x3FAB]  }
0x2b: {  	s6 =	sld [smem:$0x3FAC]  }
0x2c: {  	s7 =	sld [smem:$0x3FAD]  }
0x2d: {  	s3 =	simm.s32 $0x108;
	s8 =	sld [smem:$0x3FAE]  }
0x2e: {  	s3 =	simm.s32 @!p0 $0x1082;
	s9 =	sld [smem:$0x3FAF]  }
0x2f: {  	lr =	sadd.s32 s0, s3;
	s0 =	sld [smem:$0x3FA6]  }
0x30: {  	s3 =	sld [smem:$0x3FA9]  }
0x31: {  	[smem:$0x3FB2] =	sst s10  }
0x32: {  	s10 =	sld [smem:$0x3FB0];
	_ =	sdelay $0x3  }
0x33: {  	p0 =	seq.s32 s10, $0x1;
	s10 =	sld [smem:$0x3FB2];
	_ =	sdelay $0x3  }
0x34: {  	[smem:$0x3FB2] =	sst s10  }
0x35: {  	s10 =	sld [smem:$0x3FB1];
	_ =	sdelay $0x3  }
0x36: {  	p1 =	seq.s32 s10, $0x1;
	s10 =	sld [smem:$0x3FB2];
	_ =	sdelay $0x3  }
0x37: {  	[smem:$0x3FB2] =	sst s10  }
0x38: {  	s10 =	sld [smem:$0x3FB3]  }
0x39: {  	_ = 	snop;
	(pc) =	sbr.ind lr, $3  }
0x3a: {  	_ = 	snop  }
0x3b: {  	_ = 	snop  }
0x3c: {  	p2 =	seq.s32 s10, $0x1;
	s10 =	sld [smem:$0x3FB2]  }
0x3d: {  	_ =	shalt  }
0x3e: {  	_ =	shalt  }
0x3f: {  	_ =	shalt  }
0x40: {  	_ =	shalt  }
0x41: {  	_ =	shalt  }
0x42: {  	_ =	shalt  }
0x43: {  	_ =	shalt  }
0x44: {  	_ =	shalt  }
0x45: {  	_ =	shalt  }
0x46: {  	_ =	shalt  }
0x47: {  	_ =	shalt  }
0x48: {  	_ =	shalt  }
0x49: {  	_ =	shalt  }
0x4a: {  	_ =	shalt  }
0x4b: {  	_ =	shalt  }
0x4c: {  	_ =	shalt  }
0x4d: {  	_ =	shalt  }
0x4e: {  	_ =	shalt  }
0x4f: {  	_ =	shalt  }
0x50: {  	_ =	shalt  }
0x51: {  	_ =	shalt  }
0x52: {  	_ =	shalt  }
0x53: {  	_ =	shalt  }
0x54: {  	_ =	shalt  }
0x55: {  	_ =	shalt  }
0x56: {  	_ =	shalt  }
0x57: {  	_ =	shalt  }
0x58: {  	_ =	shalt  }
0x59: {  	_ =	shalt  }
0x5a: {  	_ =	shalt  }
0x5b: {  	_ =	shalt  }
0x5c: {  	_ =	shalt  }
0x5d: {  	_ =	shalt  }
0x5e: {  	_ =	shalt  }
0x5f: {  	_ =	shalt  }
0x60: {  	_ =	shalt  }
0x61: {  	_ =	shalt  }
0x62: {  	_ =	shalt  }
0x63: {  	_ =	shalt  }
0x64: {  	_ =	shalt  }
0x65: {  	_ =	shalt  }
0x66: {  	_ =	shalt  }
0x67: {  	_ =	shalt  }
0x68: {  	_ =	shalt  }
0x69: {  	_ =	shalt  }
0x6a: {  	_ =	shalt  }
0x6b: {  	_ =	shalt  }
0x6c: {  	_ =	shalt  }
0x6d: {  	_ =	shalt  }
0x6e: {  	_ =	shalt  }
0x6f: {  	_ =	shalt  }
0x70: {  	_ =	shalt  }
0x71: {  	_ =	shalt  }
0x72: {  	_ =	shalt  }
0x73: {  	_ =	shalt  }
0x74: {  	_ =	shalt  }
0x75: {  	_ =	shalt  }
0x76: {  	_ =	shalt  }
0x77: {  	_ =	shalt  }
0x78: {  	_ =	shalt  }
0x79: {  	_ =	shalt  }
0x7a: {  	_ =	shalt  }
0x7b: {  	_ =	shalt  }
0x7c: {  	_ =	shalt  }
0x7d: {  	_ =	shalt  }
0x7e: {  	_ =	shalt  }
0x7f: {  	_ =	shalt  }
0x80: {  	_ =	shalt  }
0x81: {  	_ =	shalt  }
0x82: {  	_ =	shalt  }
0x83: {  	_ =	shalt  }
0x84: {  	_ =	shalt  }
0x85: {  	_ =	shalt  }
0x86: {  	_ =	shalt  }
0x87: {  	_ =	shalt  }
.Lfunc_end0:
.L_simem_size_0:
called_computation.3_lowered:
.L_overlay_start_0:
0x88: {  	s2 =	sld [smem:$0x3FD9]  }
0x89: {  	s3 =	sld [smem:$0x3FFE];
	_ =	sdelay $0x1  }
0x8a: {  	s1 =	srdreg.scid  }
0x8b: {  	s0 =	sand.u32 $0x1, s1  }
0x8c: {  	s17 =	sshll.u32 s0, $0xA;
	s2 =	sadd.s32 s3, s2  }
0x8d: {  	s2 =	sadd.s32 s2, s17  }
0x8e: {  	[smem:$0x3FBE] =	sst s2  }
0x8f: {  	_ = 	snop  }
0x90: {  	s2 =	sld [smem:$0x3FD0];
	(tm) =	ssettm $0x1  }
0x91: {  	s18 =	sld [smem:$0x3FFB];
	_ =	sdelay $0x3  }
0x92: {  	_ =	strace s18  }
0x93: {  	s3 =	sld [smem:$0x3FFC];
	_ =	sdelay $0x3  }
0x94: {  	_ =	strace s3  }
0x95: {  	s3 =	sld [smem:$0x3FFD];
	_ =	sdelay $0x3  }
0x96: {  	_ =	strace s3  }
0x97: {  	_ =	strace $0x8FFFFFFF  }
0x98: {  	s19 =	sld [smem:$0x3FDB];
	_ =	sdelay $0x1  }
0x99: {  	s4 =	simm.s32 $_scs_section_size  }
0x9a: {  	s5 =	simm.s32 $_size__tile_overlayer_lowered;
	s6 =	simm.s32 $_tile_overlayer_lowered  }
0x9b: {  	s22 =	simm.s32 $0x1BFF;
	s21 =	sshll.u32 s6, $0x1;
	s3 =	sadd.s32 s4, s19  }
0x9c: {  	s7 =	simm.s32 $0x0;
	s20 =	sshll.u32 s5, $0x1;
	s5 =	sadd.s32 s21, s3  }
0x9d: {  	[timem:s7], [sflag:s22] =	dma.local [hbm:s5], s20  }
0x9e: {  	_ =	swait.ge [sflag:s22], s20  }
0x9f: {  	s4 =	ssub.s32 $0x0, s20;
	[sflag:s22] =	ssyncset.done $0x0  }
0xa0: {  	[sflag:s22] =	ssyncadd.s32 s4;
	_ =	sdelay $0x1  }
0xa1: {  	s23 =	simm.s32 $0x1B8B  }
0xa2: {  	_ =	swait.ge [sflag:s23], $0x1  }
0xa3: {  	[sflag:s23] =	ssyncset.done $0x0  }
0xa4: {  	s25 =	simm.s32 $0x1B8E;
	s24 =	sld [smem:$0x3FFE];
	[sflag:s23] =	ssyncadd.s32 $0xFFFFFFFF  }
0xa5: {  	s26 =	simm.s32 $execute0_lowered;
	[smem:$0x3FD2] =	sst s25  }
0xa6: {  	s5 =	sshll.u32 s26, $0x1;
	_ =	strace $0x8000004F;
	[dreg:$0x1] =	wrdreg $0xFFFFFFFF  }
0xa7: {  	s28 =	simm.s32 $_size_execute0_lowered;
	s3 =	sadd.s32 s3, s5;
	[dreg:$0x0] =	wrdreg $0x0  }
0xa8: {  	s5 =	sshll.u32 s28, $0x1;
	[dreg:$0x2] =	wrdreg s3  }
0xa9: {  	[dreg:$0x3] =	wrdreg s5  }
0xaa: {  	[dreg:$0x4] =	wrdreg $0xC0  }
0xab: {  	_ =	task [dreg:s7], $0x5FFFF  }
0xac: {  	[dreg:$0x1] =	wrdreg $0xFFFFFFFF  }
0xad: {  	[dreg:$0x0] =	wrdreg $0x60  }
0xae: {  	[dreg:$0x2] =	wrdreg s2  }
0xaf: {  	[dreg:$0x3] =	wrdreg s24  }
0xb0: {  	[dreg:$0x4] =	wrdreg $0x9B000  }
0xb1: {  	[dreg:$0x5] =	wrdreg $0x9  }
0xb2: {  	_ =	task.clear_ibuf [dreg:s7], $0x6FFFF;
	_ =	strace $0x9000004F  }
0xb3: {  	s29 =	simm.s32 $0x9;
	_ =	strace $0x80000051  }
0xb4: {  	_ =	swait.ge [sflag:s29], $0x1  }
0xb5: {  	[sflag:s29] =	ssyncadd.s32 $0xFFFFFFFF  }
0xb6: {  	_ =	strace $0x90000051  }
0xb7: {  	_ =	sfence  }
0xb8: {  	s30 =	sld [smem:$0x0];
	_ =	sdelay $0x2  }
0xb9: {  	s31 =	sshll.u32 s1, $0xD;
	s1 =	sshrl.u32 s1, $0x2  }
0xba: {  	s3 =	sand.u32 $0x4000, s31;
	s1 =	sadd.s32 s1, s30  }
0xbb: {  	s0 =	sor.u32 s3, s0;
	s1 =	sshll.u32 s1, $0x11  }
0xbc: {  	s0 =	sor.u32 s1, s0  }
0xbd: {  	s0 =	sadd.s32 $0x8F2B, s0  }
0xbe: {  	[sflag:s0] =	ssyncadd.remote.s32 $0x1  }
0xbf: {  	_ =	sfence.sel $0xFFFF  }
0xc0: {  	[dreg:$0x0] =	wrdreg $0xFFFFFFFF;
	(pc) =	sbr.abs _section_cstart, $3  }
0xc1: {  	[dreg:$0x1] =	wrdreg $0xFFFFFFFF  }
0xc2: {  	_ =	task.clear_ibuf [dreg:s7], $0x2FFFF;
	_ =	strace $0x9FFFFFFF  }
0xc3: {  	(tm) =	ssettm $0x7FFFFFFF  }
tec
execute0_lowered:
.L_overlay_start_1:
0x0: {  	(tag) =	ssettag $0x1  }
0x1: {  	s1 =	rddreg [dreg:$0x0]  }
0x2: {  	s0 =	rddreg [dreg:$0x1]  }
0x3: {  	s3 =	rddreg [dreg:$0x2];
	s4 =	simm.s32 $0x0;
	s2 =	srdreg.scid  }
0x4: {  	s23 =	stileid.u32;
	s28 =	simm.s32 $0x300;
	s29 =	simm.s32 $0x180  }
0x5: {  	s30 =	simm.s32 $0x1;
	s31 =	simm.s32 $0x4300;
	s10 =	smul.u32 $0x50000, s23  }
0x6: {  	[smem:$0x7FF] =	sst s4;
	s2 =	sand.u32 $0x1, s2;
	s12 =	smul.u32 $0x2800, s23  }
0x7: {  	s5 =	sshll.u32 s23, $0x1;
	s6 =	sadd.s32 $0x4000, s0;
	s21 =	smul.u32 $0x4E20, s23  }
0x8: {  	s7 =	sadd.s32 $0xDE00, s0;
	s0 =	sadd.s32 $0x17C00, s0;
	s25 =	smul.u32 $0x4E200, s23  }
0x9: {  	p0 =	seq.s32 s23, $0xF;
	s23 =	simm.s32 $0x100;
	s16 =	smul.u32 $0x27100, s2  }
0xa: {  	_ =	strace $0x80000050;
	s8 =	ssub.s32 $0x2, s2;
	s19 =	smul.u32 $0x138800, s2  }
0xb: {  	s5 =	sor.u32 s2, s5;
	s2 =	smul.u32 $0x2710, s2;
	s9 =	sshrl.u32 s8, $0x1  }
0xc: {  	s5 =	smul.u32 $0x2710, s5;
	s10 =	sshrl.u32 s10, $0x2;
	s8 =	ssub.s32 s8, s9  }
0xd: {  	s9 =	sadd.s32 s12, s16;
	s10 =	sadd.s32 s10, s3;
	s20 =	sshrl.u32 s19, $0x3  }
0xe: {  	s2 =	sadd.s32 s2, s21;
	s21 =	simm.s32 $0x8B00;
	s5 =	sshrl.u32 s5, $0x3  }
0xf: {  	s9 =	sadd.s32 s0, s9;
	s0 =	sadd.s32 s0, s20;
	s8 =	smax.u32 s8, $0x1  }
0x10: {  	s26 =	sadd.s32 $0x200, s2;
	s2 =	sadd.s32 $0x180, s2;
	s11 =	sadd.s32 s6, s5  }
0x11: {  	s17 =	sadd.s32 $0x4E0, s5;
	s13 =	sadd.s32 s7, s5;
	[dreg:$0x8] =	wrdreg s9  }
0x12: {  	s0 =	sadd.s32 $0x25800, s0;
	s22 =	sadd.s32 $0x10, s5;
	[dreg:$0xa] =	wrdreg s8  }
0x13: {  	s24 =	sadd.s32 $0x20, s5;
	s5 =	sshrl.u32 s25, $0x2;
	s2 =	sshrl.u32 s2, $0x3  }
0x14: {  	s25 =	sshrl.u32 @!p0 s10, $0x3;
	s8 =	simm.s32 $0x8300;
	[dreg:$0x4] =	wrdreg s11  }
0x15: {  	s9 =	simm.s32 $0x0;
	[dreg:$0x5] =	wrdreg s13;
	s18 =	sadd.s32 s6, s17  }
0x16: {  	s11 =	sadd.s32 s7, s17;
	[dreg:$0x9] =	wrdreg s0;
	s12 =	sadd.s32 s6, s22  }
0x17: {  	s13 =	sadd.s32 s7, s22;
	s14 =	sadd.s32 s6, s24;
	s15 =	sadd.s32 s7, s24  }
0x18: {  	s0 =	sshrl.u32 s26, $0x3;
	s16 =	sadd.s32 s5, s3;
	s19 =	sadd.s32 s2, s7  }
.Ltmp0:
0x19: {  	s20 =	sadd.s32 s2, s6;
	s22 =	simm.s32 $0x4;
	(pc) =	sbr.rel .LBB2_1-.Ltmp0, $4  }
0x1a: {  	s26 =	simm.s32 $0x80;
	s2 =	simm.s32 $0x3;
	[dreg:$0x6] =	wrdreg s18  }
0x1b: {  	s5 =	simm.s32 $0x200;
	[dreg:$0x7] =	wrdreg s11;
	s11 =	sadd.s32 $0x12C000, s3  }
0x1c: {  	s17 =	sadd.s32 s0, s7;
	s18 =	sadd.s32 s0, s6;
	s0 =	simm.s32 $0x2  }
0x1d: {  	v0 =	vimm.f32 $0.0e+00;
	s6 =	simm.s32 $0x280;
	s7 =	simm.s32 $0x10;
	s24 =	sshrl.u32 @p0 s11, $0x3  }
.LBB2_8:
0x1e: {  	[spmem:s3] =	stream.indirect.scatter.add.f32 [tilespmem:s31], [sflag:$0x3], $0x80, s29, s26, $0xb8;
	[tilespmem:$0x1D380] =	vst v63  }
0x1f: {  	_ =	swait.ge [sflag:s2], $0x4000  }
0x20: {  	[sflag:s2] =	ssyncset.done $0x0  }
0x21: {  	s10 =	rddreg [dreg:$0x6];
	[sflag:s2] =	ssyncadd.s32 $0xFFFFC000  }
0x22: {  	[tilespmem:s5], [sflag:$0x4] =	stream.linear.gather [hbm4b:s10+s4], $0x10, $0x38;
	[tilespmem:$0x1D380] =	vst v63  }
0x23: {  	_ =	swait.ge [sflag:s22], $0x10  }
0x24: {  	[sflag:s22] =	ssyncset.done $0x0  }
0x25: {  	s11 =	rddreg [dreg:$0x7];
	[sflag:s22] =	ssyncadd.s32 $0xFFFFFFF0  }
0x26: {  	[tilespmem:s6], [sflag:$0x4] =	stream.linear.gather [hbm4b:s11+s4], $0x10, $0x38;
	[tilespmem:$0x1D380] =	vst v63  }
0x27: {  	_ =	swait.ge [sflag:s22], $0x10  }
0x28: {  	[sflag:s22] =	ssyncset.done $0x0  }
0x29: {  	[sflag:s22] =	ssyncadd.s32 $0xFFFFFFF0  }
0x2a: {  	[tilespmem:s8], [sflag:$0x1] =	stream.indirect.gather [hbm4b:s1+s7], $0x80, s5, s7, $0xb8;
	[tilespmem:$0x1D380] =	vst v63  }
0x2b: {  	_ =	swait.ge [sflag:s30], $0x800  }
0x2c: {  	[sflag:s30] =	ssyncset.done $0x0  }
0x2d: {  	[sflag:s30] =	ssyncadd.s32 $0xFFFFF800  }
0x2e: {  	[spmem:s3] =	stream.indirect.scatter.add.f32 [tilespmem:s8], [sflag:$0x4], $0x80, s6, s7, $0xb8;
	[tilespmem:$0x1D380] =	vst v63  }
0x2f: {  	_ =	swait.ge [sflag:s22], $0x800  }
0x30: {  	[sflag:s22] =	ssyncset.done $0x0  }
0x31: {  	[sflag:s22] =	ssyncadd.s32 $0xFFFFF800  }
0x32: {  	[bflag:$0x0] =	sbarrier.arrive $0xFFFF  }
0x33: {  	s10 =	simm.s32 @p0 $0x1FC4;
	s11 =	rddreg [dreg:$0x9]  }
0x34: {  	[hbm:s11], [sflag:s10] =	dma.local @p0 [spmem:s24], $0x1900  }
0x35: {  	s10 =	simm.s32 @p0 $0x4  }
0x36: {  	s11 =	stileid.u32;
	_ =	swait.ge @p0 [sflag:s10], $0x1900  }
0x37: {  	s11 =	sshll.u32 @!p0 s11, $0x6;
	[sflag:s10] =	ssyncset.done @p0 $0x0  }
0x38: {  	[sflag:s10] =	ssyncadd.s32 @p0 $0xFFFFE700;
	s10 =	sor.u32 @!p0 $0x1C04, s11;
	s11 =	rddreg [dreg:$0x8]  }
0x39: {  	[hbm:s11], [sflag:s10] =	dma.local @!p0 [spmem:s25], $0x2800  }
0x3a: {  	s10 =	simm.s32 @!p0 $0x4  }
0x3b: {  	_ =	swait.ge @!p0 [sflag:s10], $0x2800  }
0x3c: {  	s9 =	sadd.s32 $0x1, s9;
	s11 =	rddreg [dreg:$0xa]  }
0x3d: {  	p1 =	sne.s32 s9, s11  }
.Ltmp1:
0x3e: {  	_ = 	snop;
	(pc) =	sbr.rel @!p1 .LBB2_9-.Ltmp1, $3  }
0x3f: {  	_ =	sdelay $0x1  }
0x40: {  	[sflag:s10] =	ssyncset.done @!p0 $0x0  }
0x41: {  	[sflag:s10] =	ssyncadd.s32 @!p0 $0xFFFFD800  }
.LBB2_1:
0x42: {  	s10 =	simm.s32 $0x0;
	s11 =	simm.s32 $0x200  }
.LBB2_2:
0x43: {  	p1 =	sne.s32 s11, $0x3000;
	[tilespmem:s10+$0x8B70] =	vst v0  }
0x44: {  	[tilespmem:s10+$0x8B00] =	vst v0  }
0x45: {  	[tilespmem:s10+$0x8B10] =	vst v0  }
.Ltmp2:
0x46: {  	[tilespmem:s10+$0x8B20] =	vst v0;
	(pc) =	sbr.rel @p1 .LBB2_2-.Ltmp2, $4  }
0x47: {  	[tilespmem:s10+$0x8B30] =	vst v0  }
0x48: {  	[tilespmem:s10+$0x8B40] =	vst v0  }
0x49: {  	[tilespmem:s10+$0x8B50] =	vst v0  }
0x4a: {  	[tilespmem:s10+$0x8B60] =	vst v0;
	s10 =	sshra.s32 s11, $0x2;
	s11 =	sadd.s32 $0x200, s11  }
0x4b: {  	[tilespmem:s10+$0x8B70] =	vst v0  }
0x4c: {  	[tilespmem:s10+$0x8B00] =	vst v0  }
0x4d: {  	[tilespmem:s10+$0x8B10] =	vst v0  }
0x4e: {  	[tilespmem:s10+$0x8B20] =	vst v0  }
0x4f: {  	[tilespmem:s10+$0x8B30] =	vst v0  }
0x50: {  	[tilespmem:s10+$0x8B40] =	vst v0  }
0x51: {  	[tilespmem:s10+$0x8B50] =	vst v0  }
0x52: {  	[tilespmem:s10+$0x8B60] =	vst v0;
	s11 =	sadd.s32 $0x0, s16  }
0x53: {  	[spmem:s11] =	stream.linear.scatter [tilespmem:s21], [sflag:$0x4], $0xC80, $0x38;
	[tilespmem:$0x1D380] =	vst v63  }
0x54: {  	s10 =	simm.s32 $0x3200;
	_ =	swait.ge [sflag:s22], $0xC80  }
.LBB2_4:
0x55: {  	s11 =	sshra.s32 s10, $0x2;
	[sflag:s22] =	ssyncset.done $0x0;
	p1 =	sne.s32 s10, $0x4B000  }
.Ltmp3:
0x56: {  	s11 =	sadd.s32 s11, s16;
	[sflag:s22] =	ssyncadd.s32 $0xFFFFF380;
	(pc) =	sbr.rel @p1 .LBB2_4-.Ltmp3, $3  }
0x57: {  	[spmem:s11] =	stream.linear.scatter [tilespmem:s21], [sflag:$0x4], $0xC80, $0x38;
	[tilespmem:$0x1D380] =	vst v63  }
0x58: {  	s10 =	sadd.s32 $0x3200, s10;
	_ =	sdelay $0x1  }
0x59: {  	_ =	swait.ge [sflag:s22], $0xC80  }
0x5a: {  	[sflag:s22] =	ssyncset.done $0x0  }
0x5b: {  	[sflag:s22] =	ssyncadd.s32 $0xFFFFF380  }
0x5c: {  	[bflag:$0x0] =	sbarrier.arrive $0xFFFF  }
0x5d: {  	s10 =	simm.s32 $0x0;
	s11 =	rddreg [dreg:$0x4]  }
0x5e: {  	[tilespmem:s10], [sflag:$0x4] =	stream.linear.gather [hbm4b:s11+s10], $0x80, $0x38;
	[tilespmem:$0x1D380] =	vst v63  }
0x5f: {  	_ =	swait.ge [sflag:s22], $0x80  }
0x60: {  	[sflag:s22] =	ssyncset.done $0x0  }
0x61: {  	s11 =	rddreg [dreg:$0x5];
	[sflag:s22] =	ssyncadd.s32 $0xFFFFFF80  }
0x62: {  	[tilespmem:s23], [sflag:$0x4] =	stream.linear.gather [hbm4b:s11+s10], $0x80, $0x38;
	[tilespmem:$0x1D380] =	vst v63  }
0x63: {  	_ =	swait.ge [sflag:s22], $0x80  }
0x64: {  	[sflag:s22] =	ssyncset.done $0x0  }
0x65: {  	[sflag:s22] =	ssyncadd.s32 $0xFFFFFF80  }
0x66: {  	[tilespmem:s28], [sflag:$0x1] =	stream.indirect.gather [hbm4b:s1+s26], $0x80, s10, s26, $0xb8;
	[tilespmem:$0x1D380] =	vst v63  }
0x67: {  	_ = 	snop  }
0x68: {  	[tilespmem:s26], [sflag:$0x4] =	stream.linear.gather [hbm4b:s12+s10], $0x80, $0x38;
	[tilespmem:$0x1D380] =	vst v63  }
0x69: {  	_ =	swait.ge [sflag:s22], $0x80  }
0x6a: {  	[sflag:s22] =	ssyncset.done $0x0  }
0x6b: {  	[sflag:s22] =	ssyncadd.s32 $0xFFFFFF80  }
0x6c: {  	[tilespmem:s29], [sflag:$0x4] =	stream.linear.gather [hbm4b:s13+s10], $0x80, $0x38;
	[tilespmem:$0x1D380] =	vst v63  }
0x6d: {  	_ =	swait.ge [sflag:s22], $0x80  }
0x6e: {  	[sflag:s22] =	ssyncset.done $0x0  }
0x6f: {  	[sflag:s22] =	ssyncadd.s32 $0xFFFFFF80  }
0x70: {  	_ =	swait.ge [sflag:s30], $0x4000  }
0x71: {  	[sflag:s30] =	ssyncset.done $0x0  }
0x72: {  	[sflag:s30] =	ssyncadd.s32 $0xFFFFC000  }
0x73: {  	[tilespmem:s31], [sflag:$0x1] =	stream.indirect.gather [hbm4b:s1+s26], $0x80, s26, s26, $0xb8;
	[tilespmem:$0x1D380] =	vst v63  }
0x74: {  	_ = 	snop  }
0x75: {  	[spmem:s3] =	stream.indirect.scatter.add.f32 [tilespmem:s28], [sflag:$0x2], $0x80, s23, s26, $0xb8;
	[tilespmem:$0x1D380] =	vst v63  }
0x76: {  	_ =	swait.ge [sflag:s30], $0x4000  }
0x77: {  	[sflag:s30] =	ssyncset.done $0x0  }
0x78: {  	[sflag:s30] =	ssyncadd.s32 $0xFFFFC000  }
0x79: {  	_ =	swait.ge [sflag:s0], $0x4000  }
0x7a: {  	[sflag:s0] =	ssyncset.done $0x0  }
0x7b: {  	[sflag:s0] =	ssyncadd.s32 $0xFFFFC000  }
0x7c: {  	[tilespmem:s10], [sflag:$0x4] =	stream.linear.gather [hbm4b:s14+s10], $0x80, $0x38;
	[tilespmem:$0x1D380] =	vst v63  }
0x7d: {  	_ =	swait.ge [sflag:s22], $0x80  }
0x7e: {  	[sflag:s22] =	ssyncset.done $0x0  }
0x7f: {  	[sflag:s22] =	ssyncadd.s32 $0xFFFFFF80  }
0x80: {  	[tilespmem:s23], [sflag:$0x4] =	stream.linear.gather [hbm4b:s15+s10], $0x80, $0x38;
	[tilespmem:$0x1D380] =	vst v63  }
0x81: {  	_ =	swait.ge [sflag:s22], $0x80  }
0x82: {  	[sflag:s22] =	ssyncset.done $0x0  }
0x83: {  	[sflag:s22] =	ssyncadd.s32 $0xFFFFFF80  }
0x84: {  	[tilespmem:s28], [sflag:$0x1] =	stream.indirect.gather [hbm4b:s1+s26], $0x80, s10, s26, $0xb8;
	[tilespmem:$0x1D380] =	vst v63  }
0x85: {  	_ = 	snop  }
0x86: {  	[spmem:s3] =	stream.indirect.scatter.add.f32 [tilespmem:s31], [sflag:$0x3], $0x80, s29, s26, $0xb8;
	[tilespmem:$0x1D380] =	vst v63  }
.LBB2_6:
0x87: {  	s11 =	sadd.s32 s10, s20  }
0x88: {  	[tilespmem:s26], [sflag:$0x4] =	stream.linear.gather [hbm4b:s11+s4], $0x80, $0x38;
	[tilespmem:$0x1D380] =	vst v63  }
0x89: {  	_ =	swait.ge [sflag:s22], $0x80  }
0x8a: {  	[sflag:s22] =	ssyncset.done $0x0  }
0x8b: {  	s11 =	sadd.s32 s10, s19;
	[sflag:s22] =	ssyncadd.s32 $0xFFFFFF80  }
0x8c: {  	[tilespmem:s29], [sflag:$0x4] =	stream.linear.gather [hbm4b:s11+s4], $0x80, $0x38;
	[tilespmem:$0x1D380] =	vst v63  }
0x8d: {  	_ =	swait.ge [sflag:s22], $0x80  }
0x8e: {  	[sflag:s22] =	ssyncset.done $0x0  }
0x8f: {  	[sflag:s22] =	ssyncadd.s32 $0xFFFFFF80  }
0x90: {  	_ =	swait.ge [sflag:s30], $0x4000  }
0x91: {  	[sflag:s30] =	ssyncset.done $0x0  }
0x92: {  	[sflag:s30] =	ssyncadd.s32 $0xFFFFC000  }
0x93: {  	_ =	swait.ge [sflag:s2], $0x4000  }
0x94: {  	[sflag:s2] =	ssyncset.done $0x0  }
0x95: {  	[sflag:s2] =	ssyncadd.s32 $0xFFFFC000  }
0x96: {  	[tilespmem:s31], [sflag:$0x1] =	stream.indirect.gather [hbm4b:s1+s26], $0x80, s26, s26, $0xb8;
	[tilespmem:$0x1D380] =	vst v63  }
0x97: {  	_ = 	snop  }
0x98: {  	[spmem:s3] =	stream.indirect.scatter.add.f32 [tilespmem:s28], [sflag:$0x2], $0x80, s23, s26, $0xb8;
	[tilespmem:$0x1D380] =	vst v63  }
0x99: {  	p1 =	seq.s32 s10, $0x4A0;
	_ =	swait.ge [sflag:s30], $0x4000  }
.Ltmp4:
0x9a: {  	[sflag:s30] =	ssyncset.done $0x0;
	(pc) =	sbr.rel @p1 .LBB2_8-.Ltmp4, $4  }
0x9b: {  	[sflag:s30] =	ssyncadd.s32 $0xFFFFC000  }
0x9c: {  	_ =	swait.ge [sflag:s0], $0x4000  }
0x9d: {  	[sflag:s0] =	ssyncset.done $0x0  }
0x9e: {  	[sflag:s0] =	ssyncadd.s32 $0xFFFFC000  }
0x9f: {  	s11 =	sadd.s32 s10, s18  }
0xa0: {  	[tilespmem:s4], [sflag:$0x4] =	stream.linear.gather [hbm4b:s11+s4], $0x80, $0x38;
	[tilespmem:$0x1D380] =	vst v63  }
0xa1: {  	_ =	swait.ge [sflag:s22], $0x80  }
0xa2: {  	[sflag:s22] =	ssyncset.done $0x0  }
0xa3: {  	s11 =	sadd.s32 s10, s17;
	[sflag:s22] =	ssyncadd.s32 $0xFFFFFF80  }
0xa4: {  	[tilespmem:s23], [sflag:$0x4] =	stream.linear.gather [hbm4b:s11+s4], $0x80, $0x38;
	[tilespmem:$0x1D380] =	vst v63  }
0xa5: {  	_ =	swait.ge [sflag:s22], $0x80  }
.Ltmp5:
0xa6: {  	[sflag:s22] =	ssyncset.done $0x0;
	(pc) =	sbr.rel .LBB2_6-.Ltmp5, $4  }
0xa7: {  	[sflag:s22] =	ssyncadd.s32 $0xFFFFFF80  }
0xa8: {  	[tilespmem:s28], [sflag:$0x1] =	stream.indirect.gather [hbm4b:s1+s26], $0x80, s4, s26, $0xb8;
	[tilespmem:$0x1D380] =	vst v63  }
0xa9: {  	s10 =	sadd.s32 $0x20, s10  }
0xaa: {  	[spmem:s3] =	stream.indirect.scatter.add.f32 [tilespmem:s31], [sflag:$0x3], $0x80, s29, s26, $0xb8;
	[tilespmem:$0x1D380] =	vst v63  }
.LBB2_9:
0xab: {  	_ =	sfence.sel $0x180000  }
0xac: {  	[bflag:$0x0] =	sbarrier.arrive $0xFFFF  }
0xad: {  	_ =	strace $0x90000050  }
0xae: {  	s0 =	stileid.u32;
	[bflag:$0x2] =	sbarrier.arrive $0xFFFF  }
0xaf: {  	p0 =	sne.s32 s0, $0x0;
	s0 =	rddreg [dreg:$0x3]  }
0xb0: {  	s0 =	sadd.s32 @!p0 $0x100000, s0  }
0xb1: {  	[sflag:s0] =	ssyncadd.tile.s32 @!p0 $0x1;
	_ =	shalt  }
.Lfunc_end2:
_tile_overlayer_lowered:
.L_overlay_start_2:
0xb2: {  	(tag) =	ssettag $0x2  }
0xb3: {  	s0 =	rddreg [dreg:$0x0];
	s2 =	stileid.u32  }
0xb4: {  	s1 =	rddreg [dreg:$0x1];
	p0 =	sne.s32 s2, $0x0  }
0xb5: {  	s3 =	rddreg [dreg:$0x2];
	[bflag:$0x3] =	sbarrier.arrive $0xFFFF;
	s2 =	simm.s32 @!p0 $0x1C04  }
0xb6: {  	[timem:s3], [sflag:s2] =	dma.local @!p0 [hbm:s0], s1  }
0xb7: {  	s0 =	simm.s32 @!p0 $0x4  }
0xb8: {  	_ =	swait.ge @!p0 [sflag:s0], s1  }
0xb9: {  	s1 =	ssub.s32 @!p0 $0x0, s1;
	[sflag:s0] =	ssyncset.done @!p0 $0x0  }
0xba: {  	[sflag:s0] =	ssyncadd.s32 @!p0 s1  }
0xbb: {  	[bflag:$0x3] =	sbarrier.arrive $0xFFFF  }
0xbc: {  	_ =	shalt  }

// kernel: kernel.27.cloned.1.call-start
scs
__scs_entry_jumppad:
0x0: {  	(pc) =	sbr.rel $0x88, $3  }
0x1: {  	(tag) =	ssettag $0x0;
	lr =	simm.s32 $0x1  }
0x2: {  	[smem:$0x3F97] =	sst lr;
	_ =	strace $0xD0000000  }
0x3: {  	_ = 	snop  }
0x4: {  	_ = 	snop  }
0x5: {  	_ = 	snop  }
0x6: {  	_ = 	snop  }
0x7: {  	_ = 	snop  }
__scs_overlays_trampoline_lowered:
0x8: {  	[smem:$0x3FA6] =	sst s0  }
0x9: {  	[smem:$0x3FA7] =	sst s1  }
0xa: {  	[smem:$0x3FA8] =	sst s2  }
0xb: {  	[smem:$0x3FA9] =	sst s3  }
0xc: {  	[smem:$0x3FAA] =	sst s4  }
0xd: {  	[smem:$0x3FAB] =	sst s5  }
0xe: {  	[smem:$0x3FAC] =	sst s6  }
0xf: {  	[smem:$0x3FAD] =	sst s7  }
0x10: {  	[smem:$0x3FAE] =	sst s8  }
0x11: {  	[smem:$0x3FAF] =	sst s9;
	s0 =	simm.s32 @!p0 $0x0  }
0x12: {  	s1 =	sld [smem:$0x3F95];
	s0 =	simm.s32 @p0 $0x1  }
0x13: {  	[smem:$0x3FB0] =	sst s0;
	s0 =	simm.s32 @!p1 $0x0  }
0x14: {  	s2 =	sld [smem:$0x3F94];
	s0 =	simm.s32 @p1 $0x1  }
0x15: {  	[smem:$0x3FB1] =	sst s0;
	s0 =	simm.s32 @!p2 $0x0  }
0x16: {  	s3 =	sld [smem:$0x3FDB];
	s0 =	simm.s32 @p2 $0x1  }
0x17: {  	s4 =	simm.s32 $0x1BF5;
	[smem:$0x3FB3] =	sst s0  }
0x18: {  	s0 =	sld [smem:$0x3F96];
	_ =	swait.ge [sflag:s4], $0x0  }
0x19: {  	s7 =	sld [smem:$0x3F97]  }
0x1a: {  	s8 =	sadd.s32 $0xFFFFE003, lr  }
0x1b: {  	s9 =	sadd.s32 $0xFFFFFEF7, lr;
	s5 =	simm.s32 $0xFFFFFFFF;
	p2 =	slt.u32 s8, $0xFFFFF086  }
0x1c: {  	p1 =	slt.u32 s9, $0xF7A;
	s5 =	simm.s32 @!p2 $0x0  }
0x1d: {  	s5 =	simm.s32 @p1 $0x1;
	p0 =	seq.s32 s7, s2  }
0x1e: {  	s7 =	smul.u32 @!p0 $0xF7A, s2;
	p2 =	seq.s32 @!p0 s5, $0x0  }
0x1f: {  	s9 =	smul.u32 $0xF7A, s1;
	s8 =	simm.s32 @!p0 $0x1BF5;
	p2 =	por !p2, p0  }
0x20: {  	[sflag:s8] =	ssyncset.s32 @!p0 $0xFFFFF086;
	s6 =	sadd.s32 @!p0 s3, s7;
	s7 =	simm.s32 @!p0 $0x108  }
0x21: {  	s3 =	sadd.s32 s3, s9;
	s6 =	sadd.s32 @!p0 $0x88, s6;
	s7 =	simm.s32 @p2 $0x1082  }
0x22: {  	[simem:s7], [sflag:s8] =	dma.local @!p0 [hbm:s6], $0xF7A  }
0x23: {  	s9 =	sor.u32 $0xD0000000, s2;
	s6 =	simm.s32 $0x108;
	_ =	swait.ge @!p0 [sflag:s8], $0x0  }
0x24: {  	s3 =	sadd.s32 $0x88, s3;
	s6 =	simm.s32 @!p1 $0x1082;
	[sflag:s4] =	ssyncset.s32 $0xFFFFF086  }
0x25: {  	[simem:s6], [sflag:s4] =	dma.local [hbm:s3], $0xF7A  }
0x26: {  	[smem:$0x3F97] =	sst s1;
	(tag) =	ssettag s2;
	_ =	strace s9  }
0x27: {  	s1 =	sld [smem:$0x3FA7]  }
0x28: {  	s2 =	sld [smem:$0x3FA8]  }
0x29: {  	s4 =	sld [smem:$0x3FAA]  }
0x2a: {  	p0 =	seq.s32 s5, $0x0;
	s5 =	sld [smem:$0x3FAB]  }
0x2b: {  	s6 =	sld [smem:$0x3FAC]  }
0x2c: {  	s7 =	sld [smem:$0x3FAD]  }
0x2d: {  	s3 =	simm.s32 $0x108;
	s8 =	sld [smem:$0x3FAE]  }
0x2e: {  	s3 =	simm.s32 @!p0 $0x1082;
	s9 =	sld [smem:$0x3FAF]  }
0x2f: {  	lr =	sadd.s32 s0, s3;
	s0 =	sld [smem:$0x3FA6]  }
0x30: {  	s3 =	sld [smem:$0x3FA9]  }
0x31: {  	[smem:$0x3FB2] =	sst s10  }
0x32: {  	s10 =	sld [smem:$0x3FB0];
	_ =	sdelay $0x3  }
0x33: {  	p0 =	seq.s32 s10, $0x1;
	s10 =	sld [smem:$0x3FB2];
	_ =	sdelay $0x3  }
0x34: {  	[smem:$0x3FB2] =	sst s10  }
0x35: {  	s10 =	sld [smem:$0x3FB1];
	_ =	sdelay $0x3  }
0x36: {  	p1 =	seq.s32 s10, $0x1;
	s10 =	sld [smem:$0x3FB2];
	_ =	sdelay $0x3  }
0x37: {  	[smem:$0x3FB2] =	sst s10  }
0x38: {  	s10 =	sld [smem:$0x3FB3]  }
0x39: {  	_ = 	snop;
	(pc) =	sbr.ind lr, $3  }
0x3a: {  	_ = 	snop  }
0x3b: {  	_ = 	snop  }
0x3c: {  	p2 =	seq.s32 s10, $0x1;
	s10 =	sld [smem:$0x3FB2]  }
0x3d: {  	_ =	shalt  }
0x3e: {  	_ =	shalt  }
0x3f: {  	_ =	shalt  }
0x40: {  	_ =	shalt  }
0x41: {  	_ =	shalt  }
0x42: {  	_ =	shalt  }
0x43: {  	_ =	shalt  }
0x44: {  	_ =	shalt  }
0x45: {  	_ =	shalt  }
0x46: {  	_ =	shalt  }
0x47: {  	_ =	shalt  }
0x48: {  	_ =	shalt  }
0x49: {  	_ =	shalt  }
0x4a: {  	_ =	shalt  }
0x4b: {  	_ =	shalt  }
0x4c: {  	_ =	shalt  }
0x4d: {  	_ =	shalt  }
0x4e: {  	_ =	shalt  }
0x4f: {  	_ =	shalt  }
0x50: {  	_ =	shalt  }
0x51: {  	_ =	shalt  }
0x52: {  	_ =	shalt  }
0x53: {  	_ =	shalt  }
0x54: {  	_ =	shalt  }
0x55: {  	_ =	shalt  }
0x56: {  	_ =	shalt  }
0x57: {  	_ =	shalt  }
0x58: {  	_ =	shalt  }
0x59: {  	_ =	shalt  }
0x5a: {  	_ =	shalt  }
0x5b: {  	_ =	shalt  }
0x5c: {  	_ =	shalt  }
0x5d: {  	_ =	shalt  }
0x5e: {  	_ =	shalt  }
0x5f: {  	_ =	shalt  }
0x60: {  	_ =	shalt  }
0x61: {  	_ =	shalt  }
0x62: {  	_ =	shalt  }
0x63: {  	_ =	shalt  }
0x64: {  	_ =	shalt  }
0x65: {  	_ =	shalt  }
0x66: {  	_ =	shalt  }
0x67: {  	_ =	shalt  }
0x68: {  	_ =	shalt  }
0x69: {  	_ =	shalt  }
0x6a: {  	_ =	shalt  }
0x6b: {  	_ =	shalt  }
0x6c: {  	_ =	shalt  }
0x6d: {  	_ =	shalt  }
0x6e: {  	_ =	shalt  }
0x6f: {  	_ =	shalt  }
0x70: {  	_ =	shalt  }
0x71: {  	_ =	shalt  }
0x72: {  	_ =	shalt  }
0x73: {  	_ =	shalt  }
0x74: {  	_ =	shalt  }
0x75: {  	_ =	shalt  }
0x76: {  	_ =	shalt  }
0x77: {  	_ =	shalt  }
0x78: {  	_ =	shalt  }
0x79: {  	_ =	shalt  }
0x7a: {  	_ =	shalt  }
0x7b: {  	_ =	shalt  }
0x7c: {  	_ =	shalt  }
0x7d: {  	_ =	shalt  }
0x7e: {  	_ =	shalt  }
0x7f: {  	_ =	shalt  }
0x80: {  	_ =	shalt  }
0x81: {  	_ =	shalt  }
0x82: {  	_ =	shalt  }
0x83: {  	_ =	shalt  }
0x84: {  	_ =	shalt  }
0x85: {  	_ =	shalt  }
0x86: {  	_ =	shalt  }
0x87: {  	_ =	shalt  }
.Lfunc_end0:
.L_simem_size_0:
called_computation.4_lowered:
.L_overlay_start_0:
0x88: {  	s2 =	sld [smem:$0x3FD9]  }
0x89: {  	s3 =	sld [smem:$0x3FFE];
	_ =	sdelay $0x1  }
0x8a: {  	s1 =	srdreg.scid  }
0x8b: {  	s0 =	sand.u32 $0x1, s1  }
0x8c: {  	s17 =	sshll.u32 s0, $0xA;
	s2 =	sadd.s32 s3, s2  }
0x8d: {  	s2 =	sadd.s32 s2, s17  }
0x8e: {  	[smem:$0x3FBE] =	sst s2  }
0x8f: {  	_ = 	snop  }
0x90: {  	s2 =	sld [smem:$0x3FD0];
	(tm) =	ssettm $0x1  }
0x91: {  	s18 =	sld [smem:$0x3FFB];
	_ =	sdelay $0x3  }
0x92: {  	_ =	strace s18  }
0x93: {  	s3 =	sld [smem:$0x3FFC];
	_ =	sdelay $0x3  }
0x94: {  	_ =	strace s3  }
0x95: {  	s3 =	sld [smem:$0x3FFD];
	_ =	sdelay $0x3  }
0x96: {  	_ =	strace s3  }
0x97: {  	_ =	strace $0x8FFFFFFF  }
0x98: {  	s19 =	sld [smem:$0x3FDB];
	_ =	sdelay $0x1  }
0x99: {  	s4 =	simm.s32 $_scs_section_size  }
0x9a: {  	s5 =	simm.s32 $_size__tile_overlayer_lowered;
	s6 =	simm.s32 $_tile_overlayer_lowered  }
0x9b: {  	s22 =	simm.s32 $0x1BFF;
	s21 =	sshll.u32 s6, $0x1;
	s3 =	sadd.s32 s4, s19  }
0x9c: {  	s7 =	simm.s32 $0x0;
	s20 =	sshll.u32 s5, $0x1;
	s5 =	sadd.s32 s21, s3  }
0x9d: {  	[timem:s7], [sflag:s22] =	dma.local [hbm:s5], s20  }
0x9e: {  	_ =	swait.ge [sflag:s22], s20  }
0x9f: {  	s4 =	ssub.s32 $0x0, s20;
	[sflag:s22] =	ssyncset.done $0x0  }
0xa0: {  	[sflag:s22] =	ssyncadd.s32 s4;
	_ =	sdelay $0x1  }
0xa1: {  	s23 =	simm.s32 $0x1B8B  }
0xa2: {  	_ =	swait.ge [sflag:s23], $0x1  }
0xa3: {  	[sflag:s23] =	ssyncset.done $0x0  }
0xa4: {  	s25 =	simm.s32 $0x1B8E;
	s24 =	sld [smem:$0x3FFE];
	[sflag:s23] =	ssyncadd.s32 $0xFFFFFFFF  }
0xa5: {  	s26 =	simm.s32 $execute0_lowered;
	[smem:$0x3FD2] =	sst s25  }
0xa6: {  	s5 =	sshll.u32 s26, $0x1;
	_ =	strace $0x80000052;
	[dreg:$0x1] =	wrdreg $0xFFFFFFFF  }
0xa7: {  	s28 =	simm.s32 $_size_execute0_lowered;
	s3 =	sadd.s32 s3, s5;
	[dreg:$0x0] =	wrdreg $0x0  }
0xa8: {  	s5 =	sshll.u32 s28, $0x1;
	[dreg:$0x2] =	wrdreg s3  }
0xa9: {  	[dreg:$0x3] =	wrdreg s5  }
0xaa: {  	[dreg:$0x4] =	wrdreg $0xC0  }
0xab: {  	_ =	task [dreg:s7], $0x5FFFF  }
0xac: {  	[dreg:$0x1] =	wrdreg $0xFFFFFFFF  }
0xad: {  	[dreg:$0x0] =	wrdreg $0x60  }
0xae: {  	[dreg:$0x2] =	wrdreg s2  }
0xaf: {  	[dreg:$0x3] =	wrdreg s24  }
0xb0: {  	[dreg:$0x4] =	wrdreg $0x9B000  }
0xb1: {  	[dreg:$0x5] =	wrdreg $0x9  }
0xb2: {  	_ =	task.clear_ibuf [dreg:s7], $0x6FFFF;
	_ =	strace $0x90000052  }
0xb3: {  	s29 =	simm.s32 $0x9;
	_ =	strace $0x80000054  }
0xb4: {  	_ =	swait.ge [sflag:s29], $0x1  }
0xb5: {  	[sflag:s29] =	ssyncadd.s32 $0xFFFFFFFF  }
0xb6: {  	_ =	strace $0x90000054  }
0xb7: {  	_ =	sfence  }
0xb8: {  	s30 =	sld [smem:$0x0];
	_ =	sdelay $0x2  }
0xb9: {  	s31 =	sshll.u32 s1, $0xD;
	s1 =	sshrl.u32 s1, $0x2  }
0xba: {  	s3 =	sand.u32 $0x4000, s31;
	s1 =	sadd.s32 s1, s30  }
0xbb: {  	s0 =	sor.u32 s3, s0;
	s1 =	sshll.u32 s1, $0x11  }
0xbc: {  	s0 =	sor.u32 s1, s0  }
0xbd: {  	s0 =	sadd.s32 $0x8F2B, s0  }
0xbe: {  	[sflag:s0] =	ssyncadd.remote.s32 $0x1  }
0xbf: {  	_ =	sfence.sel $0xFFFF  }
0xc0: {  	[dreg:$0x0] =	wrdreg $0xFFFFFFFF;
	(pc) =	sbr.abs _section_cstart, $3  }
0xc1: {  	[dreg:$0x1] =	wrdreg $0xFFFFFFFF  }
0xc2: {  	_ =	task.clear_ibuf [dreg:s7], $0x2FFFF;
	_ =	strace $0x9FFFFFFF  }
0xc3: {  	(tm) =	ssettm $0x7FFFFFFF  }
tec
execute0_lowered:
.L_overlay_start_1:
0x0: {  	(tag) =	ssettag $0x1  }
0x1: {  	s1 =	rddreg [dreg:$0x0]  }
0x2: {  	s0 =	rddreg [dreg:$0x1]  }
0x3: {  	s3 =	rddreg [dreg:$0x2];
	s4 =	simm.s32 $0x0;
	s2 =	srdreg.scid  }
0x4: {  	s23 =	stileid.u32;
	s28 =	simm.s32 $0x300;
	s29 =	simm.s32 $0x180  }
0x5: {  	s30 =	simm.s32 $0x1;
	s31 =	simm.s32 $0x4300;
	s10 =	smul.u32 $0x50000, s23  }
0x6: {  	[smem:$0x7FF] =	sst s4;
	s2 =	sand.u32 $0x1, s2;
	s12 =	smul.u32 $0x2800, s23  }
0x7: {  	s5 =	sshll.u32 s23, $0x1;
	s6 =	sadd.s32 $0x4000, s0;
	s21 =	smul.u32 $0x4E20, s23  }
0x8: {  	s7 =	sadd.s32 $0xDE00, s0;
	s0 =	sadd.s32 $0x17C00, s0;
	s25 =	smul.u32 $0x4E200, s23  }
0x9: {  	p0 =	seq.s32 s23, $0xF;
	s23 =	simm.s32 $0x100;
	s16 =	smul.u32 $0x27100, s2  }
0xa: {  	_ =	strace $0x80000053;
	s8 =	ssub.s32 $0x2, s2;
	s19 =	smul.u32 $0x138800, s2  }
0xb: {  	s5 =	sor.u32 s2, s5;
	s2 =	smul.u32 $0x2710, s2;
	s9 =	sshrl.u32 s8, $0x1  }
0xc: {  	s5 =	smul.u32 $0x2710, s5;
	s10 =	sshrl.u32 s10, $0x2;
	s8 =	ssub.s32 s8, s9  }
0xd: {  	s9 =	sadd.s32 s12, s16;
	s10 =	sadd.s32 s10, s3;
	s20 =	sshrl.u32 s19, $0x3  }
0xe: {  	s2 =	sadd.s32 s2, s21;
	s21 =	simm.s32 $0x8B00;
	s5 =	sshrl.u32 s5, $0x3  }
0xf: {  	s9 =	sadd.s32 s0, s9;
	s0 =	sadd.s32 s0, s20;
	s8 =	smax.u32 s8, $0x1  }
0x10: {  	s26 =	sadd.s32 $0x200, s2;
	s2 =	sadd.s32 $0x180, s2;
	s11 =	sadd.s32 s6, s5  }
0x11: {  	s17 =	sadd.s32 $0x4E0, s5;
	s13 =	sadd.s32 s7, s5;
	[dreg:$0x8] =	wrdreg s9  }
0x12: {  	s0 =	sadd.s32 $0x25800, s0;
	s22 =	sadd.s32 $0x10, s5;
	[dreg:$0xa] =	wrdreg s8  }
0x13: {  	s24 =	sadd.s32 $0x20, s5;
	s5 =	sshrl.u32 s25, $0x2;
	s2 =	sshrl.u32 s2, $0x3  }
0x14: {  	s25 =	sshrl.u32 @!p0 s10, $0x3;
	s8 =	simm.s32 $0x8300;
	[dreg:$0x4] =	wrdreg s11  }
0x15: {  	s9 =	simm.s32 $0x0;
	[dreg:$0x5] =	wrdreg s13;
	s18 =	sadd.s32 s6, s17  }
0x16: {  	s11 =	sadd.s32 s7, s17;
	[dreg:$0x9] =	wrdreg s0;
	s12 =	sadd.s32 s6, s22  }
0x17: {  	s13 =	sadd.s32 s7, s22;
	s14 =	sadd.s32 s6, s24;
	s15 =	sadd.s32 s7, s24  }
0x18: {  	s0 =	sshrl.u32 s26, $0x3;
	s16 =	sadd.s32 s5, s3;
	s19 =	sadd.s32 s2, s7  }
.Ltmp0:
0x19: {  	s20 =	sadd.s32 s2, s6;
	s22 =	simm.s32 $0x4;
	(pc) =	sbr.rel .LBB2_1-.Ltmp0, $4  }
0x1a: {  	s26 =	simm.s32 $0x80;
	s2 =	simm.s32 $0x3;
	[dreg:$0x6] =	wrdreg s18  }
0x1b: {  	s5 =	simm.s32 $0x200;
	[dreg:$0x7] =	wrdreg s11;
	s11 =	sadd.s32 $0x12C000, s3  }
0x1c: {  	s17 =	sadd.s32 s0, s7;
	s18 =	sadd.s32 s0, s6;
	s0 =	simm.s32 $0x2  }
0x1d: {  	v0 =	vimm.f32 $0.0e+00;
	s6 =	simm.s32 $0x280;
	s7 =	simm.s32 $0x10;
	s24 =	sshrl.u32 @p0 s11, $0x3  }
.LBB2_8:
0x1e: {  	[spmem:s3] =	stream.indirect.scatter.add.f32 [tilespmem:s31], [sflag:$0x3], $0x80, s29, s26, $0xb8;
	[tilespmem:$0x1D380] =	vst v63  }
0x1f: {  	_ =	swait.ge [sflag:s2], $0x4000  }
0x20: {  	[sflag:s2] =	ssyncset.done $0x0  }
0x21: {  	s10 =	rddreg [dreg:$0x6];
	[sflag:s2] =	ssyncadd.s32 $0xFFFFC000  }
0x22: {  	[tilespmem:s5], [sflag:$0x4] =	stream.linear.gather [hbm4b:s10+s4], $0x10, $0x38;
	[tilespmem:$0x1D380] =	vst v63  }
0x23: {  	_ =	swait.ge [sflag:s22], $0x10  }
0x24: {  	[sflag:s22] =	ssyncset.done $0x0  }
0x25: {  	s11 =	rddreg [dreg:$0x7];
	[sflag:s22] =	ssyncadd.s32 $0xFFFFFFF0  }
0x26: {  	[tilespmem:s6], [sflag:$0x4] =	stream.linear.gather [hbm4b:s11+s4], $0x10, $0x38;
	[tilespmem:$0x1D380] =	vst v63  }
0x27: {  	_ =	swait.ge [sflag:s22], $0x10  }
0x28: {  	[sflag:s22] =	ssyncset.done $0x0  }
0x29: {  	[sflag:s22] =	ssyncadd.s32 $0xFFFFFFF0  }
0x2a: {  	[tilespmem:s8], [sflag:$0x1] =	stream.indirect.gather [hbm4b:s1+s7], $0x80, s5, s7, $0xb8;
	[tilespmem:$0x1D380] =	vst v63  }
0x2b: {  	_ =	swait.ge [sflag:s30], $0x800  }
0x2c: {  	[sflag:s30] =	ssyncset.done $0x0  }
0x2d: {  	[sflag:s30] =	ssyncadd.s32 $0xFFFFF800  }
0x2e: {  	[spmem:s3] =	stream.indirect.scatter.add.f32 [tilespmem:s8], [sflag:$0x4], $0x80, s6, s7, $0xb8;
	[tilespmem:$0x1D380] =	vst v63  }
0x2f: {  	_ =	swait.ge [sflag:s22], $0x800  }
0x30: {  	[sflag:s22] =	ssyncset.done $0x0  }
0x31: {  	[sflag:s22] =	ssyncadd.s32 $0xFFFFF800  }
0x32: {  	[bflag:$0x0] =	sbarrier.arrive $0xFFFF  }
0x33: {  	s10 =	simm.s32 @p0 $0x1FC4;
	s11 =	rddreg [dreg:$0x9]  }
0x34: {  	[hbm:s11], [sflag:s10] =	dma.local @p0 [spmem:s24], $0x1900  }
0x35: {  	s10 =	simm.s32 @p0 $0x4  }
0x36: {  	s11 =	stileid.u32;
	_ =	swait.ge @p0 [sflag:s10], $0x1900  }
0x37: {  	s11 =	sshll.u32 @!p0 s11, $0x6;
	[sflag:s10] =	ssyncset.done @p0 $0x0  }
0x38: {  	[sflag:s10] =	ssyncadd.s32 @p0 $0xFFFFE700;
	s10 =	sor.u32 @!p0 $0x1C04, s11;
	s11 =	rddreg [dreg:$0x8]  }
0x39: {  	[hbm:s11], [sflag:s10] =	dma.local @!p0 [spmem:s25], $0x2800  }
0x3a: {  	s10 =	simm.s32 @!p0 $0x4  }
0x3b: {  	_ =	swait.ge @!p0 [sflag:s10], $0x2800  }
0x3c: {  	s9 =	sadd.s32 $0x1, s9;
	s11 =	rddreg [dreg:$0xa]  }
0x3d: {  	p1 =	sne.s32 s9, s11  }
.Ltmp1:
0x3e: {  	_ = 	snop;
	(pc) =	sbr.rel @!p1 .LBB2_9-.Ltmp1, $3  }
0x3f: {  	_ =	sdelay $0x1  }
0x40: {  	[sflag:s10] =	ssyncset.done @!p0 $0x0  }
0x41: {  	[sflag:s10] =	ssyncadd.s32 @!p0 $0xFFFFD800  }
.LBB2_1:
0x42: {  	s10 =	simm.s32 $0x0;
	s11 =	simm.s32 $0x200  }
.LBB2_2:
0x43: {  	p1 =	sne.s32 s11, $0x3000;
	[tilespmem:s10+$0x8B70] =	vst v0  }
0x44: {  	[tilespmem:s10+$0x8B00] =	vst v0  }
0x45: {  	[tilespmem:s10+$0x8B10] =	vst v0  }
.Ltmp2:
0x46: {  	[tilespmem:s10+$0x8B20] =	vst v0;
	(pc) =	sbr.rel @p1 .LBB2_2-.Ltmp2, $4  }
0x47: {  	[tilespmem:s10+$0x8B30] =	vst v0  }
0x48: {  	[tilespmem:s10+$0x8B40] =	vst v0  }
0x49: {  	[tilespmem:s10+$0x8B50] =	vst v0  }
0x4a: {  	[tilespmem:s10+$0x8B60] =	vst v0;
	s10 =	sshra.s32 s11, $0x2;
	s11 =	sadd.s32 $0x200, s11  }
0x4b: {  	[tilespmem:s10+$0x8B70] =	vst v0  }
0x4c: {  	[tilespmem:s10+$0x8B00] =	vst v0  }
0x4d: {  	[tilespmem:s10+$0x8B10] =	vst v0  }
0x4e: {  	[tilespmem:s10+$0x8B20] =	vst v0  }
0x4f: {  	[tilespmem:s10+$0x8B30] =	vst v0  }
0x50: {  	[tilespmem:s10+$0x8B40] =	vst v0  }
0x51: {  	[tilespmem:s10+$0x8B50] =	vst v0  }
0x52: {  	[tilespmem:s10+$0x8B60] =	vst v0;
	s11 =	sadd.s32 $0x0, s16  }
0x53: {  	[spmem:s11] =	stream.linear.scatter [tilespmem:s21], [sflag:$0x4], $0xC80, $0x38;
	[tilespmem:$0x1D380] =	vst v63  }
0x54: {  	s10 =	simm.s32 $0x3200;
	_ =	swait.ge [sflag:s22], $0xC80  }
.LBB2_4:
0x55: {  	s11 =	sshra.s32 s10, $0x2;
	[sflag:s22] =	ssyncset.done $0x0;
	p1 =	sne.s32 s10, $0x4B000  }
.Ltmp3:
0x56: {  	s11 =	sadd.s32 s11, s16;
	[sflag:s22] =	ssyncadd.s32 $0xFFFFF380;
	(pc) =	sbr.rel @p1 .LBB2_4-.Ltmp3, $3  }
0x57: {  	[spmem:s11] =	stream.linear.scatter [tilespmem:s21], [sflag:$0x4], $0xC80, $0x38;
	[tilespmem:$0x1D380] =	vst v63  }
0x58: {  	s10 =	sadd.s32 $0x3200, s10;
	_ =	sdelay $0x1  }
0x59: {  	_ =	swait.ge [sflag:s22], $0xC80  }
0x5a: {  	[sflag:s22] =	ssyncset.done $0x0  }
0x5b: {  	[sflag:s22] =	ssyncadd.s32 $0xFFFFF380  }
0x5c: {  	[bflag:$0x0] =	sbarrier.arrive $0xFFFF  }
0x5d: {  	s10 =	simm.s32 $0x0;
	s11 =	rddreg [dreg:$0x4]  }
0x5e: {  	[tilespmem:s10], [sflag:$0x4] =	stream.linear.gather [hbm4b:s11+s10], $0x80, $0x38;
	[tilespmem:$0x1D380] =	vst v63  }
0x5f: {  	_ =	swait.ge [sflag:s22], $0x80  }
0x60: {  	[sflag:s22] =	ssyncset.done $0x0  }
0x61: {  	s11 =	rddreg [dreg:$0x5];
	[sflag:s22] =	ssyncadd.s32 $0xFFFFFF80  }
0x62: {  	[tilespmem:s23], [sflag:$0x4] =	stream.linear.gather [hbm4b:s11+s10], $0x80, $0x38;
	[tilespmem:$0x1D380] =	vst v63  }
0x63: {  	_ =	swait.ge [sflag:s22], $0x80  }
0x64: {  	[sflag:s22] =	ssyncset.done $0x0  }
0x65: {  	[sflag:s22] =	ssyncadd.s32 $0xFFFFFF80  }
0x66: {  	[tilespmem:s28], [sflag:$0x1] =	stream.indirect.gather [hbm4b:s1+s26], $0x80, s10, s26, $0xb8;
	[tilespmem:$0x1D380] =	vst v63  }
0x67: {  	_ = 	snop  }
0x68: {  	[tilespmem:s26], [sflag:$0x4] =	stream.linear.gather [hbm4b:s12+s10], $0x80, $0x38;
	[tilespmem:$0x1D380] =	vst v63  }
0x69: {  	_ =	swait.ge [sflag:s22], $0x80  }
0x6a: {  	[sflag:s22] =	ssyncset.done $0x0  }
0x6b: {  	[sflag:s22] =	ssyncadd.s32 $0xFFFFFF80  }
0x6c: {  	[tilespmem:s29], [sflag:$0x4] =	stream.linear.gather [hbm4b:s13+s10], $0x80, $0x38;
	[tilespmem:$0x1D380] =	vst v63  }
0x6d: {  	_ =	swait.ge [sflag:s22], $0x80  }
0x6e: {  	[sflag:s22] =	ssyncset.done $0x0  }
0x6f: {  	[sflag:s22] =	ssyncadd.s32 $0xFFFFFF80  }
0x70: {  	_ =	swait.ge [sflag:s30], $0x4000  }
0x71: {  	[sflag:s30] =	ssyncset.done $0x0  }
0x72: {  	[sflag:s30] =	ssyncadd.s32 $0xFFFFC000  }
0x73: {  	[tilespmem:s31], [sflag:$0x1] =	stream.indirect.gather [hbm4b:s1+s26], $0x80, s26, s26, $0xb8;
	[tilespmem:$0x1D380] =	vst v63  }
0x74: {  	_ = 	snop  }
0x75: {  	[spmem:s3] =	stream.indirect.scatter.add.f32 [tilespmem:s28], [sflag:$0x2], $0x80, s23, s26, $0xb8;
	[tilespmem:$0x1D380] =	vst v63  }
0x76: {  	_ =	swait.ge [sflag:s30], $0x4000  }
0x77: {  	[sflag:s30] =	ssyncset.done $0x0  }
0x78: {  	[sflag:s30] =	ssyncadd.s32 $0xFFFFC000  }
0x79: {  	_ =	swait.ge [sflag:s0], $0x4000  }
0x7a: {  	[sflag:s0] =	ssyncset.done $0x0  }
0x7b: {  	[sflag:s0] =	ssyncadd.s32 $0xFFFFC000  }
0x7c: {  	[tilespmem:s10], [sflag:$0x4] =	stream.linear.gather [hbm4b:s14+s10], $0x80, $0x38;
	[tilespmem:$0x1D380] =	vst v63  }
0x7d: {  	_ =	swait.ge [sflag:s22], $0x80  }
0x7e: {  	[sflag:s22] =	ssyncset.done $0x0  }
0x7f: {  	[sflag:s22] =	ssyncadd.s32 $0xFFFFFF80  }
0x80: {  	[tilespmem:s23], [sflag:$0x4] =	stream.linear.gather [hbm4b:s15+s10], $0x80, $0x38;
	[tilespmem:$0x1D380] =	vst v63  }
0x81: {  	_ =	swait.ge [sflag:s22], $0x80  }
0x82: {  	[sflag:s22] =	ssyncset.done $0x0  }
0x83: {  	[sflag:s22] =	ssyncadd.s32 $0xFFFFFF80  }
0x84: {  	[tilespmem:s28], [sflag:$0x1] =	stream.indirect.gather [hbm4b:s1+s26], $0x80, s10, s26, $0xb8;
	[tilespmem:$0x1D380] =	vst v63  }
0x85: {  	_ = 	snop  }
0x86: {  	[spmem:s3] =	stream.indirect.scatter.add.f32 [tilespmem:s31], [sflag:$0x3], $0x80, s29, s26, $0xb8;
	[tilespmem:$0x1D380] =	vst v63  }
.LBB2_6:
0x87: {  	s11 =	sadd.s32 s10, s20  }
0x88: {  	[tilespmem:s26], [sflag:$0x4] =	stream.linear.gather [hbm4b:s11+s4], $0x80, $0x38;
	[tilespmem:$0x1D380] =	vst v63  }
0x89: {  	_ =	swait.ge [sflag:s22], $0x80  }
0x8a: {  	[sflag:s22] =	ssyncset.done $0x0  }
0x8b: {  	s11 =	sadd.s32 s10, s19;
	[sflag:s22] =	ssyncadd.s32 $0xFFFFFF80  }
0x8c: {  	[tilespmem:s29], [sflag:$0x4] =	stream.linear.gather [hbm4b:s11+s4], $0x80, $0x38;
	[tilespmem:$0x1D380] =	vst v63  }
0x8d: {  	_ =	swait.ge [sflag:s22], $0x80  }
0x8e: {  	[sflag:s22] =	ssyncset.done $0x0  }
0x8f: {  	[sflag:s22] =	ssyncadd.s32 $0xFFFFFF80  }
0x90: {  	_ =	swait.ge [sflag:s30], $0x4000  }
0x91: {  	[sflag:s30] =	ssyncset.done $0x0  }
0x92: {  	[sflag:s30] =	ssyncadd.s32 $0xFFFFC000  }
0x93: {  	_ =	swait.ge [sflag:s2], $0x4000  }
0x94: {  	[sflag:s2] =	ssyncset.done $0x0  }
0x95: {  	[sflag:s2] =	ssyncadd.s32 $0xFFFFC000  }
0x96: {  	[tilespmem:s31], [sflag:$0x1] =	stream.indirect.gather [hbm4b:s1+s26], $0x80, s26, s26, $0xb8;
	[tilespmem:$0x1D380] =	vst v63  }
0x97: {  	_ = 	snop  }
0x98: {  	[spmem:s3] =	stream.indirect.scatter.add.f32 [tilespmem:s28], [sflag:$0x2], $0x80, s23, s26, $0xb8;
	[tilespmem:$0x1D380] =	vst v63  }
0x99: {  	p1 =	seq.s32 s10, $0x4A0;
	_ =	swait.ge [sflag:s30], $0x4000  }
.Ltmp4:
0x9a: {  	[sflag:s30] =	ssyncset.done $0x0;
	(pc) =	sbr.rel @p1 .LBB2_8-.Ltmp4, $4  }
0x9b: {  	[sflag:s30] =	ssyncadd.s32 $0xFFFFC000  }
0x9c: {  	_ =	swait.ge [sflag:s0], $0x4000  }
0x9d: {  	[sflag:s0] =	ssyncset.done $0x0  }
0x9e: {  	[sflag:s0] =	ssyncadd.s32 $0xFFFFC000  }
0x9f: {  	s11 =	sadd.s32 s10, s18  }
0xa0: {  	[tilespmem:s4], [sflag:$0x4] =	stream.linear.gather [hbm4b:s11+s4], $0x80, $0x38;
	[tilespmem:$0x1D380] =	vst v63  }
0xa1: {  	_ =	swait.ge [sflag:s22], $0x80  }
0xa2: {  	[sflag:s22] =	ssyncset.done $0x0  }
0xa3: {  	s11 =	sadd.s32 s10, s17;
	[sflag:s22] =	ssyncadd.s32 $0xFFFFFF80  }
0xa4: {  	[tilespmem:s23], [sflag:$0x4] =	stream.linear.gather [hbm4b:s11+s4], $0x80, $0x38;
	[tilespmem:$0x1D380] =	vst v63  }
0xa5: {  	_ =	swait.ge [sflag:s22], $0x80  }
.Ltmp5:
0xa6: {  	[sflag:s22] =	ssyncset.done $0x0;
	(pc) =	sbr.rel .LBB2_6-.Ltmp5, $4  }
0xa7: {  	[sflag:s22] =	ssyncadd.s32 $0xFFFFFF80  }
0xa8: {  	[tilespmem:s28], [sflag:$0x1] =	stream.indirect.gather [hbm4b:s1+s26], $0x80, s4, s26, $0xb8;
	[tilespmem:$0x1D380] =	vst v63  }
0xa9: {  	s10 =	sadd.s32 $0x20, s10  }
0xaa: {  	[spmem:s3] =	stream.indirect.scatter.add.f32 [tilespmem:s31], [sflag:$0x3], $0x80, s29, s26, $0xb8;
	[tilespmem:$0x1D380] =	vst v63  }
.LBB2_9:
0xab: {  	_ =	sfence.sel $0x180000  }
0xac: {  	[bflag:$0x0] =	sbarrier.arrive $0xFFFF  }
0xad: {  	_ =	strace $0x90000053  }
0xae: {  	s0 =	stileid.u32;
	[bflag:$0x2] =	sbarrier.arrive $0xFFFF  }
0xaf: {  	p0 =	sne.s32 s0, $0x0;
	s0 =	rddreg [dreg:$0x3]  }
0xb0: {  	s0 =	sadd.s32 @!p0 $0x100000, s0  }
0xb1: {  	[sflag:s0] =	ssyncadd.tile.s32 @!p0 $0x1;
	_ =	shalt  }
.Lfunc_end2:
_tile_overlayer_lowered:
.L_overlay_start_2:
0xb2: {  	(tag) =	ssettag $0x2  }
0xb3: {  	s0 =	rddreg [dreg:$0x0];
	s2 =	stileid.u32  }
0xb4: {  	s1 =	rddreg [dreg:$0x1];
	p0 =	sne.s32 s2, $0x0  }
0xb5: {  	s3 =	rddreg [dreg:$0x2];
	[bflag:$0x3] =	sbarrier.arrive $0xFFFF;
	s2 =	simm.s32 @!p0 $0x1C04  }
0xb6: {  	[timem:s3], [sflag:s2] =	dma.local @!p0 [hbm:s0], s1  }
0xb7: {  	s0 =	simm.s32 @!p0 $0x4  }
0xb8: {  	_ =	swait.ge @!p0 [sflag:s0], s1  }
0xb9: {  	s1 =	ssub.s32 @!p0 $0x0, s1;
	[sflag:s0] =	ssyncset.done @!p0 $0x0  }
0xba: {  	[sflag:s0] =	ssyncadd.s32 @!p0 s1  }
0xbb: {  	[bflag:$0x3] =	sbarrier.arrive $0xFFFF  }
0xbc: {  	_ =	shalt  }

</sc_bundles>
